<compile_context>
chip_gen: v7x
topology: tpu7x:2x2x1
jax: 0.10.2.dev20260603
libtpu: 0.0.44.dev20260713+nightly
codegen_flags: <defaults>
</compile_context>

<pallas_src>
import functools

import jax
import jax.numpy as jnp
from jax import lax
from jax.experimental import pallas as pl
from jax.experimental.pallas import tpu as pltpu
from jax.experimental.pallas import tpu_sc as plsc

B = 16384
D = 128
L = 16
NC = 2
NS = 16
NW = NC * NS
BPW = B // NW
CHUNK = 64
NCHUNK = BPW // CHUNK
GROUPS = CHUNK // L
NROUND = NCHUNK // 2


def _body(users_hbm, items_hbm, eu_hbm, ei_hbm, out_hbm,
          uidx_v, iidx_v, u0, u1, v0, v1,
          fa, fb, fc, fd, fe, acc_out,
          su0, su1, sv0, sv1):
    wid = lax.axis_index("s") * NC + lax.axis_index("c")
    base = wid * BPW

    ciu = pltpu.async_copy(users_hbm.at[pl.ds(base, BPW)], uidx_v, su0)
    civ = pltpu.async_copy(items_hbm.at[pl.ds(base, BPW)], iidx_v, sv0)
    ciu.wait()
    civ.wait()

    ub = (u0, u1)
    vb = (v0, v1)
    us = (su0, su1)
    vs = (sv0, sv1)

    def start(c, b):
        pltpu.async_copy(
            eu_hbm.at[uidx_v.at[pl.ds(c * CHUNK, CHUNK)]], ub[b], us[b])
        pltpu.async_copy(
            ei_hbm.at[iidx_v.at[pl.ds(c * CHUNK, CHUNK)]], vb[b], vs[b])

    def compute_chunk(cdyn, u_buf, v_buf):
        def group(g, _):
            r0 = g * L
            accs = []
            for r4 in range(0, L, 4):
                for r in range(r4, r4 + 4):
                    pa = (u_buf[r0 + r, pl.ds(0, L)]
                          * v_buf[r0 + r, pl.ds(0, L)])
                    pb = (u_buf[r0 + r, pl.ds(L, L)]
                          * v_buf[r0 + r, pl.ds(L, L)])
                    for j in range(2, D // L, 2):
                        pa = pa + (u_buf[r0 + r, pl.ds(j * L, L)]
                                   * v_buf[r0 + r, pl.ds(j * L, L)])
                        pb = pb + (u_buf[r0 + r, pl.ds((j + 1) * L, L)]
                                   * v_buf[r0 + r, pl.ds((j + 1) * L, L)])
                    accs.append(pa + pb)
                for r in range(r4, r4 + 4):
                    fa[r, pl.ds(0, L)] = accs[r]
            for r in range(L):
                accs[r] = accs[r] + fa[r, pl.ds(8, L)]
                fb[r, pl.ds(0, L)] = accs[r]
            for r in range(L):
                accs[r] = accs[r] + fb[r, pl.ds(4, L)]
                fc[r, pl.ds(0, L)] = accs[r]
            for r in range(L):
                accs[r] = accs[r] + fc[r, pl.ds(2, L)]
                fd[r, pl.ds(0, L)] = accs[r]
            for r in range(L):
                accs[r] = accs[r] + fd[r, pl.ds(1, L)]
            for r in range(L):
                fe[pl.ds(r, L)] = accs[r]
            acc_out[pl.ds(cdyn * CHUNK + r0, L)] = fe[pl.ds(0, L)]
            return 0

        lax.fori_loop(0, GROUPS, group, 0)

    start(0, 0)
    start(1, 1)

    def round_body(s, _):
        for b in range(2):
            cdyn = 2 * s + b
            pltpu.make_async_copy(
                eu_hbm.at[uidx_v.at[pl.ds(cdyn * CHUNK, CHUNK)]],
                ub[b], us[b]).wait()
            pltpu.make_async_copy(
                ei_hbm.at[iidx_v.at[pl.ds(cdyn * CHUNK, CHUNK)]],
                vb[b], vs[b]).wait()

            compute_chunk(cdyn, ub[b], vb[b])

            @pl.when(s + 1 < NROUND)
            def _():
                start(cdyn + 2, b)
        return 0

    lax.fori_loop(0, NROUND, round_body, 0)

    pltpu.sync_copy(acc_out, out_hbm.at[pl.ds(base, BPW)])


def kernel(users, items, embedding_user, embedding_item):
    mesh = plsc.VectorSubcoreMesh(core_axis_name="c", subcore_axis_name="s")
    f = functools.partial(
        pl.kernel,
        out_type=jax.ShapeDtypeStruct((B,), jnp.float32),
        mesh=mesh,
        scratch_types=[
            pltpu.VMEM((BPW,), jnp.int32),
            pltpu.VMEM((BPW,), jnp.int32),
            pltpu.VMEM((CHUNK, D), jnp.float32),
            pltpu.VMEM((CHUNK, D), jnp.float32),
            pltpu.VMEM((CHUNK, D), jnp.float32),
            pltpu.VMEM((CHUNK, D), jnp.float32),
            pltpu.VMEM((L, 24), jnp.float32),
            pltpu.VMEM((L, 24), jnp.float32),
            pltpu.VMEM((L, 24), jnp.float32),
            pltpu.VMEM((L, 24), jnp.float32),
            pltpu.VMEM((2 * L,), jnp.float32),
            pltpu.VMEM((BPW,), jnp.float32),
            pltpu.SemaphoreType.DMA,
            pltpu.SemaphoreType.DMA,
            pltpu.SemaphoreType.DMA,
            pltpu.SemaphoreType.DMA,
        ],
    )(_body)
    return f(users.astype(jnp.int32), items.astype(jnp.int32),
             embedding_user, embedding_item)

# --- scband reference (transcript-rebuilt; emitter-appended) ---
"""Pipeline reference for scband-bprmf-58265526337574 (READ-ONLY COPY).

The authoritative reference and input builder live on the scoring server;
editing this copy changes nothing except your own understanding.
"""

import jax, jax.numpy as jnp
import numpy as np

NUM_USERS = 100000
NUM_ITEMS = 100000
LATENT_DIM = 128
BATCH = 16384

def _xavier_uniform(key, shape):
    fan_in, fan_out = shape[0], shape[1]
    limit = float(np.sqrt(6.0 / (fan_in + fan_out)))
    return jax.random.uniform(key, shape, dtype=jnp.float32, minval=-limit, maxval=limit)

def setup_inputs(seed: int = 0) -> dict:
    key = jax.random.key(seed)
    k_u, k_i, k_w1, k_w2 = jax.random.split(key, 4)
    users = jax.random.randint(k_u, (BATCH,), 0, NUM_USERS, dtype=jnp.int64 if jax.config.jax_enable_x64 else jnp.int32)
    items = jax.random.randint(k_i, (BATCH,), 0, NUM_ITEMS, dtype=jnp.int64 if jax.config.jax_enable_x64 else jnp.int32)
    embedding_user = _xavier_uniform(k_w1, (NUM_USERS, LATENT_DIM))
    embedding_item = _xavier_uniform(k_w2, (NUM_ITEMS, LATENT_DIM))
    return {"users": users, "items": items, "embedding_user": embedding_user, "embedding_item": embedding_item}

def reference(users, items, embedding_user, embedding_item):
    # Faithful translation of BPRMF.forward (no sigmoid):
    # users_emb = embedding_user.weight[users]
    # items_emb = embedding_item.weight[items]
    # rating = sum(users_emb * items_emb, dim=1)
    users_emb = jnp.take(embedding_user, users, axis=0)
    items_emb = jnp.take(embedding_item, items, axis=0)
    rating = jnp.sum(users_emb * items_emb, axis=1)
    return rating

if __name__ == "__main__":
    import jax
    _d = setup_inputs()
    print(jax.jit(kernel)(*tuple(_d.values())))

</pallas_src>

<mosaic_0001>
#map = affine_map<(d0, d1) -> (0)>
#map1 = affine_map<(d0, d1) -> (0, 0)>
module attributes {stable_mosaic.version = 14 : i64} {
  func.func @_body(%arg0: i32, %arg1: i32, %arg2: memref<16384xi32, #tpu.memory_space<hbm>>, %arg3: memref<16384xi32, #tpu.memory_space<hbm>>, %arg4: memref<100000x128xf32, #tpu.memory_space<hbm>>, %arg5: memref<100000x128xf32, #tpu.memory_space<hbm>>, %arg6: memref<16384xf32, #tpu.memory_space<hbm>>, %arg7: memref<512xi32, #tpu.memory_space<vmem>>, %arg8: memref<512xi32, #tpu.memory_space<vmem>>, %arg9: memref<64x128xf32, #tpu.memory_space<vmem>>, %arg10: memref<64x128xf32, #tpu.memory_space<vmem>>, %arg11: memref<64x128xf32, #tpu.memory_space<vmem>>, %arg12: memref<64x128xf32, #tpu.memory_space<vmem>>, %arg13: memref<16x24xf32, #tpu.memory_space<vmem>>, %arg14: memref<16x24xf32, #tpu.memory_space<vmem>>, %arg15: memref<16x24xf32, #tpu.memory_space<vmem>>, %arg16: memref<16x24xf32, #tpu.memory_space<vmem>>, %arg17: memref<32xf32, #tpu.memory_space<vmem>>, %arg18: memref<512xf32, #tpu.memory_space<vmem>>, %arg19: memref<!tpu.dma_semaphore, #tpu.memory_space<semaphore_mem>>, %arg20: memref<!tpu.dma_semaphore, #tpu.memory_space<semaphore_mem>>, %arg21: memref<!tpu.dma_semaphore, #tpu.memory_space<semaphore_mem>>, %arg22: memref<!tpu.dma_semaphore, #tpu.memory_space<semaphore_mem>>) attributes {dimension_semantics = [#tpu.dimension_semantics<core_parallel>, #tpu.dimension_semantics<subcore_parallel>], iteration_bounds = array<i64: 2, 16>, scalar_prefetch = 0 : i64, scratch_operands = 16 : i64, tpu.core_type = #tpu.core_type<sc_vector_subcore>, window_params = [{transform_indices = #map}, {transform_indices = #map}, {transform_indices = #map1}, {transform_indices = #map1}, {transform_indices = #map}]} {
    %mul3A = arith.constant 2 : i32
    %mul3A_0 = arith.muli %arg1, %mul3A : i32
    %add3A = arith.addi %mul3A_0, %arg0 : i32
    %mul3A_1 = arith.constant 512 : i32
    %mul3A_2 = arith.muli %add3A, %mul3A_1 : i32
    %dma_start3A = tpu.memref_slice %arg2[%mul3A_2] : memref<16384xi32, #tpu.memory_space<hbm>> -> memref<512xi32, #tpu.memory_space<hbm>>
    %dma_start3A_3 = tpu.memref_slice %arg2[%mul3A_2] : memref<16384xi32, #tpu.memory_space<hbm>> -> memref<512xi32, #tpu.memory_space<hbm>>
    tpu.enqueue_dma source(%dma_start3A_3 : memref<512xi32, #tpu.memory_space<hbm>>) target(%arg7 : memref<512xi32, #tpu.memory_space<vmem>>) target_semaphore(%arg19 : memref<!tpu.dma_semaphore, #tpu.memory_space<semaphore_mem>>)
    %dma_start3A_4 = tpu.memref_slice %arg3[%mul3A_2] : memref<16384xi32, #tpu.memory_space<hbm>> -> memref<512xi32, #tpu.memory_space<hbm>>
    %dma_start3A_5 = tpu.memref_slice %arg3[%mul3A_2] : memref<16384xi32, #tpu.memory_space<hbm>> -> memref<512xi32, #tpu.memory_space<hbm>>
    tpu.enqueue_dma source(%dma_start3A_5 : memref<512xi32, #tpu.memory_space<hbm>>) target(%arg8 : memref<512xi32, #tpu.memory_space<vmem>>) target_semaphore(%arg21 : memref<!tpu.dma_semaphore, #tpu.memory_space<semaphore_mem>>)
    %dma_wait3A = tpu.memref_slice %arg2[%mul3A_2] : memref<16384xi32, #tpu.memory_space<hbm>> -> memref<512xi32, #tpu.memory_space<hbm>>
    %dma_wait3A_6 = tpu.memref_slice %arg2[%mul3A_2] : memref<16384xi32, #tpu.memory_space<hbm>> -> memref<512xi32, #tpu.memory_space<hbm>>
    tpu.wait_dma2 semaphore(%arg19 : memref<!tpu.dma_semaphore, #tpu.memory_space<semaphore_mem>>) src(%dma_wait3A_6 : memref<512xi32, #tpu.memory_space<hbm>>) dst(%arg7 : memref<512xi32, #tpu.memory_space<vmem>>)
    %dma_wait3A_7 = tpu.memref_slice %arg3[%mul3A_2] : memref<16384xi32, #tpu.memory_space<hbm>> -> memref<512xi32, #tpu.memory_space<hbm>>
    %dma_wait3A_8 = tpu.memref_slice %arg3[%mul3A_2] : memref<16384xi32, #tpu.memory_space<hbm>> -> memref<512xi32, #tpu.memory_space<hbm>>
    tpu.wait_dma2 semaphore(%arg21 : memref<!tpu.dma_semaphore, #tpu.memory_space<semaphore_mem>>) src(%dma_wait3A_8 : memref<512xi32, #tpu.memory_space<hbm>>) dst(%arg8 : memref<512xi32, #tpu.memory_space<vmem>>)
    %dma_start3A_9 = arith.constant 0 : i32
    %dma_start3A_10 = tpu.memref_slice %arg7[%dma_start3A_9] : memref<512xi32, #tpu.memory_space<vmem>> -> memref<64xi32, #tpu.memory_space<vmem>>
    %dma_start3A_11 = arith.constant 0 : i32
    %dma_start3A_12 = arith.constant 0 : i32
    %dma_start3A_13 = tpu.memref_slice %arg4[%dma_start3A_11, %dma_start3A_12] : memref<100000x128xf32, #tpu.memory_space<hbm>> -> memref<100000x128xf32, #tpu.memory_space<hbm>>
    tpu.enqueue_indirect_dma source(%dma_start3A_13 : memref<100000x128xf32, #tpu.memory_space<hbm>>) target(%arg9 : memref<64x128xf32, #tpu.memory_space<vmem>>) offsets(%dma_start3A_10 : memref<64xi32, #tpu.memory_space<vmem>>) semaphore(%arg19 : memref<!tpu.dma_semaphore, #tpu.memory_space<semaphore_mem>>)
    %dma_start3A_14 = arith.constant 0 : i32
    %dma_start3A_15 = tpu.memref_slice %arg8[%dma_start3A_14] : memref<512xi32, #tpu.memory_space<vmem>> -> memref<64xi32, #tpu.memory_space<vmem>>
    %dma_start3A_16 = arith.constant 0 : i32
    %dma_start3A_17 = arith.constant 0 : i32
    %dma_start3A_18 = tpu.memref_slice %arg5[%dma_start3A_16, %dma_start3A_17] : memref<100000x128xf32, #tpu.memory_space<hbm>> -> memref<100000x128xf32, #tpu.memory_space<hbm>>
    tpu.enqueue_indirect_dma source(%dma_start3A_18 : memref<100000x128xf32, #tpu.memory_space<hbm>>) target(%arg11 : memref<64x128xf32, #tpu.memory_space<vmem>>) offsets(%dma_start3A_15 : memref<64xi32, #tpu.memory_space<vmem>>) semaphore(%arg21 : memref<!tpu.dma_semaphore, #tpu.memory_space<semaphore_mem>>)
    %dma_start3A_19 = arith.constant 64 : i32
    %dma_start3A_20 = tpu.memref_slice %arg7[%dma_start3A_19] : memref<512xi32, #tpu.memory_space<vmem>> -> memref<64xi32, #tpu.memory_space<vmem>>
    %dma_start3A_21 = arith.constant 0 : i32
    %dma_start3A_22 = arith.constant 0 : i32
    %dma_start3A_23 = tpu.memref_slice %arg4[%dma_start3A_21, %dma_start3A_22] : memref<100000x128xf32, #tpu.memory_space<hbm>> -> memref<100000x128xf32, #tpu.memory_space<hbm>>
    tpu.enqueue_indirect_dma source(%dma_start3A_23 : memref<100000x128xf32, #tpu.memory_space<hbm>>) target(%arg10 : memref<64x128xf32, #tpu.memory_space<vmem>>) offsets(%dma_start3A_20 : memref<64xi32, #tpu.memory_space<vmem>>) semaphore(%arg20 : memref<!tpu.dma_semaphore, #tpu.memory_space<semaphore_mem>>)
    %dma_start3A_24 = arith.constant 64 : i32
    %dma_start3A_25 = tpu.memref_slice %arg8[%dma_start3A_24] : memref<512xi32, #tpu.memory_space<vmem>> -> memref<64xi32, #tpu.memory_space<vmem>>
    %dma_start3A_26 = arith.constant 0 : i32
    %dma_start3A_27 = arith.constant 0 : i32
    %dma_start3A_28 = tpu.memref_slice %arg5[%dma_start3A_26, %dma_start3A_27] : memref<100000x128xf32, #tpu.memory_space<hbm>> -> memref<100000x128xf32, #tpu.memory_space<hbm>>
    tpu.enqueue_indirect_dma source(%dma_start3A_28 : memref<100000x128xf32, #tpu.memory_space<hbm>>) target(%arg12 : memref<64x128xf32, #tpu.memory_space<vmem>>) offsets(%dma_start3A_25 : memref<64xi32, #tpu.memory_space<vmem>>) semaphore(%arg22 : memref<!tpu.dma_semaphore, #tpu.memory_space<semaphore_mem>>)
    %scan3A = arith.constant 0 : i32
    %scan3A_29 = arith.constant 0 : i32
    %scan3A_30 = arith.constant 4 : i32
    %scan3A_31 = arith.addi %scan3A_29, %scan3A_30 : i32
    %scan3A_32 = arith.constant 1 : i32
    %scan3A_33 = scf.for %scan3A_35 = %scan3A_29 to %scan3A_31 step %scan3A_32 iter_args(%scan3A_36 = %scan3A) -> (i32)  : i32 {
      %mul3A_37 = arith.constant 2 : i32
      %mul3A_38 = arith.muli %mul3A_37, %scan3A_35 : i32
      %add3A_39 = arith.constant 0 : i32
      %add3A_40 = arith.addi %mul3A_38, %add3A_39 : i32
      %mul3A_41 = arith.constant 64 : i32
      %mul3A_42 = arith.muli %add3A_40, %mul3A_41 : i32
      %dma_wait3A_43 = tpu.memref_slice %arg7[%mul3A_42] : memref<512xi32, #tpu.memory_space<vmem>> -> memref<64xi32, #tpu.memory_space<vmem>>
      %dma_wait3A_44 = arith.constant 0 : i32
      %dma_wait3A_45 = arith.constant 0 : i32
      %dma_wait3A_46 = tpu.memref_slice %arg4[%dma_wait3A_44, %dma_wait3A_45] : memref<100000x128xf32, #tpu.memory_space<hbm>> -> memref<100000x128xf32, #tpu.memory_space<hbm>>
      tpu.wait_indirect_dma semaphore(%arg19 : memref<!tpu.dma_semaphore, #tpu.memory_space<semaphore_mem>>) src(%dma_wait3A_46 : memref<100000x128xf32, #tpu.memory_space<hbm>>) dst(%arg9 : memref<64x128xf32, #tpu.memory_space<vmem>>)
      %mul3A_47 = arith.constant 64 : i32
      %mul3A_48 = arith.muli %add3A_40, %mul3A_47 : i32
      %dma_wait3A_49 = tpu.memref_slice %arg8[%mul3A_48] : memref<512xi32, #tpu.memory_space<vmem>> -> memref<64xi32, #tpu.memory_space<vmem>>
      %dma_wait3A_50 = arith.constant 0 : i32
      %dma_wait3A_51 = arith.constant 0 : i32
      %dma_wait3A_52 = tpu.memref_slice %arg5[%dma_wait3A_50, %dma_wait3A_51] : memref<100000x128xf32, #tpu.memory_space<hbm>> -> memref<100000x128xf32, #tpu.memory_space<hbm>>
      tpu.wait_indirect_dma semaphore(%arg21 : memref<!tpu.dma_semaphore, #tpu.memory_space<semaphore_mem>>) src(%dma_wait3A_52 : memref<100000x128xf32, #tpu.memory_space<hbm>>) dst(%arg11 : memref<64x128xf32, #tpu.memory_space<vmem>>)
      %scan3A_53 = arith.constant 0 : i32
      %scan3A_54 = arith.constant 0 : i32
      %scan3A_55 = arith.constant 4 : i32
      %scan3A_56 = arith.addi %scan3A_54, %scan3A_55 : i32
      %scan3A_57 = arith.constant 1 : i32
      %scan3A_58 = scf.for %scan3A_95 = %scan3A_54 to %scan3A_56 step %scan3A_57 iter_args(%scan3A_96 = %scan3A_53) -> (i32)  : i32 {
        %mul3A_97 = arith.constant 16 : i32
        %mul3A_98 = arith.muli %scan3A_95, %mul3A_97 : i32
        %add3A_99 = arith.constant 0 : i32
        %add3A_100 = arith.addi %mul3A_98, %add3A_99 : i32
        %get3A = arith.index_cast %add3A_100 : i32 to index
        %get3A_101 = arith.constant 0 : index
        %get3A_102 = tpu.vector_load %arg9[%get3A, %get3A_101] {strides = array<i32>} : memref<64x128xf32, #tpu.memory_space<vmem>>, vector<1x16xf32>,
        %get3A_103 = vector.shape_cast %get3A_102 : vector<1x16xf32> to vector<16xf32>
        %add3A_104 = arith.constant 0 : i32
        %add3A_105 = arith.addi %mul3A_98, %add3A_104 : i32
        %get3A_106 = arith.index_cast %add3A_105 : i32 to index
        %get3A_107 = arith.constant 0 : index
        %get3A_108 = tpu.vector_load %arg11[%get3A_106, %get3A_107] {strides = array<i32>} : memref<64x128xf32, #tpu.memory_space<vmem>>, vector<1x16xf32>,
        %get3A_109 = vector.shape_cast %get3A_108 : vector<1x16xf32> to vector<16xf32>
        %mul3A_110 = arith.mulf %get3A_103, %get3A_109 : vector<16xf32>
        %add3A_111 = arith.constant 0 : i32
        %add3A_112 = arith.addi %mul3A_98, %add3A_111 : i32
        %get3A_113 = arith.index_cast %add3A_112 : i32 to index
        %get3A_114 = arith.constant 16 : index
        %get3A_115 = tpu.vector_load %arg9[%get3A_113, %get3A_114] {strides = array<i32>} : memref<64x128xf32, #tpu.memory_space<vmem>>, vector<1x16xf32>,
        %get3A_116 = vector.shape_cast %get3A_115 : vector<1x16xf32> to vector<16xf32>
        %add3A_117 = arith.constant 0 : i32
        %add3A_118 = arith.addi %mul3A_98, %add3A_117 : i32
        %get3A_119 = arith.index_cast %add3A_118 : i32 to index
        %get3A_120 = arith.constant 16 : index
        %get3A_121 = tpu.vector_load %arg11[%get3A_119, %get3A_120] {strides = array<i32>} : memref<64x128xf32, #tpu.memory_space<vmem>>, vector<1x16xf32>,
        %get3A_122 = vector.shape_cast %get3A_121 : vector<1x16xf32> to vector<16xf32>
        %mul3A_123 = arith.mulf %get3A_116, %get3A_122 : vector<16xf32>
        %add3A_124 = arith.constant 0 : i32
        %add3A_125 = arith.addi %mul3A_98, %add3A_124 : i32
        %get3A_126 = arith.index_cast %add3A_125 : i32 to index
        %get3A_127 = arith.constant 32 : index
        %get3A_128 = tpu.vector_load %arg9[%get3A_126, %get3A_127] {strides = array<i32>} : memref<64x128xf32, #tpu.memory_space<vmem>>, vector<1x16xf32>,
        %get3A_129 = vector.shape_cast %get3A_128 : vector<1x16xf32> to vector<16xf32>
        %add3A_130 = arith.constant 0 : i32
        %add3A_131 = arith.addi %mul3A_98, %add3A_130 : i32
        %get3A_132 = arith.index_cast %add3A_131 : i32 to index
        %get3A_133 = arith.constant 32 : index
        %get3A_134 = tpu.vector_load %arg11[%get3A_132, %get3A_133] {strides = array<i32>} : memref<64x128xf32, #tpu.memory_space<vmem>>, vector<1x16xf32>,
        %get3A_135 = vector.shape_cast %get3A_134 : vector<1x16xf32> to vector<16xf32>
        %mul3A_136 = arith.mulf %get3A_129, %get3A_135 : vector<16xf32>
        %add3A_137 = arith.addf %mul3A_110, %mul3A_136 : vector<16xf32>
        %add3A_138 = arith.constant 0 : i32
        %add3A_139 = arith.addi %mul3A_98, %add3A_138 : i32
        %get3A_140 = arith.index_cast %add3A_139 : i32 to index
        %get3A_141 = arith.constant 48 : index
        %get3A_142 = tpu.vector_load %arg9[%get3A_140, %get3A_141] {strides = array<i32>} : memref<64x128xf32, #tpu.memory_space<vmem>>, vector<1x16xf32>,
        %get3A_143 = vector.shape_cast %get3A_142 : vector<1x16xf32> to vector<16xf32>
        %add3A_144 = arith.constant 0 : i32
        %add3A_145 = arith.addi %mul3A_98, %add3A_144 : i32
        %get3A_146 = arith.index_cast %add3A_145 : i32 to index
        %get3A_147 = arith.constant 48 : index
        %get3A_148 = tpu.vector_load %arg11[%get3A_146, %get3A_147] {strides = array<i32>} : memref<64x128xf32, #tpu.memory_space<vmem>>, vector<1x16xf32>,
        %get3A_149 = vector.shape_cast %get3A_148 : vector<1x16xf32> to vector<16xf32>
        %mul3A_150 = arith.mulf %get3A_143, %get3A_149 : vector<16xf32>
        %add3A_151 = arith.addf %mul3A_123, %mul3A_150 : vector<16xf32>
        %add3A_152 = arith.constant 0 : i32
        %add3A_153 = arith.addi %mul3A_98, %add3A_152 : i32
        %get3A_154 = arith.index_cast %add3A_153 : i32 to index
        %get3A_155 = arith.constant 64 : index
        %get3A_156 = tpu.vector_load %arg9[%get3A_154, %get3A_155] {strides = array<i32>} : memref<64x128xf32, #tpu.memory_space<vmem>>, vector<1x16xf32>,
        %get3A_157 = vector.shape_cast %get3A_156 : vector<1x16xf32> to vector<16xf32>
        %add3A_158 = arith.constant 0 : i32
        %add3A_159 = arith.addi %mul3A_98, %add3A_158 : i32
        %get3A_160 = arith.index_cast %add3A_159 : i32 to index
        %get3A_161 = arith.constant 64 : index
        %get3A_162 = tpu.vector_load %arg11[%get3A_160, %get3A_161] {strides = array<i32>} : memref<64x128xf32, #tpu.memory_space<vmem>>, vector<1x16xf32>,
        %get3A_163 = vector.shape_cast %get3A_162 : vector<1x16xf32> to vector<16xf32>
        %mul3A_164 = arith.mulf %get3A_157, %get3A_163 : vector<16xf32>
        %add3A_165 = arith.addf %add3A_137, %mul3A_164 : vector<16xf32>
        %add3A_166 = arith.constant 0 : i32
        %add3A_167 = arith.addi %mul3A_98, %add3A_166 : i32
        %get3A_168 = arith.index_cast %add3A_167 : i32 to index
        %get3A_169 = arith.constant 80 : index
        %get3A_170 = tpu.vector_load %arg9[%get3A_168, %get3A_169] {strides = array<i32>} : memref<64x128xf32, #tpu.memory_space<vmem>>, vector<1x16xf32>,
        %get3A_171 = vector.shape_cast %get3A_170 : vector<1x16xf32> to vector<16xf32>
        %add3A_172 = arith.constant 0 : i32
        %add3A_173 = arith.addi %mul3A_98, %add3A_172 : i32
        %get3A_174 = arith.index_cast %add3A_173 : i32 to index
        %get3A_175 = arith.constant 80 : index
        %get3A_176 = tpu.vector_load %arg11[%get3A_174, %get3A_175] {strides = array<i32>} : memref<64x128xf32, #tpu.memory_space<vmem>>, vector<1x16xf32>,
        %get3A_177 = vector.shape_cast %get3A_176 : vector<1x16xf32> to vector<16xf32>
        %mul3A_178 = arith.mulf %get3A_171, %get3A_177 : vector<16xf32>
        %add3A_179 = arith.addf %add3A_151, %mul3A_178 : vector<16xf32>
        %add3A_180 = arith.constant 0 : i32
        %add3A_181 = arith.addi %mul3A_98, %add3A_180 : i32
        %get3A_182 = arith.index_cast %add3A_181 : i32 to index
        %get3A_183 = arith.constant 96 : index
        %get3A_184 = tpu.vector_load %arg9[%get3A_182, %get3A_183] {strides = array<i32>} : memref<64x128xf32, #tpu.memory_space<vmem>>, vector<1x16xf32>,
        %get3A_185 = vector.shape_cast %get3A_184 : vector<1x16xf32> to vector<16xf32>
        %add3A_186 = arith.constant 0 : i32
        %add3A_187 = arith.addi %mul3A_98, %add3A_186 : i32
        %get3A_188 = arith.index_cast %add3A_187 : i32 to index
        %get3A_189 = arith.constant 96 : index
        %get3A_190 = tpu.vector_load %arg11[%get3A_188, %get3A_189] {strides = array<i32>} : memref<64x128xf32, #tpu.memory_space<vmem>>, vector<1x16xf32>,
        %get3A_191 = vector.shape_cast %get3A_190 : vector<1x16xf32> to vector<16xf32>
        %mul3A_192 = arith.mulf %get3A_185, %get3A_191 : vector<16xf32>
        %add3A_193 = arith.addf %add3A_165, %mul3A_192 : vector<16xf32>
        %add3A_194 = arith.constant 0 : i32
        %add3A_195 = arith.addi %mul3A_98, %add3A_194 : i32
        %get3A_196 = arith.index_cast %add3A_195 : i32 to index
        %get3A_197 = arith.constant 112 : index
        %get3A_198 = tpu.vector_load %arg9[%get3A_196, %get3A_197] {strides = array<i32>} : memref<64x128xf32, #tpu.memory_space<vmem>>, vector<1x16xf32>,
        %get3A_199 = vector.shape_cast %get3A_198 : vector<1x16xf32> to vector<16xf32>
        %add3A_200 = arith.constant 0 : i32
        %add3A_201 = arith.addi %mul3A_98, %add3A_200 : i32
        %get3A_202 = arith.index_cast %add3A_201 : i32 to index
        %get3A_203 = arith.constant 112 : index
        %get3A_204 = tpu.vector_load %arg11[%get3A_202, %get3A_203] {strides = array<i32>} : memref<64x128xf32, #tpu.memory_space<vmem>>, vector<1x16xf32>,
        %get3A_205 = vector.shape_cast %get3A_204 : vector<1x16xf32> to vector<16xf32>
        %mul3A_206 = arith.mulf %get3A_199, %get3A_205 : vector<16xf32>
        %add3A_207 = arith.addf %add3A_179, %mul3A_206 : vector<16xf32>
        %add3A_208 = arith.addf %add3A_193, %add3A_207 : vector<16xf32>
        %add3A_209 = arith.constant 1 : i32
        %add3A_210 = arith.addi %mul3A_98, %add3A_209 : i32
        %get3A_211 = arith.index_cast %add3A_210 : i32 to index
        %get3A_212 = arith.constant 0 : index
        %get3A_213 = tpu.vector_load %arg9[%get3A_211, %get3A_212] {strides = array<i32>} : memref<64x128xf32, #tpu.memory_space<vmem>>, vector<1x16xf32>,
        %get3A_214 = vector.shape_cast %get3A_213 : vector<1x16xf32> to vector<16xf32>
        %add3A_215 = arith.constant 1 : i32
        %add3A_216 = arith.addi %mul3A_98, %add3A_215 : i32
        %get3A_217 = arith.index_cast %add3A_216 : i32 to index
        %get3A_218 = arith.constant 0 : index
        %get3A_219 = tpu.vector_load %arg11[%get3A_217, %get3A_218] {strides = array<i32>} : memref<64x128xf32, #tpu.memory_space<vmem>>, vector<1x16xf32>,
        %get3A_220 = vector.shape_cast %get3A_219 : vector<1x16xf32> to vector<16xf32>
        %mul3A_221 = arith.mulf %get3A_214, %get3A_220 : vector<16xf32>
        %add3A_222 = arith.constant 1 : i32
        %add3A_223 = arith.addi %mul3A_98, %add3A_222 : i32
        %get3A_224 = arith.index_cast %add3A_223 : i32 to index
        %get3A_225 = arith.constant 16 : index
        %get3A_226 = tpu.vector_load %arg9[%get3A_224, %get3A_225] {strides = array<i32>} : memref<64x128xf32, #tpu.memory_space<vmem>>, vector<1x16xf32>,
        %get3A_227 = vector.shape_cast %get3A_226 : vector<1x16xf32> to vector<16xf32>
        %add3A_228 = arith.constant 1 : i32
        %add3A_229 = arith.addi %mul3A_98, %add3A_228 : i32
        %get3A_230 = arith.index_cast %add3A_229 : i32 to index
        %get3A_231 = arith.constant 16 : index
        %get3A_232 = tpu.vector_load %arg11[%get3A_230, %get3A_231] {strides = array<i32>} : memref<64x128xf32, #tpu.memory_space<vmem>>, vector<1x16xf32>,
        %get3A_233 = vector.shape_cast %get3A_232 : vector<1x16xf32> to vector<16xf32>
        %mul3A_234 = arith.mulf %get3A_227, %get3A_233 : vector<16xf32>
        %add3A_235 = arith.constant 1 : i32
        %add3A_236 = arith.addi %mul3A_98, %add3A_235 : i32
        %get3A_237 = arith.index_cast %add3A_236 : i32 to index
        %get3A_238 = arith.constant 32 : index
        %get3A_239 = tpu.vector_load %arg9[%get3A_237, %get3A_238] {strides = array<i32>} : memref<64x128xf32, #tpu.memory_space<vmem>>, vector<1x16xf32>,
        %get3A_240 = vector.shape_cast %get3A_239 : vector<1x16xf32> to vector<16xf32>
        %add3A_241 = arith.constant 1 : i32
        %add3A_242 = arith.addi %mul3A_98, %add3A_241 : i32
        %get3A_243 = arith.index_cast %add3A_242 : i32 to index
        %get3A_244 = arith.constant 32 : index
        %get3A_245 = tpu.vector_load %arg11[%get3A_243, %get3A_244] {strides = array<i32>} : memref<64x128xf32, #tpu.memory_space<vmem>>, vector<1x16xf32>,
        %get3A_246 = vector.shape_cast %get3A_245 : vector<1x16xf32> to vector<16xf32>
        %mul3A_247 = arith.mulf %get3A_240, %get3A_246 : vector<16xf32>
        %add3A_248 = arith.addf %mul3A_221, %mul3A_247 : vector<16xf32>
        %add3A_249 = arith.constant 1 : i32
        %add3A_250 = arith.addi %mul3A_98, %add3A_249 : i32
        %get3A_251 = arith.index_cast %add3A_250 : i32 to index
        %get3A_252 = arith.constant 48 : index
        %get3A_253 = tpu.vector_load %arg9[%get3A_251, %get3A_252] {strides = array<i32>} : memref<64x128xf32, #tpu.memory_space<vmem>>, vector<1x16xf32>,
        %get3A_254 = vector.shape_cast %get3A_253 : vector<1x16xf32> to vector<16xf32>
        %add3A_255 = arith.constant 1 : i32
        %add3A_256 = arith.addi %mul3A_98, %add3A_255 : i32
        %get3A_257 = arith.index_cast %add3A_256 : i32 to index
        %get3A_258 = arith.constant 48 : index
        %get3A_259 = tpu.vector_load %arg11[%get3A_257, %get3A_258] {strides = array<i32>} : memref<64x128xf32, #tpu.memory_space<vmem>>, vector<1x16xf32>,
        %get3A_260 = vector.shape_cast %get3A_259 : vector<1x16xf32> to vector<16xf32>
        %mul3A_261 = arith.mulf %get3A_254, %get3A_260 : vector<16xf32>
        %add3A_262 = arith.addf %mul3A_234, %mul3A_261 : vector<16xf32>
        %add3A_263 = arith.constant 1 : i32
        %add3A_264 = arith.addi %mul3A_98, %add3A_263 : i32
        %get3A_265 = arith.index_cast %add3A_264 : i32 to index
        %get3A_266 = arith.constant 64 : index
        %get3A_267 = tpu.vector_load %arg9[%get3A_265, %get3A_266] {strides = array<i32>} : memref<64x128xf32, #tpu.memory_space<vmem>>, vector<1x16xf32>,
        %get3A_268 = vector.shape_cast %get3A_267 : vector<1x16xf32> to vector<16xf32>
        %add3A_269 = arith.constant 1 : i32
        %add3A_270 = arith.addi %mul3A_98, %add3A_269 : i32
        %get3A_271 = arith.index_cast %add3A_270 : i32 to index
        %get3A_272 = arith.constant 64 : index
        %get3A_273 = tpu.vector_load %arg11[%get3A_271, %get3A_272] {strides = array<i32>} : memref<64x128xf32, #tpu.memory_space<vmem>>, vector<1x16xf32>,
        %get3A_274 = vector.shape_cast %get3A_273 : vector<1x16xf32> to vector<16xf32>
        %mul3A_275 = arith.mulf %get3A_268, %get3A_274 : vector<16xf32>
        %add3A_276 = arith.addf %add3A_248, %mul3A_275 : vector<16xf32>
        %add3A_277 = arith.constant 1 : i32
        %add3A_278 = arith.addi %mul3A_98, %add3A_277 : i32
        %get3A_279 = arith.index_cast %add3A_278 : i32 to index
        %get3A_280 = arith.constant 80 : index
        %get3A_281 = tpu.vector_load %arg9[%get3A_279, %get3A_280] {strides = array<i32>} : memref<64x128xf32, #tpu.memory_space<vmem>>, vector<1x16xf32>,
        %get3A_282 = vector.shape_cast %get3A_281 : vector<1x16xf32> to vector<16xf32>
        %add3A_283 = arith.constant 1 : i32
        %add3A_284 = arith.addi %mul3A_98, %add3A_283 : i32
        %get3A_285 = arith.index_cast %add3A_284 : i32 to index
        %get3A_286 = arith.constant 80 : index
        %get3A_287 = tpu.vector_load %arg11[%get3A_285, %get3A_286] {strides = array<i32>} : memref<64x128xf32, #tpu.memory_space<vmem>>, vector<1x16xf32>,
        %get3A_288 = vector.shape_cast %get3A_287 : vector<1x16xf32> to vector<16xf32>
        %mul3A_289 = arith.mulf %get3A_282, %get3A_288 : vector<16xf32>
        %add3A_290 = arith.addf %add3A_262, %mul3A_289 : vector<16xf32>
        %add3A_291 = arith.constant 1 : i32
        %add3A_292 = arith.addi %mul3A_98, %add3A_291 : i32
        %get3A_293 = arith.index_cast %add3A_292 : i32 to index
        %get3A_294 = arith.constant 96 : index
        %get3A_295 = tpu.vector_load %arg9[%get3A_293, %get3A_294] {strides = array<i32>} : memref<64x128xf32, #tpu.memory_space<vmem>>, vector<1x16xf32>,
        %get3A_296 = vector.shape_cast %get3A_295 : vector<1x16xf32> to vector<16xf32>
        %add3A_297 = arith.constant 1 : i32
        %add3A_298 = arith.addi %mul3A_98, %add3A_297 : i32
        %get3A_299 = arith.index_cast %add3A_298 : i32 to index
        %get3A_300 = arith.constant 96 : index
        %get3A_301 = tpu.vector_load %arg11[%get3A_299, %get3A_300] {strides = array<i32>} : memref<64x128xf32, #tpu.memory_space<vmem>>, vector<1x16xf32>,
        %get3A_302 = vector.shape_cast %get3A_301 : vector<1x16xf32> to vector<16xf32>
        %mul3A_303 = arith.mulf %get3A_296, %get3A_302 : vector<16xf32>
        %add3A_304 = arith.addf %add3A_276, %mul3A_303 : vector<16xf32>
        %add3A_305 = arith.constant 1 : i32
        %add3A_306 = arith.addi %mul3A_98, %add3A_305 : i32
        %get3A_307 = arith.index_cast %add3A_306 : i32 to index
        %get3A_308 = arith.constant 112 : index
        %get3A_309 = tpu.vector_load %arg9[%get3A_307, %get3A_308] {strides = array<i32>} : memref<64x128xf32, #tpu.memory_space<vmem>>, vector<1x16xf32>,
        %get3A_310 = vector.shape_cast %get3A_309 : vector<1x16xf32> to vector<16xf32>
        %add3A_311 = arith.constant 1 : i32
        %add3A_312 = arith.addi %mul3A_98, %add3A_311 : i32
        %get3A_313 = arith.index_cast %add3A_312 : i32 to index
        %get3A_314 = arith.constant 112 : index
        %get3A_315 = tpu.vector_load %arg11[%get3A_313, %get3A_314] {strides = array<i32>} : memref<64x128xf32, #tpu.memory_space<vmem>>, vector<1x16xf32>,
        %get3A_316 = vector.shape_cast %get3A_315 : vector<1x16xf32> to vector<16xf32>
        %mul3A_317 = arith.mulf %get3A_310, %get3A_316 : vector<16xf32>
        %add3A_318 = arith.addf %add3A_290, %mul3A_317 : vector<16xf32>
        %add3A_319 = arith.addf %add3A_304, %add3A_318 : vector<16xf32>
        %add3A_320 = arith.constant 2 : i32
        %add3A_321 = arith.addi %mul3A_98, %add3A_320 : i32
        %get3A_322 = arith.index_cast %add3A_321 : i32 to index
        %get3A_323 = arith.constant 0 : index
        %get3A_324 = tpu.vector_load %arg9[%get3A_322, %get3A_323] {strides = array<i32>} : memref<64x128xf32, #tpu.memory_space<vmem>>, vector<1x16xf32>,
        %get3A_325 = vector.shape_cast %get3A_324 : vector<1x16xf32> to vector<16xf32>
        %add3A_326 = arith.constant 2 : i32
        %add3A_327 = arith.addi %mul3A_98, %add3A_326 : i32
        %get3A_328 = arith.index_cast %add3A_327 : i32 to index
        %get3A_329 = arith.constant 0 : index
        %get3A_330 = tpu.vector_load %arg11[%get3A_328, %get3A_329] {strides = array<i32>} : memref<64x128xf32, #tpu.memory_space<vmem>>, vector<1x16xf32>,
        %get3A_331 = vector.shape_cast %get3A_330 : vector<1x16xf32> to vector<16xf32>
        %mul3A_332 = arith.mulf %get3A_325, %get3A_331 : vector<16xf32>
        %add3A_333 = arith.constant 2 : i32
        %add3A_334 = arith.addi %mul3A_98, %add3A_333 : i32
        %get3A_335 = arith.index_cast %add3A_334 : i32 to index
        %get3A_336 = arith.constant 16 : index
        %get3A_337 = tpu.vector_load %arg9[%get3A_335, %get3A_336] {strides = array<i32>} : memref<64x128xf32, #tpu.memory_space<vmem>>, vector<1x16xf32>,
        %get3A_338 = vector.shape_cast %get3A_337 : vector<1x16xf32> to vector<16xf32>
        %add3A_339 = arith.constant 2 : i32
        %add3A_340 = arith.addi %mul3A_98, %add3A_339 : i32
        %get3A_341 = arith.index_cast %add3A_340 : i32 to index
        %get3A_342 = arith.constant 16 : index
        %get3A_343 = tpu.vector_load %arg11[%get3A_341, %get3A_342] {strides = array<i32>} : memref<64x128xf32, #tpu.memory_space<vmem>>, vector<1x16xf32>,
        %get3A_344 = vector.shape_cast %get3A_343 : vector<1x16xf32> to vector<16xf32>
        %mul3A_345 = arith.mulf %get3A_338, %get3A_344 : vector<16xf32>
        %add3A_346 = arith.constant 2 : i32
        %add3A_347 = arith.addi %mul3A_98, %add3A_346 : i32
        %get3A_348 = arith.index_cast %add3A_347 : i32 to index
        %get3A_349 = arith.constant 32 : index
        %get3A_350 = tpu.vector_load %arg9[%get3A_348, %get3A_349] {strides = array<i32>} : memref<64x128xf32, #tpu.memory_space<vmem>>, vector<1x16xf32>,
        %get3A_351 = vector.shape_cast %get3A_350 : vector<1x16xf32> to vector<16xf32>
        %add3A_352 = arith.constant 2 : i32
        %add3A_353 = arith.addi %mul3A_98, %add3A_352 : i32
        %get3A_354 = arith.index_cast %add3A_353 : i32 to index
        %get3A_355 = arith.constant 32 : index
        %get3A_356 = tpu.vector_load %arg11[%get3A_354, %get3A_355] {strides = array<i32>} : memref<64x128xf32, #tpu.memory_space<vmem>>, vector<1x16xf32>,
        %get3A_357 = vector.shape_cast %get3A_356 : vector<1x16xf32> to vector<16xf32>
        %mul3A_358 = arith.mulf %get3A_351, %get3A_357 : vector<16xf32>
        %add3A_359 = arith.addf %mul3A_332, %mul3A_358 : vector<16xf32>
        %add3A_360 = arith.constant 2 : i32
        %add3A_361 = arith.addi %mul3A_98, %add3A_360 : i32
        %get3A_362 = arith.index_cast %add3A_361 : i32 to index
        %get3A_363 = arith.constant 48 : index
        %get3A_364 = tpu.vector_load %arg9[%get3A_362, %get3A_363] {strides = array<i32>} : memref<64x128xf32, #tpu.memory_space<vmem>>, vector<1x16xf32>,
        %get3A_365 = vector.shape_cast %get3A_364 : vector<1x16xf32> to vector<16xf32>
        %add3A_366 = arith.constant 2 : i32
        %add3A_367 = arith.addi %mul3A_98, %add3A_366 : i32
        %get3A_368 = arith.index_cast %add3A_367 : i32 to index
        %get3A_369 = arith.constant 48 : index
        %get3A_370 = tpu.vector_load %arg11[%get3A_368, %get3A_369] {strides = array<i32>} : memref<64x128xf32, #tpu.memory_space<vmem>>, vector<1x16xf32>,
        %get3A_371 = vector.shape_cast %get3A_370 : vector<1x16xf32> to vector<16xf32>
        %mul3A_372 = arith.mulf %get3A_365, %get3A_371 : vector<16xf32>
        %add3A_373 = arith.addf %mul3A_345, %mul3A_372 : vector<16xf32>
        %add3A_374 = arith.constant 2 : i32
        %add3A_375 = arith.addi %mul3A_98, %add3A_374 : i32
        %get3A_376 = arith.index_cast %add3A_375 : i32 to index
        %get3A_377 = arith.constant 64 : index
        %get3A_378 = tpu.vector_load %arg9[%get3A_376, %get3A_377] {strides = array<i32>} : memref<64x128xf32, #tpu.memory_space<vmem>>, vector<1x16xf32>,
        %get3A_379 = vector.shape_cast %get3A_378 : vector<1x16xf32> to vector<16xf32>
        %add3A_380 = arith.constant 2 : i32
        %add3A_381 = arith.addi %mul3A_98, %add3A_380 : i32
        %get3A_382 = arith.index_cast %add3A_381 : i32 to index
        %get3A_383 = arith.constant 64 : index
        %get3A_384 = tpu.vector_load %arg11[%get3A_382, %get3A_383] {strides = array<i32>} : memref<64x128xf32, #tpu.memory_space<vmem>>, vector<1x16xf32>,
        %get3A_385 = vector.shape_cast %get3A_384 : vector<1x16xf32> to vector<16xf32>
        %mul3A_386 = arith.mulf %get3A_379, %get3A_385 : vector<16xf32>
        %add3A_387 = arith.addf %add3A_359, %mul3A_386 : vector<16xf32>
        %add3A_388 = arith.constant 2 : i32
        %add3A_389 = arith.addi %mul3A_98, %add3A_388 : i32
        %get3A_390 = arith.index_cast %add3A_389 : i32 to index
        %get3A_391 = arith.constant 80 : index
        %get3A_392 = tpu.vector_load %arg9[%get3A_390, %get3A_391] {strides = array<i32>} : memref<64x128xf32, #tpu.memory_space<vmem>>, vector<1x16xf32>,
        %get3A_393 = vector.shape_cast %get3A_392 : vector<1x16xf32> to vector<16xf32>
        %add3A_394 = arith.constant 2 : i32
        %add3A_395 = arith.addi %mul3A_98, %add3A_394 : i32
        %get3A_396 = arith.index_cast %add3A_395 : i32 to index
        %get3A_397 = arith.constant 80 : index
        %get3A_398 = tpu.vector_load %arg11[%get3A_396, %get3A_397] {strides = array<i32>} : memref<64x128xf32, #tpu.memory_space<vmem>>, vector<1x16xf32>,
        %get3A_399 = vector.shape_cast %get3A_398 : vector<1x16xf32> to vector<16xf32>
        %mul3A_400 = arith.mulf %get3A_393, %get3A_399 : vector<16xf32>
        %add3A_401 = arith.addf %add3A_373, %mul3A_400 : vector<16xf32>
        %add3A_402 = arith.constant 2 : i32
        %add3A_403 = arith.addi %mul3A_98, %add3A_402 : i32
        %get3A_404 = arith.index_cast %add3A_403 : i32 to index
        %get3A_405 = arith.constant 96 : index
        %get3A_406 = tpu.vector_load %arg9[%get3A_404, %get3A_405] {strides = array<i32>} : memref<64x128xf32, #tpu.memory_space<vmem>>, vector<1x16xf32>,
        %get3A_407 = vector.shape_cast %get3A_406 : vector<1x16xf32> to vector<16xf32>
        %add3A_408 = arith.constant 2 : i32
        %add3A_409 = arith.addi %mul3A_98, %add3A_408 : i32
        %get3A_410 = arith.index_cast %add3A_409 : i32 to index
        %get3A_411 = arith.constant 96 : index
        %get3A_412 = tpu.vector_load %arg11[%get3A_410, %get3A_411] {strides = array<i32>} : memref<64x128xf32, #tpu.memory_space<vmem>>, vector<1x16xf32>,
        %get3A_413 = vector.shape_cast %get3A_412 : vector<1x16xf32> to vector<16xf32>
        %mul3A_414 = arith.mulf %get3A_407, %get3A_413 : vector<16xf32>
        %add3A_415 = arith.addf %add3A_387, %mul3A_414 : vector<16xf32>
        %add3A_416 = arith.constant 2 : i32
        %add3A_417 = arith.addi %mul3A_98, %add3A_416 : i32
        %get3A_418 = arith.index_cast %add3A_417 : i32 to index
        %get3A_419 = arith.constant 112 : index
        %get3A_420 = tpu.vector_load %arg9[%get3A_418, %get3A_419] {strides = array<i32>} : memref<64x128xf32, #tpu.memory_space<vmem>>, vector<1x16xf32>,
        %get3A_421 = vector.shape_cast %get3A_420 : vector<1x16xf32> to vector<16xf32>
        %add3A_422 = arith.constant 2 : i32
        %add3A_423 = arith.addi %mul3A_98, %add3A_422 : i32
        %get3A_424 = arith.index_cast %add3A_423 : i32 to index
        %get3A_425 = arith.constant 112 : index
        %get3A_426 = tpu.vector_load %arg11[%get3A_424, %get3A_425] {strides = array<i32>} : memref<64x128xf32, #tpu.memory_space<vmem>>, vector<1x16xf32>,
        %get3A_427 = vector.shape_cast %get3A_426 : vector<1x16xf32> to vector<16xf32>
        %mul3A_428 = arith.mulf %get3A_421, %get3A_427 : vector<16xf32>
        %add3A_429 = arith.addf %add3A_401, %mul3A_428 : vector<16xf32>
        %add3A_430 = arith.addf %add3A_415, %add3A_429 : vector<16xf32>
        %add3A_431 = arith.constant 3 : i32
        %add3A_432 = arith.addi %mul3A_98, %add3A_431 : i32
        %get3A_433 = arith.index_cast %add3A_432 : i32 to index
        %get3A_434 = arith.constant 0 : index
        %get3A_435 = tpu.vector_load %arg9[%get3A_433, %get3A_434] {strides = array<i32>} : memref<64x128xf32, #tpu.memory_space<vmem>>, vector<1x16xf32>,
        %get3A_436 = vector.shape_cast %get3A_435 : vector<1x16xf32> to vector<16xf32>
        %add3A_437 = arith.constant 3 : i32
        %add3A_438 = arith.addi %mul3A_98, %add3A_437 : i32
        %get3A_439 = arith.index_cast %add3A_438 : i32 to index
        %get3A_440 = arith.constant 0 : index
        %get3A_441 = tpu.vector_load %arg11[%get3A_439, %get3A_440] {strides = array<i32>} : memref<64x128xf32, #tpu.memory_space<vmem>>, vector<1x16xf32>,
        %get3A_442 = vector.shape_cast %get3A_441 : vector<1x16xf32> to vector<16xf32>
        %mul3A_443 = arith.mulf %get3A_436, %get3A_442 : vector<16xf32>
        %add3A_444 = arith.constant 3 : i32
        %add3A_445 = arith.addi %mul3A_98, %add3A_444 : i32
        %get3A_446 = arith.index_cast %add3A_445 : i32 to index
        %get3A_447 = arith.constant 16 : index
        %get3A_448 = tpu.vector_load %arg9[%get3A_446, %get3A_447] {strides = array<i32>} : memref<64x128xf32, #tpu.memory_space<vmem>>, vector<1x16xf32>,
        %get3A_449 = vector.shape_cast %get3A_448 : vector<1x16xf32> to vector<16xf32>
        %add3A_450 = arith.constant 3 : i32
        %add3A_451 = arith.addi %mul3A_98, %add3A_450 : i32
        %get3A_452 = arith.index_cast %add3A_451 : i32 to index
        %get3A_453 = arith.constant 16 : index
        %get3A_454 = tpu.vector_load %arg11[%get3A_452, %get3A_453] {strides = array<i32>} : memref<64x128xf32, #tpu.memory_space<vmem>>, vector<1x16xf32>,
        %get3A_455 = vector.shape_cast %get3A_454 : vector<1x16xf32> to vector<16xf32>
        %mul3A_456 = arith.mulf %get3A_449, %get3A_455 : vector<16xf32>
        %add3A_457 = arith.constant 3 : i32
        %add3A_458 = arith.addi %mul3A_98, %add3A_457 : i32
        %get3A_459 = arith.index_cast %add3A_458 : i32 to index
        %get3A_460 = arith.constant 32 : index
        %get3A_461 = tpu.vector_load %arg9[%get3A_459, %get3A_460] {strides = array<i32>} : memref<64x128xf32, #tpu.memory_space<vmem>>, vector<1x16xf32>,
        %get3A_462 = vector.shape_cast %get3A_461 : vector<1x16xf32> to vector<16xf32>
        %add3A_463 = arith.constant 3 : i32
        %add3A_464 = arith.addi %mul3A_98, %add3A_463 : i32
        %get3A_465 = arith.index_cast %add3A_464 : i32 to index
        %get3A_466 = arith.constant 32 : index
        %get3A_467 = tpu.vector_load %arg11[%get3A_465, %get3A_466] {strides = array<i32>} : memref<64x128xf32, #tpu.memory_space<vmem>>, vector<1x16xf32>,
        %get3A_468 = vector.shape_cast %get3A_467 : vector<1x16xf32> to vector<16xf32>
        %mul3A_469 = arith.mulf %get3A_462, %get3A_468 : vector<16xf32>
        %add3A_470 = arith.addf %mul3A_443, %mul3A_469 : vector<16xf32>
        %add3A_471 = arith.constant 3 : i32
        %add3A_472 = arith.addi %mul3A_98, %add3A_471 : i32
        %get3A_473 = arith.index_cast %add3A_472 : i32 to index
        %get3A_474 = arith.constant 48 : index
        %get3A_475 = tpu.vector_load %arg9[%get3A_473, %get3A_474] {strides = array<i32>} : memref<64x128xf32, #tpu.memory_space<vmem>>, vector<1x16xf32>,
        %get3A_476 = vector.shape_cast %get3A_475 : vector<1x16xf32> to vector<16xf32>
        %add3A_477 = arith.constant 3 : i32
        %add3A_478 = arith.addi %mul3A_98, %add3A_477 : i32
        %get3A_479 = arith.index_cast %add3A_478 : i32 to index
        %get3A_480 = arith.constant 48 : index
        %get3A_481 = tpu.vector_load %arg11[%get3A_479, %get3A_480] {strides = array<i32>} : memref<64x128xf32, #tpu.memory_space<vmem>>, vector<1x16xf32>,
        %get3A_482 = vector.shape_cast %get3A_481 : vector<1x16xf32> to vector<16xf32>
        %mul3A_483 = arith.mulf %get3A_476, %get3A_482 : vector<16xf32>
        %add3A_484 = arith.addf %mul3A_456, %mul3A_483 : vector<16xf32>
        %add3A_485 = arith.constant 3 : i32
        %add3A_486 = arith.addi %mul3A_98, %add3A_485 : i32
        %get3A_487 = arith.index_cast %add3A_486 : i32 to index
        %get3A_488 = arith.constant 64 : index
        %get3A_489 = tpu.vector_load %arg9[%get3A_487, %get3A_488] {strides = array<i32>} : memref<64x128xf32, #tpu.memory_space<vmem>>, vector<1x16xf32>,
        %get3A_490 = vector.shape_cast %get3A_489 : vector<1x16xf32> to vector<16xf32>
        %add3A_491 = arith.constant 3 : i32
        %add3A_492 = arith.addi %mul3A_98, %add3A_491 : i32
        %get3A_493 = arith.index_cast %add3A_492 : i32 to index
        %get3A_494 = arith.constant 64 : index
        %get3A_495 = tpu.vector_load %arg11[%get3A_493, %get3A_494] {strides = array<i32>} : memref<64x128xf32, #tpu.memory_space<vmem>>, vector<1x16xf32>,
        %get3A_496 = vector.shape_cast %get3A_495 : vector<1x16xf32> to vector<16xf32>
        %mul3A_497 = arith.mulf %get3A_490, %get3A_496 : vector<16xf32>
        %add3A_498 = arith.addf %add3A_470, %mul3A_497 : vector<16xf32>
        %add3A_499 = arith.constant 3 : i32
        %add3A_500 = arith.addi %mul3A_98, %add3A_499 : i32
        %get3A_501 = arith.index_cast %add3A_500 : i32 to index
        %get3A_502 = arith.constant 80 : index
        %get3A_503 = tpu.vector_load %arg9[%get3A_501, %get3A_502] {strides = array<i32>} : memref<64x128xf32, #tpu.memory_space<vmem>>, vector<1x16xf32>,
        %get3A_504 = vector.shape_cast %get3A_503 : vector<1x16xf32> to vector<16xf32>
        %add3A_505 = arith.constant 3 : i32
        %add3A_506 = arith.addi %mul3A_98, %add3A_505 : i32
        %get3A_507 = arith.index_cast %add3A_506 : i32 to index
        %get3A_508 = arith.constant 80 : index
        %get3A_509 = tpu.vector_load %arg11[%get3A_507, %get3A_508] {strides = array<i32>} : memref<64x128xf32, #tpu.memory_space<vmem>>, vector<1x16xf32>,
        %get3A_510 = vector.shape_cast %get3A_509 : vector<1x16xf32> to vector<16xf32>
        %mul3A_511 = arith.mulf %get3A_504, %get3A_510 : vector<16xf32>
        %add3A_512 = arith.addf %add3A_484, %mul3A_511 : vector<16xf32>
        %add3A_513 = arith.constant 3 : i32
        %add3A_514 = arith.addi %mul3A_98, %add3A_513 : i32
        %get3A_515 = arith.index_cast %add3A_514 : i32 to index
        %get3A_516 = arith.constant 96 : index
        %get3A_517 = tpu.vector_load %arg9[%get3A_515, %get3A_516] {strides = array<i32>} : memref<64x128xf32, #tpu.memory_space<vmem>>, vector<1x16xf32>,
        %get3A_518 = vector.shape_cast %get3A_517 : vector<1x16xf32> to vector<16xf32>
        %add3A_519 = arith.constant 3 : i32
        %add3A_520 = arith.addi %mul3A_98, %add3A_519 : i32
        %get3A_521 = arith.index_cast %add3A_520 : i32 to index
        %get3A_522 = arith.constant 96 : index
        %get3A_523 = tpu.vector_load %arg11[%get3A_521, %get3A_522] {strides = array<i32>} : memref<64x128xf32, #tpu.memory_space<vmem>>, vector<1x16xf32>,
        %get3A_524 = vector.shape_cast %get3A_523 : vector<1x16xf32> to vector<16xf32>
        %mul3A_525 = arith.mulf %get3A_518, %get3A_524 : vector<16xf32>
        %add3A_526 = arith.addf %add3A_498, %mul3A_525 : vector<16xf32>
        %add3A_527 = arith.constant 3 : i32
        %add3A_528 = arith.addi %mul3A_98, %add3A_527 : i32
        %get3A_529 = arith.index_cast %add3A_528 : i32 to index
        %get3A_530 = arith.constant 112 : index
        %get3A_531 = tpu.vector_load %arg9[%get3A_529, %get3A_530] {strides = array<i32>} : memref<64x128xf32, #tpu.memory_space<vmem>>, vector<1x16xf32>,
        %get3A_532 = vector.shape_cast %get3A_531 : vector<1x16xf32> to vector<16xf32>
        %add3A_533 = arith.constant 3 : i32
        %add3A_534 = arith.addi %mul3A_98, %add3A_533 : i32
        %get3A_535 = arith.index_cast %add3A_534 : i32 to index
        %get3A_536 = arith.constant 112 : index
        %get3A_537 = tpu.vector_load %arg11[%get3A_535, %get3A_536] {strides = array<i32>} : memref<64x128xf32, #tpu.memory_space<vmem>>, vector<1x16xf32>,
        %get3A_538 = vector.shape_cast %get3A_537 : vector<1x16xf32> to vector<16xf32>
        %mul3A_539 = arith.mulf %get3A_532, %get3A_538 : vector<16xf32>
        %add3A_540 = arith.addf %add3A_512, %mul3A_539 : vector<16xf32>
        %add3A_541 = arith.addf %add3A_526, %add3A_540 : vector<16xf32>
        %swap3A = arith.constant 0 : i32
        %swap3A_542 = arith.index_cast %swap3A : i32 to index
        %swap3A_543 = arith.constant 0 : index
        %swap3A_544 = tpu.vector_load %arg13[%swap3A_542, %swap3A_543] {strides = array<i32>} : memref<16x24xf32, #tpu.memory_space<vmem>>, vector<1x16xf32>,
        %swap3A_545 = vector.shape_cast %swap3A_544 : vector<1x16xf32> to vector<16xf32>
        %swap3A_546 = vector.shape_cast %add3A_208 : vector<16xf32> to vector<1x16xf32>
        tpu.vector_store %arg13[%swap3A_542, %swap3A_543], %swap3A_546 {strides = array<i32>} : memref<16x24xf32, #tpu.memory_space<vmem>>, vector<1x16xf32>,
        %swap3A_547 = arith.constant 1 : i32
        %swap3A_548 = arith.index_cast %swap3A_547 : i32 to index
        %swap3A_549 = arith.constant 0 : index
        %swap3A_550 = tpu.vector_load %arg13[%swap3A_548, %swap3A_549] {strides = array<i32>} : memref<16x24xf32, #tpu.memory_space<vmem>>, vector<1x16xf32>,
        %swap3A_551 = vector.shape_cast %swap3A_550 : vector<1x16xf32> to vector<16xf32>
        %swap3A_552 = vector.shape_cast %add3A_319 : vector<16xf32> to vector<1x16xf32>
        tpu.vector_store %arg13[%swap3A_548, %swap3A_549], %swap3A_552 {strides = array<i32>} : memref<16x24xf32, #tpu.memory_space<vmem>>, vector<1x16xf32>,
        %swap3A_553 = arith.constant 2 : i32
        %swap3A_554 = arith.index_cast %swap3A_553 : i32 to index
        %swap3A_555 = arith.constant 0 : index
        %swap3A_556 = tpu.vector_load %arg13[%swap3A_554, %swap3A_555] {strides = array<i32>} : memref<16x24xf32, #tpu.memory_space<vmem>>, vector<1x16xf32>,
        %swap3A_557 = vector.shape_cast %swap3A_556 : vector<1x16xf32> to vector<16xf32>
        %swap3A_558 = vector.shape_cast %add3A_430 : vector<16xf32> to vector<1x16xf32>
        tpu.vector_store %arg13[%swap3A_554, %swap3A_555], %swap3A_558 {strides = array<i32>} : memref<16x24xf32, #tpu.memory_space<vmem>>, vector<1x16xf32>,
        %swap3A_559 = arith.constant 3 : i32
        %swap3A_560 = arith.index_cast %swap3A_559 : i32 to index
        %swap3A_561 = arith.constant 0 : index
        %swap3A_562 = tpu.vector_load %arg13[%swap3A_560, %swap3A_561] {strides = array<i32>} : memref<16x24xf32, #tpu.memory_space<vmem>>, vector<1x16xf32>,
        %swap3A_563 = vector.shape_cast %swap3A_562 : vector<1x16xf32> to vector<16xf32>
        %swap3A_564 = vector.shape_cast %add3A_541 : vector<16xf32> to vector<1x16xf32>
        tpu.vector_store %arg13[%swap3A_560, %swap3A_561], %swap3A_564 {strides = array<i32>} : memref<16x24xf32, #tpu.memory_space<vmem>>, vector<1x16xf32>,
        %add3A_565 = arith.constant 4 : i32
        %add3A_566 = arith.addi %mul3A_98, %add3A_565 : i32
        %get3A_567 = arith.index_cast %add3A_566 : i32 to index
        %get3A_568 = arith.constant 0 : index
        %get3A_569 = tpu.vector_load %arg9[%get3A_567, %get3A_568] {strides = array<i32>} : memref<64x128xf32, #tpu.memory_space<vmem>>, vector<1x16xf32>,
        %get3A_570 = vector.shape_cast %get3A_569 : vector<1x16xf32> to vector<16xf32>
        %add3A_571 = arith.constant 4 : i32
        %add3A_572 = arith.addi %mul3A_98, %add3A_571 : i32
        %get3A_573 = arith.index_cast %add3A_572 : i32 to index
        %get3A_574 = arith.constant 0 : index
        %get3A_575 = tpu.vector_load %arg11[%get3A_573, %get3A_574] {strides = array<i32>} : memref<64x128xf32, #tpu.memory_space<vmem>>, vector<1x16xf32>,
        %get3A_576 = vector.shape_cast %get3A_575 : vector<1x16xf32> to vector<16xf32>
        %mul3A_577 = arith.mulf %get3A_570, %get3A_576 : vector<16xf32>
        %add3A_578 = arith.constant 4 : i32
        %add3A_579 = arith.addi %mul3A_98, %add3A_578 : i32
        %get3A_580 = arith.index_cast %add3A_579 : i32 to index
        %get3A_581 = arith.constant 16 : index
        %get3A_582 = tpu.vector_load %arg9[%get3A_580, %get3A_581] {strides = array<i32>} : memref<64x128xf32, #tpu.memory_space<vmem>>, vector<1x16xf32>,
        %get3A_583 = vector.shape_cast %get3A_582 : vector<1x16xf32> to vector<16xf32>
        %add3A_584 = arith.constant 4 : i32
        %add3A_585 = arith.addi %mul3A_98, %add3A_584 : i32
        %get3A_586 = arith.index_cast %add3A_585 : i32 to index
        %get3A_587 = arith.constant 16 : index
        %get3A_588 = tpu.vector_load %arg11[%get3A_586, %get3A_587] {strides = array<i32>} : memref<64x128xf32, #tpu.memory_space<vmem>>, vector<1x16xf32>,
        %get3A_589 = vector.shape_cast %get3A_588 : vector<1x16xf32> to vector<16xf32>
        %mul3A_590 = arith.mulf %get3A_583, %get3A_589 : vector<16xf32>
        %add3A_591 = arith.constant 4 : i32
        %add3A_592 = arith.addi %mul3A_98, %add3A_591 : i32
        %get3A_593 = arith.index_cast %add3A_592 : i32 to index
        %get3A_594 = arith.constant 32 : index
        %get3A_595 = tpu.vector_load %arg9[%get3A_593, %get3A_594] {strides = array<i32>} : memref<64x128xf32, #tpu.memory_space<vmem>>, vector<1x16xf32>,
        %get3A_596 = vector.shape_cast %get3A_595 : vector<1x16xf32> to vector<16xf32>
        %add3A_597 = arith.constant 4 : i32
        %add3A_598 = arith.addi %mul3A_98, %add3A_597 : i32
        %get3A_599 = arith.index_cast %add3A_598 : i32 to index
        %get3A_600 = arith.constant 32 : index
        %get3A_601 = tpu.vector_load %arg11[%get3A_599, %get3A_600] {strides = array<i32>} : memref<64x128xf32, #tpu.memory_space<vmem>>, vector<1x16xf32>,
        %get3A_602 = vector.shape_cast %get3A_601 : vector<1x16xf32> to vector<16xf32>
        %mul3A_603 = arith.mulf %get3A_596, %get3A_602 : vector<16xf32>
        %add3A_604 = arith.addf %mul3A_577, %mul3A_603 : vector<16xf32>
        %add3A_605 = arith.constant 4 : i32
        %add3A_606 = arith.addi %mul3A_98, %add3A_605 : i32
        %get3A_607 = arith.index_cast %add3A_606 : i32 to index
        %get3A_608 = arith.constant 48 : index
        %get3A_609 = tpu.vector_load %arg9[%get3A_607, %get3A_608] {strides = array<i32>} : memref<64x128xf32, #tpu.memory_space<vmem>>, vector<1x16xf32>,
        %get3A_610 = vector.shape_cast %get3A_609 : vector<1x16xf32> to vector<16xf32>
        %add3A_611 = arith.constant 4 : i32
        %add3A_612 = arith.addi %mul3A_98, %add3A_611 : i32
        %get3A_613 = arith.index_cast %add3A_612 : i32 to index
        %get3A_614 = arith.constant 48 : index
        %get3A_615 = tpu.vector_load %arg11[%get3A_613, %get3A_614] {strides = array<i32>} : memref<64x128xf32, #tpu.memory_space<vmem>>, vector<1x16xf32>,
        %get3A_616 = vector.shape_cast %get3A_615 : vector<1x16xf32> to vector<16xf32>
        %mul3A_617 = arith.mulf %get3A_610, %get3A_616 : vector<16xf32>
        %add3A_618 = arith.addf %mul3A_590, %mul3A_617 : vector<16xf32>
        %add3A_619 = arith.constant 4 : i32
        %add3A_620 = arith.addi %mul3A_98, %add3A_619 : i32
        %get3A_621 = arith.index_cast %add3A_620 : i32 to index
        %get3A_622 = arith.constant 64 : index
        %get3A_623 = tpu.vector_load %arg9[%get3A_621, %get3A_622] {strides = array<i32>} : memref<64x128xf32, #tpu.memory_space<vmem>>, vector<1x16xf32>,
        %get3A_624 = vector.shape_cast %get3A_623 : vector<1x16xf32> to vector<16xf32>
        %add3A_625 = arith.constant 4 : i32
        %add3A_626 = arith.addi %mul3A_98, %add3A_625 : i32
        %get3A_627 = arith.index_cast %add3A_626 : i32 to index
        %get3A_628 = arith.constant 64 : index
        %get3A_629 = tpu.vector_load %arg11[%get3A_627, %get3A_628] {strides = array<i32>} : memref<64x128xf32, #tpu.memory_space<vmem>>, vector<1x16xf32>,
        %get3A_630 = vector.shape_cast %get3A_629 : vector<1x16xf32> to vector<16xf32>
        %mul3A_631 = arith.mulf %get3A_624, %get3A_630 : vector<16xf32>
        %add3A_632 = arith.addf %add3A_604, %mul3A_631 : vector<16xf32>
        %add3A_633 = arith.constant 4 : i32
        %add3A_634 = arith.addi %mul3A_98, %add3A_633 : i32
        %get3A_635 = arith.index_cast %add3A_634 : i32 to index
        %get3A_636 = arith.constant 80 : index
        %get3A_637 = tpu.vector_load %arg9[%get3A_635, %get3A_636] {strides = array<i32>} : memref<64x128xf32, #tpu.memory_space<vmem>>, vector<1x16xf32>,
        %get3A_638 = vector.shape_cast %get3A_637 : vector<1x16xf32> to vector<16xf32>
        %add3A_639 = arith.constant 4 : i32
        %add3A_640 = arith.addi %mul3A_98, %add3A_639 : i32
        %get3A_641 = arith.index_cast %add3A_640 : i32 to index
        %get3A_642 = arith.constant 80 : index
        %get3A_643 = tpu.vector_load %arg11[%get3A_641, %get3A_642] {strides = array<i32>} : memref<64x128xf32, #tpu.memory_space<vmem>>, vector<1x16xf32>,
        %get3A_644 = vector.shape_cast %get3A_643 : vector<1x16xf32> to vector<16xf32>
        %mul3A_645 = arith.mulf %get3A_638, %get3A_644 : vector<16xf32>
        %add3A_646 = arith.addf %add3A_618, %mul3A_645 : vector<16xf32>
        %add3A_647 = arith.constant 4 : i32
        %add3A_648 = arith.addi %mul3A_98, %add3A_647 : i32
        %get3A_649 = arith.index_cast %add3A_648 : i32 to index
        %get3A_650 = arith.constant 96 : index
        %get3A_651 = tpu.vector_load %arg9[%get3A_649, %get3A_650] {strides = array<i32>} : memref<64x128xf32, #tpu.memory_space<vmem>>, vector<1x16xf32>,
        %get3A_652 = vector.shape_cast %get3A_651 : vector<1x16xf32> to vector<16xf32>
        %add3A_653 = arith.constant 4 : i32
        %add3A_654 = arith.addi %mul3A_98, %add3A_653 : i32
        %get3A_655 = arith.index_cast %add3A_654 : i32 to index
        %get3A_656 = arith.constant 96 : index
        %get3A_657 = tpu.vector_load %arg11[%get3A_655, %get3A_656] {strides = array<i32>} : memref<64x128xf32, #tpu.memory_space<vmem>>, vector<1x16xf32>,
        %get3A_658 = vector.shape_cast %get3A_657 : vector<1x16xf32> to vector<16xf32>
        %mul3A_659 = arith.mulf %get3A_652, %get3A_658 : vector<16xf32>
        %add3A_660 = arith.addf %add3A_632, %mul3A_659 : vector<16xf32>
        %add3A_661 = arith.constant 4 : i32
        %add3A_662 = arith.addi %mul3A_98, %add3A_661 : i32
        %get3A_663 = arith.index_cast %add3A_662 : i32 to index
        %get3A_664 = arith.constant 112 : index
        %get3A_665 = tpu.vector_load %arg9[%get3A_663, %get3A_664] {strides = array<i32>} : memref<64x128xf32, #tpu.memory_space<vmem>>, vector<1x16xf32>,
        %get3A_666 = vector.shape_cast %get3A_665 : vector<1x16xf32> to vector<16xf32>
        %add3A_667 = arith.constant 4 : i32
        %add3A_668 = arith.addi %mul3A_98, %add3A_667 : i32
        %get3A_669 = arith.index_cast %add3A_668 : i32 to index
        %get3A_670 = arith.constant 112 : index
        %get3A_671 = tpu.vector_load %arg11[%get3A_669, %get3A_670] {strides = array<i32>} : memref<64x128xf32, #tpu.memory_space<vmem>>, vector<1x16xf32>,
        %get3A_672 = vector.shape_cast %get3A_671 : vector<1x16xf32> to vector<16xf32>
        %mul3A_673 = arith.mulf %get3A_666, %get3A_672 : vector<16xf32>
        %add3A_674 = arith.addf %add3A_646, %mul3A_673 : vector<16xf32>
        %add3A_675 = arith.addf %add3A_660, %add3A_674 : vector<16xf32>
        %add3A_676 = arith.constant 5 : i32
        %add3A_677 = arith.addi %mul3A_98, %add3A_676 : i32
        %get3A_678 = arith.index_cast %add3A_677 : i32 to index
        %get3A_679 = arith.constant 0 : index
        %get3A_680 = tpu.vector_load %arg9[%get3A_678, %get3A_679] {strides = array<i32>} : memref<64x128xf32, #tpu.memory_space<vmem>>, vector<1x16xf32>,
        %get3A_681 = vector.shape_cast %get3A_680 : vector<1x16xf32> to vector<16xf32>
        %add3A_682 = arith.constant 5 : i32
        %add3A_683 = arith.addi %mul3A_98, %add3A_682 : i32
        %get3A_684 = arith.index_cast %add3A_683 : i32 to index
        %get3A_685 = arith.constant 0 : index
        %get3A_686 = tpu.vector_load %arg11[%get3A_684, %get3A_685] {strides = array<i32>} : memref<64x128xf32, #tpu.memory_space<vmem>>, vector<1x16xf32>,
        %get3A_687 = vector.shape_cast %get3A_686 : vector<1x16xf32> to vector<16xf32>
        %mul3A_688 = arith.mulf %get3A_681, %get3A_687 : vector<16xf32>
        %add3A_689 = arith.constant 5 : i32
        %add3A_690 = arith.addi %mul3A_98, %add3A_689 : i32
        %get3A_691 = arith.index_cast %add3A_690 : i32 to index
        %get3A_692 = arith.constant 16 : index
        %get3A_693 = tpu.vector_load %arg9[%get3A_691, %get3A_692] {strides = array<i32>} : memref<64x128xf32, #tpu.memory_space<vmem>>, vector<1x16xf32>,
        %get3A_694 = vector.shape_cast %get3A_693 : vector<1x16xf32> to vector<16xf32>
        %add3A_695 = arith.constant 5 : i32
        %add3A_696 = arith.addi %mul3A_98, %add3A_695 : i32
        %get3A_697 = arith.index_cast %add3A_696 : i32 to index
        %get3A_698 = arith.constant 16 : index
        %get3A_699 = tpu.vector_load %arg11[%get3A_697, %get3A_698] {strides = array<i32>} : memref<64x128xf32, #tpu.memory_space<vmem>>, vector<1x16xf32>,
        %get3A_700 = vector.shape_cast %get3A_699 : vector<1x16xf32> to vector<16xf32>
        %mul3A_701 = arith.mulf %get3A_694, %get3A_700 : vector<16xf32>
        %add3A_702 = arith.constant 5 : i32
        %add3A_703 = arith.addi %mul3A_98, %add3A_702 : i32
        %get3A_704 = arith.index_cast %add3A_703 : i32 to index
        %get3A_705 = arith.constant 32 : index
        %get3A_706 = tpu.vector_load %arg9[%get3A_704, %get3A_705] {strides = array<i32>} : memref<64x128xf32, #tpu.memory_space<vmem>>, vector<1x16xf32>,
        %get3A_707 = vector.shape_cast %get3A_706 : vector<1x16xf32> to vector<16xf32>
        %add3A_708 = arith.constant 5 : i32
        %add3A_709 = arith.addi %mul3A_98, %add3A_708 : i32
        %get3A_710 = arith.index_cast %add3A_709 : i32 to index
        %get3A_711 = arith.constant 32 : index
        %get3A_712 = tpu.vector_load %arg11[%get3A_710, %get3A_711] {strides = array<i32>} : memref<64x128xf32, #tpu.memory_space<vmem>>, vector<1x16xf32>,
        %get3A_713 = vector.shape_cast %get3A_712 : vector<1x16xf32> to vector<16xf32>
        %mul3A_714 = arith.mulf %get3A_707, %get3A_713 : vector<16xf32>
        %add3A_715 = arith.addf %mul3A_688, %mul3A_714 : vector<16xf32>
        %add3A_716 = arith.constant 5 : i32
        %add3A_717 = arith.addi %mul3A_98, %add3A_716 : i32
        %get3A_718 = arith.index_cast %add3A_717 : i32 to index
        %get3A_719 = arith.constant 48 : index
        %get3A_720 = tpu.vector_load %arg9[%get3A_718, %get3A_719] {strides = array<i32>} : memref<64x128xf32, #tpu.memory_space<vmem>>, vector<1x16xf32>,
        %get3A_721 = vector.shape_cast %get3A_720 : vector<1x16xf32> to vector<16xf32>
        %add3A_722 = arith.constant 5 : i32
        %add3A_723 = arith.addi %mul3A_98, %add3A_722 : i32
        %get3A_724 = arith.index_cast %add3A_723 : i32 to index
        %get3A_725 = arith.constant 48 : index
        %get3A_726 = tpu.vector_load %arg11[%get3A_724, %get3A_725] {strides = array<i32>} : memref<64x128xf32, #tpu.memory_space<vmem>>, vector<1x16xf32>,
        %get3A_727 = vector.shape_cast %get3A_726 : vector<1x16xf32> to vector<16xf32>
        %mul3A_728 = arith.mulf %get3A_721, %get3A_727 : vector<16xf32>
        %add3A_729 = arith.addf %mul3A_701, %mul3A_728 : vector<16xf32>
        %add3A_730 = arith.constant 5 : i32
        %add3A_731 = arith.addi %mul3A_98, %add3A_730 : i32
        %get3A_732 = arith.index_cast %add3A_731 : i32 to index
        %get3A_733 = arith.constant 64 : index
        %get3A_734 = tpu.vector_load %arg9[%get3A_732, %get3A_733] {strides = array<i32>} : memref<64x128xf32, #tpu.memory_space<vmem>>, vector<1x16xf32>,
        %get3A_735 = vector.shape_cast %get3A_734 : vector<1x16xf32> to vector<16xf32>
        %add3A_736 = arith.constant 5 : i32
        %add3A_737 = arith.addi %mul3A_98, %add3A_736 : i32
        %get3A_738 = arith.index_cast %add3A_737 : i32 to index
        %get3A_739 = arith.constant 64 : index
        %get3A_740 = tpu.vector_load %arg11[%get3A_738, %get3A_739] {strides = array<i32>} : memref<64x128xf32, #tpu.memory_space<vmem>>, vector<1x16xf32>,
        %get3A_741 = vector.shape_cast %get3A_740 : vector<1x16xf32> to vector<16xf32>
        %mul3A_742 = arith.mulf %get3A_735, %get3A_741 : vector<16xf32>
        %add3A_743 = arith.addf %add3A_715, %mul3A_742 : vector<16xf32>
        %add3A_744 = arith.constant 5 : i32
        %add3A_745 = arith.addi %mul3A_98, %add3A_744 : i32
        %get3A_746 = arith.index_cast %add3A_745 : i32 to index
        %get3A_747 = arith.constant 80 : index
        %get3A_748 = tpu.vector_load %arg9[%get3A_746, %get3A_747] {strides = array<i32>} : memref<64x128xf32, #tpu.memory_space<vmem>>, vector<1x16xf32>,
        %get3A_749 = vector.shape_cast %get3A_748 : vector<1x16xf32> to vector<16xf32>
        %add3A_750 = arith.constant 5 : i32
        %add3A_751 = arith.addi %mul3A_98, %add3A_750 : i32
        %get3A_752 = arith.index_cast %add3A_751 : i32 to index
        %get3A_753 = arith.constant 80 : index
        %get3A_754 = tpu.vector_load %arg11[%get3A_752, %get3A_753] {strides = array<i32>} : memref<64x128xf32, #tpu.memory_space<vmem>>, vector<1x16xf32>,
        %get3A_755 = vector.shape_cast %get3A_754 : vector<1x16xf32> to vector<16xf32>
        %mul3A_756 = arith.mulf %get3A_749, %get3A_755 : vector<16xf32>
        %add3A_757 = arith.addf %add3A_729, %mul3A_756 : vector<16xf32>
        %add3A_758 = arith.constant 5 : i32
        %add3A_759 = arith.addi %mul3A_98, %add3A_758 : i32
        %get3A_760 = arith.index_cast %add3A_759 : i32 to index
        %get3A_761 = arith.constant 96 : index
        %get3A_762 = tpu.vector_load %arg9[%get3A_760, %get3A_761] {strides = array<i32>} : memref<64x128xf32, #tpu.memory_space<vmem>>, vector<1x16xf32>,
        %get3A_763 = vector.shape_cast %get3A_762 : vector<1x16xf32> to vector<16xf32>
        %add3A_764 = arith.constant 5 : i32
        %add3A_765 = arith.addi %mul3A_98, %add3A_764 : i32
        %get3A_766 = arith.index_cast %add3A_765 : i32 to index
        %get3A_767 = arith.constant 96 : index
        %get3A_768 = tpu.vector_load %arg11[%get3A_766, %get3A_767] {strides = array<i32>} : memref<64x128xf32, #tpu.memory_space<vmem>>, vector<1x16xf32>,
        %get3A_769 = vector.shape_cast %get3A_768 : vector<1x16xf32> to vector<16xf32>
        %mul3A_770 = arith.mulf %get3A_763, %get3A_769 : vector<16xf32>
        %add3A_771 = arith.addf %add3A_743, %mul3A_770 : vector<16xf32>
        %add3A_772 = arith.constant 5 : i32
        %add3A_773 = arith.addi %mul3A_98, %add3A_772 : i32
        %get3A_774 = arith.index_cast %add3A_773 : i32 to index
        %get3A_775 = arith.constant 112 : index
        %get3A_776 = tpu.vector_load %arg9[%get3A_774, %get3A_775] {strides = array<i32>} : memref<64x128xf32, #tpu.memory_space<vmem>>, vector<1x16xf32>,
        %get3A_777 = vector.shape_cast %get3A_776 : vector<1x16xf32> to vector<16xf32>
        %add3A_778 = arith.constant 5 : i32
        %add3A_779 = arith.addi %mul3A_98, %add3A_778 : i32
        %get3A_780 = arith.index_cast %add3A_779 : i32 to index
        %get3A_781 = arith.constant 112 : index
        %get3A_782 = tpu.vector_load %arg11[%get3A_780, %get3A_781] {strides = array<i32>} : memref<64x128xf32, #tpu.memory_space<vmem>>, vector<1x16xf32>,
        %get3A_783 = vector.shape_cast %get3A_782 : vector<1x16xf32> to vector<16xf32>
        %mul3A_784 = arith.mulf %get3A_777, %get3A_783 : vector<16xf32>
        %add3A_785 = arith.addf %add3A_757, %mul3A_784 : vector<16xf32>
        %add3A_786 = arith.addf %add3A_771, %add3A_785 : vector<16xf32>
        %add3A_787 = arith.constant 6 : i32
        %add3A_788 = arith.addi %mul3A_98, %add3A_787 : i32
        %get3A_789 = arith.index_cast %add3A_788 : i32 to index
        %get3A_790 = arith.constant 0 : index
        %get3A_791 = tpu.vector_load %arg9[%get3A_789, %get3A_790] {strides = array<i32>} : memref<64x128xf32, #tpu.memory_space<vmem>>, vector<1x16xf32>,
        %get3A_792 = vector.shape_cast %get3A_791 : vector<1x16xf32> to vector<16xf32>
        %add3A_793 = arith.constant 6 : i32
        %add3A_794 = arith.addi %mul3A_98, %add3A_793 : i32
        %get3A_795 = arith.index_cast %add3A_794 : i32 to index
        %get3A_796 = arith.constant 0 : index
        %get3A_797 = tpu.vector_load %arg11[%get3A_795, %get3A_796] {strides = array<i32>} : memref<64x128xf32, #tpu.memory_space<vmem>>, vector<1x16xf32>,
        %get3A_798 = vector.shape_cast %get3A_797 : vector<1x16xf32> to vector<16xf32>
        %mul3A_799 = arith.mulf %get3A_792, %get3A_798 : vector<16xf32>
        %add3A_800 = arith.constant 6 : i32
        %add3A_801 = arith.addi %mul3A_98, %add3A_800 : i32
        %get3A_802 = arith.index_cast %add3A_801 : i32 to index
        %get3A_803 = arith.constant 16 : index
        %get3A_804 = tpu.vector_load %arg9[%get3A_802, %get3A_803] {strides = array<i32>} : memref<64x128xf32, #tpu.memory_space<vmem>>, vector<1x16xf32>,
        %get3A_805 = vector.shape_cast %get3A_804 : vector<1x16xf32> to vector<16xf32>
        %add3A_806 = arith.constant 6 : i32
        %add3A_807 = arith.addi %mul3A_98, %add3A_806 : i32
        %get3A_808 = arith.index_cast %add3A_807 : i32 to index
        %get3A_809 = arith.constant 16 : index
        %get3A_810 = tpu.vector_load %arg11[%get3A_808, %get3A_809] {strides = array<i32>} : memref<64x128xf32, #tpu.memory_space<vmem>>, vector<1x16xf32>,
        %get3A_811 = vector.shape_cast %get3A_810 : vector<1x16xf32> to vector<16xf32>
        %mul3A_812 = arith.mulf %get3A_805, %get3A_811 : vector<16xf32>
        %add3A_813 = arith.constant 6 : i32
        %add3A_814 = arith.addi %mul3A_98, %add3A_813 : i32
        %get3A_815 = arith.index_cast %add3A_814 : i32 to index
        %get3A_816 = arith.constant 32 : index
        %get3A_817 = tpu.vector_load %arg9[%get3A_815, %get3A_816] {strides = array<i32>} : memref<64x128xf32, #tpu.memory_space<vmem>>, vector<1x16xf32>,
        %get3A_818 = vector.shape_cast %get3A_817 : vector<1x16xf32> to vector<16xf32>
        %add3A_819 = arith.constant 6 : i32
        %add3A_820 = arith.addi %mul3A_98, %add3A_819 : i32
        %get3A_821 = arith.index_cast %add3A_820 : i32 to index
        %get3A_822 = arith.constant 32 : index
        %get3A_823 = tpu.vector_load %arg11[%get3A_821, %get3A_822] {strides = array<i32>} : memref<64x128xf32, #tpu.memory_space<vmem>>, vector<1x16xf32>,
        %get3A_824 = vector.shape_cast %get3A_823 : vector<1x16xf32> to vector<16xf32>
        %mul3A_825 = arith.mulf %get3A_818, %get3A_824 : vector<16xf32>
        %add3A_826 = arith.addf %mul3A_799, %mul3A_825 : vector<16xf32>
        %add3A_827 = arith.constant 6 : i32
        %add3A_828 = arith.addi %mul3A_98, %add3A_827 : i32
        %get3A_829 = arith.index_cast %add3A_828 : i32 to index
        %get3A_830 = arith.constant 48 : index
        %get3A_831 = tpu.vector_load %arg9[%get3A_829, %get3A_830] {strides = array<i32>} : memref<64x128xf32, #tpu.memory_space<vmem>>, vector<1x16xf32>,
        %get3A_832 = vector.shape_cast %get3A_831 : vector<1x16xf32> to vector<16xf32>
        %add3A_833 = arith.constant 6 : i32
        %add3A_834 = arith.addi %mul3A_98, %add3A_833 : i32
        %get3A_835 = arith.index_cast %add3A_834 : i32 to index
        %get3A_836 = arith.constant 48 : index
        %get3A_837 = tpu.vector_load %arg11[%get3A_835, %get3A_836] {strides = array<i32>} : memref<64x128xf32, #tpu.memory_space<vmem>>, vector<1x16xf32>,
        %get3A_838 = vector.shape_cast %get3A_837 : vector<1x16xf32> to vector<16xf32>
        %mul3A_839 = arith.mulf %get3A_832, %get3A_838 : vector<16xf32>
        %add3A_840 = arith.addf %mul3A_812, %mul3A_839 : vector<16xf32>
        %add3A_841 = arith.constant 6 : i32
        %add3A_842 = arith.addi %mul3A_98, %add3A_841 : i32
        %get3A_843 = arith.index_cast %add3A_842 : i32 to index
        %get3A_844 = arith.constant 64 : index
        %get3A_845 = tpu.vector_load %arg9[%get3A_843, %get3A_844] {strides = array<i32>} : memref<64x128xf32, #tpu.memory_space<vmem>>, vector<1x16xf32>,
        %get3A_846 = vector.shape_cast %get3A_845 : vector<1x16xf32> to vector<16xf32>
        %add3A_847 = arith.constant 6 : i32
        %add3A_848 = arith.addi %mul3A_98, %add3A_847 : i32
        %get3A_849 = arith.index_cast %add3A_848 : i32 to index
        %get3A_850 = arith.constant 64 : index
        %get3A_851 = tpu.vector_load %arg11[%get3A_849, %get3A_850] {strides = array<i32>} : memref<64x128xf32, #tpu.memory_space<vmem>>, vector<1x16xf32>,
        %get3A_852 = vector.shape_cast %get3A_851 : vector<1x16xf32> to vector<16xf32>
        %mul3A_853 = arith.mulf %get3A_846, %get3A_852 : vector<16xf32>
        %add3A_854 = arith.addf %add3A_826, %mul3A_853 : vector<16xf32>
        %add3A_855 = arith.constant 6 : i32
        %add3A_856 = arith.addi %mul3A_98, %add3A_855 : i32
        %get3A_857 = arith.index_cast %add3A_856 : i32 to index
        %get3A_858 = arith.constant 80 : index
        %get3A_859 = tpu.vector_load %arg9[%get3A_857, %get3A_858] {strides = array<i32>} : memref<64x128xf32, #tpu.memory_space<vmem>>, vector<1x16xf32>,
        %get3A_860 = vector.shape_cast %get3A_859 : vector<1x16xf32> to vector<16xf32>
        %add3A_861 = arith.constant 6 : i32
        %add3A_862 = arith.addi %mul3A_98, %add3A_861 : i32
        %get3A_863 = arith.index_cast %add3A_862 : i32 to index
        %get3A_864 = arith.constant 80 : index
        %get3A_865 = tpu.vector_load %arg11[%get3A_863, %get3A_864] {strides = array<i32>} : memref<64x128xf32, #tpu.memory_space<vmem>>, vector<1x16xf32>,
        %get3A_866 = vector.shape_cast %get3A_865 : vector<1x16xf32> to vector<16xf32>
        %mul3A_867 = arith.mulf %get3A_860, %get3A_866 : vector<16xf32>
        %add3A_868 = arith.addf %add3A_840, %mul3A_867 : vector<16xf32>
        %add3A_869 = arith.constant 6 : i32
        %add3A_870 = arith.addi %mul3A_98, %add3A_869 : i32
        %get3A_871 = arith.index_cast %add3A_870 : i32 to index
        %get3A_872 = arith.constant 96 : index
        %get3A_873 = tpu.vector_load %arg9[%get3A_871, %get3A_872] {strides = array<i32>} : memref<64x128xf32, #tpu.memory_space<vmem>>, vector<1x16xf32>,
        %get3A_874 = vector.shape_cast %get3A_873 : vector<1x16xf32> to vector<16xf32>
        %add3A_875 = arith.constant 6 : i32
        %add3A_876 = arith.addi %mul3A_98, %add3A_875 : i32
        %get3A_877 = arith.index_cast %add3A_876 : i32 to index
        %get3A_878 = arith.constant 96 : index
        %get3A_879 = tpu.vector_load %arg11[%get3A_877, %get3A_878] {strides = array<i32>} : memref<64x128xf32, #tpu.memory_space<vmem>>, vector<1x16xf32>,
        %get3A_880 = vector.shape_cast %get3A_879 : vector<1x16xf32> to vector<16xf32>
        %mul3A_881 = arith.mulf %get3A_874, %get3A_880 : vector<16xf32>
        %add3A_882 = arith.addf %add3A_854, %mul3A_881 : vector<16xf32>
        %add3A_883 = arith.constant 6 : i32
        %add3A_884 = arith.addi %mul3A_98, %add3A_883 : i32
        %get3A_885 = arith.index_cast %add3A_884 : i32 to index
        %get3A_886 = arith.constant 112 : index
        %get3A_887 = tpu.vector_load %arg9[%get3A_885, %get3A_886] {strides = array<i32>} : memref<64x128xf32, #tpu.memory_space<vmem>>, vector<1x16xf32>,
        %get3A_888 = vector.shape_cast %get3A_887 : vector<1x16xf32> to vector<16xf32>
        %add3A_889 = arith.constant 6 : i32
        %add3A_890 = arith.addi %mul3A_98, %add3A_889 : i32
        %get3A_891 = arith.index_cast %add3A_890 : i32 to index
        %get3A_892 = arith.constant 112 : index
        %get3A_893 = tpu.vector_load %arg11[%get3A_891, %get3A_892] {strides = array<i32>} : memref<64x128xf32, #tpu.memory_space<vmem>>, vector<1x16xf32>,
        %get3A_894 = vector.shape_cast %get3A_893 : vector<1x16xf32> to vector<16xf32>
        %mul3A_895 = arith.mulf %get3A_888, %get3A_894 : vector<16xf32>
        %add3A_896 = arith.addf %add3A_868, %mul3A_895 : vector<16xf32>
        %add3A_897 = arith.addf %add3A_882, %add3A_896 : vector<16xf32>
        %add3A_898 = arith.constant 7 : i32
        %add3A_899 = arith.addi %mul3A_98, %add3A_898 : i32
        %get3A_900 = arith.index_cast %add3A_899 : i32 to index
        %get3A_901 = arith.constant 0 : index
        %get3A_902 = tpu.vector_load %arg9[%get3A_900, %get3A_901] {strides = array<i32>} : memref<64x128xf32, #tpu.memory_space<vmem>>, vector<1x16xf32>,
        %get3A_903 = vector.shape_cast %get3A_902 : vector<1x16xf32> to vector<16xf32>
        %add3A_904 = arith.constant 7 : i32
        %add3A_905 = arith.addi %mul3A_98, %add3A_904 : i32
        %get3A_906 = arith.index_cast %add3A_905 : i32 to index
        %get3A_907 = arith.constant 0 : index
        %get3A_908 = tpu.vector_load %arg11[%get3A_906, %get3A_907] {strides = array<i32>} : memref<64x128xf32, #tpu.memory_space<vmem>>, vector<1x16xf32>,
        %get3A_909 = vector.shape_cast %get3A_908 : vector<1x16xf32> to vector<16xf32>
        %mul3A_910 = arith.mulf %get3A_903, %get3A_909 : vector<16xf32>
        %add3A_911 = arith.constant 7 : i32
        %add3A_912 = arith.addi %mul3A_98, %add3A_911 : i32
        %get3A_913 = arith.index_cast %add3A_912 : i32 to index
        %get3A_914 = arith.constant 16 : index
        %get3A_915 = tpu.vector_load %arg9[%get3A_913, %get3A_914] {strides = array<i32>} : memref<64x128xf32, #tpu.memory_space<vmem>>, vector<1x16xf32>,
        %get3A_916 = vector.shape_cast %get3A_915 : vector<1x16xf32> to vector<16xf32>
        %add3A_917 = arith.constant 7 : i32
        %add3A_918 = arith.addi %mul3A_98, %add3A_917 : i32
        %get3A_919 = arith.index_cast %add3A_918 : i32 to index
        %get3A_920 = arith.constant 16 : index
        %get3A_921 = tpu.vector_load %arg11[%get3A_919, %get3A_920] {strides = array<i32>} : memref<64x128xf32, #tpu.memory_space<vmem>>, vector<1x16xf32>,
        %get3A_922 = vector.shape_cast %get3A_921 : vector<1x16xf32> to vector<16xf32>
        %mul3A_923 = arith.mulf %get3A_916, %get3A_922 : vector<16xf32>
        %add3A_924 = arith.constant 7 : i32
        %add3A_925 = arith.addi %mul3A_98, %add3A_924 : i32
        %get3A_926 = arith.index_cast %add3A_925 : i32 to index
        %get3A_927 = arith.constant 32 : index
        %get3A_928 = tpu.vector_load %arg9[%get3A_926, %get3A_927] {strides = array<i32>} : memref<64x128xf32, #tpu.memory_space<vmem>>, vector<1x16xf32>,
        %get3A_929 = vector.shape_cast %get3A_928 : vector<1x16xf32> to vector<16xf32>
        %add3A_930 = arith.constant 7 : i32
        %add3A_931 = arith.addi %mul3A_98, %add3A_930 : i32
        %get3A_932 = arith.index_cast %add3A_931 : i32 to index
        %get3A_933 = arith.constant 32 : index
        %get3A_934 = tpu.vector_load %arg11[%get3A_932, %get3A_933] {strides = array<i32>} : memref<64x128xf32, #tpu.memory_space<vmem>>, vector<1x16xf32>,
        %get3A_935 = vector.shape_cast %get3A_934 : vector<1x16xf32> to vector<16xf32>
        %mul3A_936 = arith.mulf %get3A_929, %get3A_935 : vector<16xf32>
        %add3A_937 = arith.addf %mul3A_910, %mul3A_936 : vector<16xf32>
        %add3A_938 = arith.constant 7 : i32
        %add3A_939 = arith.addi %mul3A_98, %add3A_938 : i32
        %get3A_940 = arith.index_cast %add3A_939 : i32 to index
        %get3A_941 = arith.constant 48 : index
        %get3A_942 = tpu.vector_load %arg9[%get3A_940, %get3A_941] {strides = array<i32>} : memref<64x128xf32, #tpu.memory_space<vmem>>, vector<1x16xf32>,
        %get3A_943 = vector.shape_cast %get3A_942 : vector<1x16xf32> to vector<16xf32>
        %add3A_944 = arith.constant 7 : i32
        %add3A_945 = arith.addi %mul3A_98, %add3A_944 : i32
        %get3A_946 = arith.index_cast %add3A_945 : i32 to index
        %get3A_947 = arith.constant 48 : index
        %get3A_948 = tpu.vector_load %arg11[%get3A_946, %get3A_947] {strides = array<i32>} : memref<64x128xf32, #tpu.memory_space<vmem>>, vector<1x16xf32>,
        %get3A_949 = vector.shape_cast %get3A_948 : vector<1x16xf32> to vector<16xf32>
        %mul3A_950 = arith.mulf %get3A_943, %get3A_949 : vector<16xf32>
        %add3A_951 = arith.addf %mul3A_923, %mul3A_950 : vector<16xf32>
        %add3A_952 = arith.constant 7 : i32
        %add3A_953 = arith.addi %mul3A_98, %add3A_952 : i32
        %get3A_954 = arith.index_cast %add3A_953 : i32 to index
        %get3A_955 = arith.constant 64 : index
        %get3A_956 = tpu.vector_load %arg9[%get3A_954, %get3A_955] {strides = array<i32>} : memref<64x128xf32, #tpu.memory_space<vmem>>, vector<1x16xf32>,
        %get3A_957 = vector.shape_cast %get3A_956 : vector<1x16xf32> to vector<16xf32>
        %add3A_958 = arith.constant 7 : i32
        %add3A_959 = arith.addi %mul3A_98, %add3A_958 : i32
        %get3A_960 = arith.index_cast %add3A_959 : i32 to index
        %get3A_961 = arith.constant 64 : index
        %get3A_962 = tpu.vector_load %arg11[%get3A_960, %get3A_961] {strides = array<i32>} : memref<64x128xf32, #tpu.memory_space<vmem>>, vector<1x16xf32>,
        %get3A_963 = vector.shape_cast %get3A_962 : vector<1x16xf32> to vector<16xf32>
        %mul3A_964 = arith.mulf %get3A_957, %get3A_963 : vector<16xf32>
        %add3A_965 = arith.addf %add3A_937, %mul3A_964 : vector<16xf32>
        %add3A_966 = arith.constant 7 : i32
        %add3A_967 = arith.addi %mul3A_98, %add3A_966 : i32
        %get3A_968 = arith.index_cast %add3A_967 : i32 to index
        %get3A_969 = arith.constant 80 : index
        %get3A_970 = tpu.vector_load %arg9[%get3A_968, %get3A_969] {strides = array<i32>} : memref<64x128xf32, #tpu.memory_space<vmem>>, vector<1x16xf32>,
        %get3A_971 = vector.shape_cast %get3A_970 : vector<1x16xf32> to vector<16xf32>
        %add3A_972 = arith.constant 7 : i32
        %add3A_973 = arith.addi %mul3A_98, %add3A_972 : i32
        %get3A_974 = arith.index_cast %add3A_973 : i32 to index
        %get3A_975 = arith.constant 80 : index
        %get3A_976 = tpu.vector_load %arg11[%get3A_974, %get3A_975] {strides = array<i32>} : memref<64x128xf32, #tpu.memory_space<vmem>>, vector<1x16xf32>,
        %get3A_977 = vector.shape_cast %get3A_976 : vector<1x16xf32> to vector<16xf32>
        %mul3A_978 = arith.mulf %get3A_971, %get3A_977 : vector<16xf32>
        %add3A_979 = arith.addf %add3A_951, %mul3A_978 : vector<16xf32>
        %add3A_980 = arith.constant 7 : i32
        %add3A_981 = arith.addi %mul3A_98, %add3A_980 : i32
        %get3A_982 = arith.index_cast %add3A_981 : i32 to index
        %get3A_983 = arith.constant 96 : index
        %get3A_984 = tpu.vector_load %arg9[%get3A_982, %get3A_983] {strides = array<i32>} : memref<64x128xf32, #tpu.memory_space<vmem>>, vector<1x16xf32>,
        %get3A_985 = vector.shape_cast %get3A_984 : vector<1x16xf32> to vector<16xf32>
        %add3A_986 = arith.constant 7 : i32
        %add3A_987 = arith.addi %mul3A_98, %add3A_986 : i32
        %get3A_988 = arith.index_cast %add3A_987 : i32 to index
        %get3A_989 = arith.constant 96 : index
        %get3A_990 = tpu.vector_load %arg11[%get3A_988, %get3A_989] {strides = array<i32>} : memref<64x128xf32, #tpu.memory_space<vmem>>, vector<1x16xf32>,
        %get3A_991 = vector.shape_cast %get3A_990 : vector<1x16xf32> to vector<16xf32>
        %mul3A_992 = arith.mulf %get3A_985, %get3A_991 : vector<16xf32>
        %add3A_993 = arith.addf %add3A_965, %mul3A_992 : vector<16xf32>
        %add3A_994 = arith.constant 7 : i32
        %add3A_995 = arith.addi %mul3A_98, %add3A_994 : i32
        %get3A_996 = arith.index_cast %add3A_995 : i32 to index
        %get3A_997 = arith.constant 112 : index
        %get3A_998 = tpu.vector_load %arg9[%get3A_996, %get3A_997] {strides = array<i32>} : memref<64x128xf32, #tpu.memory_space<vmem>>, vector<1x16xf32>,
        %get3A_999 = vector.shape_cast %get3A_998 : vector<1x16xf32> to vector<16xf32>
        %add3A_1000 = arith.constant 7 : i32
        %add3A_1001 = arith.addi %mul3A_98, %add3A_1000 : i32
        %get3A_1002 = arith.index_cast %add3A_1001 : i32 to index
        %get3A_1003 = arith.constant 112 : index
        %get3A_1004 = tpu.vector_load %arg11[%get3A_1002, %get3A_1003] {strides = array<i32>} : memref<64x128xf32, #tpu.memory_space<vmem>>, vector<1x16xf32>,
        %get3A_1005 = vector.shape_cast %get3A_1004 : vector<1x16xf32> to vector<16xf32>
        %mul3A_1006 = arith.mulf %get3A_999, %get3A_1005 : vector<16xf32>
        %add3A_1007 = arith.addf %add3A_979, %mul3A_1006 : vector<16xf32>
        %add3A_1008 = arith.addf %add3A_993, %add3A_1007 : vector<16xf32>
        %swap3A_1009 = arith.constant 4 : i32
        %swap3A_1010 = arith.index_cast %swap3A_1009 : i32 to index
        %swap3A_1011 = arith.constant 0 : index
        %swap3A_1012 = tpu.vector_load %arg13[%swap3A_1010, %swap3A_1011] {strides = array<i32>} : memref<16x24xf32, #tpu.memory_space<vmem>>, vector<1x16xf32>,
        %swap3A_1013 = vector.shape_cast %swap3A_1012 : vector<1x16xf32> to vector<16xf32>
        %swap3A_1014 = vector.shape_cast %add3A_675 : vector<16xf32> to vector<1x16xf32>
        tpu.vector_store %arg13[%swap3A_1010, %swap3A_1011], %swap3A_1014 {strides = array<i32>} : memref<16x24xf32, #tpu.memory_space<vmem>>, vector<1x16xf32>,
        %swap3A_1015 = arith.constant 5 : i32
        %swap3A_1016 = arith.index_cast %swap3A_1015 : i32 to index
        %swap3A_1017 = arith.constant 0 : index
        %swap3A_1018 = tpu.vector_load %arg13[%swap3A_1016, %swap3A_1017] {strides = array<i32>} : memref<16x24xf32, #tpu.memory_space<vmem>>, vector<1x16xf32>,
        %swap3A_1019 = vector.shape_cast %swap3A_1018 : vector<1x16xf32> to vector<16xf32>
        %swap3A_1020 = vector.shape_cast %add3A_786 : vector<16xf32> to vector<1x16xf32>
        tpu.vector_store %arg13[%swap3A_1016, %swap3A_1017], %swap3A_1020 {strides = array<i32>} : memref<16x24xf32, #tpu.memory_space<vmem>>, vector<1x16xf32>,
        %swap3A_1021 = arith.constant 6 : i32
        %swap3A_1022 = arith.index_cast %swap3A_1021 : i32 to index
        %swap3A_1023 = arith.constant 0 : index
        %swap3A_1024 = tpu.vector_load %arg13[%swap3A_1022, %swap3A_1023] {strides = array<i32>} : memref<16x24xf32, #tpu.memory_space<vmem>>, vector<1x16xf32>,
        %swap3A_1025 = vector.shape_cast %swap3A_1024 : vector<1x16xf32> to vector<16xf32>
        %swap3A_1026 = vector.shape_cast %add3A_897 : vector<16xf32> to vector<1x16xf32>
        tpu.vector_store %arg13[%swap3A_1022, %swap3A_1023], %swap3A_1026 {strides = array<i32>} : memref<16x24xf32, #tpu.memory_space<vmem>>, vector<1x16xf32>,
        %swap3A_1027 = arith.constant 7 : i32
        %swap3A_1028 = arith.index_cast %swap3A_1027 : i32 to index
        %swap3A_1029 = arith.constant 0 : index
        %swap3A_1030 = tpu.vector_load %arg13[%swap3A_1028, %swap3A_1029] {strides = array<i32>} : memref<16x24xf32, #tpu.memory_space<vmem>>, vector<1x16xf32>,
        %swap3A_1031 = vector.shape_cast %swap3A_1030 : vector<1x16xf32> to vector<16xf32>
        %swap3A_1032 = vector.shape_cast %add3A_1008 : vector<16xf32> to vector<1x16xf32>
        tpu.vector_store %arg13[%swap3A_1028, %swap3A_1029], %swap3A_1032 {strides = array<i32>} : memref<16x24xf32, #tpu.memory_space<vmem>>, vector<1x16xf32>,
        %add3A_1033 = arith.constant 8 : i32
        %add3A_1034 = arith.addi %mul3A_98, %add3A_1033 : i32
        %get3A_1035 = arith.index_cast %add3A_1034 : i32 to index
        %get3A_1036 = arith.constant 0 : index
        %get3A_1037 = tpu.vector_load %arg9[%get3A_1035, %get3A_1036] {strides = array<i32>} : memref<64x128xf32, #tpu.memory_space<vmem>>, vector<1x16xf32>,
        %get3A_1038 = vector.shape_cast %get3A_1037 : vector<1x16xf32> to vector<16xf32>
        %add3A_1039 = arith.constant 8 : i32
        %add3A_1040 = arith.addi %mul3A_98, %add3A_1039 : i32
        %get3A_1041 = arith.index_cast %add3A_1040 : i32 to index
        %get3A_1042 = arith.constant 0 : index
        %get3A_1043 = tpu.vector_load %arg11[%get3A_1041, %get3A_1042] {strides = array<i32>} : memref<64x128xf32, #tpu.memory_space<vmem>>, vector<1x16xf32>,
        %get3A_1044 = vector.shape_cast %get3A_1043 : vector<1x16xf32> to vector<16xf32>
        %mul3A_1045 = arith.mulf %get3A_1038, %get3A_1044 : vector<16xf32>
        %add3A_1046 = arith.constant 8 : i32
        %add3A_1047 = arith.addi %mul3A_98, %add3A_1046 : i32
        %get3A_1048 = arith.index_cast %add3A_1047 : i32 to index
        %get3A_1049 = arith.constant 16 : index
        %get3A_1050 = tpu.vector_load %arg9[%get3A_1048, %get3A_1049] {strides = array<i32>} : memref<64x128xf32, #tpu.memory_space<vmem>>, vector<1x16xf32>,
        %get3A_1051 = vector.shape_cast %get3A_1050 : vector<1x16xf32> to vector<16xf32>
        %add3A_1052 = arith.constant 8 : i32
        %add3A_1053 = arith.addi %mul3A_98, %add3A_1052 : i32
        %get3A_1054 = arith.index_cast %add3A_1053 : i32 to index
        %get3A_1055 = arith.constant 16 : index
        %get3A_1056 = tpu.vector_load %arg11[%get3A_1054, %get3A_1055] {strides = array<i32>} : memref<64x128xf32, #tpu.memory_space<vmem>>, vector<1x16xf32>,
        %get3A_1057 = vector.shape_cast %get3A_1056 : vector<1x16xf32> to vector<16xf32>
        %mul3A_1058 = arith.mulf %get3A_1051, %get3A_1057 : vector<16xf32>
        %add3A_1059 = arith.constant 8 : i32
        %add3A_1060 = arith.addi %mul3A_98, %add3A_1059 : i32
        %get3A_1061 = arith.index_cast %add3A_1060 : i32 to index
        %get3A_1062 = arith.constant 32 : index
        %get3A_1063 = tpu.vector_load %arg9[%get3A_1061, %get3A_1062] {strides = array<i32>} : memref<64x128xf32, #tpu.memory_space<vmem>>, vector<1x16xf32>,
        %get3A_1064 = vector.shape_cast %get3A_1063 : vector<1x16xf32> to vector<16xf32>
        %add3A_1065 = arith.constant 8 : i32
        %add3A_1066 = arith.addi %mul3A_98, %add3A_1065 : i32
        %get3A_1067 = arith.index_cast %add3A_1066 : i32 to index
        %get3A_1068 = arith.constant 32 : index
        %get3A_1069 = tpu.vector_load %arg11[%get3A_1067, %get3A_1068] {strides = array<i32>} : memref<64x128xf32, #tpu.memory_space<vmem>>, vector<1x16xf32>,
        %get3A_1070 = vector.shape_cast %get3A_1069 : vector<1x16xf32> to vector<16xf32>
        %mul3A_1071 = arith.mulf %get3A_1064, %get3A_1070 : vector<16xf32>
        %add3A_1072 = arith.addf %mul3A_1045, %mul3A_1071 : vector<16xf32>
        %add3A_1073 = arith.constant 8 : i32
        %add3A_1074 = arith.addi %mul3A_98, %add3A_1073 : i32
        %get3A_1075 = arith.index_cast %add3A_1074 : i32 to index
        %get3A_1076 = arith.constant 48 : index
        %get3A_1077 = tpu.vector_load %arg9[%get3A_1075, %get3A_1076] {strides = array<i32>} : memref<64x128xf32, #tpu.memory_space<vmem>>, vector<1x16xf32>,
        %get3A_1078 = vector.shape_cast %get3A_1077 : vector<1x16xf32> to vector<16xf32>
        %add3A_1079 = arith.constant 8 : i32
        %add3A_1080 = arith.addi %mul3A_98, %add3A_1079 : i32
        %get3A_1081 = arith.index_cast %add3A_1080 : i32 to index
        %get3A_1082 = arith.constant 48 : index
        %get3A_1083 = tpu.vector_load %arg11[%get3A_1081, %get3A_1082] {strides = array<i32>} : memref<64x128xf32, #tpu.memory_space<vmem>>, vector<1x16xf32>,
        %get3A_1084 = vector.shape_cast %get3A_1083 : vector<1x16xf32> to vector<16xf32>
        %mul3A_1085 = arith.mulf %get3A_1078, %get3A_1084 : vector<16xf32>
        %add3A_1086 = arith.addf %mul3A_1058, %mul3A_1085 : vector<16xf32>
        %add3A_1087 = arith.constant 8 : i32
        %add3A_1088 = arith.addi %mul3A_98, %add3A_1087 : i32
        %get3A_1089 = arith.index_cast %add3A_1088 : i32 to index
        %get3A_1090 = arith.constant 64 : index
        %get3A_1091 = tpu.vector_load %arg9[%get3A_1089, %get3A_1090] {strides = array<i32>} : memref<64x128xf32, #tpu.memory_space<vmem>>, vector<1x16xf32>,
        %get3A_1092 = vector.shape_cast %get3A_1091 : vector<1x16xf32> to vector<16xf32>
        %add3A_1093 = arith.constant 8 : i32
        %add3A_1094 = arith.addi %mul3A_98, %add3A_1093 : i32
        %get3A_1095 = arith.index_cast %add3A_1094 : i32 to index
        %get3A_1096 = arith.constant 64 : index
        %get3A_1097 = tpu.vector_load %arg11[%get3A_1095, %get3A_1096] {strides = array<i32>} : memref<64x128xf32, #tpu.memory_space<vmem>>, vector<1x16xf32>,
        %get3A_1098 = vector.shape_cast %get3A_1097 : vector<1x16xf32> to vector<16xf32>
        %mul3A_1099 = arith.mulf %get3A_1092, %get3A_1098 : vector<16xf32>
        %add3A_1100 = arith.addf %add3A_1072, %mul3A_1099 : vector<16xf32>
        %add3A_1101 = arith.constant 8 : i32
        %add3A_1102 = arith.addi %mul3A_98, %add3A_1101 : i32
        %get3A_1103 = arith.index_cast %add3A_1102 : i32 to index
        %get3A_1104 = arith.constant 80 : index
        %get3A_1105 = tpu.vector_load %arg9[%get3A_1103, %get3A_1104] {strides = array<i32>} : memref<64x128xf32, #tpu.memory_space<vmem>>, vector<1x16xf32>,
        %get3A_1106 = vector.shape_cast %get3A_1105 : vector<1x16xf32> to vector<16xf32>
        %add3A_1107 = arith.constant 8 : i32
        %add3A_1108 = arith.addi %mul3A_98, %add3A_1107 : i32
        %get3A_1109 = arith.index_cast %add3A_1108 : i32 to index
        %get3A_1110 = arith.constant 80 : index
        %get3A_1111 = tpu.vector_load %arg11[%get3A_1109, %get3A_1110] {strides = array<i32>} : memref<64x128xf32, #tpu.memory_space<vmem>>, vector<1x16xf32>,
        %get3A_1112 = vector.shape_cast %get3A_1111 : vector<1x16xf32> to vector<16xf32>
        %mul3A_1113 = arith.mulf %get3A_1106, %get3A_1112 : vector<16xf32>
        %add3A_1114 = arith.addf %add3A_1086, %mul3A_1113 : vector<16xf32>
        %add3A_1115 = arith.constant 8 : i32
        %add3A_1116 = arith.addi %mul3A_98, %add3A_1115 : i32
        %get3A_1117 = arith.index_cast %add3A_1116 : i32 to index
        %get3A_1118 = arith.constant 96 : index
        %get3A_1119 = tpu.vector_load %arg9[%get3A_1117, %get3A_1118] {strides = array<i32>} : memref<64x128xf32, #tpu.memory_space<vmem>>, vector<1x16xf32>,
        %get3A_1120 = vector.shape_cast %get3A_1119 : vector<1x16xf32> to vector<16xf32>
        %add3A_1121 = arith.constant 8 : i32
        %add3A_1122 = arith.addi %mul3A_98, %add3A_1121 : i32
        %get3A_1123 = arith.index_cast %add3A_1122 : i32 to index
        %get3A_1124 = arith.constant 96 : index
        %get3A_1125 = tpu.vector_load %arg11[%get3A_1123, %get3A_1124] {strides = array<i32>} : memref<64x128xf32, #tpu.memory_space<vmem>>, vector<1x16xf32>,
        %get3A_1126 = vector.shape_cast %get3A_1125 : vector<1x16xf32> to vector<16xf32>
        %mul3A_1127 = arith.mulf %get3A_1120, %get3A_1126 : vector<16xf32>
        %add3A_1128 = arith.addf %add3A_1100, %mul3A_1127 : vector<16xf32>
        %add3A_1129 = arith.constant 8 : i32
        %add3A_1130 = arith.addi %mul3A_98, %add3A_1129 : i32
        %get3A_1131 = arith.index_cast %add3A_1130 : i32 to index
        %get3A_1132 = arith.constant 112 : index
        %get3A_1133 = tpu.vector_load %arg9[%get3A_1131, %get3A_1132] {strides = array<i32>} : memref<64x128xf32, #tpu.memory_space<vmem>>, vector<1x16xf32>,
        %get3A_1134 = vector.shape_cast %get3A_1133 : vector<1x16xf32> to vector<16xf32>
        %add3A_1135 = arith.constant 8 : i32
        %add3A_1136 = arith.addi %mul3A_98, %add3A_1135 : i32
        %get3A_1137 = arith.index_cast %add3A_1136 : i32 to index
        %get3A_1138 = arith.constant 112 : index
        %get3A_1139 = tpu.vector_load %arg11[%get3A_1137, %get3A_1138] {strides = array<i32>} : memref<64x128xf32, #tpu.memory_space<vmem>>, vector<1x16xf32>,
        %get3A_1140 = vector.shape_cast %get3A_1139 : vector<1x16xf32> to vector<16xf32>
        %mul3A_1141 = arith.mulf %get3A_1134, %get3A_1140 : vector<16xf32>
        %add3A_1142 = arith.addf %add3A_1114, %mul3A_1141 : vector<16xf32>
        %add3A_1143 = arith.addf %add3A_1128, %add3A_1142 : vector<16xf32>
        %add3A_1144 = arith.constant 9 : i32
        %add3A_1145 = arith.addi %mul3A_98, %add3A_1144 : i32
        %get3A_1146 = arith.index_cast %add3A_1145 : i32 to index
        %get3A_1147 = arith.constant 0 : index
        %get3A_1148 = tpu.vector_load %arg9[%get3A_1146, %get3A_1147] {strides = array<i32>} : memref<64x128xf32, #tpu.memory_space<vmem>>, vector<1x16xf32>,
        %get3A_1149 = vector.shape_cast %get3A_1148 : vector<1x16xf32> to vector<16xf32>
        %add3A_1150 = arith.constant 9 : i32
        %add3A_1151 = arith.addi %mul3A_98, %add3A_1150 : i32
        %get3A_1152 = arith.index_cast %add3A_1151 : i32 to index
        %get3A_1153 = arith.constant 0 : index
        %get3A_1154 = tpu.vector_load %arg11[%get3A_1152, %get3A_1153] {strides = array<i32>} : memref<64x128xf32, #tpu.memory_space<vmem>>, vector<1x16xf32>,
        %get3A_1155 = vector.shape_cast %get3A_1154 : vector<1x16xf32> to vector<16xf32>
        %mul3A_1156 = arith.mulf %get3A_1149, %get3A_1155 : vector<16xf32>
        %add3A_1157 = arith.constant 9 : i32
        %add3A_1158 = arith.addi %mul3A_98, %add3A_1157 : i32
        %get3A_1159 = arith.index_cast %add3A_1158 : i32 to index
        %get3A_1160 = arith.constant 16 : index
        %get3A_1161 = tpu.vector_load %arg9[%get3A_1159, %get3A_1160] {strides = array<i32>} : memref<64x128xf32, #tpu.memory_space<vmem>>, vector<1x16xf32>,
        %get3A_1162 = vector.shape_cast %get3A_1161 : vector<1x16xf32> to vector<16xf32>
        %add3A_1163 = arith.constant 9 : i32
        %add3A_1164 = arith.addi %mul3A_98, %add3A_1163 : i32
        %get3A_1165 = arith.index_cast %add3A_1164 : i32 to index
        %get3A_1166 = arith.constant 16 : index
        %get3A_1167 = tpu.vector_load %arg11[%get3A_1165, %get3A_1166] {strides = array<i32>} : memref<64x128xf32, #tpu.memory_space<vmem>>, vector<1x16xf32>,
        %get3A_1168 = vector.shape_cast %get3A_1167 : vector<1x16xf32> to vector<16xf32>
        %mul3A_1169 = arith.mulf %get3A_1162, %get3A_1168 : vector<16xf32>
        %add3A_1170 = arith.constant 9 : i32
        %add3A_1171 = arith.addi %mul3A_98, %add3A_1170 : i32
        %get3A_1172 = arith.index_cast %add3A_1171 : i32 to index
        %get3A_1173 = arith.constant 32 : index
        %get3A_1174 = tpu.vector_load %arg9[%get3A_1172, %get3A_1173] {strides = array<i32>} : memref<64x128xf32, #tpu.memory_space<vmem>>, vector<1x16xf32>,
        %get3A_1175 = vector.shape_cast %get3A_1174 : vector<1x16xf32> to vector<16xf32>
        %add3A_1176 = arith.constant 9 : i32
        %add3A_1177 = arith.addi %mul3A_98, %add3A_1176 : i32
        %get3A_1178 = arith.index_cast %add3A_1177 : i32 to index
        %get3A_1179 = arith.constant 32 : index
        %get3A_1180 = tpu.vector_load %arg11[%get3A_1178, %get3A_1179] {strides = array<i32>} : memref<64x128xf32, #tpu.memory_space<vmem>>, vector<1x16xf32>,
        %get3A_1181 = vector.shape_cast %get3A_1180 : vector<1x16xf32> to vector<16xf32>
        %mul3A_1182 = arith.mulf %get3A_1175, %get3A_1181 : vector<16xf32>
        %add3A_1183 = arith.addf %mul3A_1156, %mul3A_1182 : vector<16xf32>
        %add3A_1184 = arith.constant 9 : i32
        %add3A_1185 = arith.addi %mul3A_98, %add3A_1184 : i32
        %get3A_1186 = arith.index_cast %add3A_1185 : i32 to index
        %get3A_1187 = arith.constant 48 : index
        %get3A_1188 = tpu.vector_load %arg9[%get3A_1186, %get3A_1187] {strides = array<i32>} : memref<64x128xf32, #tpu.memory_space<vmem>>, vector<1x16xf32>,
        %get3A_1189 = vector.shape_cast %get3A_1188 : vector<1x16xf32> to vector<16xf32>
        %add3A_1190 = arith.constant 9 : i32
        %add3A_1191 = arith.addi %mul3A_98, %add3A_1190 : i32
        %get3A_1192 = arith.index_cast %add3A_1191 : i32 to index
        %get3A_1193 = arith.constant 48 : index
        %get3A_1194 = tpu.vector_load %arg11[%get3A_1192, %get3A_1193] {strides = array<i32>} : memref<64x128xf32, #tpu.memory_space<vmem>>, vector<1x16xf32>,
        %get3A_1195 = vector.shape_cast %get3A_1194 : vector<1x16xf32> to vector<16xf32>
        %mul3A_1196 = arith.mulf %get3A_1189, %get3A_1195 : vector<16xf32>
        %add3A_1197 = arith.addf %mul3A_1169, %mul3A_1196 : vector<16xf32>
        %add3A_1198 = arith.constant 9 : i32
        %add3A_1199 = arith.addi %mul3A_98, %add3A_1198 : i32
        %get3A_1200 = arith.index_cast %add3A_1199 : i32 to index
        %get3A_1201 = arith.constant 64 : index
        %get3A_1202 = tpu.vector_load %arg9[%get3A_1200, %get3A_1201] {strides = array<i32>} : memref<64x128xf32, #tpu.memory_space<vmem>>, vector<1x16xf32>,
        %get3A_1203 = vector.shape_cast %get3A_1202 : vector<1x16xf32> to vector<16xf32>
        %add3A_1204 = arith.constant 9 : i32
        %add3A_1205 = arith.addi %mul3A_98, %add3A_1204 : i32
        %get3A_1206 = arith.index_cast %add3A_1205 : i32 to index
        %get3A_1207 = arith.constant 64 : index
        %get3A_1208 = tpu.vector_load %arg11[%get3A_1206, %get3A_1207] {strides = array<i32>} : memref<64x128xf32, #tpu.memory_space<vmem>>, vector<1x16xf32>,
        %get3A_1209 = vector.shape_cast %get3A_1208 : vector<1x16xf32> to vector<16xf32>
        %mul3A_1210 = arith.mulf %get3A_1203, %get3A_1209 : vector<16xf32>
        %add3A_1211 = arith.addf %add3A_1183, %mul3A_1210 : vector<16xf32>
        %add3A_1212 = arith.constant 9 : i32
        %add3A_1213 = arith.addi %mul3A_98, %add3A_1212 : i32
        %get3A_1214 = arith.index_cast %add3A_1213 : i32 to index
        %get3A_1215 = arith.constant 80 : index
        %get3A_1216 = tpu.vector_load %arg9[%get3A_1214, %get3A_1215] {strides = array<i32>} : memref<64x128xf32, #tpu.memory_space<vmem>>, vector<1x16xf32>,
        %get3A_1217 = vector.shape_cast %get3A_1216 : vector<1x16xf32> to vector<16xf32>
        %add3A_1218 = arith.constant 9 : i32
        %add3A_1219 = arith.addi %mul3A_98, %add3A_1218 : i32
        %get3A_1220 = arith.index_cast %add3A_1219 : i32 to index
        %get3A_1221 = arith.constant 80 : index
        %get3A_1222 = tpu.vector_load %arg11[%get3A_1220, %get3A_1221] {strides = array<i32>} : memref<64x128xf32, #tpu.memory_space<vmem>>, vector<1x16xf32>,
        %get3A_1223 = vector.shape_cast %get3A_1222 : vector<1x16xf32> to vector<16xf32>
        %mul3A_1224 = arith.mulf %get3A_1217, %get3A_1223 : vector<16xf32>
        %add3A_1225 = arith.addf %add3A_1197, %mul3A_1224 : vector<16xf32>
        %add3A_1226 = arith.constant 9 : i32
        %add3A_1227 = arith.addi %mul3A_98, %add3A_1226 : i32
        %get3A_1228 = arith.index_cast %add3A_1227 : i32 to index
        %get3A_1229 = arith.constant 96 : index
        %get3A_1230 = tpu.vector_load %arg9[%get3A_1228, %get3A_1229] {strides = array<i32>} : memref<64x128xf32, #tpu.memory_space<vmem>>, vector<1x16xf32>,
        %get3A_1231 = vector.shape_cast %get3A_1230 : vector<1x16xf32> to vector<16xf32>
        %add3A_1232 = arith.constant 9 : i32
        %add3A_1233 = arith.addi %mul3A_98, %add3A_1232 : i32
        %get3A_1234 = arith.index_cast %add3A_1233 : i32 to index
        %get3A_1235 = arith.constant 96 : index
        %get3A_1236 = tpu.vector_load %arg11[%get3A_1234, %get3A_1235] {strides = array<i32>} : memref<64x128xf32, #tpu.memory_space<vmem>>, vector<1x16xf32>,
        %get3A_1237 = vector.shape_cast %get3A_1236 : vector<1x16xf32> to vector<16xf32>
        %mul3A_1238 = arith.mulf %get3A_1231, %get3A_1237 : vector<16xf32>
        %add3A_1239 = arith.addf %add3A_1211, %mul3A_1238 : vector<16xf32>
        %add3A_1240 = arith.constant 9 : i32
        %add3A_1241 = arith.addi %mul3A_98, %add3A_1240 : i32
        %get3A_1242 = arith.index_cast %add3A_1241 : i32 to index
        %get3A_1243 = arith.constant 112 : index
        %get3A_1244 = tpu.vector_load %arg9[%get3A_1242, %get3A_1243] {strides = array<i32>} : memref<64x128xf32, #tpu.memory_space<vmem>>, vector<1x16xf32>,
        %get3A_1245 = vector.shape_cast %get3A_1244 : vector<1x16xf32> to vector<16xf32>
        %add3A_1246 = arith.constant 9 : i32
        %add3A_1247 = arith.addi %mul3A_98, %add3A_1246 : i32
        %get3A_1248 = arith.index_cast %add3A_1247 : i32 to index
        %get3A_1249 = arith.constant 112 : index
        %get3A_1250 = tpu.vector_load %arg11[%get3A_1248, %get3A_1249] {strides = array<i32>} : memref<64x128xf32, #tpu.memory_space<vmem>>, vector<1x16xf32>,
        %get3A_1251 = vector.shape_cast %get3A_1250 : vector<1x16xf32> to vector<16xf32>
        %mul3A_1252 = arith.mulf %get3A_1245, %get3A_1251 : vector<16xf32>
        %add3A_1253 = arith.addf %add3A_1225, %mul3A_1252 : vector<16xf32>
        %add3A_1254 = arith.addf %add3A_1239, %add3A_1253 : vector<16xf32>
        %add3A_1255 = arith.constant 10 : i32
        %add3A_1256 = arith.addi %mul3A_98, %add3A_1255 : i32
        %get3A_1257 = arith.index_cast %add3A_1256 : i32 to index
        %get3A_1258 = arith.constant 0 : index
        %get3A_1259 = tpu.vector_load %arg9[%get3A_1257, %get3A_1258] {strides = array<i32>} : memref<64x128xf32, #tpu.memory_space<vmem>>, vector<1x16xf32>,
        %get3A_1260 = vector.shape_cast %get3A_1259 : vector<1x16xf32> to vector<16xf32>
        %add3A_1261 = arith.constant 10 : i32
        %add3A_1262 = arith.addi %mul3A_98, %add3A_1261 : i32
        %get3A_1263 = arith.index_cast %add3A_1262 : i32 to index
        %get3A_1264 = arith.constant 0 : index
        %get3A_1265 = tpu.vector_load %arg11[%get3A_1263, %get3A_1264] {strides = array<i32>} : memref<64x128xf32, #tpu.memory_space<vmem>>, vector<1x16xf32>,
        %get3A_1266 = vector.shape_cast %get3A_1265 : vector<1x16xf32> to vector<16xf32>
        %mul3A_1267 = arith.mulf %get3A_1260, %get3A_1266 : vector<16xf32>
        %add3A_1268 = arith.constant 10 : i32
        %add3A_1269 = arith.addi %mul3A_98, %add3A_1268 : i32
        %get3A_1270 = arith.index_cast %add3A_1269 : i32 to index
        %get3A_1271 = arith.constant 16 : index
        %get3A_1272 = tpu.vector_load %arg9[%get3A_1270, %get3A_1271] {strides = array<i32>} : memref<64x128xf32, #tpu.memory_space<vmem>>, vector<1x16xf32>,
        %get3A_1273 = vector.shape_cast %get3A_1272 : vector<1x16xf32> to vector<16xf32>
        %add3A_1274 = arith.constant 10 : i32
        %add3A_1275 = arith.addi %mul3A_98, %add3A_1274 : i32
        %get3A_1276 = arith.index_cast %add3A_1275 : i32 to index
        %get3A_1277 = arith.constant 16 : index
        %get3A_1278 = tpu.vector_load %arg11[%get3A_1276, %get3A_1277] {strides = array<i32>} : memref<64x128xf32, #tpu.memory_space<vmem>>, vector<1x16xf32>,
        %get3A_1279 = vector.shape_cast %get3A_1278 : vector<1x16xf32> to vector<16xf32>
        %mul3A_1280 = arith.mulf %get3A_1273, %get3A_1279 : vector<16xf32>
        %add3A_1281 = arith.constant 10 : i32
        %add3A_1282 = arith.addi %mul3A_98, %add3A_1281 : i32
        %get3A_1283 = arith.index_cast %add3A_1282 : i32 to index
        %get3A_1284 = arith.constant 32 : index
        %get3A_1285 = tpu.vector_load %arg9[%get3A_1283, %get3A_1284] {strides = array<i32>} : memref<64x128xf32, #tpu.memory_space<vmem>>, vector<1x16xf32>,
        %get3A_1286 = vector.shape_cast %get3A_1285 : vector<1x16xf32> to vector<16xf32>
        %add3A_1287 = arith.constant 10 : i32
        %add3A_1288 = arith.addi %mul3A_98, %add3A_1287 : i32
        %get3A_1289 = arith.index_cast %add3A_1288 : i32 to index
        %get3A_1290 = arith.constant 32 : index
        %get3A_1291 = tpu.vector_load %arg11[%get3A_1289, %get3A_1290] {strides = array<i32>} : memref<64x128xf32, #tpu.memory_space<vmem>>, vector<1x16xf32>,
        %get3A_1292 = vector.shape_cast %get3A_1291 : vector<1x16xf32> to vector<16xf32>
        %mul3A_1293 = arith.mulf %get3A_1286, %get3A_1292 : vector<16xf32>
        %add3A_1294 = arith.addf %mul3A_1267, %mul3A_1293 : vector<16xf32>
        %add3A_1295 = arith.constant 10 : i32
        %add3A_1296 = arith.addi %mul3A_98, %add3A_1295 : i32
        %get3A_1297 = arith.index_cast %add3A_1296 : i32 to index
        %get3A_1298 = arith.constant 48 : index
        %get3A_1299 = tpu.vector_load %arg9[%get3A_1297, %get3A_1298] {strides = array<i32>} : memref<64x128xf32, #tpu.memory_space<vmem>>, vector<1x16xf32>,
        %get3A_1300 = vector.shape_cast %get3A_1299 : vector<1x16xf32> to vector<16xf32>
        %add3A_1301 = arith.constant 10 : i32
        %add3A_1302 = arith.addi %mul3A_98, %add3A_1301 : i32
        %get3A_1303 = arith.index_cast %add3A_1302 : i32 to index
        %get3A_1304 = arith.constant 48 : index
        %get3A_1305 = tpu.vector_load %arg11[%get3A_1303, %get3A_1304] {strides = array<i32>} : memref<64x128xf32, #tpu.memory_space<vmem>>, vector<1x16xf32>,
        %get3A_1306 = vector.shape_cast %get3A_1305 : vector<1x16xf32> to vector<16xf32>
        %mul3A_1307 = arith.mulf %get3A_1300, %get3A_1306 : vector<16xf32>
        %add3A_1308 = arith.addf %mul3A_1280, %mul3A_1307 : vector<16xf32>
        %add3A_1309 = arith.constant 10 : i32
        %add3A_1310 = arith.addi %mul3A_98, %add3A_1309 : i32
        %get3A_1311 = arith.index_cast %add3A_1310 : i32 to index
        %get3A_1312 = arith.constant 64 : index
        %get3A_1313 = tpu.vector_load %arg9[%get3A_1311, %get3A_1312] {strides = array<i32>} : memref<64x128xf32, #tpu.memory_space<vmem>>, vector<1x16xf32>,
        %get3A_1314 = vector.shape_cast %get3A_1313 : vector<1x16xf32> to vector<16xf32>
        %add3A_1315 = arith.constant 10 : i32
        %add3A_1316 = arith.addi %mul3A_98, %add3A_1315 : i32
        %get3A_1317 = arith.index_cast %add3A_1316 : i32 to index
        %get3A_1318 = arith.constant 64 : index
        %get3A_1319 = tpu.vector_load %arg11[%get3A_1317, %get3A_1318] {strides = array<i32>} : memref<64x128xf32, #tpu.memory_space<vmem>>, vector<1x16xf32>,
        %get3A_1320 = vector.shape_cast %get3A_1319 : vector<1x16xf32> to vector<16xf32>
        %mul3A_1321 = arith.mulf %get3A_1314, %get3A_1320 : vector<16xf32>
        %add3A_1322 = arith.addf %add3A_1294, %mul3A_1321 : vector<16xf32>
        %add3A_1323 = arith.constant 10 : i32
        %add3A_1324 = arith.addi %mul3A_98, %add3A_1323 : i32
        %get3A_1325 = arith.index_cast %add3A_1324 : i32 to index
        %get3A_1326 = arith.constant 80 : index
        %get3A_1327 = tpu.vector_load %arg9[%get3A_1325, %get3A_1326] {strides = array<i32>} : memref<64x128xf32, #tpu.memory_space<vmem>>, vector<1x16xf32>,
        %get3A_1328 = vector.shape_cast %get3A_1327 : vector<1x16xf32> to vector<16xf32>
        %add3A_1329 = arith.constant 10 : i32
        %add3A_1330 = arith.addi %mul3A_98, %add3A_1329 : i32
        %get3A_1331 = arith.index_cast %add3A_1330 : i32 to index
        %get3A_1332 = arith.constant 80 : index
        %get3A_1333 = tpu.vector_load %arg11[%get3A_1331, %get3A_1332] {strides = array<i32>} : memref<64x128xf32, #tpu.memory_space<vmem>>, vector<1x16xf32>,
        %get3A_1334 = vector.shape_cast %get3A_1333 : vector<1x16xf32> to vector<16xf32>
        %mul3A_1335 = arith.mulf %get3A_1328, %get3A_1334 : vector<16xf32>
        %add3A_1336 = arith.addf %add3A_1308, %mul3A_1335 : vector<16xf32>
        %add3A_1337 = arith.constant 10 : i32
        %add3A_1338 = arith.addi %mul3A_98, %add3A_1337 : i32
        %get3A_1339 = arith.index_cast %add3A_1338 : i32 to index
        %get3A_1340 = arith.constant 96 : index
        %get3A_1341 = tpu.vector_load %arg9[%get3A_1339, %get3A_1340] {strides = array<i32>} : memref<64x128xf32, #tpu.memory_space<vmem>>, vector<1x16xf32>,
        %get3A_1342 = vector.shape_cast %get3A_1341 : vector<1x16xf32> to vector<16xf32>
        %add3A_1343 = arith.constant 10 : i32
        %add3A_1344 = arith.addi %mul3A_98, %add3A_1343 : i32
        %get3A_1345 = arith.index_cast %add3A_1344 : i32 to index
        %get3A_1346 = arith.constant 96 : index
        %get3A_1347 = tpu.vector_load %arg11[%get3A_1345, %get3A_1346] {strides = array<i32>} : memref<64x128xf32, #tpu.memory_space<vmem>>, vector<1x16xf32>,
        %get3A_1348 = vector.shape_cast %get3A_1347 : vector<1x16xf32> to vector<16xf32>
        %mul3A_1349 = arith.mulf %get3A_1342, %get3A_1348 : vector<16xf32>
        %add3A_1350 = arith.addf %add3A_1322, %mul3A_1349 : vector<16xf32>
        %add3A_1351 = arith.constant 10 : i32
        %add3A_1352 = arith.addi %mul3A_98, %add3A_1351 : i32
        %get3A_1353 = arith.index_cast %add3A_1352 : i32 to index
        %get3A_1354 = arith.constant 112 : index
        %get3A_1355 = tpu.vector_load %arg9[%get3A_1353, %get3A_1354] {strides = array<i32>} : memref<64x128xf32, #tpu.memory_space<vmem>>, vector<1x16xf32>,
        %get3A_1356 = vector.shape_cast %get3A_1355 : vector<1x16xf32> to vector<16xf32>
        %add3A_1357 = arith.constant 10 : i32
        %add3A_1358 = arith.addi %mul3A_98, %add3A_1357 : i32
        %get3A_1359 = arith.index_cast %add3A_1358 : i32 to index
        %get3A_1360 = arith.constant 112 : index
        %get3A_1361 = tpu.vector_load %arg11[%get3A_1359, %get3A_1360] {strides = array<i32>} : memref<64x128xf32, #tpu.memory_space<vmem>>, vector<1x16xf32>,
        %get3A_1362 = vector.shape_cast %get3A_1361 : vector<1x16xf32> to vector<16xf32>
        %mul3A_1363 = arith.mulf %get3A_1356, %get3A_1362 : vector<16xf32>
        %add3A_1364 = arith.addf %add3A_1336, %mul3A_1363 : vector<16xf32>
        %add3A_1365 = arith.addf %add3A_1350, %add3A_1364 : vector<16xf32>
        %add3A_1366 = arith.constant 11 : i32
        %add3A_1367 = arith.addi %mul3A_98, %add3A_1366 : i32
        %get3A_1368 = arith.index_cast %add3A_1367 : i32 to index
        %get3A_1369 = arith.constant 0 : index
        %get3A_1370 = tpu.vector_load %arg9[%get3A_1368, %get3A_1369] {strides = array<i32>} : memref<64x128xf32, #tpu.memory_space<vmem>>, vector<1x16xf32>,
        %get3A_1371 = vector.shape_cast %get3A_1370 : vector<1x16xf32> to vector<16xf32>
        %add3A_1372 = arith.constant 11 : i32
        %add3A_1373 = arith.addi %mul3A_98, %add3A_1372 : i32
        %get3A_1374 = arith.index_cast %add3A_1373 : i32 to index
        %get3A_1375 = arith.constant 0 : index
        %get3A_1376 = tpu.vector_load %arg11[%get3A_1374, %get3A_1375] {strides = array<i32>} : memref<64x128xf32, #tpu.memory_space<vmem>>, vector<1x16xf32>,
        %get3A_1377 = vector.shape_cast %get3A_1376 : vector<1x16xf32> to vector<16xf32>
        %mul3A_1378 = arith.mulf %get3A_1371, %get3A_1377 : vector<16xf32>
        %add3A_1379 = arith.constant 11 : i32
        %add3A_1380 = arith.addi %mul3A_98, %add3A_1379 : i32
        %get3A_1381 = arith.index_cast %add3A_1380 : i32 to index
        %get3A_1382 = arith.constant 16 : index
        %get3A_1383 = tpu.vector_load %arg9[%get3A_1381, %get3A_1382] {strides = array<i32>} : memref<64x128xf32, #tpu.memory_space<vmem>>, vector<1x16xf32>,
        %get3A_1384 = vector.shape_cast %get3A_1383 : vector<1x16xf32> to vector<16xf32>
        %add3A_1385 = arith.constant 11 : i32
        %add3A_1386 = arith.addi %mul3A_98, %add3A_1385 : i32
        %get3A_1387 = arith.index_cast %add3A_1386 : i32 to index
        %get3A_1388 = arith.constant 16 : index
        %get3A_1389 = tpu.vector_load %arg11[%get3A_1387, %get3A_1388] {strides = array<i32>} : memref<64x128xf32, #tpu.memory_space<vmem>>, vector<1x16xf32>,
        %get3A_1390 = vector.shape_cast %get3A_1389 : vector<1x16xf32> to vector<16xf32>
        %mul3A_1391 = arith.mulf %get3A_1384, %get3A_1390 : vector<16xf32>
        %add3A_1392 = arith.constant 11 : i32
        %add3A_1393 = arith.addi %mul3A_98, %add3A_1392 : i32
        %get3A_1394 = arith.index_cast %add3A_1393 : i32 to index
        %get3A_1395 = arith.constant 32 : index
        %get3A_1396 = tpu.vector_load %arg9[%get3A_1394, %get3A_1395] {strides = array<i32>} : memref<64x128xf32, #tpu.memory_space<vmem>>, vector<1x16xf32>,
        %get3A_1397 = vector.shape_cast %get3A_1396 : vector<1x16xf32> to vector<16xf32>
        %add3A_1398 = arith.constant 11 : i32
        %add3A_1399 = arith.addi %mul3A_98, %add3A_1398 : i32
        %get3A_1400 = arith.index_cast %add3A_1399 : i32 to index
        %get3A_1401 = arith.constant 32 : index
        %get3A_1402 = tpu.vector_load %arg11[%get3A_1400, %get3A_1401] {strides = array<i32>} : memref<64x128xf32, #tpu.memory_space<vmem>>, vector<1x16xf32>,
        %get3A_1403 = vector.shape_cast %get3A_1402 : vector<1x16xf32> to vector<16xf32>
        %mul3A_1404 = arith.mulf %get3A_1397, %get3A_1403 : vector<16xf32>
        %add3A_1405 = arith.addf %mul3A_1378, %mul3A_1404 : vector<16xf32>
        %add3A_1406 = arith.constant 11 : i32
        %add3A_1407 = arith.addi %mul3A_98, %add3A_1406 : i32
        %get3A_1408 = arith.index_cast %add3A_1407 : i32 to index
        %get3A_1409 = arith.constant 48 : index
        %get3A_1410 = tpu.vector_load %arg9[%get3A_1408, %get3A_1409] {strides = array<i32>} : memref<64x128xf32, #tpu.memory_space<vmem>>, vector<1x16xf32>,
        %get3A_1411 = vector.shape_cast %get3A_1410 : vector<1x16xf32> to vector<16xf32>
        %add3A_1412 = arith.constant 11 : i32
        %add3A_1413 = arith.addi %mul3A_98, %add3A_1412 : i32
        %get3A_1414 = arith.index_cast %add3A_1413 : i32 to index
        %get3A_1415 = arith.constant 48 : index
        %get3A_1416 = tpu.vector_load %arg11[%get3A_1414, %get3A_1415] {strides = array<i32>} : memref<64x128xf32, #tpu.memory_space<vmem>>, vector<1x16xf32>,
        %get3A_1417 = vector.shape_cast %get3A_1416 : vector<1x16xf32> to vector<16xf32>
        %mul3A_1418 = arith.mulf %get3A_1411, %get3A_1417 : vector<16xf32>
        %add3A_1419 = arith.addf %mul3A_1391, %mul3A_1418 : vector<16xf32>
        %add3A_1420 = arith.constant 11 : i32
        %add3A_1421 = arith.addi %mul3A_98, %add3A_1420 : i32
        %get3A_1422 = arith.index_cast %add3A_1421 : i32 to index
        %get3A_1423 = arith.constant 64 : index
        %get3A_1424 = tpu.vector_load %arg9[%get3A_1422, %get3A_1423] {strides = array<i32>} : memref<64x128xf32, #tpu.memory_space<vmem>>, vector<1x16xf32>,
        %get3A_1425 = vector.shape_cast %get3A_1424 : vector<1x16xf32> to vector<16xf32>
        %add3A_1426 = arith.constant 11 : i32
        %add3A_1427 = arith.addi %mul3A_98, %add3A_1426 : i32
        %get3A_1428 = arith.index_cast %add3A_1427 : i32 to index
        %get3A_1429 = arith.constant 64 : index
        %get3A_1430 = tpu.vector_load %arg11[%get3A_1428, %get3A_1429] {strides = array<i32>} : memref<64x128xf32, #tpu.memory_space<vmem>>, vector<1x16xf32>,
        %get3A_1431 = vector.shape_cast %get3A_1430 : vector<1x16xf32> to vector<16xf32>
        %mul3A_1432 = arith.mulf %get3A_1425, %get3A_1431 : vector<16xf32>
        %add3A_1433 = arith.addf %add3A_1405, %mul3A_1432 : vector<16xf32>
        %add3A_1434 = arith.constant 11 : i32
        %add3A_1435 = arith.addi %mul3A_98, %add3A_1434 : i32
        %get3A_1436 = arith.index_cast %add3A_1435 : i32 to index
        %get3A_1437 = arith.constant 80 : index
        %get3A_1438 = tpu.vector_load %arg9[%get3A_1436, %get3A_1437] {strides = array<i32>} : memref<64x128xf32, #tpu.memory_space<vmem>>, vector<1x16xf32>,
        %get3A_1439 = vector.shape_cast %get3A_1438 : vector<1x16xf32> to vector<16xf32>
        %add3A_1440 = arith.constant 11 : i32
        %add3A_1441 = arith.addi %mul3A_98, %add3A_1440 : i32
        %get3A_1442 = arith.index_cast %add3A_1441 : i32 to index
        %get3A_1443 = arith.constant 80 : index
        %get3A_1444 = tpu.vector_load %arg11[%get3A_1442, %get3A_1443] {strides = array<i32>} : memref<64x128xf32, #tpu.memory_space<vmem>>, vector<1x16xf32>,
        %get3A_1445 = vector.shape_cast %get3A_1444 : vector<1x16xf32> to vector<16xf32>
        %mul3A_1446 = arith.mulf %get3A_1439, %get3A_1445 : vector<16xf32>
        %add3A_1447 = arith.addf %add3A_1419, %mul3A_1446 : vector<16xf32>
        %add3A_1448 = arith.constant 11 : i32
        %add3A_1449 = arith.addi %mul3A_98, %add3A_1448 : i32
        %get3A_1450 = arith.index_cast %add3A_1449 : i32 to index
        %get3A_1451 = arith.constant 96 : index
        %get3A_1452 = tpu.vector_load %arg9[%get3A_1450, %get3A_1451] {strides = array<i32>} : memref<64x128xf32, #tpu.memory_space<vmem>>, vector<1x16xf32>,
        %get3A_1453 = vector.shape_cast %get3A_1452 : vector<1x16xf32> to vector<16xf32>
        %add3A_1454 = arith.constant 11 : i32
        %add3A_1455 = arith.addi %mul3A_98, %add3A_1454 : i32
        %get3A_1456 = arith.index_cast %add3A_1455 : i32 to index
        %get3A_1457 = arith.constant 96 : index
        %get3A_1458 = tpu.vector_load %arg11[%get3A_1456, %get3A_1457] {strides = array<i32>} : memref<64x128xf32, #tpu.memory_space<vmem>>, vector<1x16xf32>,
        %get3A_1459 = vector.shape_cast %get3A_1458 : vector<1x16xf32> to vector<16xf32>
        %mul3A_1460 = arith.mulf %get3A_1453, %get3A_1459 : vector<16xf32>
        %add3A_1461 = arith.addf %add3A_1433, %mul3A_1460 : vector<16xf32>
        %add3A_1462 = arith.constant 11 : i32
        %add3A_1463 = arith.addi %mul3A_98, %add3A_1462 : i32
        %get3A_1464 = arith.index_cast %add3A_1463 : i32 to index
        %get3A_1465 = arith.constant 112 : index
        %get3A_1466 = tpu.vector_load %arg9[%get3A_1464, %get3A_1465] {strides = array<i32>} : memref<64x128xf32, #tpu.memory_space<vmem>>, vector<1x16xf32>,
        %get3A_1467 = vector.shape_cast %get3A_1466 : vector<1x16xf32> to vector<16xf32>
        %add3A_1468 = arith.constant 11 : i32
        %add3A_1469 = arith.addi %mul3A_98, %add3A_1468 : i32
        %get3A_1470 = arith.index_cast %add3A_1469 : i32 to index
        %get3A_1471 = arith.constant 112 : index
        %get3A_1472 = tpu.vector_load %arg11[%get3A_1470, %get3A_1471] {strides = array<i32>} : memref<64x128xf32, #tpu.memory_space<vmem>>, vector<1x16xf32>,
        %get3A_1473 = vector.shape_cast %get3A_1472 : vector<1x16xf32> to vector<16xf32>
        %mul3A_1474 = arith.mulf %get3A_1467, %get3A_1473 : vector<16xf32>
        %add3A_1475 = arith.addf %add3A_1447, %mul3A_1474 : vector<16xf32>
        %add3A_1476 = arith.addf %add3A_1461, %add3A_1475 : vector<16xf32>
        %swap3A_1477 = arith.constant 8 : i32
        %swap3A_1478 = arith.index_cast %swap3A_1477 : i32 to index
        %swap3A_1479 = arith.constant 0 : index
        %swap3A_1480 = tpu.vector_load %arg13[%swap3A_1478, %swap3A_1479] {strides = array<i32>} : memref<16x24xf32, #tpu.memory_space<vmem>>, vector<1x16xf32>,
        %swap3A_1481 = vector.shape_cast %swap3A_1480 : vector<1x16xf32> to vector<16xf32>
        %swap3A_1482 = vector.shape_cast %add3A_1143 : vector<16xf32> to vector<1x16xf32>
        tpu.vector_store %arg13[%swap3A_1478, %swap3A_1479], %swap3A_1482 {strides = array<i32>} : memref<16x24xf32, #tpu.memory_space<vmem>>, vector<1x16xf32>,
        %swap3A_1483 = arith.constant 9 : i32
        %swap3A_1484 = arith.index_cast %swap3A_1483 : i32 to index
        %swap3A_1485 = arith.constant 0 : index
        %swap3A_1486 = tpu.vector_load %arg13[%swap3A_1484, %swap3A_1485] {strides = array<i32>} : memref<16x24xf32, #tpu.memory_space<vmem>>, vector<1x16xf32>,
        %swap3A_1487 = vector.shape_cast %swap3A_1486 : vector<1x16xf32> to vector<16xf32>
        %swap3A_1488 = vector.shape_cast %add3A_1254 : vector<16xf32> to vector<1x16xf32>
        tpu.vector_store %arg13[%swap3A_1484, %swap3A_1485], %swap3A_1488 {strides = array<i32>} : memref<16x24xf32, #tpu.memory_space<vmem>>, vector<1x16xf32>,
        %swap3A_1489 = arith.constant 10 : i32
        %swap3A_1490 = arith.index_cast %swap3A_1489 : i32 to index
        %swap3A_1491 = arith.constant 0 : index
        %swap3A_1492 = tpu.vector_load %arg13[%swap3A_1490, %swap3A_1491] {strides = array<i32>} : memref<16x24xf32, #tpu.memory_space<vmem>>, vector<1x16xf32>,
        %swap3A_1493 = vector.shape_cast %swap3A_1492 : vector<1x16xf32> to vector<16xf32>
        %swap3A_1494 = vector.shape_cast %add3A_1365 : vector<16xf32> to vector<1x16xf32>
        tpu.vector_store %arg13[%swap3A_1490, %swap3A_1491], %swap3A_1494 {strides = array<i32>} : memref<16x24xf32, #tpu.memory_space<vmem>>, vector<1x16xf32>,
        %swap3A_1495 = arith.constant 11 : i32
        %swap3A_1496 = arith.index_cast %swap3A_1495 : i32 to index
        %swap3A_1497 = arith.constant 0 : index
        %swap3A_1498 = tpu.vector_load %arg13[%swap3A_1496, %swap3A_1497] {strides = array<i32>} : memref<16x24xf32, #tpu.memory_space<vmem>>, vector<1x16xf32>,
        %swap3A_1499 = vector.shape_cast %swap3A_1498 : vector<1x16xf32> to vector<16xf32>
        %swap3A_1500 = vector.shape_cast %add3A_1476 : vector<16xf32> to vector<1x16xf32>
        tpu.vector_store %arg13[%swap3A_1496, %swap3A_1497], %swap3A_1500 {strides = array<i32>} : memref<16x24xf32, #tpu.memory_space<vmem>>, vector<1x16xf32>,
        %add3A_1501 = arith.constant 12 : i32
        %add3A_1502 = arith.addi %mul3A_98, %add3A_1501 : i32
        %get3A_1503 = arith.index_cast %add3A_1502 : i32 to index
        %get3A_1504 = arith.constant 0 : index
        %get3A_1505 = tpu.vector_load %arg9[%get3A_1503, %get3A_1504] {strides = array<i32>} : memref<64x128xf32, #tpu.memory_space<vmem>>, vector<1x16xf32>,
        %get3A_1506 = vector.shape_cast %get3A_1505 : vector<1x16xf32> to vector<16xf32>
        %add3A_1507 = arith.constant 12 : i32
        %add3A_1508 = arith.addi %mul3A_98, %add3A_1507 : i32
        %get3A_1509 = arith.index_cast %add3A_1508 : i32 to index
        %get3A_1510 = arith.constant 0 : index
        %get3A_1511 = tpu.vector_load %arg11[%get3A_1509, %get3A_1510] {strides = array<i32>} : memref<64x128xf32, #tpu.memory_space<vmem>>, vector<1x16xf32>,
        %get3A_1512 = vector.shape_cast %get3A_1511 : vector<1x16xf32> to vector<16xf32>
        %mul3A_1513 = arith.mulf %get3A_1506, %get3A_1512 : vector<16xf32>
        %add3A_1514 = arith.constant 12 : i32
        %add3A_1515 = arith.addi %mul3A_98, %add3A_1514 : i32
        %get3A_1516 = arith.index_cast %add3A_1515 : i32 to index
        %get3A_1517 = arith.constant 16 : index
        %get3A_1518 = tpu.vector_load %arg9[%get3A_1516, %get3A_1517] {strides = array<i32>} : memref<64x128xf32, #tpu.memory_space<vmem>>, vector<1x16xf32>,
        %get3A_1519 = vector.shape_cast %get3A_1518 : vector<1x16xf32> to vector<16xf32>
        %add3A_1520 = arith.constant 12 : i32
        %add3A_1521 = arith.addi %mul3A_98, %add3A_1520 : i32
        %get3A_1522 = arith.index_cast %add3A_1521 : i32 to index
        %get3A_1523 = arith.constant 16 : index
        %get3A_1524 = tpu.vector_load %arg11[%get3A_1522, %get3A_1523] {strides = array<i32>} : memref<64x128xf32, #tpu.memory_space<vmem>>, vector<1x16xf32>,
        %get3A_1525 = vector.shape_cast %get3A_1524 : vector<1x16xf32> to vector<16xf32>
        %mul3A_1526 = arith.mulf %get3A_1519, %get3A_1525 : vector<16xf32>
        %add3A_1527 = arith.constant 12 : i32
        %add3A_1528 = arith.addi %mul3A_98, %add3A_1527 : i32
        %get3A_1529 = arith.index_cast %add3A_1528 : i32 to index
        %get3A_1530 = arith.constant 32 : index
        %get3A_1531 = tpu.vector_load %arg9[%get3A_1529, %get3A_1530] {strides = array<i32>} : memref<64x128xf32, #tpu.memory_space<vmem>>, vector<1x16xf32>,
        %get3A_1532 = vector.shape_cast %get3A_1531 : vector<1x16xf32> to vector<16xf32>
        %add3A_1533 = arith.constant 12 : i32
        %add3A_1534 = arith.addi %mul3A_98, %add3A_1533 : i32
        %get3A_1535 = arith.index_cast %add3A_1534 : i32 to index
        %get3A_1536 = arith.constant 32 : index
        %get3A_1537 = tpu.vector_load %arg11[%get3A_1535, %get3A_1536] {strides = array<i32>} : memref<64x128xf32, #tpu.memory_space<vmem>>, vector<1x16xf32>,
        %get3A_1538 = vector.shape_cast %get3A_1537 : vector<1x16xf32> to vector<16xf32>
        %mul3A_1539 = arith.mulf %get3A_1532, %get3A_1538 : vector<16xf32>
        %add3A_1540 = arith.addf %mul3A_1513, %mul3A_1539 : vector<16xf32>
        %add3A_1541 = arith.constant 12 : i32
        %add3A_1542 = arith.addi %mul3A_98, %add3A_1541 : i32
        %get3A_1543 = arith.index_cast %add3A_1542 : i32 to index
        %get3A_1544 = arith.constant 48 : index
        %get3A_1545 = tpu.vector_load %arg9[%get3A_1543, %get3A_1544] {strides = array<i32>} : memref<64x128xf32, #tpu.memory_space<vmem>>, vector<1x16xf32>,
        %get3A_1546 = vector.shape_cast %get3A_1545 : vector<1x16xf32> to vector<16xf32>
        %add3A_1547 = arith.constant 12 : i32
        %add3A_1548 = arith.addi %mul3A_98, %add3A_1547 : i32
        %get3A_1549 = arith.index_cast %add3A_1548 : i32 to index
        %get3A_1550 = arith.constant 48 : index
        %get3A_1551 = tpu.vector_load %arg11[%get3A_1549, %get3A_1550] {strides = array<i32>} : memref<64x128xf32, #tpu.memory_space<vmem>>, vector<1x16xf32>,
        %get3A_1552 = vector.shape_cast %get3A_1551 : vector<1x16xf32> to vector<16xf32>
        %mul3A_1553 = arith.mulf %get3A_1546, %get3A_1552 : vector<16xf32>
        %add3A_1554 = arith.addf %mul3A_1526, %mul3A_1553 : vector<16xf32>
        %add3A_1555 = arith.constant 12 : i32
        %add3A_1556 = arith.addi %mul3A_98, %add3A_1555 : i32
        %get3A_1557 = arith.index_cast %add3A_1556 : i32 to index
        %get3A_1558 = arith.constant 64 : index
        %get3A_1559 = tpu.vector_load %arg9[%get3A_1557, %get3A_1558] {strides = array<i32>} : memref<64x128xf32, #tpu.memory_space<vmem>>, vector<1x16xf32>,
        %get3A_1560 = vector.shape_cast %get3A_1559 : vector<1x16xf32> to vector<16xf32>
        %add3A_1561 = arith.constant 12 : i32
        %add3A_1562 = arith.addi %mul3A_98, %add3A_1561 : i32
        %get3A_1563 = arith.index_cast %add3A_1562 : i32 to index
        %get3A_1564 = arith.constant 64 : index
        %get3A_1565 = tpu.vector_load %arg11[%get3A_1563, %get3A_1564] {strides = array<i32>} : memref<64x128xf32, #tpu.memory_space<vmem>>, vector<1x16xf32>,
        %get3A_1566 = vector.shape_cast %get3A_1565 : vector<1x16xf32> to vector<16xf32>
        %mul3A_1567 = arith.mulf %get3A_1560, %get3A_1566 : vector<16xf32>
        %add3A_1568 = arith.addf %add3A_1540, %mul3A_1567 : vector<16xf32>
        %add3A_1569 = arith.constant 12 : i32
        %add3A_1570 = arith.addi %mul3A_98, %add3A_1569 : i32
        %get3A_1571 = arith.index_cast %add3A_1570 : i32 to index
        %get3A_1572 = arith.constant 80 : index
        %get3A_1573 = tpu.vector_load %arg9[%get3A_1571, %get3A_1572] {strides = array<i32>} : memref<64x128xf32, #tpu.memory_space<vmem>>, vector<1x16xf32>,
        %get3A_1574 = vector.shape_cast %get3A_1573 : vector<1x16xf32> to vector<16xf32>
        %add3A_1575 = arith.constant 12 : i32
        %add3A_1576 = arith.addi %mul3A_98, %add3A_1575 : i32
        %get3A_1577 = arith.index_cast %add3A_1576 : i32 to index
        %get3A_1578 = arith.constant 80 : index
        %get3A_1579 = tpu.vector_load %arg11[%get3A_1577, %get3A_1578] {strides = array<i32>} : memref<64x128xf32, #tpu.memory_space<vmem>>, vector<1x16xf32>,
        %get3A_1580 = vector.shape_cast %get3A_1579 : vector<1x16xf32> to vector<16xf32>
        %mul3A_1581 = arith.mulf %get3A_1574, %get3A_1580 : vector<16xf32>
        %add3A_1582 = arith.addf %add3A_1554, %mul3A_1581 : vector<16xf32>
        %add3A_1583 = arith.constant 12 : i32
        %add3A_1584 = arith.addi %mul3A_98, %add3A_1583 : i32
        %get3A_1585 = arith.index_cast %add3A_1584 : i32 to index
        %get3A_1586 = arith.constant 96 : index
        %get3A_1587 = tpu.vector_load %arg9[%get3A_1585, %get3A_1586] {strides = array<i32>} : memref<64x128xf32, #tpu.memory_space<vmem>>, vector<1x16xf32>,
        %get3A_1588 = vector.shape_cast %get3A_1587 : vector<1x16xf32> to vector<16xf32>
        %add3A_1589 = arith.constant 12 : i32
        %add3A_1590 = arith.addi %mul3A_98, %add3A_1589 : i32
        %get3A_1591 = arith.index_cast %add3A_1590 : i32 to index
        %get3A_1592 = arith.constant 96 : index
        %get3A_1593 = tpu.vector_load %arg11[%get3A_1591, %get3A_1592] {strides = array<i32>} : memref<64x128xf32, #tpu.memory_space<vmem>>, vector<1x16xf32>,
        %get3A_1594 = vector.shape_cast %get3A_1593 : vector<1x16xf32> to vector<16xf32>
        %mul3A_1595 = arith.mulf %get3A_1588, %get3A_1594 : vector<16xf32>
        %add3A_1596 = arith.addf %add3A_1568, %mul3A_1595 : vector<16xf32>
        %add3A_1597 = arith.constant 12 : i32
        %add3A_1598 = arith.addi %mul3A_98, %add3A_1597 : i32
        %get3A_1599 = arith.index_cast %add3A_1598 : i32 to index
        %get3A_1600 = arith.constant 112 : index
        %get3A_1601 = tpu.vector_load %arg9[%get3A_1599, %get3A_1600] {strides = array<i32>} : memref<64x128xf32, #tpu.memory_space<vmem>>, vector<1x16xf32>,
        %get3A_1602 = vector.shape_cast %get3A_1601 : vector<1x16xf32> to vector<16xf32>
        %add3A_1603 = arith.constant 12 : i32
        %add3A_1604 = arith.addi %mul3A_98, %add3A_1603 : i32
        %get3A_1605 = arith.index_cast %add3A_1604 : i32 to index
        %get3A_1606 = arith.constant 112 : index
        %get3A_1607 = tpu.vector_load %arg11[%get3A_1605, %get3A_1606] {strides = array<i32>} : memref<64x128xf32, #tpu.memory_space<vmem>>, vector<1x16xf32>,
        %get3A_1608 = vector.shape_cast %get3A_1607 : vector<1x16xf32> to vector<16xf32>
        %mul3A_1609 = arith.mulf %get3A_1602, %get3A_1608 : vector<16xf32>
        %add3A_1610 = arith.addf %add3A_1582, %mul3A_1609 : vector<16xf32>
        %add3A_1611 = arith.addf %add3A_1596, %add3A_1610 : vector<16xf32>
        %add3A_1612 = arith.constant 13 : i32
        %add3A_1613 = arith.addi %mul3A_98, %add3A_1612 : i32
        %get3A_1614 = arith.index_cast %add3A_1613 : i32 to index
        %get3A_1615 = arith.constant 0 : index
        %get3A_1616 = tpu.vector_load %arg9[%get3A_1614, %get3A_1615] {strides = array<i32>} : memref<64x128xf32, #tpu.memory_space<vmem>>, vector<1x16xf32>,
        %get3A_1617 = vector.shape_cast %get3A_1616 : vector<1x16xf32> to vector<16xf32>
        %add3A_1618 = arith.constant 13 : i32
        %add3A_1619 = arith.addi %mul3A_98, %add3A_1618 : i32
        %get3A_1620 = arith.index_cast %add3A_1619 : i32 to index
        %get3A_1621 = arith.constant 0 : index
        %get3A_1622 = tpu.vector_load %arg11[%get3A_1620, %get3A_1621] {strides = array<i32>} : memref<64x128xf32, #tpu.memory_space<vmem>>, vector<1x16xf32>,
        %get3A_1623 = vector.shape_cast %get3A_1622 : vector<1x16xf32> to vector<16xf32>
        %mul3A_1624 = arith.mulf %get3A_1617, %get3A_1623 : vector<16xf32>
        %add3A_1625 = arith.constant 13 : i32
        %add3A_1626 = arith.addi %mul3A_98, %add3A_1625 : i32
        %get3A_1627 = arith.index_cast %add3A_1626 : i32 to index
        %get3A_1628 = arith.constant 16 : index
        %get3A_1629 = tpu.vector_load %arg9[%get3A_1627, %get3A_1628] {strides = array<i32>} : memref<64x128xf32, #tpu.memory_space<vmem>>, vector<1x16xf32>,
        %get3A_1630 = vector.shape_cast %get3A_1629 : vector<1x16xf32> to vector<16xf32>
        %add3A_1631 = arith.constant 13 : i32
        %add3A_1632 = arith.addi %mul3A_98, %add3A_1631 : i32
        %get3A_1633 = arith.index_cast %add3A_1632 : i32 to index
        %get3A_1634 = arith.constant 16 : index
        %get3A_1635 = tpu.vector_load %arg11[%get3A_1633, %get3A_1634] {strides = array<i32>} : memref<64x128xf32, #tpu.memory_space<vmem>>, vector<1x16xf32>,
        %get3A_1636 = vector.shape_cast %get3A_1635 : vector<1x16xf32> to vector<16xf32>
        %mul3A_1637 = arith.mulf %get3A_1630, %get3A_1636 : vector<16xf32>
        %add3A_1638 = arith.constant 13 : i32
        %add3A_1639 = arith.addi %mul3A_98, %add3A_1638 : i32
        %get3A_1640 = arith.index_cast %add3A_1639 : i32 to index
        %get3A_1641 = arith.constant 32 : index
        %get3A_1642 = tpu.vector_load %arg9[%get3A_1640, %get3A_1641] {strides = array<i32>} : memref<64x128xf32, #tpu.memory_space<vmem>>, vector<1x16xf32>,
        %get3A_1643 = vector.shape_cast %get3A_1642 : vector<1x16xf32> to vector<16xf32>
        %add3A_1644 = arith.constant 13 : i32
        %add3A_1645 = arith.addi %mul3A_98, %add3A_1644 : i32
        %get3A_1646 = arith.index_cast %add3A_1645 : i32 to index
        %get3A_1647 = arith.constant 32 : index
        %get3A_1648 = tpu.vector_load %arg11[%get3A_1646, %get3A_1647] {strides = array<i32>} : memref<64x128xf32, #tpu.memory_space<vmem>>, vector<1x16xf32>,
        %get3A_1649 = vector.shape_cast %get3A_1648 : vector<1x16xf32> to vector<16xf32>
        %mul3A_1650 = arith.mulf %get3A_1643, %get3A_1649 : vector<16xf32>
        %add3A_1651 = arith.addf %mul3A_1624, %mul3A_1650 : vector<16xf32>
        %add3A_1652 = arith.constant 13 : i32
        %add3A_1653 = arith.addi %mul3A_98, %add3A_1652 : i32
        %get3A_1654 = arith.index_cast %add3A_1653 : i32 to index
        %get3A_1655 = arith.constant 48 : index
        %get3A_1656 = tpu.vector_load %arg9[%get3A_1654, %get3A_1655] {strides = array<i32>} : memref<64x128xf32, #tpu.memory_space<vmem>>, vector<1x16xf32>,
        %get3A_1657 = vector.shape_cast %get3A_1656 : vector<1x16xf32> to vector<16xf32>
        %add3A_1658 = arith.constant 13 : i32
        %add3A_1659 = arith.addi %mul3A_98, %add3A_1658 : i32
        %get3A_1660 = arith.index_cast %add3A_1659 : i32 to index
        %get3A_1661 = arith.constant 48 : index
        %get3A_1662 = tpu.vector_load %arg11[%get3A_1660, %get3A_1661] {strides = array<i32>} : memref<64x128xf32, #tpu.memory_space<vmem>>, vector<1x16xf32>,
        %get3A_1663 = vector.shape_cast %get3A_1662 : vector<1x16xf32> to vector<16xf32>
        %mul3A_1664 = arith.mulf %get3A_1657, %get3A_1663 : vector<16xf32>
        %add3A_1665 = arith.addf %mul3A_1637, %mul3A_1664 : vector<16xf32>
        %add3A_1666 = arith.constant 13 : i32
        %add3A_1667 = arith.addi %mul3A_98, %add3A_1666 : i32
        %get3A_1668 = arith.index_cast %add3A_1667 : i32 to index
        %get3A_1669 = arith.constant 64 : index
        %get3A_1670 = tpu.vector_load %arg9[%get3A_1668, %get3A_1669] {strides = array<i32>} : memref<64x128xf32, #tpu.memory_space<vmem>>, vector<1x16xf32>,
        %get3A_1671 = vector.shape_cast %get3A_1670 : vector<1x16xf32> to vector<16xf32>
        %add3A_1672 = arith.constant 13 : i32
        %add3A_1673 = arith.addi %mul3A_98, %add3A_1672 : i32
        %get3A_1674 = arith.index_cast %add3A_1673 : i32 to index
        %get3A_1675 = arith.constant 64 : index
        %get3A_1676 = tpu.vector_load %arg11[%get3A_1674, %get3A_1675] {strides = array<i32>} : memref<64x128xf32, #tpu.memory_space<vmem>>, vector<1x16xf32>,
        %get3A_1677 = vector.shape_cast %get3A_1676 : vector<1x16xf32> to vector<16xf32>
        %mul3A_1678 = arith.mulf %get3A_1671, %get3A_1677 : vector<16xf32>
        %add3A_1679 = arith.addf %add3A_1651, %mul3A_1678 : vector<16xf32>
        %add3A_1680 = arith.constant 13 : i32
        %add3A_1681 = arith.addi %mul3A_98, %add3A_1680 : i32
        %get3A_1682 = arith.index_cast %add3A_1681 : i32 to index
        %get3A_1683 = arith.constant 80 : index
        %get3A_1684 = tpu.vector_load %arg9[%get3A_1682, %get3A_1683] {strides = array<i32>} : memref<64x128xf32, #tpu.memory_space<vmem>>, vector<1x16xf32>,
        %get3A_1685 = vector.shape_cast %get3A_1684 : vector<1x16xf32> to vector<16xf32>
        %add3A_1686 = arith.constant 13 : i32
        %add3A_1687 = arith.addi %mul3A_98, %add3A_1686 : i32
        %get3A_1688 = arith.index_cast %add3A_1687 : i32 to index
        %get3A_1689 = arith.constant 80 : index
        %get3A_1690 = tpu.vector_load %arg11[%get3A_1688, %get3A_1689] {strides = array<i32>} : memref<64x128xf32, #tpu.memory_space<vmem>>, vector<1x16xf32>,
        %get3A_1691 = vector.shape_cast %get3A_1690 : vector<1x16xf32> to vector<16xf32>
        %mul3A_1692 = arith.mulf %get3A_1685, %get3A_1691 : vector<16xf32>
        %add3A_1693 = arith.addf %add3A_1665, %mul3A_1692 : vector<16xf32>
        %add3A_1694 = arith.constant 13 : i32
        %add3A_1695 = arith.addi %mul3A_98, %add3A_1694 : i32
        %get3A_1696 = arith.index_cast %add3A_1695 : i32 to index
        %get3A_1697 = arith.constant 96 : index
        %get3A_1698 = tpu.vector_load %arg9[%get3A_1696, %get3A_1697] {strides = array<i32>} : memref<64x128xf32, #tpu.memory_space<vmem>>, vector<1x16xf32>,
        %get3A_1699 = vector.shape_cast %get3A_1698 : vector<1x16xf32> to vector<16xf32>
        %add3A_1700 = arith.constant 13 : i32
        %add3A_1701 = arith.addi %mul3A_98, %add3A_1700 : i32
        %get3A_1702 = arith.index_cast %add3A_1701 : i32 to index
        %get3A_1703 = arith.constant 96 : index
        %get3A_1704 = tpu.vector_load %arg11[%get3A_1702, %get3A_1703] {strides = array<i32>} : memref<64x128xf32, #tpu.memory_space<vmem>>, vector<1x16xf32>,
        %get3A_1705 = vector.shape_cast %get3A_1704 : vector<1x16xf32> to vector<16xf32>
        %mul3A_1706 = arith.mulf %get3A_1699, %get3A_1705 : vector<16xf32>
        %add3A_1707 = arith.addf %add3A_1679, %mul3A_1706 : vector<16xf32>
        %add3A_1708 = arith.constant 13 : i32
        %add3A_1709 = arith.addi %mul3A_98, %add3A_1708 : i32
        %get3A_1710 = arith.index_cast %add3A_1709 : i32 to index
        %get3A_1711 = arith.constant 112 : index
        %get3A_1712 = tpu.vector_load %arg9[%get3A_1710, %get3A_1711] {strides = array<i32>} : memref<64x128xf32, #tpu.memory_space<vmem>>, vector<1x16xf32>,
        %get3A_1713 = vector.shape_cast %get3A_1712 : vector<1x16xf32> to vector<16xf32>
        %add3A_1714 = arith.constant 13 : i32
        %add3A_1715 = arith.addi %mul3A_98, %add3A_1714 : i32
        %get3A_1716 = arith.index_cast %add3A_1715 : i32 to index
        %get3A_1717 = arith.constant 112 : index
        %get3A_1718 = tpu.vector_load %arg11[%get3A_1716, %get3A_1717] {strides = array<i32>} : memref<64x128xf32, #tpu.memory_space<vmem>>, vector<1x16xf32>,
        %get3A_1719 = vector.shape_cast %get3A_1718 : vector<1x16xf32> to vector<16xf32>
        %mul3A_1720 = arith.mulf %get3A_1713, %get3A_1719 : vector<16xf32>
        %add3A_1721 = arith.addf %add3A_1693, %mul3A_1720 : vector<16xf32>
        %add3A_1722 = arith.addf %add3A_1707, %add3A_1721 : vector<16xf32>
        %add3A_1723 = arith.constant 14 : i32
        %add3A_1724 = arith.addi %mul3A_98, %add3A_1723 : i32
        %get3A_1725 = arith.index_cast %add3A_1724 : i32 to index
        %get3A_1726 = arith.constant 0 : index
        %get3A_1727 = tpu.vector_load %arg9[%get3A_1725, %get3A_1726] {strides = array<i32>} : memref<64x128xf32, #tpu.memory_space<vmem>>, vector<1x16xf32>,
        %get3A_1728 = vector.shape_cast %get3A_1727 : vector<1x16xf32> to vector<16xf32>
        %add3A_1729 = arith.constant 14 : i32
        %add3A_1730 = arith.addi %mul3A_98, %add3A_1729 : i32
        %get3A_1731 = arith.index_cast %add3A_1730 : i32 to index
        %get3A_1732 = arith.constant 0 : index
        %get3A_1733 = tpu.vector_load %arg11[%get3A_1731, %get3A_1732] {strides = array<i32>} : memref<64x128xf32, #tpu.memory_space<vmem>>, vector<1x16xf32>,
        %get3A_1734 = vector.shape_cast %get3A_1733 : vector<1x16xf32> to vector<16xf32>
        %mul3A_1735 = arith.mulf %get3A_1728, %get3A_1734 : vector<16xf32>
        %add3A_1736 = arith.constant 14 : i32
        %add3A_1737 = arith.addi %mul3A_98, %add3A_1736 : i32
        %get3A_1738 = arith.index_cast %add3A_1737 : i32 to index
        %get3A_1739 = arith.constant 16 : index
        %get3A_1740 = tpu.vector_load %arg9[%get3A_1738, %get3A_1739] {strides = array<i32>} : memref<64x128xf32, #tpu.memory_space<vmem>>, vector<1x16xf32>,
        %get3A_1741 = vector.shape_cast %get3A_1740 : vector<1x16xf32> to vector<16xf32>
        %add3A_1742 = arith.constant 14 : i32
        %add3A_1743 = arith.addi %mul3A_98, %add3A_1742 : i32
        %get3A_1744 = arith.index_cast %add3A_1743 : i32 to index
        %get3A_1745 = arith.constant 16 : index
        %get3A_1746 = tpu.vector_load %arg11[%get3A_1744, %get3A_1745] {strides = array<i32>} : memref<64x128xf32, #tpu.memory_space<vmem>>, vector<1x16xf32>,
        %get3A_1747 = vector.shape_cast %get3A_1746 : vector<1x16xf32> to vector<16xf32>
        %mul3A_1748 = arith.mulf %get3A_1741, %get3A_1747 : vector<16xf32>
        %add3A_1749 = arith.constant 14 : i32
        %add3A_1750 = arith.addi %mul3A_98, %add3A_1749 : i32
        %get3A_1751 = arith.index_cast %add3A_1750 : i32 to index
        %get3A_1752 = arith.constant 32 : index
        %get3A_1753 = tpu.vector_load %arg9[%get3A_1751, %get3A_1752] {strides = array<i32>} : memref<64x128xf32, #tpu.memory_space<vmem>>, vector<1x16xf32>,
        %get3A_1754 = vector.shape_cast %get3A_1753 : vector<1x16xf32> to vector<16xf32>
        %add3A_1755 = arith.constant 14 : i32
        %add3A_1756 = arith.addi %mul3A_98, %add3A_1755 : i32
        %get3A_1757 = arith.index_cast %add3A_1756 : i32 to index
        %get3A_1758 = arith.constant 32 : index
        %get3A_1759 = tpu.vector_load %arg11[%get3A_1757, %get3A_1758] {strides = array<i32>} : memref<64x128xf32, #tpu.memory_space<vmem>>, vector<1x16xf32>,
        %get3A_1760 = vector.shape_cast %get3A_1759 : vector<1x16xf32> to vector<16xf32>
        %mul3A_1761 = arith.mulf %get3A_1754, %get3A_1760 : vector<16xf32>
        %add3A_1762 = arith.addf %mul3A_1735, %mul3A_1761 : vector<16xf32>
        %add3A_1763 = arith.constant 14 : i32
        %add3A_1764 = arith.addi %mul3A_98, %add3A_1763 : i32
        %get3A_1765 = arith.index_cast %add3A_1764 : i32 to index
        %get3A_1766 = arith.constant 48 : index
        %get3A_1767 = tpu.vector_load %arg9[%get3A_1765, %get3A_1766] {strides = array<i32>} : memref<64x128xf32, #tpu.memory_space<vmem>>, vector<1x16xf32>,
        %get3A_1768 = vector.shape_cast %get3A_1767 : vector<1x16xf32> to vector<16xf32>
        %add3A_1769 = arith.constant 14 : i32
        %add3A_1770 = arith.addi %mul3A_98, %add3A_1769 : i32
        %get3A_1771 = arith.index_cast %add3A_1770 : i32 to index
        %get3A_1772 = arith.constant 48 : index
        %get3A_1773 = tpu.vector_load %arg11[%get3A_1771, %get3A_1772] {strides = array<i32>} : memref<64x128xf32, #tpu.memory_space<vmem>>, vector<1x16xf32>,
        %get3A_1774 = vector.shape_cast %get3A_1773 : vector<1x16xf32> to vector<16xf32>
        %mul3A_1775 = arith.mulf %get3A_1768, %get3A_1774 : vector<16xf32>
        %add3A_1776 = arith.addf %mul3A_1748, %mul3A_1775 : vector<16xf32>
        %add3A_1777 = arith.constant 14 : i32
        %add3A_1778 = arith.addi %mul3A_98, %add3A_1777 : i32
        %get3A_1779 = arith.index_cast %add3A_1778 : i32 to index
        %get3A_1780 = arith.constant 64 : index
        %get3A_1781 = tpu.vector_load %arg9[%get3A_1779, %get3A_1780] {strides = array<i32>} : memref<64x128xf32, #tpu.memory_space<vmem>>, vector<1x16xf32>,
        %get3A_1782 = vector.shape_cast %get3A_1781 : vector<1x16xf32> to vector<16xf32>
        %add3A_1783 = arith.constant 14 : i32
        %add3A_1784 = arith.addi %mul3A_98, %add3A_1783 : i32
        %get3A_1785 = arith.index_cast %add3A_1784 : i32 to index
        %get3A_1786 = arith.constant 64 : index
        %get3A_1787 = tpu.vector_load %arg11[%get3A_1785, %get3A_1786] {strides = array<i32>} : memref<64x128xf32, #tpu.memory_space<vmem>>, vector<1x16xf32>,
        %get3A_1788 = vector.shape_cast %get3A_1787 : vector<1x16xf32> to vector<16xf32>
        %mul3A_1789 = arith.mulf %get3A_1782, %get3A_1788 : vector<16xf32>
        %add3A_1790 = arith.addf %add3A_1762, %mul3A_1789 : vector<16xf32>
        %add3A_1791 = arith.constant 14 : i32
        %add3A_1792 = arith.addi %mul3A_98, %add3A_1791 : i32
        %get3A_1793 = arith.index_cast %add3A_1792 : i32 to index
        %get3A_1794 = arith.constant 80 : index
        %get3A_1795 = tpu.vector_load %arg9[%get3A_1793, %get3A_1794] {strides = array<i32>} : memref<64x128xf32, #tpu.memory_space<vmem>>, vector<1x16xf32>,
        %get3A_1796 = vector.shape_cast %get3A_1795 : vector<1x16xf32> to vector<16xf32>
        %add3A_1797 = arith.constant 14 : i32
        %add3A_1798 = arith.addi %mul3A_98, %add3A_1797 : i32
        %get3A_1799 = arith.index_cast %add3A_1798 : i32 to index
        %get3A_1800 = arith.constant 80 : index
        %get3A_1801 = tpu.vector_load %arg11[%get3A_1799, %get3A_1800] {strides = array<i32>} : memref<64x128xf32, #tpu.memory_space<vmem>>, vector<1x16xf32>,
        %get3A_1802 = vector.shape_cast %get3A_1801 : vector<1x16xf32> to vector<16xf32>
        %mul3A_1803 = arith.mulf %get3A_1796, %get3A_1802 : vector<16xf32>
        %add3A_1804 = arith.addf %add3A_1776, %mul3A_1803 : vector<16xf32>
        %add3A_1805 = arith.constant 14 : i32
        %add3A_1806 = arith.addi %mul3A_98, %add3A_1805 : i32
        %get3A_1807 = arith.index_cast %add3A_1806 : i32 to index
        %get3A_1808 = arith.constant 96 : index
        %get3A_1809 = tpu.vector_load %arg9[%get3A_1807, %get3A_1808] {strides = array<i32>} : memref<64x128xf32, #tpu.memory_space<vmem>>, vector<1x16xf32>,
        %get3A_1810 = vector.shape_cast %get3A_1809 : vector<1x16xf32> to vector<16xf32>
        %add3A_1811 = arith.constant 14 : i32
        %add3A_1812 = arith.addi %mul3A_98, %add3A_1811 : i32
        %get3A_1813 = arith.index_cast %add3A_1812 : i32 to index
        %get3A_1814 = arith.constant 96 : index
        %get3A_1815 = tpu.vector_load %arg11[%get3A_1813, %get3A_1814] {strides = array<i32>} : memref<64x128xf32, #tpu.memory_space<vmem>>, vector<1x16xf32>,
        %get3A_1816 = vector.shape_cast %get3A_1815 : vector<1x16xf32> to vector<16xf32>
        %mul3A_1817 = arith.mulf %get3A_1810, %get3A_1816 : vector<16xf32>
        %add3A_1818 = arith.addf %add3A_1790, %mul3A_1817 : vector<16xf32>
        %add3A_1819 = arith.constant 14 : i32
        %add3A_1820 = arith.addi %mul3A_98, %add3A_1819 : i32
        %get3A_1821 = arith.index_cast %add3A_1820 : i32 to index
        %get3A_1822 = arith.constant 112 : index
        %get3A_1823 = tpu.vector_load %arg9[%get3A_1821, %get3A_1822] {strides = array<i32>} : memref<64x128xf32, #tpu.memory_space<vmem>>, vector<1x16xf32>,
        %get3A_1824 = vector.shape_cast %get3A_1823 : vector<1x16xf32> to vector<16xf32>
        %add3A_1825 = arith.constant 14 : i32
        %add3A_1826 = arith.addi %mul3A_98, %add3A_1825 : i32
        %get3A_1827 = arith.index_cast %add3A_1826 : i32 to index
        %get3A_1828 = arith.constant 112 : index
        %get3A_1829 = tpu.vector_load %arg11[%get3A_1827, %get3A_1828] {strides = array<i32>} : memref<64x128xf32, #tpu.memory_space<vmem>>, vector<1x16xf32>,
        %get3A_1830 = vector.shape_cast %get3A_1829 : vector<1x16xf32> to vector<16xf32>
        %mul3A_1831 = arith.mulf %get3A_1824, %get3A_1830 : vector<16xf32>
        %add3A_1832 = arith.addf %add3A_1804, %mul3A_1831 : vector<16xf32>
        %add3A_1833 = arith.addf %add3A_1818, %add3A_1832 : vector<16xf32>
        %add3A_1834 = arith.constant 15 : i32
        %add3A_1835 = arith.addi %mul3A_98, %add3A_1834 : i32
        %get3A_1836 = arith.index_cast %add3A_1835 : i32 to index
        %get3A_1837 = arith.constant 0 : index
        %get3A_1838 = tpu.vector_load %arg9[%get3A_1836, %get3A_1837] {strides = array<i32>} : memref<64x128xf32, #tpu.memory_space<vmem>>, vector<1x16xf32>,
        %get3A_1839 = vector.shape_cast %get3A_1838 : vector<1x16xf32> to vector<16xf32>
        %add3A_1840 = arith.constant 15 : i32
        %add3A_1841 = arith.addi %mul3A_98, %add3A_1840 : i32
        %get3A_1842 = arith.index_cast %add3A_1841 : i32 to index
        %get3A_1843 = arith.constant 0 : index
        %get3A_1844 = tpu.vector_load %arg11[%get3A_1842, %get3A_1843] {strides = array<i32>} : memref<64x128xf32, #tpu.memory_space<vmem>>, vector<1x16xf32>,
        %get3A_1845 = vector.shape_cast %get3A_1844 : vector<1x16xf32> to vector<16xf32>
        %mul3A_1846 = arith.mulf %get3A_1839, %get3A_1845 : vector<16xf32>
        %add3A_1847 = arith.constant 15 : i32
        %add3A_1848 = arith.addi %mul3A_98, %add3A_1847 : i32
        %get3A_1849 = arith.index_cast %add3A_1848 : i32 to index
        %get3A_1850 = arith.constant 16 : index
        %get3A_1851 = tpu.vector_load %arg9[%get3A_1849, %get3A_1850] {strides = array<i32>} : memref<64x128xf32, #tpu.memory_space<vmem>>, vector<1x16xf32>,
        %get3A_1852 = vector.shape_cast %get3A_1851 : vector<1x16xf32> to vector<16xf32>
        %add3A_1853 = arith.constant 15 : i32
        %add3A_1854 = arith.addi %mul3A_98, %add3A_1853 : i32
        %get3A_1855 = arith.index_cast %add3A_1854 : i32 to index
        %get3A_1856 = arith.constant 16 : index
        %get3A_1857 = tpu.vector_load %arg11[%get3A_1855, %get3A_1856] {strides = array<i32>} : memref<64x128xf32, #tpu.memory_space<vmem>>, vector<1x16xf32>,
        %get3A_1858 = vector.shape_cast %get3A_1857 : vector<1x16xf32> to vector<16xf32>
        %mul3A_1859 = arith.mulf %get3A_1852, %get3A_1858 : vector<16xf32>
        %add3A_1860 = arith.constant 15 : i32
        %add3A_1861 = arith.addi %mul3A_98, %add3A_1860 : i32
        %get3A_1862 = arith.index_cast %add3A_1861 : i32 to index
        %get3A_1863 = arith.constant 32 : index
        %get3A_1864 = tpu.vector_load %arg9[%get3A_1862, %get3A_1863] {strides = array<i32>} : memref<64x128xf32, #tpu.memory_space<vmem>>, vector<1x16xf32>,
        %get3A_1865 = vector.shape_cast %get3A_1864 : vector<1x16xf32> to vector<16xf32>
        %add3A_1866 = arith.constant 15 : i32
        %add3A_1867 = arith.addi %mul3A_98, %add3A_1866 : i32
        %get3A_1868 = arith.index_cast %add3A_1867 : i32 to index
        %get3A_1869 = arith.constant 32 : index
        %get3A_1870 = tpu.vector_load %arg11[%get3A_1868, %get3A_1869] {strides = array<i32>} : memref<64x128xf32, #tpu.memory_space<vmem>>, vector<1x16xf32>,
        %get3A_1871 = vector.shape_cast %get3A_1870 : vector<1x16xf32> to vector<16xf32>
        %mul3A_1872 = arith.mulf %get3A_1865, %get3A_1871 : vector<16xf32>
        %add3A_1873 = arith.addf %mul3A_1846, %mul3A_1872 : vector<16xf32>
        %add3A_1874 = arith.constant 15 : i32
        %add3A_1875 = arith.addi %mul3A_98, %add3A_1874 : i32
        %get3A_1876 = arith.index_cast %add3A_1875 : i32 to index
        %get3A_1877 = arith.constant 48 : index
        %get3A_1878 = tpu.vector_load %arg9[%get3A_1876, %get3A_1877] {strides = array<i32>} : memref<64x128xf32, #tpu.memory_space<vmem>>, vector<1x16xf32>,
        %get3A_1879 = vector.shape_cast %get3A_1878 : vector<1x16xf32> to vector<16xf32>
        %add3A_1880 = arith.constant 15 : i32
        %add3A_1881 = arith.addi %mul3A_98, %add3A_1880 : i32
        %get3A_1882 = arith.index_cast %add3A_1881 : i32 to index
        %get3A_1883 = arith.constant 48 : index
        %get3A_1884 = tpu.vector_load %arg11[%get3A_1882, %get3A_1883] {strides = array<i32>} : memref<64x128xf32, #tpu.memory_space<vmem>>, vector<1x16xf32>,
        %get3A_1885 = vector.shape_cast %get3A_1884 : vector<1x16xf32> to vector<16xf32>
        %mul3A_1886 = arith.mulf %get3A_1879, %get3A_1885 : vector<16xf32>
        %add3A_1887 = arith.addf %mul3A_1859, %mul3A_1886 : vector<16xf32>
        %add3A_1888 = arith.constant 15 : i32
        %add3A_1889 = arith.addi %mul3A_98, %add3A_1888 : i32
        %get3A_1890 = arith.index_cast %add3A_1889 : i32 to index
        %get3A_1891 = arith.constant 64 : index
        %get3A_1892 = tpu.vector_load %arg9[%get3A_1890, %get3A_1891] {strides = array<i32>} : memref<64x128xf32, #tpu.memory_space<vmem>>, vector<1x16xf32>,
        %get3A_1893 = vector.shape_cast %get3A_1892 : vector<1x16xf32> to vector<16xf32>
        %add3A_1894 = arith.constant 15 : i32
        %add3A_1895 = arith.addi %mul3A_98, %add3A_1894 : i32
        %get3A_1896 = arith.index_cast %add3A_1895 : i32 to index
        %get3A_1897 = arith.constant 64 : index
        %get3A_1898 = tpu.vector_load %arg11[%get3A_1896, %get3A_1897] {strides = array<i32>} : memref<64x128xf32, #tpu.memory_space<vmem>>, vector<1x16xf32>,
        %get3A_1899 = vector.shape_cast %get3A_1898 : vector<1x16xf32> to vector<16xf32>
        %mul3A_1900 = arith.mulf %get3A_1893, %get3A_1899 : vector<16xf32>
        %add3A_1901 = arith.addf %add3A_1873, %mul3A_1900 : vector<16xf32>
        %add3A_1902 = arith.constant 15 : i32
        %add3A_1903 = arith.addi %mul3A_98, %add3A_1902 : i32
        %get3A_1904 = arith.index_cast %add3A_1903 : i32 to index
        %get3A_1905 = arith.constant 80 : index
        %get3A_1906 = tpu.vector_load %arg9[%get3A_1904, %get3A_1905] {strides = array<i32>} : memref<64x128xf32, #tpu.memory_space<vmem>>, vector<1x16xf32>,
        %get3A_1907 = vector.shape_cast %get3A_1906 : vector<1x16xf32> to vector<16xf32>
        %add3A_1908 = arith.constant 15 : i32
        %add3A_1909 = arith.addi %mul3A_98, %add3A_1908 : i32
        %get3A_1910 = arith.index_cast %add3A_1909 : i32 to index
        %get3A_1911 = arith.constant 80 : index
        %get3A_1912 = tpu.vector_load %arg11[%get3A_1910, %get3A_1911] {strides = array<i32>} : memref<64x128xf32, #tpu.memory_space<vmem>>, vector<1x16xf32>,
        %get3A_1913 = vector.shape_cast %get3A_1912 : vector<1x16xf32> to vector<16xf32>
        %mul3A_1914 = arith.mulf %get3A_1907, %get3A_1913 : vector<16xf32>
        %add3A_1915 = arith.addf %add3A_1887, %mul3A_1914 : vector<16xf32>
        %add3A_1916 = arith.constant 15 : i32
        %add3A_1917 = arith.addi %mul3A_98, %add3A_1916 : i32
        %get3A_1918 = arith.index_cast %add3A_1917 : i32 to index
        %get3A_1919 = arith.constant 96 : index
        %get3A_1920 = tpu.vector_load %arg9[%get3A_1918, %get3A_1919] {strides = array<i32>} : memref<64x128xf32, #tpu.memory_space<vmem>>, vector<1x16xf32>,
        %get3A_1921 = vector.shape_cast %get3A_1920 : vector<1x16xf32> to vector<16xf32>
        %add3A_1922 = arith.constant 15 : i32
        %add3A_1923 = arith.addi %mul3A_98, %add3A_1922 : i32
        %get3A_1924 = arith.index_cast %add3A_1923 : i32 to index
        %get3A_1925 = arith.constant 96 : index
        %get3A_1926 = tpu.vector_load %arg11[%get3A_1924, %get3A_1925] {strides = array<i32>} : memref<64x128xf32, #tpu.memory_space<vmem>>, vector<1x16xf32>,
        %get3A_1927 = vector.shape_cast %get3A_1926 : vector<1x16xf32> to vector<16xf32>
        %mul3A_1928 = arith.mulf %get3A_1921, %get3A_1927 : vector<16xf32>
        %add3A_1929 = arith.addf %add3A_1901, %mul3A_1928 : vector<16xf32>
        %add3A_1930 = arith.constant 15 : i32
        %add3A_1931 = arith.addi %mul3A_98, %add3A_1930 : i32
        %get3A_1932 = arith.index_cast %add3A_1931 : i32 to index
        %get3A_1933 = arith.constant 112 : index
        %get3A_1934 = tpu.vector_load %arg9[%get3A_1932, %get3A_1933] {strides = array<i32>} : memref<64x128xf32, #tpu.memory_space<vmem>>, vector<1x16xf32>,
        %get3A_1935 = vector.shape_cast %get3A_1934 : vector<1x16xf32> to vector<16xf32>
        %add3A_1936 = arith.constant 15 : i32
        %add3A_1937 = arith.addi %mul3A_98, %add3A_1936 : i32
        %get3A_1938 = arith.index_cast %add3A_1937 : i32 to index
        %get3A_1939 = arith.constant 112 : index
        %get3A_1940 = tpu.vector_load %arg11[%get3A_1938, %get3A_1939] {strides = array<i32>} : memref<64x128xf32, #tpu.memory_space<vmem>>, vector<1x16xf32>,
        %get3A_1941 = vector.shape_cast %get3A_1940 : vector<1x16xf32> to vector<16xf32>
        %mul3A_1942 = arith.mulf %get3A_1935, %get3A_1941 : vector<16xf32>
        %add3A_1943 = arith.addf %add3A_1915, %mul3A_1942 : vector<16xf32>
        %add3A_1944 = arith.addf %add3A_1929, %add3A_1943 : vector<16xf32>
        %swap3A_1945 = arith.constant 12 : i32
        %swap3A_1946 = arith.index_cast %swap3A_1945 : i32 to index
        %swap3A_1947 = arith.constant 0 : index
        %swap3A_1948 = tpu.vector_load %arg13[%swap3A_1946, %swap3A_1947] {strides = array<i32>} : memref<16x24xf32, #tpu.memory_space<vmem>>, vector<1x16xf32>,
        %swap3A_1949 = vector.shape_cast %swap3A_1948 : vector<1x16xf32> to vector<16xf32>
        %swap3A_1950 = vector.shape_cast %add3A_1611 : vector<16xf32> to vector<1x16xf32>
        tpu.vector_store %arg13[%swap3A_1946, %swap3A_1947], %swap3A_1950 {strides = array<i32>} : memref<16x24xf32, #tpu.memory_space<vmem>>, vector<1x16xf32>,
        %swap3A_1951 = arith.constant 13 : i32
        %swap3A_1952 = arith.index_cast %swap3A_1951 : i32 to index
        %swap3A_1953 = arith.constant 0 : index
        %swap3A_1954 = tpu.vector_load %arg13[%swap3A_1952, %swap3A_1953] {strides = array<i32>} : memref<16x24xf32, #tpu.memory_space<vmem>>, vector<1x16xf32>,
        %swap3A_1955 = vector.shape_cast %swap3A_1954 : vector<1x16xf32> to vector<16xf32>
        %swap3A_1956 = vector.shape_cast %add3A_1722 : vector<16xf32> to vector<1x16xf32>
        tpu.vector_store %arg13[%swap3A_1952, %swap3A_1953], %swap3A_1956 {strides = array<i32>} : memref<16x24xf32, #tpu.memory_space<vmem>>, vector<1x16xf32>,
        %swap3A_1957 = arith.constant 14 : i32
        %swap3A_1958 = arith.index_cast %swap3A_1957 : i32 to index
        %swap3A_1959 = arith.constant 0 : index
        %swap3A_1960 = tpu.vector_load %arg13[%swap3A_1958, %swap3A_1959] {strides = array<i32>} : memref<16x24xf32, #tpu.memory_space<vmem>>, vector<1x16xf32>,
        %swap3A_1961 = vector.shape_cast %swap3A_1960 : vector<1x16xf32> to vector<16xf32>
        %swap3A_1962 = vector.shape_cast %add3A_1833 : vector<16xf32> to vector<1x16xf32>
        tpu.vector_store %arg13[%swap3A_1958, %swap3A_1959], %swap3A_1962 {strides = array<i32>} : memref<16x24xf32, #tpu.memory_space<vmem>>, vector<1x16xf32>,
        %swap3A_1963 = arith.constant 15 : i32
        %swap3A_1964 = arith.index_cast %swap3A_1963 : i32 to index
        %swap3A_1965 = arith.constant 0 : index
        %swap3A_1966 = tpu.vector_load %arg13[%swap3A_1964, %swap3A_1965] {strides = array<i32>} : memref<16x24xf32, #tpu.memory_space<vmem>>, vector<1x16xf32>,
        %swap3A_1967 = vector.shape_cast %swap3A_1966 : vector<1x16xf32> to vector<16xf32>
        %swap3A_1968 = vector.shape_cast %add3A_1944 : vector<16xf32> to vector<1x16xf32>
        tpu.vector_store %arg13[%swap3A_1964, %swap3A_1965], %swap3A_1968 {strides = array<i32>} : memref<16x24xf32, #tpu.memory_space<vmem>>, vector<1x16xf32>,
        %get3A_1969 = arith.constant 0 : i32
        %get3A_1970 = arith.index_cast %get3A_1969 : i32 to index
        %get3A_1971 = arith.constant 8 : index
        %get3A_1972 = tpu.vector_load %arg13[%get3A_1970, %get3A_1971] {strides = array<i32>} : memref<16x24xf32, #tpu.memory_space<vmem>>, vector<1x16xf32>,
        %get3A_1973 = vector.shape_cast %get3A_1972 : vector<1x16xf32> to vector<16xf32>
        %add3A_1974 = arith.addf %add3A_208, %get3A_1973 : vector<16xf32>
        %swap3A_1975 = arith.constant 0 : i32
        %swap3A_1976 = arith.index_cast %swap3A_1975 : i32 to index
        %swap3A_1977 = arith.constant 0 : index
        %swap3A_1978 = tpu.vector_load %arg14[%swap3A_1976, %swap3A_1977] {strides = array<i32>} : memref<16x24xf32, #tpu.memory_space<vmem>>, vector<1x16xf32>,
        %swap3A_1979 = vector.shape_cast %swap3A_1978 : vector<1x16xf32> to vector<16xf32>
        %swap3A_1980 = vector.shape_cast %add3A_1974 : vector<16xf32> to vector<1x16xf32>
        tpu.vector_store %arg14[%swap3A_1976, %swap3A_1977], %swap3A_1980 {strides = array<i32>} : memref<16x24xf32, #tpu.memory_space<vmem>>, vector<1x16xf32>,
        %get3A_1981 = arith.constant 1 : i32
        %get3A_1982 = arith.index_cast %get3A_1981 : i32 to index
        %get3A_1983 = arith.constant 8 : index
        %get3A_1984 = tpu.vector_load %arg13[%get3A_1982, %get3A_1983] {strides = array<i32>} : memref<16x24xf32, #tpu.memory_space<vmem>>, vector<1x16xf32>,
        %get3A_1985 = vector.shape_cast %get3A_1984 : vector<1x16xf32> to vector<16xf32>
        %add3A_1986 = arith.addf %add3A_319, %get3A_1985 : vector<16xf32>
        %swap3A_1987 = arith.constant 1 : i32
        %swap3A_1988 = arith.index_cast %swap3A_1987 : i32 to index
        %swap3A_1989 = arith.constant 0 : index
        %swap3A_1990 = tpu.vector_load %arg14[%swap3A_1988, %swap3A_1989] {strides = array<i32>} : memref<16x24xf32, #tpu.memory_space<vmem>>, vector<1x16xf32>,
        %swap3A_1991 = vector.shape_cast %swap3A_1990 : vector<1x16xf32> to vector<16xf32>
        %swap3A_1992 = vector.shape_cast %add3A_1986 : vector<16xf32> to vector<1x16xf32>
        tpu.vector_store %arg14[%swap3A_1988, %swap3A_1989], %swap3A_1992 {strides = array<i32>} : memref<16x24xf32, #tpu.memory_space<vmem>>, vector<1x16xf32>,
        %get3A_1993 = arith.constant 2 : i32
        %get3A_1994 = arith.index_cast %get3A_1993 : i32 to index
        %get3A_1995 = arith.constant 8 : index
        %get3A_1996 = tpu.vector_load %arg13[%get3A_1994, %get3A_1995] {strides = array<i32>} : memref<16x24xf32, #tpu.memory_space<vmem>>, vector<1x16xf32>,
        %get3A_1997 = vector.shape_cast %get3A_1996 : vector<1x16xf32> to vector<16xf32>
        %add3A_1998 = arith.addf %add3A_430, %get3A_1997 : vector<16xf32>
        %swap3A_1999 = arith.constant 2 : i32
        %swap3A_2000 = arith.index_cast %swap3A_1999 : i32 to index
        %swap3A_2001 = arith.constant 0 : index
        %swap3A_2002 = tpu.vector_load %arg14[%swap3A_2000, %swap3A_2001] {strides = array<i32>} : memref<16x24xf32, #tpu.memory_space<vmem>>, vector<1x16xf32>,
        %swap3A_2003 = vector.shape_cast %swap3A_2002 : vector<1x16xf32> to vector<16xf32>
        %swap3A_2004 = vector.shape_cast %add3A_1998 : vector<16xf32> to vector<1x16xf32>
        tpu.vector_store %arg14[%swap3A_2000, %swap3A_2001], %swap3A_2004 {strides = array<i32>} : memref<16x24xf32, #tpu.memory_space<vmem>>, vector<1x16xf32>,
        %get3A_2005 = arith.constant 3 : i32
        %get3A_2006 = arith.index_cast %get3A_2005 : i32 to index
        %get3A_2007 = arith.constant 8 : index
        %get3A_2008 = tpu.vector_load %arg13[%get3A_2006, %get3A_2007] {strides = array<i32>} : memref<16x24xf32, #tpu.memory_space<vmem>>, vector<1x16xf32>,
        %get3A_2009 = vector.shape_cast %get3A_2008 : vector<1x16xf32> to vector<16xf32>
        %add3A_2010 = arith.addf %add3A_541, %get3A_2009 : vector<16xf32>
        %swap3A_2011 = arith.constant 3 : i32
        %swap3A_2012 = arith.index_cast %swap3A_2011 : i32 to index
        %swap3A_2013 = arith.constant 0 : index
        %swap3A_2014 = tpu.vector_load %arg14[%swap3A_2012, %swap3A_2013] {strides = array<i32>} : memref<16x24xf32, #tpu.memory_space<vmem>>, vector<1x16xf32>,
        %swap3A_2015 = vector.shape_cast %swap3A_2014 : vector<1x16xf32> to vector<16xf32>
        %swap3A_2016 = vector.shape_cast %add3A_2010 : vector<16xf32> to vector<1x16xf32>
        tpu.vector_store %arg14[%swap3A_2012, %swap3A_2013], %swap3A_2016 {strides = array<i32>} : memref<16x24xf32, #tpu.memory_space<vmem>>, vector<1x16xf32>,
        %get3A_2017 = arith.constant 4 : i32
        %get3A_2018 = arith.index_cast %get3A_2017 : i32 to index
        %get3A_2019 = arith.constant 8 : index
        %get3A_2020 = tpu.vector_load %arg13[%get3A_2018, %get3A_2019] {strides = array<i32>} : memref<16x24xf32, #tpu.memory_space<vmem>>, vector<1x16xf32>,
        %get3A_2021 = vector.shape_cast %get3A_2020 : vector<1x16xf32> to vector<16xf32>
        %add3A_2022 = arith.addf %add3A_675, %get3A_2021 : vector<16xf32>
        %swap3A_2023 = arith.constant 4 : i32
        %swap3A_2024 = arith.index_cast %swap3A_2023 : i32 to index
        %swap3A_2025 = arith.constant 0 : index
        %swap3A_2026 = tpu.vector_load %arg14[%swap3A_2024, %swap3A_2025] {strides = array<i32>} : memref<16x24xf32, #tpu.memory_space<vmem>>, vector<1x16xf32>,
        %swap3A_2027 = vector.shape_cast %swap3A_2026 : vector<1x16xf32> to vector<16xf32>
        %swap3A_2028 = vector.shape_cast %add3A_2022 : vector<16xf32> to vector<1x16xf32>
        tpu.vector_store %arg14[%swap3A_2024, %swap3A_2025], %swap3A_2028 {strides = array<i32>} : memref<16x24xf32, #tpu.memory_space<vmem>>, vector<1x16xf32>,
        %get3A_2029 = arith.constant 5 : i32
        %get3A_2030 = arith.index_cast %get3A_2029 : i32 to index
        %get3A_2031 = arith.constant 8 : index
        %get3A_2032 = tpu.vector_load %arg13[%get3A_2030, %get3A_2031] {strides = array<i32>} : memref<16x24xf32, #tpu.memory_space<vmem>>, vector<1x16xf32>,
        %get3A_2033 = vector.shape_cast %get3A_2032 : vector<1x16xf32> to vector<16xf32>
        %add3A_2034 = arith.addf %add3A_786, %get3A_2033 : vector<16xf32>
        %swap3A_2035 = arith.constant 5 : i32
        %swap3A_2036 = arith.index_cast %swap3A_2035 : i32 to index
        %swap3A_2037 = arith.constant 0 : index
        %swap3A_2038 = tpu.vector_load %arg14[%swap3A_2036, %swap3A_2037] {strides = array<i32>} : memref<16x24xf32, #tpu.memory_space<vmem>>, vector<1x16xf32>,
        %swap3A_2039 = vector.shape_cast %swap3A_2038 : vector<1x16xf32> to vector<16xf32>
        %swap3A_2040 = vector.shape_cast %add3A_2034 : vector<16xf32> to vector<1x16xf32>
        tpu.vector_store %arg14[%swap3A_2036, %swap3A_2037], %swap3A_2040 {strides = array<i32>} : memref<16x24xf32, #tpu.memory_space<vmem>>, vector<1x16xf32>,
        %get3A_2041 = arith.constant 6 : i32
        %get3A_2042 = arith.index_cast %get3A_2041 : i32 to index
        %get3A_2043 = arith.constant 8 : index
        %get3A_2044 = tpu.vector_load %arg13[%get3A_2042, %get3A_2043] {strides = array<i32>} : memref<16x24xf32, #tpu.memory_space<vmem>>, vector<1x16xf32>,
        %get3A_2045 = vector.shape_cast %get3A_2044 : vector<1x16xf32> to vector<16xf32>
        %add3A_2046 = arith.addf %add3A_897, %get3A_2045 : vector<16xf32>
        %swap3A_2047 = arith.constant 6 : i32
        %swap3A_2048 = arith.index_cast %swap3A_2047 : i32 to index
        %swap3A_2049 = arith.constant 0 : index
        %swap3A_2050 = tpu.vector_load %arg14[%swap3A_2048, %swap3A_2049] {strides = array<i32>} : memref<16x24xf32, #tpu.memory_space<vmem>>, vector<1x16xf32>,
        %swap3A_2051 = vector.shape_cast %swap3A_2050 : vector<1x16xf32> to vector<16xf32>
        %swap3A_2052 = vector.shape_cast %add3A_2046 : vector<16xf32> to vector<1x16xf32>
        tpu.vector_store %arg14[%swap3A_2048, %swap3A_2049], %swap3A_2052 {strides = array<i32>} : memref<16x24xf32, #tpu.memory_space<vmem>>, vector<1x16xf32>,
        %get3A_2053 = arith.constant 7 : i32
        %get3A_2054 = arith.index_cast %get3A_2053 : i32 to index
        %get3A_2055 = arith.constant 8 : index
        %get3A_2056 = tpu.vector_load %arg13[%get3A_2054, %get3A_2055] {strides = array<i32>} : memref<16x24xf32, #tpu.memory_space<vmem>>, vector<1x16xf32>,
        %get3A_2057 = vector.shape_cast %get3A_2056 : vector<1x16xf32> to vector<16xf32>
        %add3A_2058 = arith.addf %add3A_1008, %get3A_2057 : vector<16xf32>
        %swap3A_2059 = arith.constant 7 : i32
        %swap3A_2060 = arith.index_cast %swap3A_2059 : i32 to index
        %swap3A_2061 = arith.constant 0 : index
        %swap3A_2062 = tpu.vector_load %arg14[%swap3A_2060, %swap3A_2061] {strides = array<i32>} : memref<16x24xf32, #tpu.memory_space<vmem>>, vector<1x16xf32>,
        %swap3A_2063 = vector.shape_cast %swap3A_2062 : vector<1x16xf32> to vector<16xf32>
        %swap3A_2064 = vector.shape_cast %add3A_2058 : vector<16xf32> to vector<1x16xf32>
        tpu.vector_store %arg14[%swap3A_2060, %swap3A_2061], %swap3A_2064 {strides = array<i32>} : memref<16x24xf32, #tpu.memory_space<vmem>>, vector<1x16xf32>,
        %get3A_2065 = arith.constant 8 : i32
        %get3A_2066 = arith.index_cast %get3A_2065 : i32 to index
        %get3A_2067 = arith.constant 8 : index
        %get3A_2068 = tpu.vector_load %arg13[%get3A_2066, %get3A_2067] {strides = array<i32>} : memref<16x24xf32, #tpu.memory_space<vmem>>, vector<1x16xf32>,
        %get3A_2069 = vector.shape_cast %get3A_2068 : vector<1x16xf32> to vector<16xf32>
        %add3A_2070 = arith.addf %add3A_1143, %get3A_2069 : vector<16xf32>
        %swap3A_2071 = arith.constant 8 : i32
        %swap3A_2072 = arith.index_cast %swap3A_2071 : i32 to index
        %swap3A_2073 = arith.constant 0 : index
        %swap3A_2074 = tpu.vector_load %arg14[%swap3A_2072, %swap3A_2073] {strides = array<i32>} : memref<16x24xf32, #tpu.memory_space<vmem>>, vector<1x16xf32>,
        %swap3A_2075 = vector.shape_cast %swap3A_2074 : vector<1x16xf32> to vector<16xf32>
        %swap3A_2076 = vector.shape_cast %add3A_2070 : vector<16xf32> to vector<1x16xf32>
        tpu.vector_store %arg14[%swap3A_2072, %swap3A_2073], %swap3A_2076 {strides = array<i32>} : memref<16x24xf32, #tpu.memory_space<vmem>>, vector<1x16xf32>,
        %get3A_2077 = arith.constant 9 : i32
        %get3A_2078 = arith.index_cast %get3A_2077 : i32 to index
        %get3A_2079 = arith.constant 8 : index
        %get3A_2080 = tpu.vector_load %arg13[%get3A_2078, %get3A_2079] {strides = array<i32>} : memref<16x24xf32, #tpu.memory_space<vmem>>, vector<1x16xf32>,
        %get3A_2081 = vector.shape_cast %get3A_2080 : vector<1x16xf32> to vector<16xf32>
        %add3A_2082 = arith.addf %add3A_1254, %get3A_2081 : vector<16xf32>
        %swap3A_2083 = arith.constant 9 : i32
        %swap3A_2084 = arith.index_cast %swap3A_2083 : i32 to index
        %swap3A_2085 = arith.constant 0 : index
        %swap3A_2086 = tpu.vector_load %arg14[%swap3A_2084, %swap3A_2085] {strides = array<i32>} : memref<16x24xf32, #tpu.memory_space<vmem>>, vector<1x16xf32>,
        %swap3A_2087 = vector.shape_cast %swap3A_2086 : vector<1x16xf32> to vector<16xf32>
        %swap3A_2088 = vector.shape_cast %add3A_2082 : vector<16xf32> to vector<1x16xf32>
        tpu.vector_store %arg14[%swap3A_2084, %swap3A_2085], %swap3A_2088 {strides = array<i32>} : memref<16x24xf32, #tpu.memory_space<vmem>>, vector<1x16xf32>,
        %get3A_2089 = arith.constant 10 : i32
        %get3A_2090 = arith.index_cast %get3A_2089 : i32 to index
        %get3A_2091 = arith.constant 8 : index
        %get3A_2092 = tpu.vector_load %arg13[%get3A_2090, %get3A_2091] {strides = array<i32>} : memref<16x24xf32, #tpu.memory_space<vmem>>, vector<1x16xf32>,
        %get3A_2093 = vector.shape_cast %get3A_2092 : vector<1x16xf32> to vector<16xf32>
        %add3A_2094 = arith.addf %add3A_1365, %get3A_2093 : vector<16xf32>
        %swap3A_2095 = arith.constant 10 : i32
        %swap3A_2096 = arith.index_cast %swap3A_2095 : i32 to index
        %swap3A_2097 = arith.constant 0 : index
        %swap3A_2098 = tpu.vector_load %arg14[%swap3A_2096, %swap3A_2097] {strides = array<i32>} : memref<16x24xf32, #tpu.memory_space<vmem>>, vector<1x16xf32>,
        %swap3A_2099 = vector.shape_cast %swap3A_2098 : vector<1x16xf32> to vector<16xf32>
        %swap3A_2100 = vector.shape_cast %add3A_2094 : vector<16xf32> to vector<1x16xf32>
        tpu.vector_store %arg14[%swap3A_2096, %swap3A_2097], %swap3A_2100 {strides = array<i32>} : memref<16x24xf32, #tpu.memory_space<vmem>>, vector<1x16xf32>,
        %get3A_2101 = arith.constant 11 : i32
        %get3A_2102 = arith.index_cast %get3A_2101 : i32 to index
        %get3A_2103 = arith.constant 8 : index
        %get3A_2104 = tpu.vector_load %arg13[%get3A_2102, %get3A_2103] {strides = array<i32>} : memref<16x24xf32, #tpu.memory_space<vmem>>, vector<1x16xf32>,
        %get3A_2105 = vector.shape_cast %get3A_2104 : vector<1x16xf32> to vector<16xf32>
        %add3A_2106 = arith.addf %add3A_1476, %get3A_2105 : vector<16xf32>
        %swap3A_2107 = arith.constant 11 : i32
        %swap3A_2108 = arith.index_cast %swap3A_2107 : i32 to index
        %swap3A_2109 = arith.constant 0 : index
        %swap3A_2110 = tpu.vector_load %arg14[%swap3A_2108, %swap3A_2109] {strides = array<i32>} : memref<16x24xf32, #tpu.memory_space<vmem>>, vector<1x16xf32>,
        %swap3A_2111 = vector.shape_cast %swap3A_2110 : vector<1x16xf32> to vector<16xf32>
        %swap3A_2112 = vector.shape_cast %add3A_2106 : vector<16xf32> to vector<1x16xf32>
        tpu.vector_store %arg14[%swap3A_2108, %swap3A_2109], %swap3A_2112 {strides = array<i32>} : memref<16x24xf32, #tpu.memory_space<vmem>>, vector<1x16xf32>,
        %get3A_2113 = arith.constant 12 : i32
        %get3A_2114 = arith.index_cast %get3A_2113 : i32 to index
        %get3A_2115 = arith.constant 8 : index
        %get3A_2116 = tpu.vector_load %arg13[%get3A_2114, %get3A_2115] {strides = array<i32>} : memref<16x24xf32, #tpu.memory_space<vmem>>, vector<1x16xf32>,
        %get3A_2117 = vector.shape_cast %get3A_2116 : vector<1x16xf32> to vector<16xf32>
        %add3A_2118 = arith.addf %add3A_1611, %get3A_2117 : vector<16xf32>
        %swap3A_2119 = arith.constant 12 : i32
        %swap3A_2120 = arith.index_cast %swap3A_2119 : i32 to index
        %swap3A_2121 = arith.constant 0 : index
        %swap3A_2122 = tpu.vector_load %arg14[%swap3A_2120, %swap3A_2121] {strides = array<i32>} : memref<16x24xf32, #tpu.memory_space<vmem>>, vector<1x16xf32>,
        %swap3A_2123 = vector.shape_cast %swap3A_2122 : vector<1x16xf32> to vector<16xf32>
        %swap3A_2124 = vector.shape_cast %add3A_2118 : vector<16xf32> to vector<1x16xf32>
        tpu.vector_store %arg14[%swap3A_2120, %swap3A_2121], %swap3A_2124 {strides = array<i32>} : memref<16x24xf32, #tpu.memory_space<vmem>>, vector<1x16xf32>,
        %get3A_2125 = arith.constant 13 : i32
        %get3A_2126 = arith.index_cast %get3A_2125 : i32 to index
        %get3A_2127 = arith.constant 8 : index
        %get3A_2128 = tpu.vector_load %arg13[%get3A_2126, %get3A_2127] {strides = array<i32>} : memref<16x24xf32, #tpu.memory_space<vmem>>, vector<1x16xf32>,
        %get3A_2129 = vector.shape_cast %get3A_2128 : vector<1x16xf32> to vector<16xf32>
        %add3A_2130 = arith.addf %add3A_1722, %get3A_2129 : vector<16xf32>
        %swap3A_2131 = arith.constant 13 : i32
        %swap3A_2132 = arith.index_cast %swap3A_2131 : i32 to index
        %swap3A_2133 = arith.constant 0 : index
        %swap3A_2134 = tpu.vector_load %arg14[%swap3A_2132, %swap3A_2133] {strides = array<i32>} : memref<16x24xf32, #tpu.memory_space<vmem>>, vector<1x16xf32>,
        %swap3A_2135 = vector.shape_cast %swap3A_2134 : vector<1x16xf32> to vector<16xf32>
        %swap3A_2136 = vector.shape_cast %add3A_2130 : vector<16xf32> to vector<1x16xf32>
        tpu.vector_store %arg14[%swap3A_2132, %swap3A_2133], %swap3A_2136 {strides = array<i32>} : memref<16x24xf32, #tpu.memory_space<vmem>>, vector<1x16xf32>,
        %get3A_2137 = arith.constant 14 : i32
        %get3A_2138 = arith.index_cast %get3A_2137 : i32 to index
        %get3A_2139 = arith.constant 8 : index
        %get3A_2140 = tpu.vector_load %arg13[%get3A_2138, %get3A_2139] {strides = array<i32>} : memref<16x24xf32, #tpu.memory_space<vmem>>, vector<1x16xf32>,
        %get3A_2141 = vector.shape_cast %get3A_2140 : vector<1x16xf32> to vector<16xf32>
        %add3A_2142 = arith.addf %add3A_1833, %get3A_2141 : vector<16xf32>
        %swap3A_2143 = arith.constant 14 : i32
        %swap3A_2144 = arith.index_cast %swap3A_2143 : i32 to index
        %swap3A_2145 = arith.constant 0 : index
        %swap3A_2146 = tpu.vector_load %arg14[%swap3A_2144, %swap3A_2145] {strides = array<i32>} : memref<16x24xf32, #tpu.memory_space<vmem>>, vector<1x16xf32>,
        %swap3A_2147 = vector.shape_cast %swap3A_2146 : vector<1x16xf32> to vector<16xf32>
        %swap3A_2148 = vector.shape_cast %add3A_2142 : vector<16xf32> to vector<1x16xf32>
        tpu.vector_store %arg14[%swap3A_2144, %swap3A_2145], %swap3A_2148 {strides = array<i32>} : memref<16x24xf32, #tpu.memory_space<vmem>>, vector<1x16xf32>,
        %get3A_2149 = arith.constant 15 : i32
        %get3A_2150 = arith.index_cast %get3A_2149 : i32 to index
        %get3A_2151 = arith.constant 8 : index
        %get3A_2152 = tpu.vector_load %arg13[%get3A_2150, %get3A_2151] {strides = array<i32>} : memref<16x24xf32, #tpu.memory_space<vmem>>, vector<1x16xf32>,
        %get3A_2153 = vector.shape_cast %get3A_2152 : vector<1x16xf32> to vector<16xf32>
        %add3A_2154 = arith.addf %add3A_1944, %get3A_2153 : vector<16xf32>
        %swap3A_2155 = arith.constant 15 : i32
        %swap3A_2156 = arith.index_cast %swap3A_2155 : i32 to index
        %swap3A_2157 = arith.constant 0 : index
        %swap3A_2158 = tpu.vector_load %arg14[%swap3A_2156, %swap3A_2157] {strides = array<i32>} : memref<16x24xf32, #tpu.memory_space<vmem>>, vector<1x16xf32>,
        %swap3A_2159 = vector.shape_cast %swap3A_2158 : vector<1x16xf32> to vector<16xf32>
        %swap3A_2160 = vector.shape_cast %add3A_2154 : vector<16xf32> to vector<1x16xf32>
        tpu.vector_store %arg14[%swap3A_2156, %swap3A_2157], %swap3A_2160 {strides = array<i32>} : memref<16x24xf32, #tpu.memory_space<vmem>>, vector<1x16xf32>,
        %get3A_2161 = arith.constant 0 : i32
        %get3A_2162 = arith.index_cast %get3A_2161 : i32 to index
        %get3A_2163 = arith.constant 4 : index
        %get3A_2164 = tpu.vector_load %arg14[%get3A_2162, %get3A_2163] {strides = array<i32>} : memref<16x24xf32, #tpu.memory_space<vmem>>, vector<1x16xf32>,
        %get3A_2165 = vector.shape_cast %get3A_2164 : vector<1x16xf32> to vector<16xf32>
        %add3A_2166 = arith.addf %add3A_1974, %get3A_2165 : vector<16xf32>
        %swap3A_2167 = arith.constant 0 : i32
        %swap3A_2168 = arith.index_cast %swap3A_2167 : i32 to index
        %swap3A_2169 = arith.constant 0 : index
        %swap3A_2170 = tpu.vector_load %arg15[%swap3A_2168, %swap3A_2169] {strides = array<i32>} : memref<16x24xf32, #tpu.memory_space<vmem>>, vector<1x16xf32>,
        %swap3A_2171 = vector.shape_cast %swap3A_2170 : vector<1x16xf32> to vector<16xf32>
        %swap3A_2172 = vector.shape_cast %add3A_2166 : vector<16xf32> to vector<1x16xf32>
        tpu.vector_store %arg15[%swap3A_2168, %swap3A_2169], %swap3A_2172 {strides = array<i32>} : memref<16x24xf32, #tpu.memory_space<vmem>>, vector<1x16xf32>,
        %get3A_2173 = arith.constant 1 : i32
        %get3A_2174 = arith.index_cast %get3A_2173 : i32 to index
        %get3A_2175 = arith.constant 4 : index
        %get3A_2176 = tpu.vector_load %arg14[%get3A_2174, %get3A_2175] {strides = array<i32>} : memref<16x24xf32, #tpu.memory_space<vmem>>, vector<1x16xf32>,
        %get3A_2177 = vector.shape_cast %get3A_2176 : vector<1x16xf32> to vector<16xf32>
        %add3A_2178 = arith.addf %add3A_1986, %get3A_2177 : vector<16xf32>
        %swap3A_2179 = arith.constant 1 : i32
        %swap3A_2180 = arith.index_cast %swap3A_2179 : i32 to index
        %swap3A_2181 = arith.constant 0 : index
        %swap3A_2182 = tpu.vector_load %arg15[%swap3A_2180, %swap3A_2181] {strides = array<i32>} : memref<16x24xf32, #tpu.memory_space<vmem>>, vector<1x16xf32>,
        %swap3A_2183 = vector.shape_cast %swap3A_2182 : vector<1x16xf32> to vector<16xf32>
        %swap3A_2184 = vector.shape_cast %add3A_2178 : vector<16xf32> to vector<1x16xf32>
        tpu.vector_store %arg15[%swap3A_2180, %swap3A_2181], %swap3A_2184 {strides = array<i32>} : memref<16x24xf32, #tpu.memory_space<vmem>>, vector<1x16xf32>,
        %get3A_2185 = arith.constant 2 : i32
        %get3A_2186 = arith.index_cast %get3A_2185 : i32 to index
        %get3A_2187 = arith.constant 4 : index
        %get3A_2188 = tpu.vector_load %arg14[%get3A_2186, %get3A_2187] {strides = array<i32>} : memref<16x24xf32, #tpu.memory_space<vmem>>, vector<1x16xf32>,
        %get3A_2189 = vector.shape_cast %get3A_2188 : vector<1x16xf32> to vector<16xf32>
        %add3A_2190 = arith.addf %add3A_1998, %get3A_2189 : vector<16xf32>
        %swap3A_2191 = arith.constant 2 : i32
        %swap3A_2192 = arith.index_cast %swap3A_2191 : i32 to index
        %swap3A_2193 = arith.constant 0 : index
        %swap3A_2194 = tpu.vector_load %arg15[%swap3A_2192, %swap3A_2193] {strides = array<i32>} : memref<16x24xf32, #tpu.memory_space<vmem>>, vector<1x16xf32>,
        %swap3A_2195 = vector.shape_cast %swap3A_2194 : vector<1x16xf32> to vector<16xf32>
        %swap3A_2196 = vector.shape_cast %add3A_2190 : vector<16xf32> to vector<1x16xf32>
        tpu.vector_store %arg15[%swap3A_2192, %swap3A_2193], %swap3A_2196 {strides = array<i32>} : memref<16x24xf32, #tpu.memory_space<vmem>>, vector<1x16xf32>,
        %get3A_2197 = arith.constant 3 : i32
        %get3A_2198 = arith.index_cast %get3A_2197 : i32 to index
        %get3A_2199 = arith.constant 4 : index
        %get3A_2200 = tpu.vector_load %arg14[%get3A_2198, %get3A_2199] {strides = array<i32>} : memref<16x24xf32, #tpu.memory_space<vmem>>, vector<1x16xf32>,
        %get3A_2201 = vector.shape_cast %get3A_2200 : vector<1x16xf32> to vector<16xf32>
        %add3A_2202 = arith.addf %add3A_2010, %get3A_2201 : vector<16xf32>
        %swap3A_2203 = arith.constant 3 : i32
        %swap3A_2204 = arith.index_cast %swap3A_2203 : i32 to index
        %swap3A_2205 = arith.constant 0 : index
        %swap3A_2206 = tpu.vector_load %arg15[%swap3A_2204, %swap3A_2205] {strides = array<i32>} : memref<16x24xf32, #tpu.memory_space<vmem>>, vector<1x16xf32>,
        %swap3A_2207 = vector.shape_cast %swap3A_2206 : vector<1x16xf32> to vector<16xf32>
        %swap3A_2208 = vector.shape_cast %add3A_2202 : vector<16xf32> to vector<1x16xf32>
        tpu.vector_store %arg15[%swap3A_2204, %swap3A_2205], %swap3A_2208 {strides = array<i32>} : memref<16x24xf32, #tpu.memory_space<vmem>>, vector<1x16xf32>,
        %get3A_2209 = arith.constant 4 : i32
        %get3A_2210 = arith.index_cast %get3A_2209 : i32 to index
        %get3A_2211 = arith.constant 4 : index
        %get3A_2212 = tpu.vector_load %arg14[%get3A_2210, %get3A_2211] {strides = array<i32>} : memref<16x24xf32, #tpu.memory_space<vmem>>, vector<1x16xf32>,
        %get3A_2213 = vector.shape_cast %get3A_2212 : vector<1x16xf32> to vector<16xf32>
        %add3A_2214 = arith.addf %add3A_2022, %get3A_2213 : vector<16xf32>
        %swap3A_2215 = arith.constant 4 : i32
        %swap3A_2216 = arith.index_cast %swap3A_2215 : i32 to index
        %swap3A_2217 = arith.constant 0 : index
        %swap3A_2218 = tpu.vector_load %arg15[%swap3A_2216, %swap3A_2217] {strides = array<i32>} : memref<16x24xf32, #tpu.memory_space<vmem>>, vector<1x16xf32>,
        %swap3A_2219 = vector.shape_cast %swap3A_2218 : vector<1x16xf32> to vector<16xf32>
        %swap3A_2220 = vector.shape_cast %add3A_2214 : vector<16xf32> to vector<1x16xf32>
        tpu.vector_store %arg15[%swap3A_2216, %swap3A_2217], %swap3A_2220 {strides = array<i32>} : memref<16x24xf32, #tpu.memory_space<vmem>>, vector<1x16xf32>,
        %get3A_2221 = arith.constant 5 : i32
        %get3A_2222 = arith.index_cast %get3A_2221 : i32 to index
        %get3A_2223 = arith.constant 4 : index
        %get3A_2224 = tpu.vector_load %arg14[%get3A_2222, %get3A_2223] {strides = array<i32>} : memref<16x24xf32, #tpu.memory_space<vmem>>, vector<1x16xf32>,
        %get3A_2225 = vector.shape_cast %get3A_2224 : vector<1x16xf32> to vector<16xf32>
        %add3A_2226 = arith.addf %add3A_2034, %get3A_2225 : vector<16xf32>
        %swap3A_2227 = arith.constant 5 : i32
        %swap3A_2228 = arith.index_cast %swap3A_2227 : i32 to index
        %swap3A_2229 = arith.constant 0 : index
        %swap3A_2230 = tpu.vector_load %arg15[%swap3A_2228, %swap3A_2229] {strides = array<i32>} : memref<16x24xf32, #tpu.memory_space<vmem>>, vector<1x16xf32>,
        %swap3A_2231 = vector.shape_cast %swap3A_2230 : vector<1x16xf32> to vector<16xf32>
        %swap3A_2232 = vector.shape_cast %add3A_2226 : vector<16xf32> to vector<1x16xf32>
        tpu.vector_store %arg15[%swap3A_2228, %swap3A_2229], %swap3A_2232 {strides = array<i32>} : memref<16x24xf32, #tpu.memory_space<vmem>>, vector<1x16xf32>,
        %get3A_2233 = arith.constant 6 : i32
        %get3A_2234 = arith.index_cast %get3A_2233 : i32 to index
        %get3A_2235 = arith.constant 4 : index
        %get3A_2236 = tpu.vector_load %arg14[%get3A_2234, %get3A_2235] {strides = array<i32>} : memref<16x24xf32, #tpu.memory_space<vmem>>, vector<1x16xf32>,
        %get3A_2237 = vector.shape_cast %get3A_2236 : vector<1x16xf32> to vector<16xf32>
        %add3A_2238 = arith.addf %add3A_2046, %get3A_2237 : vector<16xf32>
        %swap3A_2239 = arith.constant 6 : i32
        %swap3A_2240 = arith.index_cast %swap3A_2239 : i32 to index
        %swap3A_2241 = arith.constant 0 : index
        %swap3A_2242 = tpu.vector_load %arg15[%swap3A_2240, %swap3A_2241] {strides = array<i32>} : memref<16x24xf32, #tpu.memory_space<vmem>>, vector<1x16xf32>,
        %swap3A_2243 = vector.shape_cast %swap3A_2242 : vector<1x16xf32> to vector<16xf32>
        %swap3A_2244 = vector.shape_cast %add3A_2238 : vector<16xf32> to vector<1x16xf32>
        tpu.vector_store %arg15[%swap3A_2240, %swap3A_2241], %swap3A_2244 {strides = array<i32>} : memref<16x24xf32, #tpu.memory_space<vmem>>, vector<1x16xf32>,
        %get3A_2245 = arith.constant 7 : i32
        %get3A_2246 = arith.index_cast %get3A_2245 : i32 to index
        %get3A_2247 = arith.constant 4 : index
        %get3A_2248 = tpu.vector_load %arg14[%get3A_2246, %get3A_2247] {strides = array<i32>} : memref<16x24xf32, #tpu.memory_space<vmem>>, vector<1x16xf32>,
        %get3A_2249 = vector.shape_cast %get3A_2248 : vector<1x16xf32> to vector<16xf32>
        %add3A_2250 = arith.addf %add3A_2058, %get3A_2249 : vector<16xf32>
        %swap3A_2251 = arith.constant 7 : i32
        %swap3A_2252 = arith.index_cast %swap3A_2251 : i32 to index
        %swap3A_2253 = arith.constant 0 : index
        %swap3A_2254 = tpu.vector_load %arg15[%swap3A_2252, %swap3A_2253] {strides = array<i32>} : memref<16x24xf32, #tpu.memory_space<vmem>>, vector<1x16xf32>,
        %swap3A_2255 = vector.shape_cast %swap3A_2254 : vector<1x16xf32> to vector<16xf32>
        %swap3A_2256 = vector.shape_cast %add3A_2250 : vector<16xf32> to vector<1x16xf32>
        tpu.vector_store %arg15[%swap3A_2252, %swap3A_2253], %swap3A_2256 {strides = array<i32>} : memref<16x24xf32, #tpu.memory_space<vmem>>, vector<1x16xf32>,
        %get3A_2257 = arith.constant 8 : i32
        %get3A_2258 = arith.index_cast %get3A_2257 : i32 to index
        %get3A_2259 = arith.constant 4 : index
        %get3A_2260 = tpu.vector_load %arg14[%get3A_2258, %get3A_2259] {strides = array<i32>} : memref<16x24xf32, #tpu.memory_space<vmem>>, vector<1x16xf32>,
        %get3A_2261 = vector.shape_cast %get3A_2260 : vector<1x16xf32> to vector<16xf32>
        %add3A_2262 = arith.addf %add3A_2070, %get3A_2261 : vector<16xf32>
        %swap3A_2263 = arith.constant 8 : i32
        %swap3A_2264 = arith.index_cast %swap3A_2263 : i32 to index
        %swap3A_2265 = arith.constant 0 : index
        %swap3A_2266 = tpu.vector_load %arg15[%swap3A_2264, %swap3A_2265] {strides = array<i32>} : memref<16x24xf32, #tpu.memory_space<vmem>>, vector<1x16xf32>,
        %swap3A_2267 = vector.shape_cast %swap3A_2266 : vector<1x16xf32> to vector<16xf32>
        %swap3A_2268 = vector.shape_cast %add3A_2262 : vector<16xf32> to vector<1x16xf32>
        tpu.vector_store %arg15[%swap3A_2264, %swap3A_2265], %swap3A_2268 {strides = array<i32>} : memref<16x24xf32, #tpu.memory_space<vmem>>, vector<1x16xf32>,
        %get3A_2269 = arith.constant 9 : i32
        %get3A_2270 = arith.index_cast %get3A_2269 : i32 to index
        %get3A_2271 = arith.constant 4 : index
        %get3A_2272 = tpu.vector_load %arg14[%get3A_2270, %get3A_2271] {strides = array<i32>} : memref<16x24xf32, #tpu.memory_space<vmem>>, vector<1x16xf32>,
        %get3A_2273 = vector.shape_cast %get3A_2272 : vector<1x16xf32> to vector<16xf32>
        %add3A_2274 = arith.addf %add3A_2082, %get3A_2273 : vector<16xf32>
        %swap3A_2275 = arith.constant 9 : i32
        %swap3A_2276 = arith.index_cast %swap3A_2275 : i32 to index
        %swap3A_2277 = arith.constant 0 : index
        %swap3A_2278 = tpu.vector_load %arg15[%swap3A_2276, %swap3A_2277] {strides = array<i32>} : memref<16x24xf32, #tpu.memory_space<vmem>>, vector<1x16xf32>,
        %swap3A_2279 = vector.shape_cast %swap3A_2278 : vector<1x16xf32> to vector<16xf32>
        %swap3A_2280 = vector.shape_cast %add3A_2274 : vector<16xf32> to vector<1x16xf32>
        tpu.vector_store %arg15[%swap3A_2276, %swap3A_2277], %swap3A_2280 {strides = array<i32>} : memref<16x24xf32, #tpu.memory_space<vmem>>, vector<1x16xf32>,
        %get3A_2281 = arith.constant 10 : i32
        %get3A_2282 = arith.index_cast %get3A_2281 : i32 to index
        %get3A_2283 = arith.constant 4 : index
        %get3A_2284 = tpu.vector_load %arg14[%get3A_2282, %get3A_2283] {strides = array<i32>} : memref<16x24xf32, #tpu.memory_space<vmem>>, vector<1x16xf32>,
        %get3A_2285 = vector.shape_cast %get3A_2284 : vector<1x16xf32> to vector<16xf32>
        %add3A_2286 = arith.addf %add3A_2094, %get3A_2285 : vector<16xf32>
        %swap3A_2287 = arith.constant 10 : i32
        %swap3A_2288 = arith.index_cast %swap3A_2287 : i32 to index
        %swap3A_2289 = arith.constant 0 : index
        %swap3A_2290 = tpu.vector_load %arg15[%swap3A_2288, %swap3A_2289] {strides = array<i32>} : memref<16x24xf32, #tpu.memory_space<vmem>>, vector<1x16xf32>,
        %swap3A_2291 = vector.shape_cast %swap3A_2290 : vector<1x16xf32> to vector<16xf32>
        %swap3A_2292 = vector.shape_cast %add3A_2286 : vector<16xf32> to vector<1x16xf32>
        tpu.vector_store %arg15[%swap3A_2288, %swap3A_2289], %swap3A_2292 {strides = array<i32>} : memref<16x24xf32, #tpu.memory_space<vmem>>, vector<1x16xf32>,
        %get3A_2293 = arith.constant 11 : i32
        %get3A_2294 = arith.index_cast %get3A_2293 : i32 to index
        %get3A_2295 = arith.constant 4 : index
        %get3A_2296 = tpu.vector_load %arg14[%get3A_2294, %get3A_2295] {strides = array<i32>} : memref<16x24xf32, #tpu.memory_space<vmem>>, vector<1x16xf32>,
        %get3A_2297 = vector.shape_cast %get3A_2296 : vector<1x16xf32> to vector<16xf32>
        %add3A_2298 = arith.addf %add3A_2106, %get3A_2297 : vector<16xf32>
        %swap3A_2299 = arith.constant 11 : i32
        %swap3A_2300 = arith.index_cast %swap3A_2299 : i32 to index
        %swap3A_2301 = arith.constant 0 : index
        %swap3A_2302 = tpu.vector_load %arg15[%swap3A_2300, %swap3A_2301] {strides = array<i32>} : memref<16x24xf32, #tpu.memory_space<vmem>>, vector<1x16xf32>,
        %swap3A_2303 = vector.shape_cast %swap3A_2302 : vector<1x16xf32> to vector<16xf32>
        %swap3A_2304 = vector.shape_cast %add3A_2298 : vector<16xf32> to vector<1x16xf32>
        tpu.vector_store %arg15[%swap3A_2300, %swap3A_2301], %swap3A_2304 {strides = array<i32>} : memref<16x24xf32, #tpu.memory_space<vmem>>, vector<1x16xf32>,
        %get3A_2305 = arith.constant 12 : i32
        %get3A_2306 = arith.index_cast %get3A_2305 : i32 to index
        %get3A_2307 = arith.constant 4 : index
        %get3A_2308 = tpu.vector_load %arg14[%get3A_2306, %get3A_2307] {strides = array<i32>} : memref<16x24xf32, #tpu.memory_space<vmem>>, vector<1x16xf32>,
        %get3A_2309 = vector.shape_cast %get3A_2308 : vector<1x16xf32> to vector<16xf32>
        %add3A_2310 = arith.addf %add3A_2118, %get3A_2309 : vector<16xf32>
        %swap3A_2311 = arith.constant 12 : i32
        %swap3A_2312 = arith.index_cast %swap3A_2311 : i32 to index
        %swap3A_2313 = arith.constant 0 : index
        %swap3A_2314 = tpu.vector_load %arg15[%swap3A_2312, %swap3A_2313] {strides = array<i32>} : memref<16x24xf32, #tpu.memory_space<vmem>>, vector<1x16xf32>,
        %swap3A_2315 = vector.shape_cast %swap3A_2314 : vector<1x16xf32> to vector<16xf32>
        %swap3A_2316 = vector.shape_cast %add3A_2310 : vector<16xf32> to vector<1x16xf32>
        tpu.vector_store %arg15[%swap3A_2312, %swap3A_2313], %swap3A_2316 {strides = array<i32>} : memref<16x24xf32, #tpu.memory_space<vmem>>, vector<1x16xf32>,
        %get3A_2317 = arith.constant 13 : i32
        %get3A_2318 = arith.index_cast %get3A_2317 : i32 to index
        %get3A_2319 = arith.constant 4 : index
        %get3A_2320 = tpu.vector_load %arg14[%get3A_2318, %get3A_2319] {strides = array<i32>} : memref<16x24xf32, #tpu.memory_space<vmem>>, vector<1x16xf32>,
        %get3A_2321 = vector.shape_cast %get3A_2320 : vector<1x16xf32> to vector<16xf32>
        %add3A_2322 = arith.addf %add3A_2130, %get3A_2321 : vector<16xf32>
        %swap3A_2323 = arith.constant 13 : i32
        %swap3A_2324 = arith.index_cast %swap3A_2323 : i32 to index
        %swap3A_2325 = arith.constant 0 : index
        %swap3A_2326 = tpu.vector_load %arg15[%swap3A_2324, %swap3A_2325] {strides = array<i32>} : memref<16x24xf32, #tpu.memory_space<vmem>>, vector<1x16xf32>,
        %swap3A_2327 = vector.shape_cast %swap3A_2326 : vector<1x16xf32> to vector<16xf32>
        %swap3A_2328 = vector.shape_cast %add3A_2322 : vector<16xf32> to vector<1x16xf32>
        tpu.vector_store %arg15[%swap3A_2324, %swap3A_2325], %swap3A_2328 {strides = array<i32>} : memref<16x24xf32, #tpu.memory_space<vmem>>, vector<1x16xf32>,
        %get3A_2329 = arith.constant 14 : i32
        %get3A_2330 = arith.index_cast %get3A_2329 : i32 to index
        %get3A_2331 = arith.constant 4 : index
        %get3A_2332 = tpu.vector_load %arg14[%get3A_2330, %get3A_2331] {strides = array<i32>} : memref<16x24xf32, #tpu.memory_space<vmem>>, vector<1x16xf32>,
        %get3A_2333 = vector.shape_cast %get3A_2332 : vector<1x16xf32> to vector<16xf32>
        %add3A_2334 = arith.addf %add3A_2142, %get3A_2333 : vector<16xf32>
        %swap3A_2335 = arith.constant 14 : i32
        %swap3A_2336 = arith.index_cast %swap3A_2335 : i32 to index
        %swap3A_2337 = arith.constant 0 : index
        %swap3A_2338 = tpu.vector_load %arg15[%swap3A_2336, %swap3A_2337] {strides = array<i32>} : memref<16x24xf32, #tpu.memory_space<vmem>>, vector<1x16xf32>,
        %swap3A_2339 = vector.shape_cast %swap3A_2338 : vector<1x16xf32> to vector<16xf32>
        %swap3A_2340 = vector.shape_cast %add3A_2334 : vector<16xf32> to vector<1x16xf32>
        tpu.vector_store %arg15[%swap3A_2336, %swap3A_2337], %swap3A_2340 {strides = array<i32>} : memref<16x24xf32, #tpu.memory_space<vmem>>, vector<1x16xf32>,
        %get3A_2341 = arith.constant 15 : i32
        %get3A_2342 = arith.index_cast %get3A_2341 : i32 to index
        %get3A_2343 = arith.constant 4 : index
        %get3A_2344 = tpu.vector_load %arg14[%get3A_2342, %get3A_2343] {strides = array<i32>} : memref<16x24xf32, #tpu.memory_space<vmem>>, vector<1x16xf32>,
        %get3A_2345 = vector.shape_cast %get3A_2344 : vector<1x16xf32> to vector<16xf32>
        %add3A_2346 = arith.addf %add3A_2154, %get3A_2345 : vector<16xf32>
        %swap3A_2347 = arith.constant 15 : i32
        %swap3A_2348 = arith.index_cast %swap3A_2347 : i32 to index
        %swap3A_2349 = arith.constant 0 : index
        %swap3A_2350 = tpu.vector_load %arg15[%swap3A_2348, %swap3A_2349] {strides = array<i32>} : memref<16x24xf32, #tpu.memory_space<vmem>>, vector<1x16xf32>,
        %swap3A_2351 = vector.shape_cast %swap3A_2350 : vector<1x16xf32> to vector<16xf32>
        %swap3A_2352 = vector.shape_cast %add3A_2346 : vector<16xf32> to vector<1x16xf32>
        tpu.vector_store %arg15[%swap3A_2348, %swap3A_2349], %swap3A_2352 {strides = array<i32>} : memref<16x24xf32, #tpu.memory_space<vmem>>, vector<1x16xf32>,
        %get3A_2353 = arith.constant 0 : i32
        %get3A_2354 = arith.index_cast %get3A_2353 : i32 to index
        %get3A_2355 = arith.constant 2 : index
        %get3A_2356 = tpu.vector_load %arg15[%get3A_2354, %get3A_2355] {strides = array<i32>} : memref<16x24xf32, #tpu.memory_space<vmem>>, vector<1x16xf32>,
        %get3A_2357 = vector.shape_cast %get3A_2356 : vector<1x16xf32> to vector<16xf32>
        %add3A_2358 = arith.addf %add3A_2166, %get3A_2357 : vector<16xf32>
        %swap3A_2359 = arith.constant 0 : i32
        %swap3A_2360 = arith.index_cast %swap3A_2359 : i32 to index
        %swap3A_2361 = arith.constant 0 : index
        %swap3A_2362 = tpu.vector_load %arg16[%swap3A_2360, %swap3A_2361] {strides = array<i32>} : memref<16x24xf32, #tpu.memory_space<vmem>>, vector<1x16xf32>,
        %swap3A_2363 = vector.shape_cast %swap3A_2362 : vector<1x16xf32> to vector<16xf32>
        %swap3A_2364 = vector.shape_cast %add3A_2358 : vector<16xf32> to vector<1x16xf32>
        tpu.vector_store %arg16[%swap3A_2360, %swap3A_2361], %swap3A_2364 {strides = array<i32>} : memref<16x24xf32, #tpu.memory_space<vmem>>, vector<1x16xf32>,
        %get3A_2365 = arith.constant 1 : i32
        %get3A_2366 = arith.index_cast %get3A_2365 : i32 to index
        %get3A_2367 = arith.constant 2 : index
        %get3A_2368 = tpu.vector_load %arg15[%get3A_2366, %get3A_2367] {strides = array<i32>} : memref<16x24xf32, #tpu.memory_space<vmem>>, vector<1x16xf32>,
        %get3A_2369 = vector.shape_cast %get3A_2368 : vector<1x16xf32> to vector<16xf32>
        %add3A_2370 = arith.addf %add3A_2178, %get3A_2369 : vector<16xf32>
        %swap3A_2371 = arith.constant 1 : i32
        %swap3A_2372 = arith.index_cast %swap3A_2371 : i32 to index
        %swap3A_2373 = arith.constant 0 : index
        %swap3A_2374 = tpu.vector_load %arg16[%swap3A_2372, %swap3A_2373] {strides = array<i32>} : memref<16x24xf32, #tpu.memory_space<vmem>>, vector<1x16xf32>,
        %swap3A_2375 = vector.shape_cast %swap3A_2374 : vector<1x16xf32> to vector<16xf32>
        %swap3A_2376 = vector.shape_cast %add3A_2370 : vector<16xf32> to vector<1x16xf32>
        tpu.vector_store %arg16[%swap3A_2372, %swap3A_2373], %swap3A_2376 {strides = array<i32>} : memref<16x24xf32, #tpu.memory_space<vmem>>, vector<1x16xf32>,
        %get3A_2377 = arith.constant 2 : i32
        %get3A_2378 = arith.index_cast %get3A_2377 : i32 to index
        %get3A_2379 = arith.constant 2 : index
        %get3A_2380 = tpu.vector_load %arg15[%get3A_2378, %get3A_2379] {strides = array<i32>} : memref<16x24xf32, #tpu.memory_space<vmem>>, vector<1x16xf32>,
        %get3A_2381 = vector.shape_cast %get3A_2380 : vector<1x16xf32> to vector<16xf32>
        %add3A_2382 = arith.addf %add3A_2190, %get3A_2381 : vector<16xf32>
        %swap3A_2383 = arith.constant 2 : i32
        %swap3A_2384 = arith.index_cast %swap3A_2383 : i32 to index
        %swap3A_2385 = arith.constant 0 : index
        %swap3A_2386 = tpu.vector_load %arg16[%swap3A_2384, %swap3A_2385] {strides = array<i32>} : memref<16x24xf32, #tpu.memory_space<vmem>>, vector<1x16xf32>,
        %swap3A_2387 = vector.shape_cast %swap3A_2386 : vector<1x16xf32> to vector<16xf32>
        %swap3A_2388 = vector.shape_cast %add3A_2382 : vector<16xf32> to vector<1x16xf32>
        tpu.vector_store %arg16[%swap3A_2384, %swap3A_2385], %swap3A_2388 {strides = array<i32>} : memref<16x24xf32, #tpu.memory_space<vmem>>, vector<1x16xf32>,
        %get3A_2389 = arith.constant 3 : i32
        %get3A_2390 = arith.index_cast %get3A_2389 : i32 to index
        %get3A_2391 = arith.constant 2 : index
        %get3A_2392 = tpu.vector_load %arg15[%get3A_2390, %get3A_2391] {strides = array<i32>} : memref<16x24xf32, #tpu.memory_space<vmem>>, vector<1x16xf32>,
        %get3A_2393 = vector.shape_cast %get3A_2392 : vector<1x16xf32> to vector<16xf32>
        %add3A_2394 = arith.addf %add3A_2202, %get3A_2393 : vector<16xf32>
        %swap3A_2395 = arith.constant 3 : i32
        %swap3A_2396 = arith.index_cast %swap3A_2395 : i32 to index
        %swap3A_2397 = arith.constant 0 : index
        %swap3A_2398 = tpu.vector_load %arg16[%swap3A_2396, %swap3A_2397] {strides = array<i32>} : memref<16x24xf32, #tpu.memory_space<vmem>>, vector<1x16xf32>,
        %swap3A_2399 = vector.shape_cast %swap3A_2398 : vector<1x16xf32> to vector<16xf32>
        %swap3A_2400 = vector.shape_cast %add3A_2394 : vector<16xf32> to vector<1x16xf32>
        tpu.vector_store %arg16[%swap3A_2396, %swap3A_2397], %swap3A_2400 {strides = array<i32>} : memref<16x24xf32, #tpu.memory_space<vmem>>, vector<1x16xf32>,
        %get3A_2401 = arith.constant 4 : i32
        %get3A_2402 = arith.index_cast %get3A_2401 : i32 to index
        %get3A_2403 = arith.constant 2 : index
        %get3A_2404 = tpu.vector_load %arg15[%get3A_2402, %get3A_2403] {strides = array<i32>} : memref<16x24xf32, #tpu.memory_space<vmem>>, vector<1x16xf32>,
        %get3A_2405 = vector.shape_cast %get3A_2404 : vector<1x16xf32> to vector<16xf32>
        %add3A_2406 = arith.addf %add3A_2214, %get3A_2405 : vector<16xf32>
        %swap3A_2407 = arith.constant 4 : i32
        %swap3A_2408 = arith.index_cast %swap3A_2407 : i32 to index
        %swap3A_2409 = arith.constant 0 : index
        %swap3A_2410 = tpu.vector_load %arg16[%swap3A_2408, %swap3A_2409] {strides = array<i32>} : memref<16x24xf32, #tpu.memory_space<vmem>>, vector<1x16xf32>,
        %swap3A_2411 = vector.shape_cast %swap3A_2410 : vector<1x16xf32> to vector<16xf32>
        %swap3A_2412 = vector.shape_cast %add3A_2406 : vector<16xf32> to vector<1x16xf32>
        tpu.vector_store %arg16[%swap3A_2408, %swap3A_2409], %swap3A_2412 {strides = array<i32>} : memref<16x24xf32, #tpu.memory_space<vmem>>, vector<1x16xf32>,
        %get3A_2413 = arith.constant 5 : i32
        %get3A_2414 = arith.index_cast %get3A_2413 : i32 to index
        %get3A_2415 = arith.constant 2 : index
        %get3A_2416 = tpu.vector_load %arg15[%get3A_2414, %get3A_2415] {strides = array<i32>} : memref<16x24xf32, #tpu.memory_space<vmem>>, vector<1x16xf32>,
        %get3A_2417 = vector.shape_cast %get3A_2416 : vector<1x16xf32> to vector<16xf32>
        %add3A_2418 = arith.addf %add3A_2226, %get3A_2417 : vector<16xf32>
        %swap3A_2419 = arith.constant 5 : i32
        %swap3A_2420 = arith.index_cast %swap3A_2419 : i32 to index
        %swap3A_2421 = arith.constant 0 : index
        %swap3A_2422 = tpu.vector_load %arg16[%swap3A_2420, %swap3A_2421] {strides = array<i32>} : memref<16x24xf32, #tpu.memory_space<vmem>>, vector<1x16xf32>,
        %swap3A_2423 = vector.shape_cast %swap3A_2422 : vector<1x16xf32> to vector<16xf32>
        %swap3A_2424 = vector.shape_cast %add3A_2418 : vector<16xf32> to vector<1x16xf32>
        tpu.vector_store %arg16[%swap3A_2420, %swap3A_2421], %swap3A_2424 {strides = array<i32>} : memref<16x24xf32, #tpu.memory_space<vmem>>, vector<1x16xf32>,
        %get3A_2425 = arith.constant 6 : i32
        %get3A_2426 = arith.index_cast %get3A_2425 : i32 to index
        %get3A_2427 = arith.constant 2 : index
        %get3A_2428 = tpu.vector_load %arg15[%get3A_2426, %get3A_2427] {strides = array<i32>} : memref<16x24xf32, #tpu.memory_space<vmem>>, vector<1x16xf32>,
        %get3A_2429 = vector.shape_cast %get3A_2428 : vector<1x16xf32> to vector<16xf32>
        %add3A_2430 = arith.addf %add3A_2238, %get3A_2429 : vector<16xf32>
        %swap3A_2431 = arith.constant 6 : i32
        %swap3A_2432 = arith.index_cast %swap3A_2431 : i32 to index
        %swap3A_2433 = arith.constant 0 : index
        %swap3A_2434 = tpu.vector_load %arg16[%swap3A_2432, %swap3A_2433] {strides = array<i32>} : memref<16x24xf32, #tpu.memory_space<vmem>>, vector<1x16xf32>,
        %swap3A_2435 = vector.shape_cast %swap3A_2434 : vector<1x16xf32> to vector<16xf32>
        %swap3A_2436 = vector.shape_cast %add3A_2430 : vector<16xf32> to vector<1x16xf32>
        tpu.vector_store %arg16[%swap3A_2432, %swap3A_2433], %swap3A_2436 {strides = array<i32>} : memref<16x24xf32, #tpu.memory_space<vmem>>, vector<1x16xf32>,
        %get3A_2437 = arith.constant 7 : i32
        %get3A_2438 = arith.index_cast %get3A_2437 : i32 to index
        %get3A_2439 = arith.constant 2 : index
        %get3A_2440 = tpu.vector_load %arg15[%get3A_2438, %get3A_2439] {strides = array<i32>} : memref<16x24xf32, #tpu.memory_space<vmem>>, vector<1x16xf32>,
        %get3A_2441 = vector.shape_cast %get3A_2440 : vector<1x16xf32> to vector<16xf32>
        %add3A_2442 = arith.addf %add3A_2250, %get3A_2441 : vector<16xf32>
        %swap3A_2443 = arith.constant 7 : i32
        %swap3A_2444 = arith.index_cast %swap3A_2443 : i32 to index
        %swap3A_2445 = arith.constant 0 : index
        %swap3A_2446 = tpu.vector_load %arg16[%swap3A_2444, %swap3A_2445] {strides = array<i32>} : memref<16x24xf32, #tpu.memory_space<vmem>>, vector<1x16xf32>,
        %swap3A_2447 = vector.shape_cast %swap3A_2446 : vector<1x16xf32> to vector<16xf32>
        %swap3A_2448 = vector.shape_cast %add3A_2442 : vector<16xf32> to vector<1x16xf32>
        tpu.vector_store %arg16[%swap3A_2444, %swap3A_2445], %swap3A_2448 {strides = array<i32>} : memref<16x24xf32, #tpu.memory_space<vmem>>, vector<1x16xf32>,
        %get3A_2449 = arith.constant 8 : i32
        %get3A_2450 = arith.index_cast %get3A_2449 : i32 to index
        %get3A_2451 = arith.constant 2 : index
        %get3A_2452 = tpu.vector_load %arg15[%get3A_2450, %get3A_2451] {strides = array<i32>} : memref<16x24xf32, #tpu.memory_space<vmem>>, vector<1x16xf32>,
        %get3A_2453 = vector.shape_cast %get3A_2452 : vector<1x16xf32> to vector<16xf32>
        %add3A_2454 = arith.addf %add3A_2262, %get3A_2453 : vector<16xf32>
        %swap3A_2455 = arith.constant 8 : i32
        %swap3A_2456 = arith.index_cast %swap3A_2455 : i32 to index
        %swap3A_2457 = arith.constant 0 : index
        %swap3A_2458 = tpu.vector_load %arg16[%swap3A_2456, %swap3A_2457] {strides = array<i32>} : memref<16x24xf32, #tpu.memory_space<vmem>>, vector<1x16xf32>,
        %swap3A_2459 = vector.shape_cast %swap3A_2458 : vector<1x16xf32> to vector<16xf32>
        %swap3A_2460 = vector.shape_cast %add3A_2454 : vector<16xf32> to vector<1x16xf32>
        tpu.vector_store %arg16[%swap3A_2456, %swap3A_2457], %swap3A_2460 {strides = array<i32>} : memref<16x24xf32, #tpu.memory_space<vmem>>, vector<1x16xf32>,
        %get3A_2461 = arith.constant 9 : i32
        %get3A_2462 = arith.index_cast %get3A_2461 : i32 to index
        %get3A_2463 = arith.constant 2 : index
        %get3A_2464 = tpu.vector_load %arg15[%get3A_2462, %get3A_2463] {strides = array<i32>} : memref<16x24xf32, #tpu.memory_space<vmem>>, vector<1x16xf32>,
        %get3A_2465 = vector.shape_cast %get3A_2464 : vector<1x16xf32> to vector<16xf32>
        %add3A_2466 = arith.addf %add3A_2274, %get3A_2465 : vector<16xf32>
        %swap3A_2467 = arith.constant 9 : i32
        %swap3A_2468 = arith.index_cast %swap3A_2467 : i32 to index
        %swap3A_2469 = arith.constant 0 : index
        %swap3A_2470 = tpu.vector_load %arg16[%swap3A_2468, %swap3A_2469] {strides = array<i32>} : memref<16x24xf32, #tpu.memory_space<vmem>>, vector<1x16xf32>,
        %swap3A_2471 = vector.shape_cast %swap3A_2470 : vector<1x16xf32> to vector<16xf32>
        %swap3A_2472 = vector.shape_cast %add3A_2466 : vector<16xf32> to vector<1x16xf32>
        tpu.vector_store %arg16[%swap3A_2468, %swap3A_2469], %swap3A_2472 {strides = array<i32>} : memref<16x24xf32, #tpu.memory_space<vmem>>, vector<1x16xf32>,
        %get3A_2473 = arith.constant 10 : i32
        %get3A_2474 = arith.index_cast %get3A_2473 : i32 to index
        %get3A_2475 = arith.constant 2 : index
        %get3A_2476 = tpu.vector_load %arg15[%get3A_2474, %get3A_2475] {strides = array<i32>} : memref<16x24xf32, #tpu.memory_space<vmem>>, vector<1x16xf32>,
        %get3A_2477 = vector.shape_cast %get3A_2476 : vector<1x16xf32> to vector<16xf32>
        %add3A_2478 = arith.addf %add3A_2286, %get3A_2477 : vector<16xf32>
        %swap3A_2479 = arith.constant 10 : i32
        %swap3A_2480 = arith.index_cast %swap3A_2479 : i32 to index
        %swap3A_2481 = arith.constant 0 : index
        %swap3A_2482 = tpu.vector_load %arg16[%swap3A_2480, %swap3A_2481] {strides = array<i32>} : memref<16x24xf32, #tpu.memory_space<vmem>>, vector<1x16xf32>,
        %swap3A_2483 = vector.shape_cast %swap3A_2482 : vector<1x16xf32> to vector<16xf32>
        %swap3A_2484 = vector.shape_cast %add3A_2478 : vector<16xf32> to vector<1x16xf32>
        tpu.vector_store %arg16[%swap3A_2480, %swap3A_2481], %swap3A_2484 {strides = array<i32>} : memref<16x24xf32, #tpu.memory_space<vmem>>, vector<1x16xf32>,
        %get3A_2485 = arith.constant 11 : i32
        %get3A_2486 = arith.index_cast %get3A_2485 : i32 to index
        %get3A_2487 = arith.constant 2 : index
        %get3A_2488 = tpu.vector_load %arg15[%get3A_2486, %get3A_2487] {strides = array<i32>} : memref<16x24xf32, #tpu.memory_space<vmem>>, vector<1x16xf32>,
        %get3A_2489 = vector.shape_cast %get3A_2488 : vector<1x16xf32> to vector<16xf32>
        %add3A_2490 = arith.addf %add3A_2298, %get3A_2489 : vector<16xf32>
        %swap3A_2491 = arith.constant 11 : i32
        %swap3A_2492 = arith.index_cast %swap3A_2491 : i32 to index
        %swap3A_2493 = arith.constant 0 : index
        %swap3A_2494 = tpu.vector_load %arg16[%swap3A_2492, %swap3A_2493] {strides = array<i32>} : memref<16x24xf32, #tpu.memory_space<vmem>>, vector<1x16xf32>,
        %swap3A_2495 = vector.shape_cast %swap3A_2494 : vector<1x16xf32> to vector<16xf32>
        %swap3A_2496 = vector.shape_cast %add3A_2490 : vector<16xf32> to vector<1x16xf32>
        tpu.vector_store %arg16[%swap3A_2492, %swap3A_2493], %swap3A_2496 {strides = array<i32>} : memref<16x24xf32, #tpu.memory_space<vmem>>, vector<1x16xf32>,
        %get3A_2497 = arith.constant 12 : i32
        %get3A_2498 = arith.index_cast %get3A_2497 : i32 to index
        %get3A_2499 = arith.constant 2 : index
        %get3A_2500 = tpu.vector_load %arg15[%get3A_2498, %get3A_2499] {strides = array<i32>} : memref<16x24xf32, #tpu.memory_space<vmem>>, vector<1x16xf32>,
        %get3A_2501 = vector.shape_cast %get3A_2500 : vector<1x16xf32> to vector<16xf32>
        %add3A_2502 = arith.addf %add3A_2310, %get3A_2501 : vector<16xf32>
        %swap3A_2503 = arith.constant 12 : i32
        %swap3A_2504 = arith.index_cast %swap3A_2503 : i32 to index
        %swap3A_2505 = arith.constant 0 : index
        %swap3A_2506 = tpu.vector_load %arg16[%swap3A_2504, %swap3A_2505] {strides = array<i32>} : memref<16x24xf32, #tpu.memory_space<vmem>>, vector<1x16xf32>,
        %swap3A_2507 = vector.shape_cast %swap3A_2506 : vector<1x16xf32> to vector<16xf32>
        %swap3A_2508 = vector.shape_cast %add3A_2502 : vector<16xf32> to vector<1x16xf32>
        tpu.vector_store %arg16[%swap3A_2504, %swap3A_2505], %swap3A_2508 {strides = array<i32>} : memref<16x24xf32, #tpu.memory_space<vmem>>, vector<1x16xf32>,
        %get3A_2509 = arith.constant 13 : i32
        %get3A_2510 = arith.index_cast %get3A_2509 : i32 to index
        %get3A_2511 = arith.constant 2 : index
        %get3A_2512 = tpu.vector_load %arg15[%get3A_2510, %get3A_2511] {strides = array<i32>} : memref<16x24xf32, #tpu.memory_space<vmem>>, vector<1x16xf32>,
        %get3A_2513 = vector.shape_cast %get3A_2512 : vector<1x16xf32> to vector<16xf32>
        %add3A_2514 = arith.addf %add3A_2322, %get3A_2513 : vector<16xf32>
        %swap3A_2515 = arith.constant 13 : i32
        %swap3A_2516 = arith.index_cast %swap3A_2515 : i32 to index
        %swap3A_2517 = arith.constant 0 : index
        %swap3A_2518 = tpu.vector_load %arg16[%swap3A_2516, %swap3A_2517] {strides = array<i32>} : memref<16x24xf32, #tpu.memory_space<vmem>>, vector<1x16xf32>,
        %swap3A_2519 = vector.shape_cast %swap3A_2518 : vector<1x16xf32> to vector<16xf32>
        %swap3A_2520 = vector.shape_cast %add3A_2514 : vector<16xf32> to vector<1x16xf32>
        tpu.vector_store %arg16[%swap3A_2516, %swap3A_2517], %swap3A_2520 {strides = array<i32>} : memref<16x24xf32, #tpu.memory_space<vmem>>, vector<1x16xf32>,
        %get3A_2521 = arith.constant 14 : i32
        %get3A_2522 = arith.index_cast %get3A_2521 : i32 to index
        %get3A_2523 = arith.constant 2 : index
        %get3A_2524 = tpu.vector_load %arg15[%get3A_2522, %get3A_2523] {strides = array<i32>} : memref<16x24xf32, #tpu.memory_space<vmem>>, vector<1x16xf32>,
        %get3A_2525 = vector.shape_cast %get3A_2524 : vector<1x16xf32> to vector<16xf32>
        %add3A_2526 = arith.addf %add3A_2334, %get3A_2525 : vector<16xf32>
        %swap3A_2527 = arith.constant 14 : i32
        %swap3A_2528 = arith.index_cast %swap3A_2527 : i32 to index
        %swap3A_2529 = arith.constant 0 : index
        %swap3A_2530 = tpu.vector_load %arg16[%swap3A_2528, %swap3A_2529] {strides = array<i32>} : memref<16x24xf32, #tpu.memory_space<vmem>>, vector<1x16xf32>,
        %swap3A_2531 = vector.shape_cast %swap3A_2530 : vector<1x16xf32> to vector<16xf32>
        %swap3A_2532 = vector.shape_cast %add3A_2526 : vector<16xf32> to vector<1x16xf32>
        tpu.vector_store %arg16[%swap3A_2528, %swap3A_2529], %swap3A_2532 {strides = array<i32>} : memref<16x24xf32, #tpu.memory_space<vmem>>, vector<1x16xf32>,
        %get3A_2533 = arith.constant 15 : i32
        %get3A_2534 = arith.index_cast %get3A_2533 : i32 to index
        %get3A_2535 = arith.constant 2 : index
        %get3A_2536 = tpu.vector_load %arg15[%get3A_2534, %get3A_2535] {strides = array<i32>} : memref<16x24xf32, #tpu.memory_space<vmem>>, vector<1x16xf32>,
        %get3A_2537 = vector.shape_cast %get3A_2536 : vector<1x16xf32> to vector<16xf32>
        %add3A_2538 = arith.addf %add3A_2346, %get3A_2537 : vector<16xf32>
        %swap3A_2539 = arith.constant 15 : i32
        %swap3A_2540 = arith.index_cast %swap3A_2539 : i32 to index
        %swap3A_2541 = arith.constant 0 : index
        %swap3A_2542 = tpu.vector_load %arg16[%swap3A_2540, %swap3A_2541] {strides = array<i32>} : memref<16x24xf32, #tpu.memory_space<vmem>>, vector<1x16xf32>,
        %swap3A_2543 = vector.shape_cast %swap3A_2542 : vector<1x16xf32> to vector<16xf32>
        %swap3A_2544 = vector.shape_cast %add3A_2538 : vector<16xf32> to vector<1x16xf32>
        tpu.vector_store %arg16[%swap3A_2540, %swap3A_2541], %swap3A_2544 {strides = array<i32>} : memref<16x24xf32, #tpu.memory_space<vmem>>, vector<1x16xf32>,
        %get3A_2545 = arith.constant 0 : i32
        %get3A_2546 = arith.index_cast %get3A_2545 : i32 to index
        %get3A_2547 = arith.constant 1 : index
        %get3A_2548 = tpu.vector_load %arg16[%get3A_2546, %get3A_2547] {strides = array<i32>} : memref<16x24xf32, #tpu.memory_space<vmem>>, vector<1x16xf32>,
        %get3A_2549 = vector.shape_cast %get3A_2548 : vector<1x16xf32> to vector<16xf32>
        %add3A_2550 = arith.addf %add3A_2358, %get3A_2549 : vector<16xf32>
        %get3A_2551 = arith.constant 1 : i32
        %get3A_2552 = arith.index_cast %get3A_2551 : i32 to index
        %get3A_2553 = arith.constant 1 : index
        %get3A_2554 = tpu.vector_load %arg16[%get3A_2552, %get3A_2553] {strides = array<i32>} : memref<16x24xf32, #tpu.memory_space<vmem>>, vector<1x16xf32>,
        %get3A_2555 = vector.shape_cast %get3A_2554 : vector<1x16xf32> to vector<16xf32>
        %add3A_2556 = arith.addf %add3A_2370, %get3A_2555 : vector<16xf32>
        %get3A_2557 = arith.constant 2 : i32
        %get3A_2558 = arith.index_cast %get3A_2557 : i32 to index
        %get3A_2559 = arith.constant 1 : index
        %get3A_2560 = tpu.vector_load %arg16[%get3A_2558, %get3A_2559] {strides = array<i32>} : memref<16x24xf32, #tpu.memory_space<vmem>>, vector<1x16xf32>,
        %get3A_2561 = vector.shape_cast %get3A_2560 : vector<1x16xf32> to vector<16xf32>
        %add3A_2562 = arith.addf %add3A_2382, %get3A_2561 : vector<16xf32>
        %get3A_2563 = arith.constant 3 : i32
        %get3A_2564 = arith.index_cast %get3A_2563 : i32 to index
        %get3A_2565 = arith.constant 1 : index
        %get3A_2566 = tpu.vector_load %arg16[%get3A_2564, %get3A_2565] {strides = array<i32>} : memref<16x24xf32, #tpu.memory_space<vmem>>, vector<1x16xf32>,
        %get3A_2567 = vector.shape_cast %get3A_2566 : vector<1x16xf32> to vector<16xf32>
        %add3A_2568 = arith.addf %add3A_2394, %get3A_2567 : vector<16xf32>
        %get3A_2569 = arith.constant 4 : i32
        %get3A_2570 = arith.index_cast %get3A_2569 : i32 to index
        %get3A_2571 = arith.constant 1 : index
        %get3A_2572 = tpu.vector_load %arg16[%get3A_2570, %get3A_2571] {strides = array<i32>} : memref<16x24xf32, #tpu.memory_space<vmem>>, vector<1x16xf32>,
        %get3A_2573 = vector.shape_cast %get3A_2572 : vector<1x16xf32> to vector<16xf32>
        %add3A_2574 = arith.addf %add3A_2406, %get3A_2573 : vector<16xf32>
        %get3A_2575 = arith.constant 5 : i32
        %get3A_2576 = arith.index_cast %get3A_2575 : i32 to index
        %get3A_2577 = arith.constant 1 : index
        %get3A_2578 = tpu.vector_load %arg16[%get3A_2576, %get3A_2577] {strides = array<i32>} : memref<16x24xf32, #tpu.memory_space<vmem>>, vector<1x16xf32>,
        %get3A_2579 = vector.shape_cast %get3A_2578 : vector<1x16xf32> to vector<16xf32>
        %add3A_2580 = arith.addf %add3A_2418, %get3A_2579 : vector<16xf32>
        %get3A_2581 = arith.constant 6 : i32
        %get3A_2582 = arith.index_cast %get3A_2581 : i32 to index
        %get3A_2583 = arith.constant 1 : index
        %get3A_2584 = tpu.vector_load %arg16[%get3A_2582, %get3A_2583] {strides = array<i32>} : memref<16x24xf32, #tpu.memory_space<vmem>>, vector<1x16xf32>,
        %get3A_2585 = vector.shape_cast %get3A_2584 : vector<1x16xf32> to vector<16xf32>
        %add3A_2586 = arith.addf %add3A_2430, %get3A_2585 : vector<16xf32>
        %get3A_2587 = arith.constant 7 : i32
        %get3A_2588 = arith.index_cast %get3A_2587 : i32 to index
        %get3A_2589 = arith.constant 1 : index
        %get3A_2590 = tpu.vector_load %arg16[%get3A_2588, %get3A_2589] {strides = array<i32>} : memref<16x24xf32, #tpu.memory_space<vmem>>, vector<1x16xf32>,
        %get3A_2591 = vector.shape_cast %get3A_2590 : vector<1x16xf32> to vector<16xf32>
        %add3A_2592 = arith.addf %add3A_2442, %get3A_2591 : vector<16xf32>
        %get3A_2593 = arith.constant 8 : i32
        %get3A_2594 = arith.index_cast %get3A_2593 : i32 to index
        %get3A_2595 = arith.constant 1 : index
        %get3A_2596 = tpu.vector_load %arg16[%get3A_2594, %get3A_2595] {strides = array<i32>} : memref<16x24xf32, #tpu.memory_space<vmem>>, vector<1x16xf32>,
        %get3A_2597 = vector.shape_cast %get3A_2596 : vector<1x16xf32> to vector<16xf32>
        %add3A_2598 = arith.addf %add3A_2454, %get3A_2597 : vector<16xf32>
        %get3A_2599 = arith.constant 9 : i32
        %get3A_2600 = arith.index_cast %get3A_2599 : i32 to index
        %get3A_2601 = arith.constant 1 : index
        %get3A_2602 = tpu.vector_load %arg16[%get3A_2600, %get3A_2601] {strides = array<i32>} : memref<16x24xf32, #tpu.memory_space<vmem>>, vector<1x16xf32>,
        %get3A_2603 = vector.shape_cast %get3A_2602 : vector<1x16xf32> to vector<16xf32>
        %add3A_2604 = arith.addf %add3A_2466, %get3A_2603 : vector<16xf32>
        %get3A_2605 = arith.constant 10 : i32
        %get3A_2606 = arith.index_cast %get3A_2605 : i32 to index
        %get3A_2607 = arith.constant 1 : index
        %get3A_2608 = tpu.vector_load %arg16[%get3A_2606, %get3A_2607] {strides = array<i32>} : memref<16x24xf32, #tpu.memory_space<vmem>>, vector<1x16xf32>,
        %get3A_2609 = vector.shape_cast %get3A_2608 : vector<1x16xf32> to vector<16xf32>
        %add3A_2610 = arith.addf %add3A_2478, %get3A_2609 : vector<16xf32>
        %get3A_2611 = arith.constant 11 : i32
        %get3A_2612 = arith.index_cast %get3A_2611 : i32 to index
        %get3A_2613 = arith.constant 1 : index
        %get3A_2614 = tpu.vector_load %arg16[%get3A_2612, %get3A_2613] {strides = array<i32>} : memref<16x24xf32, #tpu.memory_space<vmem>>, vector<1x16xf32>,
        %get3A_2615 = vector.shape_cast %get3A_2614 : vector<1x16xf32> to vector<16xf32>
        %add3A_2616 = arith.addf %add3A_2490, %get3A_2615 : vector<16xf32>
        %get3A_2617 = arith.constant 12 : i32
        %get3A_2618 = arith.index_cast %get3A_2617 : i32 to index
        %get3A_2619 = arith.constant 1 : index
        %get3A_2620 = tpu.vector_load %arg16[%get3A_2618, %get3A_2619] {strides = array<i32>} : memref<16x24xf32, #tpu.memory_space<vmem>>, vector<1x16xf32>,
        %get3A_2621 = vector.shape_cast %get3A_2620 : vector<1x16xf32> to vector<16xf32>
        %add3A_2622 = arith.addf %add3A_2502, %get3A_2621 : vector<16xf32>
        %get3A_2623 = arith.constant 13 : i32
        %get3A_2624 = arith.index_cast %get3A_2623 : i32 to index
        %get3A_2625 = arith.constant 1 : index
        %get3A_2626 = tpu.vector_load %arg16[%get3A_2624, %get3A_2625] {strides = array<i32>} : memref<16x24xf32, #tpu.memory_space<vmem>>, vector<1x16xf32>,
        %get3A_2627 = vector.shape_cast %get3A_2626 : vector<1x16xf32> to vector<16xf32>
        %add3A_2628 = arith.addf %add3A_2514, %get3A_2627 : vector<16xf32>
        %get3A_2629 = arith.constant 14 : i32
        %get3A_2630 = arith.index_cast %get3A_2629 : i32 to index
        %get3A_2631 = arith.constant 1 : index
        %get3A_2632 = tpu.vector_load %arg16[%get3A_2630, %get3A_2631] {strides = array<i32>} : memref<16x24xf32, #tpu.memory_space<vmem>>, vector<1x16xf32>,
        %get3A_2633 = vector.shape_cast %get3A_2632 : vector<1x16xf32> to vector<16xf32>
        %add3A_2634 = arith.addf %add3A_2526, %get3A_2633 : vector<16xf32>
        %get3A_2635 = arith.constant 15 : i32
        %get3A_2636 = arith.index_cast %get3A_2635 : i32 to index
        %get3A_2637 = arith.constant 1 : index
        %get3A_2638 = tpu.vector_load %arg16[%get3A_2636, %get3A_2637] {strides = array<i32>} : memref<16x24xf32, #tpu.memory_space<vmem>>, vector<1x16xf32>,
        %get3A_2639 = vector.shape_cast %get3A_2638 : vector<1x16xf32> to vector<16xf32>
        %add3A_2640 = arith.addf %add3A_2538, %get3A_2639 : vector<16xf32>
        %swap3A_2641 = arith.constant 0 : index
        %swap3A_2642 = tpu.vector_load %arg17[%swap3A_2641] {strides = array<i32>} : memref<32xf32, #tpu.memory_space<vmem>>, vector<16xf32>,
        %swap3A_2643 = vector.shape_cast %swap3A_2642 : vector<16xf32> to vector<16xf32>
        %swap3A_2644 = vector.shape_cast %add3A_2550 : vector<16xf32> to vector<16xf32>
        tpu.vector_store %arg17[%swap3A_2641], %swap3A_2644 {strides = array<i32>} : memref<32xf32, #tpu.memory_space<vmem>>, vector<16xf32>,
        %swap3A_2645 = arith.constant 1 : index
        %swap3A_2646 = tpu.vector_load %arg17[%swap3A_2645] {strides = array<i32>} : memref<32xf32, #tpu.memory_space<vmem>>, vector<16xf32>,
        %swap3A_2647 = vector.shape_cast %swap3A_2646 : vector<16xf32> to vector<16xf32>
        %swap3A_2648 = vector.shape_cast %add3A_2556 : vector<16xf32> to vector<16xf32>
        tpu.vector_store %arg17[%swap3A_2645], %swap3A_2648 {strides = array<i32>} : memref<32xf32, #tpu.memory_space<vmem>>, vector<16xf32>,
        %swap3A_2649 = arith.constant 2 : index
        %swap3A_2650 = tpu.vector_load %arg17[%swap3A_2649] {strides = array<i32>} : memref<32xf32, #tpu.memory_space<vmem>>, vector<16xf32>,
        %swap3A_2651 = vector.shape_cast %swap3A_2650 : vector<16xf32> to vector<16xf32>
        %swap3A_2652 = vector.shape_cast %add3A_2562 : vector<16xf32> to vector<16xf32>
        tpu.vector_store %arg17[%swap3A_2649], %swap3A_2652 {strides = array<i32>} : memref<32xf32, #tpu.memory_space<vmem>>, vector<16xf32>,
        %swap3A_2653 = arith.constant 3 : index
        %swap3A_2654 = tpu.vector_load %arg17[%swap3A_2653] {strides = array<i32>} : memref<32xf32, #tpu.memory_space<vmem>>, vector<16xf32>,
        %swap3A_2655 = vector.shape_cast %swap3A_2654 : vector<16xf32> to vector<16xf32>
        %swap3A_2656 = vector.shape_cast %add3A_2568 : vector<16xf32> to vector<16xf32>
        tpu.vector_store %arg17[%swap3A_2653], %swap3A_2656 {strides = array<i32>} : memref<32xf32, #tpu.memory_space<vmem>>, vector<16xf32>,
        %swap3A_2657 = arith.constant 4 : index
        %swap3A_2658 = tpu.vector_load %arg17[%swap3A_2657] {strides = array<i32>} : memref<32xf32, #tpu.memory_space<vmem>>, vector<16xf32>,
        %swap3A_2659 = vector.shape_cast %swap3A_2658 : vector<16xf32> to vector<16xf32>
        %swap3A_2660 = vector.shape_cast %add3A_2574 : vector<16xf32> to vector<16xf32>
        tpu.vector_store %arg17[%swap3A_2657], %swap3A_2660 {strides = array<i32>} : memref<32xf32, #tpu.memory_space<vmem>>, vector<16xf32>,
        %swap3A_2661 = arith.constant 5 : index
        %swap3A_2662 = tpu.vector_load %arg17[%swap3A_2661] {strides = array<i32>} : memref<32xf32, #tpu.memory_space<vmem>>, vector<16xf32>,
        %swap3A_2663 = vector.shape_cast %swap3A_2662 : vector<16xf32> to vector<16xf32>
        %swap3A_2664 = vector.shape_cast %add3A_2580 : vector<16xf32> to vector<16xf32>
        tpu.vector_store %arg17[%swap3A_2661], %swap3A_2664 {strides = array<i32>} : memref<32xf32, #tpu.memory_space<vmem>>, vector<16xf32>,
        %swap3A_2665 = arith.constant 6 : index
        %swap3A_2666 = tpu.vector_load %arg17[%swap3A_2665] {strides = array<i32>} : memref<32xf32, #tpu.memory_space<vmem>>, vector<16xf32>,
        %swap3A_2667 = vector.shape_cast %swap3A_2666 : vector<16xf32> to vector<16xf32>
        %swap3A_2668 = vector.shape_cast %add3A_2586 : vector<16xf32> to vector<16xf32>
        tpu.vector_store %arg17[%swap3A_2665], %swap3A_2668 {strides = array<i32>} : memref<32xf32, #tpu.memory_space<vmem>>, vector<16xf32>,
        %swap3A_2669 = arith.constant 7 : index
        %swap3A_2670 = tpu.vector_load %arg17[%swap3A_2669] {strides = array<i32>} : memref<32xf32, #tpu.memory_space<vmem>>, vector<16xf32>,
        %swap3A_2671 = vector.shape_cast %swap3A_2670 : vector<16xf32> to vector<16xf32>
        %swap3A_2672 = vector.shape_cast %add3A_2592 : vector<16xf32> to vector<16xf32>
        tpu.vector_store %arg17[%swap3A_2669], %swap3A_2672 {strides = array<i32>} : memref<32xf32, #tpu.memory_space<vmem>>, vector<16xf32>,
        %swap3A_2673 = arith.constant 8 : index
        %swap3A_2674 = tpu.vector_load %arg17[%swap3A_2673] {strides = array<i32>} : memref<32xf32, #tpu.memory_space<vmem>>, vector<16xf32>,
        %swap3A_2675 = vector.shape_cast %swap3A_2674 : vector<16xf32> to vector<16xf32>
        %swap3A_2676 = vector.shape_cast %add3A_2598 : vector<16xf32> to vector<16xf32>
        tpu.vector_store %arg17[%swap3A_2673], %swap3A_2676 {strides = array<i32>} : memref<32xf32, #tpu.memory_space<vmem>>, vector<16xf32>,
        %swap3A_2677 = arith.constant 9 : index
        %swap3A_2678 = tpu.vector_load %arg17[%swap3A_2677] {strides = array<i32>} : memref<32xf32, #tpu.memory_space<vmem>>, vector<16xf32>,
        %swap3A_2679 = vector.shape_cast %swap3A_2678 : vector<16xf32> to vector<16xf32>
        %swap3A_2680 = vector.shape_cast %add3A_2604 : vector<16xf32> to vector<16xf32>
        tpu.vector_store %arg17[%swap3A_2677], %swap3A_2680 {strides = array<i32>} : memref<32xf32, #tpu.memory_space<vmem>>, vector<16xf32>,
        %swap3A_2681 = arith.constant 10 : index
        %swap3A_2682 = tpu.vector_load %arg17[%swap3A_2681] {strides = array<i32>} : memref<32xf32, #tpu.memory_space<vmem>>, vector<16xf32>,
        %swap3A_2683 = vector.shape_cast %swap3A_2682 : vector<16xf32> to vector<16xf32>
        %swap3A_2684 = vector.shape_cast %add3A_2610 : vector<16xf32> to vector<16xf32>
        tpu.vector_store %arg17[%swap3A_2681], %swap3A_2684 {strides = array<i32>} : memref<32xf32, #tpu.memory_space<vmem>>, vector<16xf32>,
        %swap3A_2685 = arith.constant 11 : index
        %swap3A_2686 = tpu.vector_load %arg17[%swap3A_2685] {strides = array<i32>} : memref<32xf32, #tpu.memory_space<vmem>>, vector<16xf32>,
        %swap3A_2687 = vector.shape_cast %swap3A_2686 : vector<16xf32> to vector<16xf32>
        %swap3A_2688 = vector.shape_cast %add3A_2616 : vector<16xf32> to vector<16xf32>
        tpu.vector_store %arg17[%swap3A_2685], %swap3A_2688 {strides = array<i32>} : memref<32xf32, #tpu.memory_space<vmem>>, vector<16xf32>,
        %swap3A_2689 = arith.constant 12 : index
        %swap3A_2690 = tpu.vector_load %arg17[%swap3A_2689] {strides = array<i32>} : memref<32xf32, #tpu.memory_space<vmem>>, vector<16xf32>,
        %swap3A_2691 = vector.shape_cast %swap3A_2690 : vector<16xf32> to vector<16xf32>
        %swap3A_2692 = vector.shape_cast %add3A_2622 : vector<16xf32> to vector<16xf32>
        tpu.vector_store %arg17[%swap3A_2689], %swap3A_2692 {strides = array<i32>} : memref<32xf32, #tpu.memory_space<vmem>>, vector<16xf32>,
        %swap3A_2693 = arith.constant 13 : index
        %swap3A_2694 = tpu.vector_load %arg17[%swap3A_2693] {strides = array<i32>} : memref<32xf32, #tpu.memory_space<vmem>>, vector<16xf32>,
        %swap3A_2695 = vector.shape_cast %swap3A_2694 : vector<16xf32> to vector<16xf32>
        %swap3A_2696 = vector.shape_cast %add3A_2628 : vector<16xf32> to vector<16xf32>
        tpu.vector_store %arg17[%swap3A_2693], %swap3A_2696 {strides = array<i32>} : memref<32xf32, #tpu.memory_space<vmem>>, vector<16xf32>,
        %swap3A_2697 = arith.constant 14 : index
        %swap3A_2698 = tpu.vector_load %arg17[%swap3A_2697] {strides = array<i32>} : memref<32xf32, #tpu.memory_space<vmem>>, vector<16xf32>,
        %swap3A_2699 = vector.shape_cast %swap3A_2698 : vector<16xf32> to vector<16xf32>
        %swap3A_2700 = vector.shape_cast %add3A_2634 : vector<16xf32> to vector<16xf32>
        tpu.vector_store %arg17[%swap3A_2697], %swap3A_2700 {strides = array<i32>} : memref<32xf32, #tpu.memory_space<vmem>>, vector<16xf32>,
        %swap3A_2701 = arith.constant 15 : index
        %swap3A_2702 = tpu.vector_load %arg17[%swap3A_2701] {strides = array<i32>} : memref<32xf32, #tpu.memory_space<vmem>>, vector<16xf32>,
        %swap3A_2703 = vector.shape_cast %swap3A_2702 : vector<16xf32> to vector<16xf32>
        %swap3A_2704 = vector.shape_cast %add3A_2640 : vector<16xf32> to vector<16xf32>
        tpu.vector_store %arg17[%swap3A_2701], %swap3A_2704 {strides = array<i32>} : memref<32xf32, #tpu.memory_space<vmem>>, vector<16xf32>,
        %get3A_2705 = arith.constant 0 : index
        %get3A_2706 = tpu.vector_load %arg17[%get3A_2705] {strides = array<i32>} : memref<32xf32, #tpu.memory_space<vmem>>, vector<16xf32>,
        %get3A_2707 = vector.shape_cast %get3A_2706 : vector<16xf32> to vector<16xf32>
        %mul3A_2708 = arith.constant 64 : i32
        %mul3A_2709 = arith.muli %add3A_40, %mul3A_2708 : i32
        %add3A_2710 = arith.addi %mul3A_2709, %mul3A_98 : i32
        %swap3A_2711 = arith.index_cast %add3A_2710 : i32 to index
        %swap3A_2712 = tpu.vector_load %arg18[%swap3A_2711] {strides = array<i32>} : memref<512xf32, #tpu.memory_space<vmem>>, vector<16xf32>,
        %swap3A_2713 = vector.shape_cast %swap3A_2712 : vector<16xf32> to vector<16xf32>
        %swap3A_2714 = vector.shape_cast %get3A_2707 : vector<16xf32> to vector<16xf32>
        tpu.vector_store %arg18[%swap3A_2711], %swap3A_2714 {strides = array<i32>} : memref<512xf32, #tpu.memory_space<vmem>>, vector<16xf32>,
        %scan3A_2715 = arith.constant 0 : i32
        scf.yield %scan3A_2715 : i32
      }
      %scan3A_59 = arith.constant 4 : i32
      %add3A_60 = arith.constant 1 : i32
      %add3A_61 = arith.addi %scan3A_35, %add3A_60 : i32
      %lt3A = arith.constant 4 : i32
      %lt3A_62 = arith.cmpi slt, %add3A_61, %lt3A : i32
      %convert_element_type3A = arith.extui %lt3A_62 : i1 to i32
      %cond3A = arith.constant 0 : i32
      %cond3A_63 = arith.cmpi ne, %convert_element_type3A, %cond3A : i32
      scf.if %cond3A_63 {
        %add3A_95 = arith.constant 2 : i32
        %add3A_96 = arith.addi %add3A_40, %add3A_95 : i32
        %mul3A_97 = arith.constant 64 : i32
        %mul3A_98 = arith.muli %add3A_96, %mul3A_97 : i32
        %dma_start3A_99 = tpu.memref_slice %arg7[%mul3A_98] : memref<512xi32, #tpu.memory_space<vmem>> -> memref<64xi32, #tpu.memory_space<vmem>>
        %dma_start3A_100 = arith.constant 0 : i32
        %dma_start3A_101 = arith.constant 0 : i32
        %dma_start3A_102 = tpu.memref_slice %arg4[%dma_start3A_100, %dma_start3A_101] : memref<100000x128xf32, #tpu.memory_space<hbm>> -> memref<100000x128xf32, #tpu.memory_space<hbm>>
        tpu.enqueue_indirect_dma source(%dma_start3A_102 : memref<100000x128xf32, #tpu.memory_space<hbm>>) target(%arg9 : memref<64x128xf32, #tpu.memory_space<vmem>>) offsets(%dma_start3A_99 : memref<64xi32, #tpu.memory_space<vmem>>) semaphore(%arg19 : memref<!tpu.dma_semaphore, #tpu.memory_space<semaphore_mem>>)
        %mul3A_103 = arith.constant 64 : i32
        %mul3A_104 = arith.muli %add3A_96, %mul3A_103 : i32
        %dma_start3A_105 = tpu.memref_slice %arg8[%mul3A_104] : memref<512xi32, #tpu.memory_space<vmem>> -> memref<64xi32, #tpu.memory_space<vmem>>
        %dma_start3A_106 = arith.constant 0 : i32
        %dma_start3A_107 = arith.constant 0 : i32
        %dma_start3A_108 = tpu.memref_slice %arg5[%dma_start3A_106, %dma_start3A_107] : memref<100000x128xf32, #tpu.memory_space<hbm>> -> memref<100000x128xf32, #tpu.memory_space<hbm>>
        tpu.enqueue_indirect_dma source(%dma_start3A_108 : memref<100000x128xf32, #tpu.memory_space<hbm>>) target(%arg11 : memref<64x128xf32, #tpu.memory_space<vmem>>) offsets(%dma_start3A_105 : memref<64xi32, #tpu.memory_space<vmem>>) semaphore(%arg21 : memref<!tpu.dma_semaphore, #tpu.memory_space<semaphore_mem>>)
      } else {
      }
      %mul3A_64 = arith.constant 2 : i32
      %mul3A_65 = arith.muli %mul3A_64, %scan3A_35 : i32
      %add3A_66 = arith.constant 1 : i32
      %add3A_67 = arith.addi %mul3A_65, %add3A_66 : i32
      %mul3A_68 = arith.constant 64 : i32
      %mul3A_69 = arith.muli %add3A_67, %mul3A_68 : i32
      %dma_wait3A_70 = tpu.memref_slice %arg7[%mul3A_69] : memref<512xi32, #tpu.memory_space<vmem>> -> memref<64xi32, #tpu.memory_space<vmem>>
      %dma_wait3A_71 = arith.constant 0 : i32
      %dma_wait3A_72 = arith.constant 0 : i32
      %dma_wait3A_73 = tpu.memref_slice %arg4[%dma_wait3A_71, %dma_wait3A_72] : memref<100000x128xf32, #tpu.memory_space<hbm>> -> memref<100000x128xf32, #tpu.memory_space<hbm>>
      tpu.wait_indirect_dma semaphore(%arg20 : memref<!tpu.dma_semaphore, #tpu.memory_space<semaphore_mem>>) src(%dma_wait3A_73 : memref<100000x128xf32, #tpu.memory_space<hbm>>) dst(%arg10 : memref<64x128xf32, #tpu.memory_space<vmem>>)
      %mul3A_74 = arith.constant 64 : i32
      %mul3A_75 = arith.muli %add3A_67, %mul3A_74 : i32
      %dma_wait3A_76 = tpu.memref_slice %arg8[%mul3A_75] : memref<512xi32, #tpu.memory_space<vmem>> -> memref<64xi32, #tpu.memory_space<vmem>>
      %dma_wait3A_77 = arith.constant 0 : i32
      %dma_wait3A_78 = arith.constant 0 : i32
      %dma_wait3A_79 = tpu.memref_slice %arg5[%dma_wait3A_77, %dma_wait3A_78] : memref<100000x128xf32, #tpu.memory_space<hbm>> -> memref<100000x128xf32, #tpu.memory_space<hbm>>
      tpu.wait_indirect_dma semaphore(%arg22 : memref<!tpu.dma_semaphore, #tpu.memory_space<semaphore_mem>>) src(%dma_wait3A_79 : memref<100000x128xf32, #tpu.memory_space<hbm>>) dst(%arg12 : memref<64x128xf32, #tpu.memory_space<vmem>>)
      %scan3A_80 = arith.constant 0 : i32
      %scan3A_81 = arith.constant 0 : i32
      %scan3A_82 = arith.constant 4 : i32
      %scan3A_83 = arith.addi %scan3A_81, %scan3A_82 : i32
      %scan3A_84 = arith.constant 1 : i32
      %scan3A_85 = scf.for %scan3A_95 = %scan3A_81 to %scan3A_83 step %scan3A_84 iter_args(%scan3A_96 = %scan3A_80) -> (i32)  : i32 {
        %mul3A_97 = arith.constant 16 : i32
        %mul3A_98 = arith.muli %scan3A_95, %mul3A_97 : i32
        %add3A_99 = arith.constant 0 : i32
        %add3A_100 = arith.addi %mul3A_98, %add3A_99 : i32
        %get3A = arith.index_cast %add3A_100 : i32 to index
        %get3A_101 = arith.constant 0 : index
        %get3A_102 = tpu.vector_load %arg10[%get3A, %get3A_101] {strides = array<i32>} : memref<64x128xf32, #tpu.memory_space<vmem>>, vector<1x16xf32>,
        %get3A_103 = vector.shape_cast %get3A_102 : vector<1x16xf32> to vector<16xf32>
        %add3A_104 = arith.constant 0 : i32
        %add3A_105 = arith.addi %mul3A_98, %add3A_104 : i32
        %get3A_106 = arith.index_cast %add3A_105 : i32 to index
        %get3A_107 = arith.constant 0 : index
        %get3A_108 = tpu.vector_load %arg12[%get3A_106, %get3A_107] {strides = array<i32>} : memref<64x128xf32, #tpu.memory_space<vmem>>, vector<1x16xf32>,
        %get3A_109 = vector.shape_cast %get3A_108 : vector<1x16xf32> to vector<16xf32>
        %mul3A_110 = arith.mulf %get3A_103, %get3A_109 : vector<16xf32>
        %add3A_111 = arith.constant 0 : i32
        %add3A_112 = arith.addi %mul3A_98, %add3A_111 : i32
        %get3A_113 = arith.index_cast %add3A_112 : i32 to index
        %get3A_114 = arith.constant 16 : index
        %get3A_115 = tpu.vector_load %arg10[%get3A_113, %get3A_114] {strides = array<i32>} : memref<64x128xf32, #tpu.memory_space<vmem>>, vector<1x16xf32>,
        %get3A_116 = vector.shape_cast %get3A_115 : vector<1x16xf32> to vector<16xf32>
        %add3A_117 = arith.constant 0 : i32
        %add3A_118 = arith.addi %mul3A_98, %add3A_117 : i32
        %get3A_119 = arith.index_cast %add3A_118 : i32 to index
        %get3A_120 = arith.constant 16 : index
        %get3A_121 = tpu.vector_load %arg12[%get3A_119, %get3A_120] {strides = array<i32>} : memref<64x128xf32, #tpu.memory_space<vmem>>, vector<1x16xf32>,
        %get3A_122 = vector.shape_cast %get3A_121 : vector<1x16xf32> to vector<16xf32>
        %mul3A_123 = arith.mulf %get3A_116, %get3A_122 : vector<16xf32>
        %add3A_124 = arith.constant 0 : i32
        %add3A_125 = arith.addi %mul3A_98, %add3A_124 : i32
        %get3A_126 = arith.index_cast %add3A_125 : i32 to index
        %get3A_127 = arith.constant 32 : index
        %get3A_128 = tpu.vector_load %arg10[%get3A_126, %get3A_127] {strides = array<i32>} : memref<64x128xf32, #tpu.memory_space<vmem>>, vector<1x16xf32>,
        %get3A_129 = vector.shape_cast %get3A_128 : vector<1x16xf32> to vector<16xf32>
        %add3A_130 = arith.constant 0 : i32
        %add3A_131 = arith.addi %mul3A_98, %add3A_130 : i32
        %get3A_132 = arith.index_cast %add3A_131 : i32 to index
        %get3A_133 = arith.constant 32 : index
        %get3A_134 = tpu.vector_load %arg12[%get3A_132, %get3A_133] {strides = array<i32>} : memref<64x128xf32, #tpu.memory_space<vmem>>, vector<1x16xf32>,
        %get3A_135 = vector.shape_cast %get3A_134 : vector<1x16xf32> to vector<16xf32>
        %mul3A_136 = arith.mulf %get3A_129, %get3A_135 : vector<16xf32>
        %add3A_137 = arith.addf %mul3A_110, %mul3A_136 : vector<16xf32>
        %add3A_138 = arith.constant 0 : i32
        %add3A_139 = arith.addi %mul3A_98, %add3A_138 : i32
        %get3A_140 = arith.index_cast %add3A_139 : i32 to index
        %get3A_141 = arith.constant 48 : index
        %get3A_142 = tpu.vector_load %arg10[%get3A_140, %get3A_141] {strides = array<i32>} : memref<64x128xf32, #tpu.memory_space<vmem>>, vector<1x16xf32>,
        %get3A_143 = vector.shape_cast %get3A_142 : vector<1x16xf32> to vector<16xf32>
        %add3A_144 = arith.constant 0 : i32
        %add3A_145 = arith.addi %mul3A_98, %add3A_144 : i32
        %get3A_146 = arith.index_cast %add3A_145 : i32 to index
        %get3A_147 = arith.constant 48 : index
        %get3A_148 = tpu.vector_load %arg12[%get3A_146, %get3A_147] {strides = array<i32>} : memref<64x128xf32, #tpu.memory_space<vmem>>, vector<1x16xf32>,
        %get3A_149 = vector.shape_cast %get3A_148 : vector<1x16xf32> to vector<16xf32>
        %mul3A_150 = arith.mulf %get3A_143, %get3A_149 : vector<16xf32>
        %add3A_151 = arith.addf %mul3A_123, %mul3A_150 : vector<16xf32>
        %add3A_152 = arith.constant 0 : i32
        %add3A_153 = arith.addi %mul3A_98, %add3A_152 : i32
        %get3A_154 = arith.index_cast %add3A_153 : i32 to index
        %get3A_155 = arith.constant 64 : index
        %get3A_156 = tpu.vector_load %arg10[%get3A_154, %get3A_155] {strides = array<i32>} : memref<64x128xf32, #tpu.memory_space<vmem>>, vector<1x16xf32>,
        %get3A_157 = vector.shape_cast %get3A_156 : vector<1x16xf32> to vector<16xf32>
        %add3A_158 = arith.constant 0 : i32
        %add3A_159 = arith.addi %mul3A_98, %add3A_158 : i32
        %get3A_160 = arith.index_cast %add3A_159 : i32 to index
        %get3A_161 = arith.constant 64 : index
        %get3A_162 = tpu.vector_load %arg12[%get3A_160, %get3A_161] {strides = array<i32>} : memref<64x128xf32, #tpu.memory_space<vmem>>, vector<1x16xf32>,
        %get3A_163 = vector.shape_cast %get3A_162 : vector<1x16xf32> to vector<16xf32>
        %mul3A_164 = arith.mulf %get3A_157, %get3A_163 : vector<16xf32>
        %add3A_165 = arith.addf %add3A_137, %mul3A_164 : vector<16xf32>
        %add3A_166 = arith.constant 0 : i32
        %add3A_167 = arith.addi %mul3A_98, %add3A_166 : i32
        %get3A_168 = arith.index_cast %add3A_167 : i32 to index
        %get3A_169 = arith.constant 80 : index
        %get3A_170 = tpu.vector_load %arg10[%get3A_168, %get3A_169] {strides = array<i32>} : memref<64x128xf32, #tpu.memory_space<vmem>>, vector<1x16xf32>,
        %get3A_171 = vector.shape_cast %get3A_170 : vector<1x16xf32> to vector<16xf32>
        %add3A_172 = arith.constant 0 : i32
        %add3A_173 = arith.addi %mul3A_98, %add3A_172 : i32
        %get3A_174 = arith.index_cast %add3A_173 : i32 to index
        %get3A_175 = arith.constant 80 : index
        %get3A_176 = tpu.vector_load %arg12[%get3A_174, %get3A_175] {strides = array<i32>} : memref<64x128xf32, #tpu.memory_space<vmem>>, vector<1x16xf32>,
        %get3A_177 = vector.shape_cast %get3A_176 : vector<1x16xf32> to vector<16xf32>
        %mul3A_178 = arith.mulf %get3A_171, %get3A_177 : vector<16xf32>
        %add3A_179 = arith.addf %add3A_151, %mul3A_178 : vector<16xf32>
        %add3A_180 = arith.constant 0 : i32
        %add3A_181 = arith.addi %mul3A_98, %add3A_180 : i32
        %get3A_182 = arith.index_cast %add3A_181 : i32 to index
        %get3A_183 = arith.constant 96 : index
        %get3A_184 = tpu.vector_load %arg10[%get3A_182, %get3A_183] {strides = array<i32>} : memref<64x128xf32, #tpu.memory_space<vmem>>, vector<1x16xf32>,
        %get3A_185 = vector.shape_cast %get3A_184 : vector<1x16xf32> to vector<16xf32>
        %add3A_186 = arith.constant 0 : i32
        %add3A_187 = arith.addi %mul3A_98, %add3A_186 : i32
        %get3A_188 = arith.index_cast %add3A_187 : i32 to index
        %get3A_189 = arith.constant 96 : index
        %get3A_190 = tpu.vector_load %arg12[%get3A_188, %get3A_189] {strides = array<i32>} : memref<64x128xf32, #tpu.memory_space<vmem>>, vector<1x16xf32>,
        %get3A_191 = vector.shape_cast %get3A_190 : vector<1x16xf32> to vector<16xf32>
        %mul3A_192 = arith.mulf %get3A_185, %get3A_191 : vector<16xf32>
        %add3A_193 = arith.addf %add3A_165, %mul3A_192 : vector<16xf32>
        %add3A_194 = arith.constant 0 : i32
        %add3A_195 = arith.addi %mul3A_98, %add3A_194 : i32
        %get3A_196 = arith.index_cast %add3A_195 : i32 to index
        %get3A_197 = arith.constant 112 : index
        %get3A_198 = tpu.vector_load %arg10[%get3A_196, %get3A_197] {strides = array<i32>} : memref<64x128xf32, #tpu.memory_space<vmem>>, vector<1x16xf32>,
        %get3A_199 = vector.shape_cast %get3A_198 : vector<1x16xf32> to vector<16xf32>
        %add3A_200 = arith.constant 0 : i32
        %add3A_201 = arith.addi %mul3A_98, %add3A_200 : i32
        %get3A_202 = arith.index_cast %add3A_201 : i32 to index
        %get3A_203 = arith.constant 112 : index
        %get3A_204 = tpu.vector_load %arg12[%get3A_202, %get3A_203] {strides = array<i32>} : memref<64x128xf32, #tpu.memory_space<vmem>>, vector<1x16xf32>,
        %get3A_205 = vector.shape_cast %get3A_204 : vector<1x16xf32> to vector<16xf32>
        %mul3A_206 = arith.mulf %get3A_199, %get3A_205 : vector<16xf32>
        %add3A_207 = arith.addf %add3A_179, %mul3A_206 : vector<16xf32>
        %add3A_208 = arith.addf %add3A_193, %add3A_207 : vector<16xf32>
        %add3A_209 = arith.constant 1 : i32
        %add3A_210 = arith.addi %mul3A_98, %add3A_209 : i32
        %get3A_211 = arith.index_cast %add3A_210 : i32 to index
        %get3A_212 = arith.constant 0 : index
        %get3A_213 = tpu.vector_load %arg10[%get3A_211, %get3A_212] {strides = array<i32>} : memref<64x128xf32, #tpu.memory_space<vmem>>, vector<1x16xf32>,
        %get3A_214 = vector.shape_cast %get3A_213 : vector<1x16xf32> to vector<16xf32>
        %add3A_215 = arith.constant 1 : i32
        %add3A_216 = arith.addi %mul3A_98, %add3A_215 : i32
        %get3A_217 = arith.index_cast %add3A_216 : i32 to index
        %get3A_218 = arith.constant 0 : index
        %get3A_219 = tpu.vector_load %arg12[%get3A_217, %get3A_218] {strides = array<i32>} : memref<64x128xf32, #tpu.memory_space<vmem>>, vector<1x16xf32>,
        %get3A_220 = vector.shape_cast %get3A_219 : vector<1x16xf32> to vector<16xf32>
        %mul3A_221 = arith.mulf %get3A_214, %get3A_220 : vector<16xf32>
        %add3A_222 = arith.constant 1 : i32
        %add3A_223 = arith.addi %mul3A_98, %add3A_222 : i32
        %get3A_224 = arith.index_cast %add3A_223 : i32 to index
        %get3A_225 = arith.constant 16 : index
        %get3A_226 = tpu.vector_load %arg10[%get3A_224, %get3A_225] {strides = array<i32>} : memref<64x128xf32, #tpu.memory_space<vmem>>, vector<1x16xf32>,
        %get3A_227 = vector.shape_cast %get3A_226 : vector<1x16xf32> to vector<16xf32>
        %add3A_228 = arith.constant 1 : i32
        %add3A_229 = arith.addi %mul3A_98, %add3A_228 : i32
        %get3A_230 = arith.index_cast %add3A_229 : i32 to index
        %get3A_231 = arith.constant 16 : index
        %get3A_232 = tpu.vector_load %arg12[%get3A_230, %get3A_231] {strides = array<i32>} : memref<64x128xf32, #tpu.memory_space<vmem>>, vector<1x16xf32>,
        %get3A_233 = vector.shape_cast %get3A_232 : vector<1x16xf32> to vector<16xf32>
        %mul3A_234 = arith.mulf %get3A_227, %get3A_233 : vector<16xf32>
        %add3A_235 = arith.constant 1 : i32
        %add3A_236 = arith.addi %mul3A_98, %add3A_235 : i32
        %get3A_237 = arith.index_cast %add3A_236 : i32 to index
        %get3A_238 = arith.constant 32 : index
        %get3A_239 = tpu.vector_load %arg10[%get3A_237, %get3A_238] {strides = array<i32>} : memref<64x128xf32, #tpu.memory_space<vmem>>, vector<1x16xf32>,
        %get3A_240 = vector.shape_cast %get3A_239 : vector<1x16xf32> to vector<16xf32>
        %add3A_241 = arith.constant 1 : i32
        %add3A_242 = arith.addi %mul3A_98, %add3A_241 : i32
        %get3A_243 = arith.index_cast %add3A_242 : i32 to index
        %get3A_244 = arith.constant 32 : index
        %get3A_245 = tpu.vector_load %arg12[%get3A_243, %get3A_244] {strides = array<i32>} : memref<64x128xf32, #tpu.memory_space<vmem>>, vector<1x16xf32>,
        %get3A_246 = vector.shape_cast %get3A_245 : vector<1x16xf32> to vector<16xf32>
        %mul3A_247 = arith.mulf %get3A_240, %get3A_246 : vector<16xf32>
        %add3A_248 = arith.addf %mul3A_221, %mul3A_247 : vector<16xf32>
        %add3A_249 = arith.constant 1 : i32
        %add3A_250 = arith.addi %mul3A_98, %add3A_249 : i32
        %get3A_251 = arith.index_cast %add3A_250 : i32 to index
        %get3A_252 = arith.constant 48 : index
        %get3A_253 = tpu.vector_load %arg10[%get3A_251, %get3A_252] {strides = array<i32>} : memref<64x128xf32, #tpu.memory_space<vmem>>, vector<1x16xf32>,
        %get3A_254 = vector.shape_cast %get3A_253 : vector<1x16xf32> to vector<16xf32>
        %add3A_255 = arith.constant 1 : i32
        %add3A_256 = arith.addi %mul3A_98, %add3A_255 : i32
        %get3A_257 = arith.index_cast %add3A_256 : i32 to index
        %get3A_258 = arith.constant 48 : index
        %get3A_259 = tpu.vector_load %arg12[%get3A_257, %get3A_258] {strides = array<i32>} : memref<64x128xf32, #tpu.memory_space<vmem>>, vector<1x16xf32>,
        %get3A_260 = vector.shape_cast %get3A_259 : vector<1x16xf32> to vector<16xf32>
        %mul3A_261 = arith.mulf %get3A_254, %get3A_260 : vector<16xf32>
        %add3A_262 = arith.addf %mul3A_234, %mul3A_261 : vector<16xf32>
        %add3A_263 = arith.constant 1 : i32
        %add3A_264 = arith.addi %mul3A_98, %add3A_263 : i32
        %get3A_265 = arith.index_cast %add3A_264 : i32 to index
        %get3A_266 = arith.constant 64 : index
        %get3A_267 = tpu.vector_load %arg10[%get3A_265, %get3A_266] {strides = array<i32>} : memref<64x128xf32, #tpu.memory_space<vmem>>, vector<1x16xf32>,
        %get3A_268 = vector.shape_cast %get3A_267 : vector<1x16xf32> to vector<16xf32>
        %add3A_269 = arith.constant 1 : i32
        %add3A_270 = arith.addi %mul3A_98, %add3A_269 : i32
        %get3A_271 = arith.index_cast %add3A_270 : i32 to index
        %get3A_272 = arith.constant 64 : index
        %get3A_273 = tpu.vector_load %arg12[%get3A_271, %get3A_272] {strides = array<i32>} : memref<64x128xf32, #tpu.memory_space<vmem>>, vector<1x16xf32>,
        %get3A_274 = vector.shape_cast %get3A_273 : vector<1x16xf32> to vector<16xf32>
        %mul3A_275 = arith.mulf %get3A_268, %get3A_274 : vector<16xf32>
        %add3A_276 = arith.addf %add3A_248, %mul3A_275 : vector<16xf32>
        %add3A_277 = arith.constant 1 : i32
        %add3A_278 = arith.addi %mul3A_98, %add3A_277 : i32
        %get3A_279 = arith.index_cast %add3A_278 : i32 to index
        %get3A_280 = arith.constant 80 : index
        %get3A_281 = tpu.vector_load %arg10[%get3A_279, %get3A_280] {strides = array<i32>} : memref<64x128xf32, #tpu.memory_space<vmem>>, vector<1x16xf32>,
        %get3A_282 = vector.shape_cast %get3A_281 : vector<1x16xf32> to vector<16xf32>
        %add3A_283 = arith.constant 1 : i32
        %add3A_284 = arith.addi %mul3A_98, %add3A_283 : i32
        %get3A_285 = arith.index_cast %add3A_284 : i32 to index
        %get3A_286 = arith.constant 80 : index
        %get3A_287 = tpu.vector_load %arg12[%get3A_285, %get3A_286] {strides = array<i32>} : memref<64x128xf32, #tpu.memory_space<vmem>>, vector<1x16xf32>,
        %get3A_288 = vector.shape_cast %get3A_287 : vector<1x16xf32> to vector<16xf32>
        %mul3A_289 = arith.mulf %get3A_282, %get3A_288 : vector<16xf32>
        %add3A_290 = arith.addf %add3A_262, %mul3A_289 : vector<16xf32>
        %add3A_291 = arith.constant 1 : i32
        %add3A_292 = arith.addi %mul3A_98, %add3A_291 : i32
        %get3A_293 = arith.index_cast %add3A_292 : i32 to index
        %get3A_294 = arith.constant 96 : index
        %get3A_295 = tpu.vector_load %arg10[%get3A_293, %get3A_294] {strides = array<i32>} : memref<64x128xf32, #tpu.memory_space<vmem>>, vector<1x16xf32>,
        %get3A_296 = vector.shape_cast %get3A_295 : vector<1x16xf32> to vector<16xf32>
        %add3A_297 = arith.constant 1 : i32
        %add3A_298 = arith.addi %mul3A_98, %add3A_297 : i32
        %get3A_299 = arith.index_cast %add3A_298 : i32 to index
        %get3A_300 = arith.constant 96 : index
        %get3A_301 = tpu.vector_load %arg12[%get3A_299, %get3A_300] {strides = array<i32>} : memref<64x128xf32, #tpu.memory_space<vmem>>, vector<1x16xf32>,
        %get3A_302 = vector.shape_cast %get3A_301 : vector<1x16xf32> to vector<16xf32>
        %mul3A_303 = arith.mulf %get3A_296, %get3A_302 : vector<16xf32>
        %add3A_304 = arith.addf %add3A_276, %mul3A_303 : vector<16xf32>
        %add3A_305 = arith.constant 1 : i32
        %add3A_306 = arith.addi %mul3A_98, %add3A_305 : i32
        %get3A_307 = arith.index_cast %add3A_306 : i32 to index
        %get3A_308 = arith.constant 112 : index
        %get3A_309 = tpu.vector_load %arg10[%get3A_307, %get3A_308] {strides = array<i32>} : memref<64x128xf32, #tpu.memory_space<vmem>>, vector<1x16xf32>,
        %get3A_310 = vector.shape_cast %get3A_309 : vector<1x16xf32> to vector<16xf32>
        %add3A_311 = arith.constant 1 : i32
        %add3A_312 = arith.addi %mul3A_98, %add3A_311 : i32
        %get3A_313 = arith.index_cast %add3A_312 : i32 to index
        %get3A_314 = arith.constant 112 : index
        %get3A_315 = tpu.vector_load %arg12[%get3A_313, %get3A_314] {strides = array<i32>} : memref<64x128xf32, #tpu.memory_space<vmem>>, vector<1x16xf32>,
        %get3A_316 = vector.shape_cast %get3A_315 : vector<1x16xf32> to vector<16xf32>
        %mul3A_317 = arith.mulf %get3A_310, %get3A_316 : vector<16xf32>
        %add3A_318 = arith.addf %add3A_290, %mul3A_317 : vector<16xf32>
        %add3A_319 = arith.addf %add3A_304, %add3A_318 : vector<16xf32>
        %add3A_320 = arith.constant 2 : i32
        %add3A_321 = arith.addi %mul3A_98, %add3A_320 : i32
        %get3A_322 = arith.index_cast %add3A_321 : i32 to index
        %get3A_323 = arith.constant 0 : index
        %get3A_324 = tpu.vector_load %arg10[%get3A_322, %get3A_323] {strides = array<i32>} : memref<64x128xf32, #tpu.memory_space<vmem>>, vector<1x16xf32>,
        %get3A_325 = vector.shape_cast %get3A_324 : vector<1x16xf32> to vector<16xf32>
        %add3A_326 = arith.constant 2 : i32
        %add3A_327 = arith.addi %mul3A_98, %add3A_326 : i32
        %get3A_328 = arith.index_cast %add3A_327 : i32 to index
        %get3A_329 = arith.constant 0 : index
        %get3A_330 = tpu.vector_load %arg12[%get3A_328, %get3A_329] {strides = array<i32>} : memref<64x128xf32, #tpu.memory_space<vmem>>, vector<1x16xf32>,
        %get3A_331 = vector.shape_cast %get3A_330 : vector<1x16xf32> to vector<16xf32>
        %mul3A_332 = arith.mulf %get3A_325, %get3A_331 : vector<16xf32>
        %add3A_333 = arith.constant 2 : i32
        %add3A_334 = arith.addi %mul3A_98, %add3A_333 : i32
        %get3A_335 = arith.index_cast %add3A_334 : i32 to index
        %get3A_336 = arith.constant 16 : index
        %get3A_337 = tpu.vector_load %arg10[%get3A_335, %get3A_336] {strides = array<i32>} : memref<64x128xf32, #tpu.memory_space<vmem>>, vector<1x16xf32>,
        %get3A_338 = vector.shape_cast %get3A_337 : vector<1x16xf32> to vector<16xf32>
        %add3A_339 = arith.constant 2 : i32
        %add3A_340 = arith.addi %mul3A_98, %add3A_339 : i32
        %get3A_341 = arith.index_cast %add3A_340 : i32 to index
        %get3A_342 = arith.constant 16 : index
        %get3A_343 = tpu.vector_load %arg12[%get3A_341, %get3A_342] {strides = array<i32>} : memref<64x128xf32, #tpu.memory_space<vmem>>, vector<1x16xf32>,
        %get3A_344 = vector.shape_cast %get3A_343 : vector<1x16xf32> to vector<16xf32>
        %mul3A_345 = arith.mulf %get3A_338, %get3A_344 : vector<16xf32>
        %add3A_346 = arith.constant 2 : i32
        %add3A_347 = arith.addi %mul3A_98, %add3A_346 : i32
        %get3A_348 = arith.index_cast %add3A_347 : i32 to index
        %get3A_349 = arith.constant 32 : index
        %get3A_350 = tpu.vector_load %arg10[%get3A_348, %get3A_349] {strides = array<i32>} : memref<64x128xf32, #tpu.memory_space<vmem>>, vector<1x16xf32>,
        %get3A_351 = vector.shape_cast %get3A_350 : vector<1x16xf32> to vector<16xf32>
        %add3A_352 = arith.constant 2 : i32
        %add3A_353 = arith.addi %mul3A_98, %add3A_352 : i32
        %get3A_354 = arith.index_cast %add3A_353 : i32 to index
        %get3A_355 = arith.constant 32 : index
        %get3A_356 = tpu.vector_load %arg12[%get3A_354, %get3A_355] {strides = array<i32>} : memref<64x128xf32, #tpu.memory_space<vmem>>, vector<1x16xf32>,
        %get3A_357 = vector.shape_cast %get3A_356 : vector<1x16xf32> to vector<16xf32>
        %mul3A_358 = arith.mulf %get3A_351, %get3A_357 : vector<16xf32>
        %add3A_359 = arith.addf %mul3A_332, %mul3A_358 : vector<16xf32>
        %add3A_360 = arith.constant 2 : i32
        %add3A_361 = arith.addi %mul3A_98, %add3A_360 : i32
        %get3A_362 = arith.index_cast %add3A_361 : i32 to index
        %get3A_363 = arith.constant 48 : index
        %get3A_364 = tpu.vector_load %arg10[%get3A_362, %get3A_363] {strides = array<i32>} : memref<64x128xf32, #tpu.memory_space<vmem>>, vector<1x16xf32>,
        %get3A_365 = vector.shape_cast %get3A_364 : vector<1x16xf32> to vector<16xf32>
        %add3A_366 = arith.constant 2 : i32
        %add3A_367 = arith.addi %mul3A_98, %add3A_366 : i32
        %get3A_368 = arith.index_cast %add3A_367 : i32 to index
        %get3A_369 = arith.constant 48 : index
        %get3A_370 = tpu.vector_load %arg12[%get3A_368, %get3A_369] {strides = array<i32>} : memref<64x128xf32, #tpu.memory_space<vmem>>, vector<1x16xf32>,
        %get3A_371 = vector.shape_cast %get3A_370 : vector<1x16xf32> to vector<16xf32>
        %mul3A_372 = arith.mulf %get3A_365, %get3A_371 : vector<16xf32>
        %add3A_373 = arith.addf %mul3A_345, %mul3A_372 : vector<16xf32>
        %add3A_374 = arith.constant 2 : i32
        %add3A_375 = arith.addi %mul3A_98, %add3A_374 : i32
        %get3A_376 = arith.index_cast %add3A_375 : i32 to index
        %get3A_377 = arith.constant 64 : index
        %get3A_378 = tpu.vector_load %arg10[%get3A_376, %get3A_377] {strides = array<i32>} : memref<64x128xf32, #tpu.memory_space<vmem>>, vector<1x16xf32>,
        %get3A_379 = vector.shape_cast %get3A_378 : vector<1x16xf32> to vector<16xf32>
        %add3A_380 = arith.constant 2 : i32
        %add3A_381 = arith.addi %mul3A_98, %add3A_380 : i32
        %get3A_382 = arith.index_cast %add3A_381 : i32 to index
        %get3A_383 = arith.constant 64 : index
        %get3A_384 = tpu.vector_load %arg12[%get3A_382, %get3A_383] {strides = array<i32>} : memref<64x128xf32, #tpu.memory_space<vmem>>, vector<1x16xf32>,
        %get3A_385 = vector.shape_cast %get3A_384 : vector<1x16xf32> to vector<16xf32>
        %mul3A_386 = arith.mulf %get3A_379, %get3A_385 : vector<16xf32>
        %add3A_387 = arith.addf %add3A_359, %mul3A_386 : vector<16xf32>
        %add3A_388 = arith.constant 2 : i32
        %add3A_389 = arith.addi %mul3A_98, %add3A_388 : i32
        %get3A_390 = arith.index_cast %add3A_389 : i32 to index
        %get3A_391 = arith.constant 80 : index
        %get3A_392 = tpu.vector_load %arg10[%get3A_390, %get3A_391] {strides = array<i32>} : memref<64x128xf32, #tpu.memory_space<vmem>>, vector<1x16xf32>,
        %get3A_393 = vector.shape_cast %get3A_392 : vector<1x16xf32> to vector<16xf32>
        %add3A_394 = arith.constant 2 : i32
        %add3A_395 = arith.addi %mul3A_98, %add3A_394 : i32
        %get3A_396 = arith.index_cast %add3A_395 : i32 to index
        %get3A_397 = arith.constant 80 : index
        %get3A_398 = tpu.vector_load %arg12[%get3A_396, %get3A_397] {strides = array<i32>} : memref<64x128xf32, #tpu.memory_space<vmem>>, vector<1x16xf32>,
        %get3A_399 = vector.shape_cast %get3A_398 : vector<1x16xf32> to vector<16xf32>
        %mul3A_400 = arith.mulf %get3A_393, %get3A_399 : vector<16xf32>
        %add3A_401 = arith.addf %add3A_373, %mul3A_400 : vector<16xf32>
        %add3A_402 = arith.constant 2 : i32
        %add3A_403 = arith.addi %mul3A_98, %add3A_402 : i32
        %get3A_404 = arith.index_cast %add3A_403 : i32 to index
        %get3A_405 = arith.constant 96 : index
        %get3A_406 = tpu.vector_load %arg10[%get3A_404, %get3A_405] {strides = array<i32>} : memref<64x128xf32, #tpu.memory_space<vmem>>, vector<1x16xf32>,
        %get3A_407 = vector.shape_cast %get3A_406 : vector<1x16xf32> to vector<16xf32>
        %add3A_408 = arith.constant 2 : i32
        %add3A_409 = arith.addi %mul3A_98, %add3A_408 : i32
        %get3A_410 = arith.index_cast %add3A_409 : i32 to index
        %get3A_411 = arith.constant 96 : index
        %get3A_412 = tpu.vector_load %arg12[%get3A_410, %get3A_411] {strides = array<i32>} : memref<64x128xf32, #tpu.memory_space<vmem>>, vector<1x16xf32>,
        %get3A_413 = vector.shape_cast %get3A_412 : vector<1x16xf32> to vector<16xf32>
        %mul3A_414 = arith.mulf %get3A_407, %get3A_413 : vector<16xf32>
        %add3A_415 = arith.addf %add3A_387, %mul3A_414 : vector<16xf32>
        %add3A_416 = arith.constant 2 : i32
        %add3A_417 = arith.addi %mul3A_98, %add3A_416 : i32
        %get3A_418 = arith.index_cast %add3A_417 : i32 to index
        %get3A_419 = arith.constant 112 : index
        %get3A_420 = tpu.vector_load %arg10[%get3A_418, %get3A_419] {strides = array<i32>} : memref<64x128xf32, #tpu.memory_space<vmem>>, vector<1x16xf32>,
        %get3A_421 = vector.shape_cast %get3A_420 : vector<1x16xf32> to vector<16xf32>
        %add3A_422 = arith.constant 2 : i32
        %add3A_423 = arith.addi %mul3A_98, %add3A_422 : i32
        %get3A_424 = arith.index_cast %add3A_423 : i32 to index
        %get3A_425 = arith.constant 112 : index
        %get3A_426 = tpu.vector_load %arg12[%get3A_424, %get3A_425] {strides = array<i32>} : memref<64x128xf32, #tpu.memory_space<vmem>>, vector<1x16xf32>,
        %get3A_427 = vector.shape_cast %get3A_426 : vector<1x16xf32> to vector<16xf32>
        %mul3A_428 = arith.mulf %get3A_421, %get3A_427 : vector<16xf32>
        %add3A_429 = arith.addf %add3A_401, %mul3A_428 : vector<16xf32>
        %add3A_430 = arith.addf %add3A_415, %add3A_429 : vector<16xf32>
        %add3A_431 = arith.constant 3 : i32
        %add3A_432 = arith.addi %mul3A_98, %add3A_431 : i32
        %get3A_433 = arith.index_cast %add3A_432 : i32 to index
        %get3A_434 = arith.constant 0 : index
        %get3A_435 = tpu.vector_load %arg10[%get3A_433, %get3A_434] {strides = array<i32>} : memref<64x128xf32, #tpu.memory_space<vmem>>, vector<1x16xf32>,
        %get3A_436 = vector.shape_cast %get3A_435 : vector<1x16xf32> to vector<16xf32>
        %add3A_437 = arith.constant 3 : i32
        %add3A_438 = arith.addi %mul3A_98, %add3A_437 : i32
        %get3A_439 = arith.index_cast %add3A_438 : i32 to index
        %get3A_440 = arith.constant 0 : index
        %get3A_441 = tpu.vector_load %arg12[%get3A_439, %get3A_440] {strides = array<i32>} : memref<64x128xf32, #tpu.memory_space<vmem>>, vector<1x16xf32>,
        %get3A_442 = vector.shape_cast %get3A_441 : vector<1x16xf32> to vector<16xf32>
        %mul3A_443 = arith.mulf %get3A_436, %get3A_442 : vector<16xf32>
        %add3A_444 = arith.constant 3 : i32
        %add3A_445 = arith.addi %mul3A_98, %add3A_444 : i32
        %get3A_446 = arith.index_cast %add3A_445 : i32 to index
        %get3A_447 = arith.constant 16 : index
        %get3A_448 = tpu.vector_load %arg10[%get3A_446, %get3A_447] {strides = array<i32>} : memref<64x128xf32, #tpu.memory_space<vmem>>, vector<1x16xf32>,
        %get3A_449 = vector.shape_cast %get3A_448 : vector<1x16xf32> to vector<16xf32>
        %add3A_450 = arith.constant 3 : i32
        %add3A_451 = arith.addi %mul3A_98, %add3A_450 : i32
        %get3A_452 = arith.index_cast %add3A_451 : i32 to index
        %get3A_453 = arith.constant 16 : index
        %get3A_454 = tpu.vector_load %arg12[%get3A_452, %get3A_453] {strides = array<i32>} : memref<64x128xf32, #tpu.memory_space<vmem>>, vector<1x16xf32>,
        %get3A_455 = vector.shape_cast %get3A_454 : vector<1x16xf32> to vector<16xf32>
        %mul3A_456 = arith.mulf %get3A_449, %get3A_455 : vector<16xf32>
        %add3A_457 = arith.constant 3 : i32
        %add3A_458 = arith.addi %mul3A_98, %add3A_457 : i32
        %get3A_459 = arith.index_cast %add3A_458 : i32 to index
        %get3A_460 = arith.constant 32 : index
        %get3A_461 = tpu.vector_load %arg10[%get3A_459, %get3A_460] {strides = array<i32>} : memref<64x128xf32, #tpu.memory_space<vmem>>, vector<1x16xf32>,
        %get3A_462 = vector.shape_cast %get3A_461 : vector<1x16xf32> to vector<16xf32>
        %add3A_463 = arith.constant 3 : i32
        %add3A_464 = arith.addi %mul3A_98, %add3A_463 : i32
        %get3A_465 = arith.index_cast %add3A_464 : i32 to index
        %get3A_466 = arith.constant 32 : index
        %get3A_467 = tpu.vector_load %arg12[%get3A_465, %get3A_466] {strides = array<i32>} : memref<64x128xf32, #tpu.memory_space<vmem>>, vector<1x16xf32>,
        %get3A_468 = vector.shape_cast %get3A_467 : vector<1x16xf32> to vector<16xf32>
        %mul3A_469 = arith.mulf %get3A_462, %get3A_468 : vector<16xf32>
        %add3A_470 = arith.addf %mul3A_443, %mul3A_469 : vector<16xf32>
        %add3A_471 = arith.constant 3 : i32
        %add3A_472 = arith.addi %mul3A_98, %add3A_471 : i32
        %get3A_473 = arith.index_cast %add3A_472 : i32 to index
        %get3A_474 = arith.constant 48 : index
        %get3A_475 = tpu.vector_load %arg10[%get3A_473, %get3A_474] {strides = array<i32>} : memref<64x128xf32, #tpu.memory_space<vmem>>, vector<1x16xf32>,
        %get3A_476 = vector.shape_cast %get3A_475 : vector<1x16xf32> to vector<16xf32>
        %add3A_477 = arith.constant 3 : i32
        %add3A_478 = arith.addi %mul3A_98, %add3A_477 : i32
        %get3A_479 = arith.index_cast %add3A_478 : i32 to index
        %get3A_480 = arith.constant 48 : index
        %get3A_481 = tpu.vector_load %arg12[%get3A_479, %get3A_480] {strides = array<i32>} : memref<64x128xf32, #tpu.memory_space<vmem>>, vector<1x16xf32>,
        %get3A_482 = vector.shape_cast %get3A_481 : vector<1x16xf32> to vector<16xf32>
        %mul3A_483 = arith.mulf %get3A_476, %get3A_482 : vector<16xf32>
        %add3A_484 = arith.addf %mul3A_456, %mul3A_483 : vector<16xf32>
        %add3A_485 = arith.constant 3 : i32
        %add3A_486 = arith.addi %mul3A_98, %add3A_485 : i32
        %get3A_487 = arith.index_cast %add3A_486 : i32 to index
        %get3A_488 = arith.constant 64 : index
        %get3A_489 = tpu.vector_load %arg10[%get3A_487, %get3A_488] {strides = array<i32>} : memref<64x128xf32, #tpu.memory_space<vmem>>, vector<1x16xf32>,
        %get3A_490 = vector.shape_cast %get3A_489 : vector<1x16xf32> to vector<16xf32>
        %add3A_491 = arith.constant 3 : i32
        %add3A_492 = arith.addi %mul3A_98, %add3A_491 : i32
        %get3A_493 = arith.index_cast %add3A_492 : i32 to index
        %get3A_494 = arith.constant 64 : index
        %get3A_495 = tpu.vector_load %arg12[%get3A_493, %get3A_494] {strides = array<i32>} : memref<64x128xf32, #tpu.memory_space<vmem>>, vector<1x16xf32>,
        %get3A_496 = vector.shape_cast %get3A_495 : vector<1x16xf32> to vector<16xf32>
        %mul3A_497 = arith.mulf %get3A_490, %get3A_496 : vector<16xf32>
        %add3A_498 = arith.addf %add3A_470, %mul3A_497 : vector<16xf32>
        %add3A_499 = arith.constant 3 : i32
        %add3A_500 = arith.addi %mul3A_98, %add3A_499 : i32
        %get3A_501 = arith.index_cast %add3A_500 : i32 to index
        %get3A_502 = arith.constant 80 : index
        %get3A_503 = tpu.vector_load %arg10[%get3A_501, %get3A_502] {strides = array<i32>} : memref<64x128xf32, #tpu.memory_space<vmem>>, vector<1x16xf32>,
        %get3A_504 = vector.shape_cast %get3A_503 : vector<1x16xf32> to vector<16xf32>
        %add3A_505 = arith.constant 3 : i32
        %add3A_506 = arith.addi %mul3A_98, %add3A_505 : i32
        %get3A_507 = arith.index_cast %add3A_506 : i32 to index
        %get3A_508 = arith.constant 80 : index
        %get3A_509 = tpu.vector_load %arg12[%get3A_507, %get3A_508] {strides = array<i32>} : memref<64x128xf32, #tpu.memory_space<vmem>>, vector<1x16xf32>,
        %get3A_510 = vector.shape_cast %get3A_509 : vector<1x16xf32> to vector<16xf32>
        %mul3A_511 = arith.mulf %get3A_504, %get3A_510 : vector<16xf32>
        %add3A_512 = arith.addf %add3A_484, %mul3A_511 : vector<16xf32>
        %add3A_513 = arith.constant 3 : i32
        %add3A_514 = arith.addi %mul3A_98, %add3A_513 : i32
        %get3A_515 = arith.index_cast %add3A_514 : i32 to index
        %get3A_516 = arith.constant 96 : index
        %get3A_517 = tpu.vector_load %arg10[%get3A_515, %get3A_516] {strides = array<i32>} : memref<64x128xf32, #tpu.memory_space<vmem>>, vector<1x16xf32>,
        %get3A_518 = vector.shape_cast %get3A_517 : vector<1x16xf32> to vector<16xf32>
        %add3A_519 = arith.constant 3 : i32
        %add3A_520 = arith.addi %mul3A_98, %add3A_519 : i32
        %get3A_521 = arith.index_cast %add3A_520 : i32 to index
        %get3A_522 = arith.constant 96 : index
        %get3A_523 = tpu.vector_load %arg12[%get3A_521, %get3A_522] {strides = array<i32>} : memref<64x128xf32, #tpu.memory_space<vmem>>, vector<1x16xf32>,
        %get3A_524 = vector.shape_cast %get3A_523 : vector<1x16xf32> to vector<16xf32>
        %mul3A_525 = arith.mulf %get3A_518, %get3A_524 : vector<16xf32>
        %add3A_526 = arith.addf %add3A_498, %mul3A_525 : vector<16xf32>
        %add3A_527 = arith.constant 3 : i32
        %add3A_528 = arith.addi %mul3A_98, %add3A_527 : i32
        %get3A_529 = arith.index_cast %add3A_528 : i32 to index
        %get3A_530 = arith.constant 112 : index
        %get3A_531 = tpu.vector_load %arg10[%get3A_529, %get3A_530] {strides = array<i32>} : memref<64x128xf32, #tpu.memory_space<vmem>>, vector<1x16xf32>,
        %get3A_532 = vector.shape_cast %get3A_531 : vector<1x16xf32> to vector<16xf32>
        %add3A_533 = arith.constant 3 : i32
        %add3A_534 = arith.addi %mul3A_98, %add3A_533 : i32
        %get3A_535 = arith.index_cast %add3A_534 : i32 to index
        %get3A_536 = arith.constant 112 : index
        %get3A_537 = tpu.vector_load %arg12[%get3A_535, %get3A_536] {strides = array<i32>} : memref<64x128xf32, #tpu.memory_space<vmem>>, vector<1x16xf32>,
        %get3A_538 = vector.shape_cast %get3A_537 : vector<1x16xf32> to vector<16xf32>
        %mul3A_539 = arith.mulf %get3A_532, %get3A_538 : vector<16xf32>
        %add3A_540 = arith.addf %add3A_512, %mul3A_539 : vector<16xf32>
        %add3A_541 = arith.addf %add3A_526, %add3A_540 : vector<16xf32>
        %swap3A = arith.constant 0 : i32
        %swap3A_542 = arith.index_cast %swap3A : i32 to index
        %swap3A_543 = arith.constant 0 : index
        %swap3A_544 = tpu.vector_load %arg13[%swap3A_542, %swap3A_543] {strides = array<i32>} : memref<16x24xf32, #tpu.memory_space<vmem>>, vector<1x16xf32>,
        %swap3A_545 = vector.shape_cast %swap3A_544 : vector<1x16xf32> to vector<16xf32>
        %swap3A_546 = vector.shape_cast %add3A_208 : vector<16xf32> to vector<1x16xf32>
        tpu.vector_store %arg13[%swap3A_542, %swap3A_543], %swap3A_546 {strides = array<i32>} : memref<16x24xf32, #tpu.memory_space<vmem>>, vector<1x16xf32>,
        %swap3A_547 = arith.constant 1 : i32
        %swap3A_548 = arith.index_cast %swap3A_547 : i32 to index
        %swap3A_549 = arith.constant 0 : index
        %swap3A_550 = tpu.vector_load %arg13[%swap3A_548, %swap3A_549] {strides = array<i32>} : memref<16x24xf32, #tpu.memory_space<vmem>>, vector<1x16xf32>,
        %swap3A_551 = vector.shape_cast %swap3A_550 : vector<1x16xf32> to vector<16xf32>
        %swap3A_552 = vector.shape_cast %add3A_319 : vector<16xf32> to vector<1x16xf32>
        tpu.vector_store %arg13[%swap3A_548, %swap3A_549], %swap3A_552 {strides = array<i32>} : memref<16x24xf32, #tpu.memory_space<vmem>>, vector<1x16xf32>,
        %swap3A_553 = arith.constant 2 : i32
        %swap3A_554 = arith.index_cast %swap3A_553 : i32 to index
        %swap3A_555 = arith.constant 0 : index
        %swap3A_556 = tpu.vector_load %arg13[%swap3A_554, %swap3A_555] {strides = array<i32>} : memref<16x24xf32, #tpu.memory_space<vmem>>, vector<1x16xf32>,
        %swap3A_557 = vector.shape_cast %swap3A_556 : vector<1x16xf32> to vector<16xf32>
        %swap3A_558 = vector.shape_cast %add3A_430 : vector<16xf32> to vector<1x16xf32>
        tpu.vector_store %arg13[%swap3A_554, %swap3A_555], %swap3A_558 {strides = array<i32>} : memref<16x24xf32, #tpu.memory_space<vmem>>, vector<1x16xf32>,
        %swap3A_559 = arith.constant 3 : i32
        %swap3A_560 = arith.index_cast %swap3A_559 : i32 to index
        %swap3A_561 = arith.constant 0 : index
        %swap3A_562 = tpu.vector_load %arg13[%swap3A_560, %swap3A_561] {strides = array<i32>} : memref<16x24xf32, #tpu.memory_space<vmem>>, vector<1x16xf32>,
        %swap3A_563 = vector.shape_cast %swap3A_562 : vector<1x16xf32> to vector<16xf32>
        %swap3A_564 = vector.shape_cast %add3A_541 : vector<16xf32> to vector<1x16xf32>
        tpu.vector_store %arg13[%swap3A_560, %swap3A_561], %swap3A_564 {strides = array<i32>} : memref<16x24xf32, #tpu.memory_space<vmem>>, vector<1x16xf32>,
        %add3A_565 = arith.constant 4 : i32
        %add3A_566 = arith.addi %mul3A_98, %add3A_565 : i32
        %get3A_567 = arith.index_cast %add3A_566 : i32 to index
        %get3A_568 = arith.constant 0 : index
        %get3A_569 = tpu.vector_load %arg10[%get3A_567, %get3A_568] {strides = array<i32>} : memref<64x128xf32, #tpu.memory_space<vmem>>, vector<1x16xf32>,
        %get3A_570 = vector.shape_cast %get3A_569 : vector<1x16xf32> to vector<16xf32>
        %add3A_571 = arith.constant 4 : i32
        %add3A_572 = arith.addi %mul3A_98, %add3A_571 : i32
        %get3A_573 = arith.index_cast %add3A_572 : i32 to index
        %get3A_574 = arith.constant 0 : index
        %get3A_575 = tpu.vector_load %arg12[%get3A_573, %get3A_574] {strides = array<i32>} : memref<64x128xf32, #tpu.memory_space<vmem>>, vector<1x16xf32>,
        %get3A_576 = vector.shape_cast %get3A_575 : vector<1x16xf32> to vector<16xf32>
        %mul3A_577 = arith.mulf %get3A_570, %get3A_576 : vector<16xf32>
        %add3A_578 = arith.constant 4 : i32
        %add3A_579 = arith.addi %mul3A_98, %add3A_578 : i32
        %get3A_580 = arith.index_cast %add3A_579 : i32 to index
        %get3A_581 = arith.constant 16 : index
        %get3A_582 = tpu.vector_load %arg10[%get3A_580, %get3A_581] {strides = array<i32>} : memref<64x128xf32, #tpu.memory_space<vmem>>, vector<1x16xf32>,
        %get3A_583 = vector.shape_cast %get3A_582 : vector<1x16xf32> to vector<16xf32>
        %add3A_584 = arith.constant 4 : i32
        %add3A_585 = arith.addi %mul3A_98, %add3A_584 : i32
        %get3A_586 = arith.index_cast %add3A_585 : i32 to index
        %get3A_587 = arith.constant 16 : index
        %get3A_588 = tpu.vector_load %arg12[%get3A_586, %get3A_587] {strides = array<i32>} : memref<64x128xf32, #tpu.memory_space<vmem>>, vector<1x16xf32>,
        %get3A_589 = vector.shape_cast %get3A_588 : vector<1x16xf32> to vector<16xf32>
        %mul3A_590 = arith.mulf %get3A_583, %get3A_589 : vector<16xf32>
        %add3A_591 = arith.constant 4 : i32
        %add3A_592 = arith.addi %mul3A_98, %add3A_591 : i32
        %get3A_593 = arith.index_cast %add3A_592 : i32 to index
        %get3A_594 = arith.constant 32 : index
        %get3A_595 = tpu.vector_load %arg10[%get3A_593, %get3A_594] {strides = array<i32>} : memref<64x128xf32, #tpu.memory_space<vmem>>, vector<1x16xf32>,
        %get3A_596 = vector.shape_cast %get3A_595 : vector<1x16xf32> to vector<16xf32>
        %add3A_597 = arith.constant 4 : i32
        %add3A_598 = arith.addi %mul3A_98, %add3A_597 : i32
        %get3A_599 = arith.index_cast %add3A_598 : i32 to index
        %get3A_600 = arith.constant 32 : index
        %get3A_601 = tpu.vector_load %arg12[%get3A_599, %get3A_600] {strides = array<i32>} : memref<64x128xf32, #tpu.memory_space<vmem>>, vector<1x16xf32>,
        %get3A_602 = vector.shape_cast %get3A_601 : vector<1x16xf32> to vector<16xf32>
        %mul3A_603 = arith.mulf %get3A_596, %get3A_602 : vector<16xf32>
        %add3A_604 = arith.addf %mul3A_577, %mul3A_603 : vector<16xf32>
        %add3A_605 = arith.constant 4 : i32
        %add3A_606 = arith.addi %mul3A_98, %add3A_605 : i32
        %get3A_607 = arith.index_cast %add3A_606 : i32 to index
        %get3A_608 = arith.constant 48 : index
        %get3A_609 = tpu.vector_load %arg10[%get3A_607, %get3A_608] {strides = array<i32>} : memref<64x128xf32, #tpu.memory_space<vmem>>, vector<1x16xf32>,
        %get3A_610 = vector.shape_cast %get3A_609 : vector<1x16xf32> to vector<16xf32>
        %add3A_611 = arith.constant 4 : i32
        %add3A_612 = arith.addi %mul3A_98, %add3A_611 : i32
        %get3A_613 = arith.index_cast %add3A_612 : i32 to index
        %get3A_614 = arith.constant 48 : index
        %get3A_615 = tpu.vector_load %arg12[%get3A_613, %get3A_614] {strides = array<i32>} : memref<64x128xf32, #tpu.memory_space<vmem>>, vector<1x16xf32>,
        %get3A_616 = vector.shape_cast %get3A_615 : vector<1x16xf32> to vector<16xf32>
        %mul3A_617 = arith.mulf %get3A_610, %get3A_616 : vector<16xf32>
        %add3A_618 = arith.addf %mul3A_590, %mul3A_617 : vector<16xf32>
        %add3A_619 = arith.constant 4 : i32
        %add3A_620 = arith.addi %mul3A_98, %add3A_619 : i32
        %get3A_621 = arith.index_cast %add3A_620 : i32 to index
        %get3A_622 = arith.constant 64 : index
        %get3A_623 = tpu.vector_load %arg10[%get3A_621, %get3A_622] {strides = array<i32>} : memref<64x128xf32, #tpu.memory_space<vmem>>, vector<1x16xf32>,
        %get3A_624 = vector.shape_cast %get3A_623 : vector<1x16xf32> to vector<16xf32>
        %add3A_625 = arith.constant 4 : i32
        %add3A_626 = arith.addi %mul3A_98, %add3A_625 : i32
        %get3A_627 = arith.index_cast %add3A_626 : i32 to index
        %get3A_628 = arith.constant 64 : index
        %get3A_629 = tpu.vector_load %arg12[%get3A_627, %get3A_628] {strides = array<i32>} : memref<64x128xf32, #tpu.memory_space<vmem>>, vector<1x16xf32>,
        %get3A_630 = vector.shape_cast %get3A_629 : vector<1x16xf32> to vector<16xf32>
        %mul3A_631 = arith.mulf %get3A_624, %get3A_630 : vector<16xf32>
        %add3A_632 = arith.addf %add3A_604, %mul3A_631 : vector<16xf32>
        %add3A_633 = arith.constant 4 : i32
        %add3A_634 = arith.addi %mul3A_98, %add3A_633 : i32
        %get3A_635 = arith.index_cast %add3A_634 : i32 to index
        %get3A_636 = arith.constant 80 : index
        %get3A_637 = tpu.vector_load %arg10[%get3A_635, %get3A_636] {strides = array<i32>} : memref<64x128xf32, #tpu.memory_space<vmem>>, vector<1x16xf32>,
        %get3A_638 = vector.shape_cast %get3A_637 : vector<1x16xf32> to vector<16xf32>
        %add3A_639 = arith.constant 4 : i32
        %add3A_640 = arith.addi %mul3A_98, %add3A_639 : i32
        %get3A_641 = arith.index_cast %add3A_640 : i32 to index
        %get3A_642 = arith.constant 80 : index
        %get3A_643 = tpu.vector_load %arg12[%get3A_641, %get3A_642] {strides = array<i32>} : memref<64x128xf32, #tpu.memory_space<vmem>>, vector<1x16xf32>,
        %get3A_644 = vector.shape_cast %get3A_643 : vector<1x16xf32> to vector<16xf32>
        %mul3A_645 = arith.mulf %get3A_638, %get3A_644 : vector<16xf32>
        %add3A_646 = arith.addf %add3A_618, %mul3A_645 : vector<16xf32>
        %add3A_647 = arith.constant 4 : i32
        %add3A_648 = arith.addi %mul3A_98, %add3A_647 : i32
        %get3A_649 = arith.index_cast %add3A_648 : i32 to index
        %get3A_650 = arith.constant 96 : index
        %get3A_651 = tpu.vector_load %arg10[%get3A_649, %get3A_650] {strides = array<i32>} : memref<64x128xf32, #tpu.memory_space<vmem>>, vector<1x16xf32>,
        %get3A_652 = vector.shape_cast %get3A_651 : vector<1x16xf32> to vector<16xf32>
        %add3A_653 = arith.constant 4 : i32
        %add3A_654 = arith.addi %mul3A_98, %add3A_653 : i32
        %get3A_655 = arith.index_cast %add3A_654 : i32 to index
        %get3A_656 = arith.constant 96 : index
        %get3A_657 = tpu.vector_load %arg12[%get3A_655, %get3A_656] {strides = array<i32>} : memref<64x128xf32, #tpu.memory_space<vmem>>, vector<1x16xf32>,
        %get3A_658 = vector.shape_cast %get3A_657 : vector<1x16xf32> to vector<16xf32>
        %mul3A_659 = arith.mulf %get3A_652, %get3A_658 : vector<16xf32>
        %add3A_660 = arith.addf %add3A_632, %mul3A_659 : vector<16xf32>
        %add3A_661 = arith.constant 4 : i32
        %add3A_662 = arith.addi %mul3A_98, %add3A_661 : i32
        %get3A_663 = arith.index_cast %add3A_662 : i32 to index
        %get3A_664 = arith.constant 112 : index
        %get3A_665 = tpu.vector_load %arg10[%get3A_663, %get3A_664] {strides = array<i32>} : memref<64x128xf32, #tpu.memory_space<vmem>>, vector<1x16xf32>,
        %get3A_666 = vector.shape_cast %get3A_665 : vector<1x16xf32> to vector<16xf32>
        %add3A_667 = arith.constant 4 : i32
        %add3A_668 = arith.addi %mul3A_98, %add3A_667 : i32
        %get3A_669 = arith.index_cast %add3A_668 : i32 to index
        %get3A_670 = arith.constant 112 : index
        %get3A_671 = tpu.vector_load %arg12[%get3A_669, %get3A_670] {strides = array<i32>} : memref<64x128xf32, #tpu.memory_space<vmem>>, vector<1x16xf32>,
        %get3A_672 = vector.shape_cast %get3A_671 : vector<1x16xf32> to vector<16xf32>
        %mul3A_673 = arith.mulf %get3A_666, %get3A_672 : vector<16xf32>
        %add3A_674 = arith.addf %add3A_646, %mul3A_673 : vector<16xf32>
        %add3A_675 = arith.addf %add3A_660, %add3A_674 : vector<16xf32>
        %add3A_676 = arith.constant 5 : i32
        %add3A_677 = arith.addi %mul3A_98, %add3A_676 : i32
        %get3A_678 = arith.index_cast %add3A_677 : i32 to index
        %get3A_679 = arith.constant 0 : index
        %get3A_680 = tpu.vector_load %arg10[%get3A_678, %get3A_679] {strides = array<i32>} : memref<64x128xf32, #tpu.memory_space<vmem>>, vector<1x16xf32>,
        %get3A_681 = vector.shape_cast %get3A_680 : vector<1x16xf32> to vector<16xf32>
        %add3A_682 = arith.constant 5 : i32
        %add3A_683 = arith.addi %mul3A_98, %add3A_682 : i32
        %get3A_684 = arith.index_cast %add3A_683 : i32 to index
        %get3A_685 = arith.constant 0 : index
        %get3A_686 = tpu.vector_load %arg12[%get3A_684, %get3A_685] {strides = array<i32>} : memref<64x128xf32, #tpu.memory_space<vmem>>, vector<1x16xf32>,
        %get3A_687 = vector.shape_cast %get3A_686 : vector<1x16xf32> to vector<16xf32>
        %mul3A_688 = arith.mulf %get3A_681, %get3A_687 : vector<16xf32>
        %add3A_689 = arith.constant 5 : i32
        %add3A_690 = arith.addi %mul3A_98, %add3A_689 : i32
        %get3A_691 = arith.index_cast %add3A_690 : i32 to index
        %get3A_692 = arith.constant 16 : index
        %get3A_693 = tpu.vector_load %arg10[%get3A_691, %get3A_692] {strides = array<i32>} : memref<64x128xf32, #tpu.memory_space<vmem>>, vector<1x16xf32>,
        %get3A_694 = vector.shape_cast %get3A_693 : vector<1x16xf32> to vector<16xf32>
        %add3A_695 = arith.constant 5 : i32
        %add3A_696 = arith.addi %mul3A_98, %add3A_695 : i32
        %get3A_697 = arith.index_cast %add3A_696 : i32 to index
        %get3A_698 = arith.constant 16 : index
        %get3A_699 = tpu.vector_load %arg12[%get3A_697, %get3A_698] {strides = array<i32>} : memref<64x128xf32, #tpu.memory_space<vmem>>, vector<1x16xf32>,
        %get3A_700 = vector.shape_cast %get3A_699 : vector<1x16xf32> to vector<16xf32>
        %mul3A_701 = arith.mulf %get3A_694, %get3A_700 : vector<16xf32>
        %add3A_702 = arith.constant 5 : i32
        %add3A_703 = arith.addi %mul3A_98, %add3A_702 : i32
        %get3A_704 = arith.index_cast %add3A_703 : i32 to index
        %get3A_705 = arith.constant 32 : index
        %get3A_706 = tpu.vector_load %arg10[%get3A_704, %get3A_705] {strides = array<i32>} : memref<64x128xf32, #tpu.memory_space<vmem>>, vector<1x16xf32>,
        %get3A_707 = vector.shape_cast %get3A_706 : vector<1x16xf32> to vector<16xf32>
        %add3A_708 = arith.constant 5 : i32
        %add3A_709 = arith.addi %mul3A_98, %add3A_708 : i32
        %get3A_710 = arith.index_cast %add3A_709 : i32 to index
        %get3A_711 = arith.constant 32 : index
        %get3A_712 = tpu.vector_load %arg12[%get3A_710, %get3A_711] {strides = array<i32>} : memref<64x128xf32, #tpu.memory_space<vmem>>, vector<1x16xf32>,
        %get3A_713 = vector.shape_cast %get3A_712 : vector<1x16xf32> to vector<16xf32>
        %mul3A_714 = arith.mulf %get3A_707, %get3A_713 : vector<16xf32>
        %add3A_715 = arith.addf %mul3A_688, %mul3A_714 : vector<16xf32>
        %add3A_716 = arith.constant 5 : i32
        %add3A_717 = arith.addi %mul3A_98, %add3A_716 : i32
        %get3A_718 = arith.index_cast %add3A_717 : i32 to index
        %get3A_719 = arith.constant 48 : index
        %get3A_720 = tpu.vector_load %arg10[%get3A_718, %get3A_719] {strides = array<i32>} : memref<64x128xf32, #tpu.memory_space<vmem>>, vector<1x16xf32>,
        %get3A_721 = vector.shape_cast %get3A_720 : vector<1x16xf32> to vector<16xf32>
        %add3A_722 = arith.constant 5 : i32
        %add3A_723 = arith.addi %mul3A_98, %add3A_722 : i32
        %get3A_724 = arith.index_cast %add3A_723 : i32 to index
        %get3A_725 = arith.constant 48 : index
        %get3A_726 = tpu.vector_load %arg12[%get3A_724, %get3A_725] {strides = array<i32>} : memref<64x128xf32, #tpu.memory_space<vmem>>, vector<1x16xf32>,
        %get3A_727 = vector.shape_cast %get3A_726 : vector<1x16xf32> to vector<16xf32>
        %mul3A_728 = arith.mulf %get3A_721, %get3A_727 : vector<16xf32>
        %add3A_729 = arith.addf %mul3A_701, %mul3A_728 : vector<16xf32>
        %add3A_730 = arith.constant 5 : i32
        %add3A_731 = arith.addi %mul3A_98, %add3A_730 : i32
        %get3A_732 = arith.index_cast %add3A_731 : i32 to index
        %get3A_733 = arith.constant 64 : index
        %get3A_734 = tpu.vector_load %arg10[%get3A_732, %get3A_733] {strides = array<i32>} : memref<64x128xf32, #tpu.memory_space<vmem>>, vector<1x16xf32>,
        %get3A_735 = vector.shape_cast %get3A_734 : vector<1x16xf32> to vector<16xf32>
        %add3A_736 = arith.constant 5 : i32
        %add3A_737 = arith.addi %mul3A_98, %add3A_736 : i32
        %get3A_738 = arith.index_cast %add3A_737 : i32 to index
        %get3A_739 = arith.constant 64 : index
        %get3A_740 = tpu.vector_load %arg12[%get3A_738, %get3A_739] {strides = array<i32>} : memref<64x128xf32, #tpu.memory_space<vmem>>, vector<1x16xf32>,
        %get3A_741 = vector.shape_cast %get3A_740 : vector<1x16xf32> to vector<16xf32>
        %mul3A_742 = arith.mulf %get3A_735, %get3A_741 : vector<16xf32>
        %add3A_743 = arith.addf %add3A_715, %mul3A_742 : vector<16xf32>
        %add3A_744 = arith.constant 5 : i32
        %add3A_745 = arith.addi %mul3A_98, %add3A_744 : i32
        %get3A_746 = arith.index_cast %add3A_745 : i32 to index
        %get3A_747 = arith.constant 80 : index
        %get3A_748 = tpu.vector_load %arg10[%get3A_746, %get3A_747] {strides = array<i32>} : memref<64x128xf32, #tpu.memory_space<vmem>>, vector<1x16xf32>,
        %get3A_749 = vector.shape_cast %get3A_748 : vector<1x16xf32> to vector<16xf32>
        %add3A_750 = arith.constant 5 : i32
        %add3A_751 = arith.addi %mul3A_98, %add3A_750 : i32
        %get3A_752 = arith.index_cast %add3A_751 : i32 to index
        %get3A_753 = arith.constant 80 : index
        %get3A_754 = tpu.vector_load %arg12[%get3A_752, %get3A_753] {strides = array<i32>} : memref<64x128xf32, #tpu.memory_space<vmem>>, vector<1x16xf32>,
        %get3A_755 = vector.shape_cast %get3A_754 : vector<1x16xf32> to vector<16xf32>
        %mul3A_756 = arith.mulf %get3A_749, %get3A_755 : vector<16xf32>
        %add3A_757 = arith.addf %add3A_729, %mul3A_756 : vector<16xf32>
        %add3A_758 = arith.constant 5 : i32
        %add3A_759 = arith.addi %mul3A_98, %add3A_758 : i32
        %get3A_760 = arith.index_cast %add3A_759 : i32 to index
        %get3A_761 = arith.constant 96 : index
        %get3A_762 = tpu.vector_load %arg10[%get3A_760, %get3A_761] {strides = array<i32>} : memref<64x128xf32, #tpu.memory_space<vmem>>, vector<1x16xf32>,
        %get3A_763 = vector.shape_cast %get3A_762 : vector<1x16xf32> to vector<16xf32>
        %add3A_764 = arith.constant 5 : i32
        %add3A_765 = arith.addi %mul3A_98, %add3A_764 : i32
        %get3A_766 = arith.index_cast %add3A_765 : i32 to index
        %get3A_767 = arith.constant 96 : index
        %get3A_768 = tpu.vector_load %arg12[%get3A_766, %get3A_767] {strides = array<i32>} : memref<64x128xf32, #tpu.memory_space<vmem>>, vector<1x16xf32>,
        %get3A_769 = vector.shape_cast %get3A_768 : vector<1x16xf32> to vector<16xf32>
        %mul3A_770 = arith.mulf %get3A_763, %get3A_769 : vector<16xf32>
        %add3A_771 = arith.addf %add3A_743, %mul3A_770 : vector<16xf32>
        %add3A_772 = arith.constant 5 : i32
        %add3A_773 = arith.addi %mul3A_98, %add3A_772 : i32
        %get3A_774 = arith.index_cast %add3A_773 : i32 to index
        %get3A_775 = arith.constant 112 : index
        %get3A_776 = tpu.vector_load %arg10[%get3A_774, %get3A_775] {strides = array<i32>} : memref<64x128xf32, #tpu.memory_space<vmem>>, vector<1x16xf32>,
        %get3A_777 = vector.shape_cast %get3A_776 : vector<1x16xf32> to vector<16xf32>
        %add3A_778 = arith.constant 5 : i32
        %add3A_779 = arith.addi %mul3A_98, %add3A_778 : i32
        %get3A_780 = arith.index_cast %add3A_779 : i32 to index
        %get3A_781 = arith.constant 112 : index
        %get3A_782 = tpu.vector_load %arg12[%get3A_780, %get3A_781] {strides = array<i32>} : memref<64x128xf32, #tpu.memory_space<vmem>>, vector<1x16xf32>,
        %get3A_783 = vector.shape_cast %get3A_782 : vector<1x16xf32> to vector<16xf32>
        %mul3A_784 = arith.mulf %get3A_777, %get3A_783 : vector<16xf32>
        %add3A_785 = arith.addf %add3A_757, %mul3A_784 : vector<16xf32>
        %add3A_786 = arith.addf %add3A_771, %add3A_785 : vector<16xf32>
        %add3A_787 = arith.constant 6 : i32
        %add3A_788 = arith.addi %mul3A_98, %add3A_787 : i32
        %get3A_789 = arith.index_cast %add3A_788 : i32 to index
        %get3A_790 = arith.constant 0 : index
        %get3A_791 = tpu.vector_load %arg10[%get3A_789, %get3A_790] {strides = array<i32>} : memref<64x128xf32, #tpu.memory_space<vmem>>, vector<1x16xf32>,
        %get3A_792 = vector.shape_cast %get3A_791 : vector<1x16xf32> to vector<16xf32>
        %add3A_793 = arith.constant 6 : i32
        %add3A_794 = arith.addi %mul3A_98, %add3A_793 : i32
        %get3A_795 = arith.index_cast %add3A_794 : i32 to index
        %get3A_796 = arith.constant 0 : index
        %get3A_797 = tpu.vector_load %arg12[%get3A_795, %get3A_796] {strides = array<i32>} : memref<64x128xf32, #tpu.memory_space<vmem>>, vector<1x16xf32>,
        %get3A_798 = vector.shape_cast %get3A_797 : vector<1x16xf32> to vector<16xf32>
        %mul3A_799 = arith.mulf %get3A_792, %get3A_798 : vector<16xf32>
        %add3A_800 = arith.constant 6 : i32
        %add3A_801 = arith.addi %mul3A_98, %add3A_800 : i32
        %get3A_802 = arith.index_cast %add3A_801 : i32 to index
        %get3A_803 = arith.constant 16 : index
        %get3A_804 = tpu.vector_load %arg10[%get3A_802, %get3A_803] {strides = array<i32>} : memref<64x128xf32, #tpu.memory_space<vmem>>, vector<1x16xf32>,
        %get3A_805 = vector.shape_cast %get3A_804 : vector<1x16xf32> to vector<16xf32>
        %add3A_806 = arith.constant 6 : i32
        %add3A_807 = arith.addi %mul3A_98, %add3A_806 : i32
        %get3A_808 = arith.index_cast %add3A_807 : i32 to index
        %get3A_809 = arith.constant 16 : index
        %get3A_810 = tpu.vector_load %arg12[%get3A_808, %get3A_809] {strides = array<i32>} : memref<64x128xf32, #tpu.memory_space<vmem>>, vector<1x16xf32>,
        %get3A_811 = vector.shape_cast %get3A_810 : vector<1x16xf32> to vector<16xf32>
        %mul3A_812 = arith.mulf %get3A_805, %get3A_811 : vector<16xf32>
        %add3A_813 = arith.constant 6 : i32
        %add3A_814 = arith.addi %mul3A_98, %add3A_813 : i32
        %get3A_815 = arith.index_cast %add3A_814 : i32 to index
        %get3A_816 = arith.constant 32 : index
        %get3A_817 = tpu.vector_load %arg10[%get3A_815, %get3A_816] {strides = array<i32>} : memref<64x128xf32, #tpu.memory_space<vmem>>, vector<1x16xf32>,
        %get3A_818 = vector.shape_cast %get3A_817 : vector<1x16xf32> to vector<16xf32>
        %add3A_819 = arith.constant 6 : i32
        %add3A_820 = arith.addi %mul3A_98, %add3A_819 : i32
        %get3A_821 = arith.index_cast %add3A_820 : i32 to index
        %get3A_822 = arith.constant 32 : index
        %get3A_823 = tpu.vector_load %arg12[%get3A_821, %get3A_822] {strides = array<i32>} : memref<64x128xf32, #tpu.memory_space<vmem>>, vector<1x16xf32>,
        %get3A_824 = vector.shape_cast %get3A_823 : vector<1x16xf32> to vector<16xf32>
        %mul3A_825 = arith.mulf %get3A_818, %get3A_824 : vector<16xf32>
        %add3A_826 = arith.addf %mul3A_799, %mul3A_825 : vector<16xf32>
        %add3A_827 = arith.constant 6 : i32
        %add3A_828 = arith.addi %mul3A_98, %add3A_827 : i32
        %get3A_829 = arith.index_cast %add3A_828 : i32 to index
        %get3A_830 = arith.constant 48 : index
        %get3A_831 = tpu.vector_load %arg10[%get3A_829, %get3A_830] {strides = array<i32>} : memref<64x128xf32, #tpu.memory_space<vmem>>, vector<1x16xf32>,
        %get3A_832 = vector.shape_cast %get3A_831 : vector<1x16xf32> to vector<16xf32>
        %add3A_833 = arith.constant 6 : i32
        %add3A_834 = arith.addi %mul3A_98, %add3A_833 : i32
        %get3A_835 = arith.index_cast %add3A_834 : i32 to index
        %get3A_836 = arith.constant 48 : index
        %get3A_837 = tpu.vector_load %arg12[%get3A_835, %get3A_836] {strides = array<i32>} : memref<64x128xf32, #tpu.memory_space<vmem>>, vector<1x16xf32>,
        %get3A_838 = vector.shape_cast %get3A_837 : vector<1x16xf32> to vector<16xf32>
        %mul3A_839 = arith.mulf %get3A_832, %get3A_838 : vector<16xf32>
        %add3A_840 = arith.addf %mul3A_812, %mul3A_839 : vector<16xf32>
        %add3A_841 = arith.constant 6 : i32
        %add3A_842 = arith.addi %mul3A_98, %add3A_841 : i32
        %get3A_843 = arith.index_cast %add3A_842 : i32 to index
        %get3A_844 = arith.constant 64 : index
        %get3A_845 = tpu.vector_load %arg10[%get3A_843, %get3A_844] {strides = array<i32>} : memref<64x128xf32, #tpu.memory_space<vmem>>, vector<1x16xf32>,
        %get3A_846 = vector.shape_cast %get3A_845 : vector<1x16xf32> to vector<16xf32>
        %add3A_847 = arith.constant 6 : i32
        %add3A_848 = arith.addi %mul3A_98, %add3A_847 : i32
        %get3A_849 = arith.index_cast %add3A_848 : i32 to index
        %get3A_850 = arith.constant 64 : index
        %get3A_851 = tpu.vector_load %arg12[%get3A_849, %get3A_850] {strides = array<i32>} : memref<64x128xf32, #tpu.memory_space<vmem>>, vector<1x16xf32>,
        %get3A_852 = vector.shape_cast %get3A_851 : vector<1x16xf32> to vector<16xf32>
        %mul3A_853 = arith.mulf %get3A_846, %get3A_852 : vector<16xf32>
        %add3A_854 = arith.addf %add3A_826, %mul3A_853 : vector<16xf32>
        %add3A_855 = arith.constant 6 : i32
        %add3A_856 = arith.addi %mul3A_98, %add3A_855 : i32
        %get3A_857 = arith.index_cast %add3A_856 : i32 to index
        %get3A_858 = arith.constant 80 : index
        %get3A_859 = tpu.vector_load %arg10[%get3A_857, %get3A_858] {strides = array<i32>} : memref<64x128xf32, #tpu.memory_space<vmem>>, vector<1x16xf32>,
        %get3A_860 = vector.shape_cast %get3A_859 : vector<1x16xf32> to vector<16xf32>
        %add3A_861 = arith.constant 6 : i32
        %add3A_862 = arith.addi %mul3A_98, %add3A_861 : i32
        %get3A_863 = arith.index_cast %add3A_862 : i32 to index
        %get3A_864 = arith.constant 80 : index
        %get3A_865 = tpu.vector_load %arg12[%get3A_863, %get3A_864] {strides = array<i32>} : memref<64x128xf32, #tpu.memory_space<vmem>>, vector<1x16xf32>,
        %get3A_866 = vector.shape_cast %get3A_865 : vector<1x16xf32> to vector<16xf32>
        %mul3A_867 = arith.mulf %get3A_860, %get3A_866 : vector<16xf32>
        %add3A_868 = arith.addf %add3A_840, %mul3A_867 : vector<16xf32>
        %add3A_869 = arith.constant 6 : i32
        %add3A_870 = arith.addi %mul3A_98, %add3A_869 : i32
        %get3A_871 = arith.index_cast %add3A_870 : i32 to index
        %get3A_872 = arith.constant 96 : index
        %get3A_873 = tpu.vector_load %arg10[%get3A_871, %get3A_872] {strides = array<i32>} : memref<64x128xf32, #tpu.memory_space<vmem>>, vector<1x16xf32>,
        %get3A_874 = vector.shape_cast %get3A_873 : vector<1x16xf32> to vector<16xf32>
        %add3A_875 = arith.constant 6 : i32
        %add3A_876 = arith.addi %mul3A_98, %add3A_875 : i32
        %get3A_877 = arith.index_cast %add3A_876 : i32 to index
        %get3A_878 = arith.constant 96 : index
        %get3A_879 = tpu.vector_load %arg12[%get3A_877, %get3A_878] {strides = array<i32>} : memref<64x128xf32, #tpu.memory_space<vmem>>, vector<1x16xf32>,
        %get3A_880 = vector.shape_cast %get3A_879 : vector<1x16xf32> to vector<16xf32>
        %mul3A_881 = arith.mulf %get3A_874, %get3A_880 : vector<16xf32>
        %add3A_882 = arith.addf %add3A_854, %mul3A_881 : vector<16xf32>
        %add3A_883 = arith.constant 6 : i32
        %add3A_884 = arith.addi %mul3A_98, %add3A_883 : i32
        %get3A_885 = arith.index_cast %add3A_884 : i32 to index
        %get3A_886 = arith.constant 112 : index
        %get3A_887 = tpu.vector_load %arg10[%get3A_885, %get3A_886] {strides = array<i32>} : memref<64x128xf32, #tpu.memory_space<vmem>>, vector<1x16xf32>,
        %get3A_888 = vector.shape_cast %get3A_887 : vector<1x16xf32> to vector<16xf32>
        %add3A_889 = arith.constant 6 : i32
        %add3A_890 = arith.addi %mul3A_98, %add3A_889 : i32
        %get3A_891 = arith.index_cast %add3A_890 : i32 to index
        %get3A_892 = arith.constant 112 : index
        %get3A_893 = tpu.vector_load %arg12[%get3A_891, %get3A_892] {strides = array<i32>} : memref<64x128xf32, #tpu.memory_space<vmem>>, vector<1x16xf32>,
        %get3A_894 = vector.shape_cast %get3A_893 : vector<1x16xf32> to vector<16xf32>
        %mul3A_895 = arith.mulf %get3A_888, %get3A_894 : vector<16xf32>
        %add3A_896 = arith.addf %add3A_868, %mul3A_895 : vector<16xf32>
        %add3A_897 = arith.addf %add3A_882, %add3A_896 : vector<16xf32>
        %add3A_898 = arith.constant 7 : i32
        %add3A_899 = arith.addi %mul3A_98, %add3A_898 : i32
        %get3A_900 = arith.index_cast %add3A_899 : i32 to index
        %get3A_901 = arith.constant 0 : index
        %get3A_902 = tpu.vector_load %arg10[%get3A_900, %get3A_901] {strides = array<i32>} : memref<64x128xf32, #tpu.memory_space<vmem>>, vector<1x16xf32>,
        %get3A_903 = vector.shape_cast %get3A_902 : vector<1x16xf32> to vector<16xf32>
        %add3A_904 = arith.constant 7 : i32
        %add3A_905 = arith.addi %mul3A_98, %add3A_904 : i32
        %get3A_906 = arith.index_cast %add3A_905 : i32 to index
        %get3A_907 = arith.constant 0 : index
        %get3A_908 = tpu.vector_load %arg12[%get3A_906, %get3A_907] {strides = array<i32>} : memref<64x128xf32, #tpu.memory_space<vmem>>, vector<1x16xf32>,
        %get3A_909 = vector.shape_cast %get3A_908 : vector<1x16xf32> to vector<16xf32>
        %mul3A_910 = arith.mulf %get3A_903, %get3A_909 : vector<16xf32>
        %add3A_911 = arith.constant 7 : i32
        %add3A_912 = arith.addi %mul3A_98, %add3A_911 : i32
        %get3A_913 = arith.index_cast %add3A_912 : i32 to index
        %get3A_914 = arith.constant 16 : index
        %get3A_915 = tpu.vector_load %arg10[%get3A_913, %get3A_914] {strides = array<i32>} : memref<64x128xf32, #tpu.memory_space<vmem>>, vector<1x16xf32>,
        %get3A_916 = vector.shape_cast %get3A_915 : vector<1x16xf32> to vector<16xf32>
        %add3A_917 = arith.constant 7 : i32
        %add3A_918 = arith.addi %mul3A_98, %add3A_917 : i32
        %get3A_919 = arith.index_cast %add3A_918 : i32 to index
        %get3A_920 = arith.constant 16 : index
        %get3A_921 = tpu.vector_load %arg12[%get3A_919, %get3A_920] {strides = array<i32>} : memref<64x128xf32, #tpu.memory_space<vmem>>, vector<1x16xf32>,
        %get3A_922 = vector.shape_cast %get3A_921 : vector<1x16xf32> to vector<16xf32>
        %mul3A_923 = arith.mulf %get3A_916, %get3A_922 : vector<16xf32>
        %add3A_924 = arith.constant 7 : i32
        %add3A_925 = arith.addi %mul3A_98, %add3A_924 : i32
        %get3A_926 = arith.index_cast %add3A_925 : i32 to index
        %get3A_927 = arith.constant 32 : index
        %get3A_928 = tpu.vector_load %arg10[%get3A_926, %get3A_927] {strides = array<i32>} : memref<64x128xf32, #tpu.memory_space<vmem>>, vector<1x16xf32>,
        %get3A_929 = vector.shape_cast %get3A_928 : vector<1x16xf32> to vector<16xf32>
        %add3A_930 = arith.constant 7 : i32
        %add3A_931 = arith.addi %mul3A_98, %add3A_930 : i32
        %get3A_932 = arith.index_cast %add3A_931 : i32 to index
        %get3A_933 = arith.constant 32 : index
        %get3A_934 = tpu.vector_load %arg12[%get3A_932, %get3A_933] {strides = array<i32>} : memref<64x128xf32, #tpu.memory_space<vmem>>, vector<1x16xf32>,
        %get3A_935 = vector.shape_cast %get3A_934 : vector<1x16xf32> to vector<16xf32>
        %mul3A_936 = arith.mulf %get3A_929, %get3A_935 : vector<16xf32>
        %add3A_937 = arith.addf %mul3A_910, %mul3A_936 : vector<16xf32>
        %add3A_938 = arith.constant 7 : i32
        %add3A_939 = arith.addi %mul3A_98, %add3A_938 : i32
        %get3A_940 = arith.index_cast %add3A_939 : i32 to index
        %get3A_941 = arith.constant 48 : index
        %get3A_942 = tpu.vector_load %arg10[%get3A_940, %get3A_941] {strides = array<i32>} : memref<64x128xf32, #tpu.memory_space<vmem>>, vector<1x16xf32>,
        %get3A_943 = vector.shape_cast %get3A_942 : vector<1x16xf32> to vector<16xf32>
        %add3A_944 = arith.constant 7 : i32
        %add3A_945 = arith.addi %mul3A_98, %add3A_944 : i32
        %get3A_946 = arith.index_cast %add3A_945 : i32 to index
        %get3A_947 = arith.constant 48 : index
        %get3A_948 = tpu.vector_load %arg12[%get3A_946, %get3A_947] {strides = array<i32>} : memref<64x128xf32, #tpu.memory_space<vmem>>, vector<1x16xf32>,
        %get3A_949 = vector.shape_cast %get3A_948 : vector<1x16xf32> to vector<16xf32>
        %mul3A_950 = arith.mulf %get3A_943, %get3A_949 : vector<16xf32>
        %add3A_951 = arith.addf %mul3A_923, %mul3A_950 : vector<16xf32>
        %add3A_952 = arith.constant 7 : i32
        %add3A_953 = arith.addi %mul3A_98, %add3A_952 : i32
        %get3A_954 = arith.index_cast %add3A_953 : i32 to index
        %get3A_955 = arith.constant 64 : index
        %get3A_956 = tpu.vector_load %arg10[%get3A_954, %get3A_955] {strides = array<i32>} : memref<64x128xf32, #tpu.memory_space<vmem>>, vector<1x16xf32>,
        %get3A_957 = vector.shape_cast %get3A_956 : vector<1x16xf32> to vector<16xf32>
        %add3A_958 = arith.constant 7 : i32
        %add3A_959 = arith.addi %mul3A_98, %add3A_958 : i32
        %get3A_960 = arith.index_cast %add3A_959 : i32 to index
        %get3A_961 = arith.constant 64 : index
        %get3A_962 = tpu.vector_load %arg12[%get3A_960, %get3A_961] {strides = array<i32>} : memref<64x128xf32, #tpu.memory_space<vmem>>, vector<1x16xf32>,
        %get3A_963 = vector.shape_cast %get3A_962 : vector<1x16xf32> to vector<16xf32>
        %mul3A_964 = arith.mulf %get3A_957, %get3A_963 : vector<16xf32>
        %add3A_965 = arith.addf %add3A_937, %mul3A_964 : vector<16xf32>
        %add3A_966 = arith.constant 7 : i32
        %add3A_967 = arith.addi %mul3A_98, %add3A_966 : i32
        %get3A_968 = arith.index_cast %add3A_967 : i32 to index
        %get3A_969 = arith.constant 80 : index
        %get3A_970 = tpu.vector_load %arg10[%get3A_968, %get3A_969] {strides = array<i32>} : memref<64x128xf32, #tpu.memory_space<vmem>>, vector<1x16xf32>,
        %get3A_971 = vector.shape_cast %get3A_970 : vector<1x16xf32> to vector<16xf32>
        %add3A_972 = arith.constant 7 : i32
        %add3A_973 = arith.addi %mul3A_98, %add3A_972 : i32
        %get3A_974 = arith.index_cast %add3A_973 : i32 to index
        %get3A_975 = arith.constant 80 : index
        %get3A_976 = tpu.vector_load %arg12[%get3A_974, %get3A_975] {strides = array<i32>} : memref<64x128xf32, #tpu.memory_space<vmem>>, vector<1x16xf32>,
        %get3A_977 = vector.shape_cast %get3A_976 : vector<1x16xf32> to vector<16xf32>
        %mul3A_978 = arith.mulf %get3A_971, %get3A_977 : vector<16xf32>
        %add3A_979 = arith.addf %add3A_951, %mul3A_978 : vector<16xf32>
        %add3A_980 = arith.constant 7 : i32
        %add3A_981 = arith.addi %mul3A_98, %add3A_980 : i32
        %get3A_982 = arith.index_cast %add3A_981 : i32 to index
        %get3A_983 = arith.constant 96 : index
        %get3A_984 = tpu.vector_load %arg10[%get3A_982, %get3A_983] {strides = array<i32>} : memref<64x128xf32, #tpu.memory_space<vmem>>, vector<1x16xf32>,
        %get3A_985 = vector.shape_cast %get3A_984 : vector<1x16xf32> to vector<16xf32>
        %add3A_986 = arith.constant 7 : i32
        %add3A_987 = arith.addi %mul3A_98, %add3A_986 : i32
        %get3A_988 = arith.index_cast %add3A_987 : i32 to index
        %get3A_989 = arith.constant 96 : index
        %get3A_990 = tpu.vector_load %arg12[%get3A_988, %get3A_989] {strides = array<i32>} : memref<64x128xf32, #tpu.memory_space<vmem>>, vector<1x16xf32>,
        %get3A_991 = vector.shape_cast %get3A_990 : vector<1x16xf32> to vector<16xf32>
        %mul3A_992 = arith.mulf %get3A_985, %get3A_991 : vector<16xf32>
        %add3A_993 = arith.addf %add3A_965, %mul3A_992 : vector<16xf32>
        %add3A_994 = arith.constant 7 : i32
        %add3A_995 = arith.addi %mul3A_98, %add3A_994 : i32
        %get3A_996 = arith.index_cast %add3A_995 : i32 to index
        %get3A_997 = arith.constant 112 : index
        %get3A_998 = tpu.vector_load %arg10[%get3A_996, %get3A_997] {strides = array<i32>} : memref<64x128xf32, #tpu.memory_space<vmem>>, vector<1x16xf32>,
        %get3A_999 = vector.shape_cast %get3A_998 : vector<1x16xf32> to vector<16xf32>
        %add3A_1000 = arith.constant 7 : i32
        %add3A_1001 = arith.addi %mul3A_98, %add3A_1000 : i32
        %get3A_1002 = arith.index_cast %add3A_1001 : i32 to index
        %get3A_1003 = arith.constant 112 : index
        %get3A_1004 = tpu.vector_load %arg12[%get3A_1002, %get3A_1003] {strides = array<i32>} : memref<64x128xf32, #tpu.memory_space<vmem>>, vector<1x16xf32>,
        %get3A_1005 = vector.shape_cast %get3A_1004 : vector<1x16xf32> to vector<16xf32>
        %mul3A_1006 = arith.mulf %get3A_999, %get3A_1005 : vector<16xf32>
        %add3A_1007 = arith.addf %add3A_979, %mul3A_1006 : vector<16xf32>
        %add3A_1008 = arith.addf %add3A_993, %add3A_1007 : vector<16xf32>
        %swap3A_1009 = arith.constant 4 : i32
        %swap3A_1010 = arith.index_cast %swap3A_1009 : i32 to index
        %swap3A_1011 = arith.constant 0 : index
        %swap3A_1012 = tpu.vector_load %arg13[%swap3A_1010, %swap3A_1011] {strides = array<i32>} : memref<16x24xf32, #tpu.memory_space<vmem>>, vector<1x16xf32>,
        %swap3A_1013 = vector.shape_cast %swap3A_1012 : vector<1x16xf32> to vector<16xf32>
        %swap3A_1014 = vector.shape_cast %add3A_675 : vector<16xf32> to vector<1x16xf32>
        tpu.vector_store %arg13[%swap3A_1010, %swap3A_1011], %swap3A_1014 {strides = array<i32>} : memref<16x24xf32, #tpu.memory_space<vmem>>, vector<1x16xf32>,
        %swap3A_1015 = arith.constant 5 : i32
        %swap3A_1016 = arith.index_cast %swap3A_1015 : i32 to index
        %swap3A_1017 = arith.constant 0 : index
        %swap3A_1018 = tpu.vector_load %arg13[%swap3A_1016, %swap3A_1017] {strides = array<i32>} : memref<16x24xf32, #tpu.memory_space<vmem>>, vector<1x16xf32>,
        %swap3A_1019 = vector.shape_cast %swap3A_1018 : vector<1x16xf32> to vector<16xf32>
        %swap3A_1020 = vector.shape_cast %add3A_786 : vector<16xf32> to vector<1x16xf32>
        tpu.vector_store %arg13[%swap3A_1016, %swap3A_1017], %swap3A_1020 {strides = array<i32>} : memref<16x24xf32, #tpu.memory_space<vmem>>, vector<1x16xf32>,
        %swap3A_1021 = arith.constant 6 : i32
        %swap3A_1022 = arith.index_cast %swap3A_1021 : i32 to index
        %swap3A_1023 = arith.constant 0 : index
        %swap3A_1024 = tpu.vector_load %arg13[%swap3A_1022, %swap3A_1023] {strides = array<i32>} : memref<16x24xf32, #tpu.memory_space<vmem>>, vector<1x16xf32>,
        %swap3A_1025 = vector.shape_cast %swap3A_1024 : vector<1x16xf32> to vector<16xf32>
        %swap3A_1026 = vector.shape_cast %add3A_897 : vector<16xf32> to vector<1x16xf32>
        tpu.vector_store %arg13[%swap3A_1022, %swap3A_1023], %swap3A_1026 {strides = array<i32>} : memref<16x24xf32, #tpu.memory_space<vmem>>, vector<1x16xf32>,
        %swap3A_1027 = arith.constant 7 : i32
        %swap3A_1028 = arith.index_cast %swap3A_1027 : i32 to index
        %swap3A_1029 = arith.constant 0 : index
        %swap3A_1030 = tpu.vector_load %arg13[%swap3A_1028, %swap3A_1029] {strides = array<i32>} : memref<16x24xf32, #tpu.memory_space<vmem>>, vector<1x16xf32>,
        %swap3A_1031 = vector.shape_cast %swap3A_1030 : vector<1x16xf32> to vector<16xf32>
        %swap3A_1032 = vector.shape_cast %add3A_1008 : vector<16xf32> to vector<1x16xf32>
        tpu.vector_store %arg13[%swap3A_1028, %swap3A_1029], %swap3A_1032 {strides = array<i32>} : memref<16x24xf32, #tpu.memory_space<vmem>>, vector<1x16xf32>,
        %add3A_1033 = arith.constant 8 : i32
        %add3A_1034 = arith.addi %mul3A_98, %add3A_1033 : i32
        %get3A_1035 = arith.index_cast %add3A_1034 : i32 to index
        %get3A_1036 = arith.constant 0 : index
        %get3A_1037 = tpu.vector_load %arg10[%get3A_1035, %get3A_1036] {strides = array<i32>} : memref<64x128xf32, #tpu.memory_space<vmem>>, vector<1x16xf32>,
        %get3A_1038 = vector.shape_cast %get3A_1037 : vector<1x16xf32> to vector<16xf32>
        %add3A_1039 = arith.constant 8 : i32
        %add3A_1040 = arith.addi %mul3A_98, %add3A_1039 : i32
        %get3A_1041 = arith.index_cast %add3A_1040 : i32 to index
        %get3A_1042 = arith.constant 0 : index
        %get3A_1043 = tpu.vector_load %arg12[%get3A_1041, %get3A_1042] {strides = array<i32>} : memref<64x128xf32, #tpu.memory_space<vmem>>, vector<1x16xf32>,
        %get3A_1044 = vector.shape_cast %get3A_1043 : vector<1x16xf32> to vector<16xf32>
        %mul3A_1045 = arith.mulf %get3A_1038, %get3A_1044 : vector<16xf32>
        %add3A_1046 = arith.constant 8 : i32
        %add3A_1047 = arith.addi %mul3A_98, %add3A_1046 : i32
        %get3A_1048 = arith.index_cast %add3A_1047 : i32 to index
        %get3A_1049 = arith.constant 16 : index
        %get3A_1050 = tpu.vector_load %arg10[%get3A_1048, %get3A_1049] {strides = array<i32>} : memref<64x128xf32, #tpu.memory_space<vmem>>, vector<1x16xf32>,
        %get3A_1051 = vector.shape_cast %get3A_1050 : vector<1x16xf32> to vector<16xf32>
        %add3A_1052 = arith.constant 8 : i32
        %add3A_1053 = arith.addi %mul3A_98, %add3A_1052 : i32
        %get3A_1054 = arith.index_cast %add3A_1053 : i32 to index
        %get3A_1055 = arith.constant 16 : index
        %get3A_1056 = tpu.vector_load %arg12[%get3A_1054, %get3A_1055] {strides = array<i32>} : memref<64x128xf32, #tpu.memory_space<vmem>>, vector<1x16xf32>,
        %get3A_1057 = vector.shape_cast %get3A_1056 : vector<1x16xf32> to vector<16xf32>
        %mul3A_1058 = arith.mulf %get3A_1051, %get3A_1057 : vector<16xf32>
        %add3A_1059 = arith.constant 8 : i32
        %add3A_1060 = arith.addi %mul3A_98, %add3A_1059 : i32
        %get3A_1061 = arith.index_cast %add3A_1060 : i32 to index
        %get3A_1062 = arith.constant 32 : index
        %get3A_1063 = tpu.vector_load %arg10[%get3A_1061, %get3A_1062] {strides = array<i32>} : memref<64x128xf32, #tpu.memory_space<vmem>>, vector<1x16xf32>,
        %get3A_1064 = vector.shape_cast %get3A_1063 : vector<1x16xf32> to vector<16xf32>
        %add3A_1065 = arith.constant 8 : i32
        %add3A_1066 = arith.addi %mul3A_98, %add3A_1065 : i32
        %get3A_1067 = arith.index_cast %add3A_1066 : i32 to index
        %get3A_1068 = arith.constant 32 : index
        %get3A_1069 = tpu.vector_load %arg12[%get3A_1067, %get3A_1068] {strides = array<i32>} : memref<64x128xf32, #tpu.memory_space<vmem>>, vector<1x16xf32>,
        %get3A_1070 = vector.shape_cast %get3A_1069 : vector<1x16xf32> to vector<16xf32>
        %mul3A_1071 = arith.mulf %get3A_1064, %get3A_1070 : vector<16xf32>
        %add3A_1072 = arith.addf %mul3A_1045, %mul3A_1071 : vector<16xf32>
        %add3A_1073 = arith.constant 8 : i32
        %add3A_1074 = arith.addi %mul3A_98, %add3A_1073 : i32
        %get3A_1075 = arith.index_cast %add3A_1074 : i32 to index
        %get3A_1076 = arith.constant 48 : index
        %get3A_1077 = tpu.vector_load %arg10[%get3A_1075, %get3A_1076] {strides = array<i32>} : memref<64x128xf32, #tpu.memory_space<vmem>>, vector<1x16xf32>,
        %get3A_1078 = vector.shape_cast %get3A_1077 : vector<1x16xf32> to vector<16xf32>
        %add3A_1079 = arith.constant 8 : i32
        %add3A_1080 = arith.addi %mul3A_98, %add3A_1079 : i32
        %get3A_1081 = arith.index_cast %add3A_1080 : i32 to index
        %get3A_1082 = arith.constant 48 : index
        %get3A_1083 = tpu.vector_load %arg12[%get3A_1081, %get3A_1082] {strides = array<i32>} : memref<64x128xf32, #tpu.memory_space<vmem>>, vector<1x16xf32>,
        %get3A_1084 = vector.shape_cast %get3A_1083 : vector<1x16xf32> to vector<16xf32>
        %mul3A_1085 = arith.mulf %get3A_1078, %get3A_1084 : vector<16xf32>
        %add3A_1086 = arith.addf %mul3A_1058, %mul3A_1085 : vector<16xf32>
        %add3A_1087 = arith.constant 8 : i32
        %add3A_1088 = arith.addi %mul3A_98, %add3A_1087 : i32
        %get3A_1089 = arith.index_cast %add3A_1088 : i32 to index
        %get3A_1090 = arith.constant 64 : index
        %get3A_1091 = tpu.vector_load %arg10[%get3A_1089, %get3A_1090] {strides = array<i32>} : memref<64x128xf32, #tpu.memory_space<vmem>>, vector<1x16xf32>,
        %get3A_1092 = vector.shape_cast %get3A_1091 : vector<1x16xf32> to vector<16xf32>
        %add3A_1093 = arith.constant 8 : i32
        %add3A_1094 = arith.addi %mul3A_98, %add3A_1093 : i32
        %get3A_1095 = arith.index_cast %add3A_1094 : i32 to index
        %get3A_1096 = arith.constant 64 : index
        %get3A_1097 = tpu.vector_load %arg12[%get3A_1095, %get3A_1096] {strides = array<i32>} : memref<64x128xf32, #tpu.memory_space<vmem>>, vector<1x16xf32>,
        %get3A_1098 = vector.shape_cast %get3A_1097 : vector<1x16xf32> to vector<16xf32>
        %mul3A_1099 = arith.mulf %get3A_1092, %get3A_1098 : vector<16xf32>
        %add3A_1100 = arith.addf %add3A_1072, %mul3A_1099 : vector<16xf32>
        %add3A_1101 = arith.constant 8 : i32
        %add3A_1102 = arith.addi %mul3A_98, %add3A_1101 : i32
        %get3A_1103 = arith.index_cast %add3A_1102 : i32 to index
        %get3A_1104 = arith.constant 80 : index
        %get3A_1105 = tpu.vector_load %arg10[%get3A_1103, %get3A_1104] {strides = array<i32>} : memref<64x128xf32, #tpu.memory_space<vmem>>, vector<1x16xf32>,
        %get3A_1106 = vector.shape_cast %get3A_1105 : vector<1x16xf32> to vector<16xf32>
        %add3A_1107 = arith.constant 8 : i32
        %add3A_1108 = arith.addi %mul3A_98, %add3A_1107 : i32
        %get3A_1109 = arith.index_cast %add3A_1108 : i32 to index
        %get3A_1110 = arith.constant 80 : index
        %get3A_1111 = tpu.vector_load %arg12[%get3A_1109, %get3A_1110] {strides = array<i32>} : memref<64x128xf32, #tpu.memory_space<vmem>>, vector<1x16xf32>,
        %get3A_1112 = vector.shape_cast %get3A_1111 : vector<1x16xf32> to vector<16xf32>
        %mul3A_1113 = arith.mulf %get3A_1106, %get3A_1112 : vector<16xf32>
        %add3A_1114 = arith.addf %add3A_1086, %mul3A_1113 : vector<16xf32>
        %add3A_1115 = arith.constant 8 : i32
        %add3A_1116 = arith.addi %mul3A_98, %add3A_1115 : i32
        %get3A_1117 = arith.index_cast %add3A_1116 : i32 to index
        %get3A_1118 = arith.constant 96 : index
        %get3A_1119 = tpu.vector_load %arg10[%get3A_1117, %get3A_1118] {strides = array<i32>} : memref<64x128xf32, #tpu.memory_space<vmem>>, vector<1x16xf32>,
        %get3A_1120 = vector.shape_cast %get3A_1119 : vector<1x16xf32> to vector<16xf32>
        %add3A_1121 = arith.constant 8 : i32
        %add3A_1122 = arith.addi %mul3A_98, %add3A_1121 : i32
        %get3A_1123 = arith.index_cast %add3A_1122 : i32 to index
        %get3A_1124 = arith.constant 96 : index
        %get3A_1125 = tpu.vector_load %arg12[%get3A_1123, %get3A_1124] {strides = array<i32>} : memref<64x128xf32, #tpu.memory_space<vmem>>, vector<1x16xf32>,
        %get3A_1126 = vector.shape_cast %get3A_1125 : vector<1x16xf32> to vector<16xf32>
        %mul3A_1127 = arith.mulf %get3A_1120, %get3A_1126 : vector<16xf32>
        %add3A_1128 = arith.addf %add3A_1100, %mul3A_1127 : vector<16xf32>
        %add3A_1129 = arith.constant 8 : i32
        %add3A_1130 = arith.addi %mul3A_98, %add3A_1129 : i32
        %get3A_1131 = arith.index_cast %add3A_1130 : i32 to index
        %get3A_1132 = arith.constant 112 : index
        %get3A_1133 = tpu.vector_load %arg10[%get3A_1131, %get3A_1132] {strides = array<i32>} : memref<64x128xf32, #tpu.memory_space<vmem>>, vector<1x16xf32>,
        %get3A_1134 = vector.shape_cast %get3A_1133 : vector<1x16xf32> to vector<16xf32>
        %add3A_1135 = arith.constant 8 : i32
        %add3A_1136 = arith.addi %mul3A_98, %add3A_1135 : i32
        %get3A_1137 = arith.index_cast %add3A_1136 : i32 to index
        %get3A_1138 = arith.constant 112 : index
        %get3A_1139 = tpu.vector_load %arg12[%get3A_1137, %get3A_1138] {strides = array<i32>} : memref<64x128xf32, #tpu.memory_space<vmem>>, vector<1x16xf32>,
        %get3A_1140 = vector.shape_cast %get3A_1139 : vector<1x16xf32> to vector<16xf32>
        %mul3A_1141 = arith.mulf %get3A_1134, %get3A_1140 : vector<16xf32>
        %add3A_1142 = arith.addf %add3A_1114, %mul3A_1141 : vector<16xf32>
        %add3A_1143 = arith.addf %add3A_1128, %add3A_1142 : vector<16xf32>
        %add3A_1144 = arith.constant 9 : i32
        %add3A_1145 = arith.addi %mul3A_98, %add3A_1144 : i32
        %get3A_1146 = arith.index_cast %add3A_1145 : i32 to index
        %get3A_1147 = arith.constant 0 : index
        %get3A_1148 = tpu.vector_load %arg10[%get3A_1146, %get3A_1147] {strides = array<i32>} : memref<64x128xf32, #tpu.memory_space<vmem>>, vector<1x16xf32>,
        %get3A_1149 = vector.shape_cast %get3A_1148 : vector<1x16xf32> to vector<16xf32>
        %add3A_1150 = arith.constant 9 : i32
        %add3A_1151 = arith.addi %mul3A_98, %add3A_1150 : i32
        %get3A_1152 = arith.index_cast %add3A_1151 : i32 to index
        %get3A_1153 = arith.constant 0 : index
        %get3A_1154 = tpu.vector_load %arg12[%get3A_1152, %get3A_1153] {strides = array<i32>} : memref<64x128xf32, #tpu.memory_space<vmem>>, vector<1x16xf32>,
        %get3A_1155 = vector.shape_cast %get3A_1154 : vector<1x16xf32> to vector<16xf32>
        %mul3A_1156 = arith.mulf %get3A_1149, %get3A_1155 : vector<16xf32>
        %add3A_1157 = arith.constant 9 : i32
        %add3A_1158 = arith.addi %mul3A_98, %add3A_1157 : i32
        %get3A_1159 = arith.index_cast %add3A_1158 : i32 to index
        %get3A_1160 = arith.constant 16 : index
        %get3A_1161 = tpu.vector_load %arg10[%get3A_1159, %get3A_1160] {strides = array<i32>} : memref<64x128xf32, #tpu.memory_space<vmem>>, vector<1x16xf32>,
        %get3A_1162 = vector.shape_cast %get3A_1161 : vector<1x16xf32> to vector<16xf32>
        %add3A_1163 = arith.constant 9 : i32
        %add3A_1164 = arith.addi %mul3A_98, %add3A_1163 : i32
        %get3A_1165 = arith.index_cast %add3A_1164 : i32 to index
        %get3A_1166 = arith.constant 16 : index
        %get3A_1167 = tpu.vector_load %arg12[%get3A_1165, %get3A_1166] {strides = array<i32>} : memref<64x128xf32, #tpu.memory_space<vmem>>, vector<1x16xf32>,
        %get3A_1168 = vector.shape_cast %get3A_1167 : vector<1x16xf32> to vector<16xf32>
        %mul3A_1169 = arith.mulf %get3A_1162, %get3A_1168 : vector<16xf32>
        %add3A_1170 = arith.constant 9 : i32
        %add3A_1171 = arith.addi %mul3A_98, %add3A_1170 : i32
        %get3A_1172 = arith.index_cast %add3A_1171 : i32 to index
        %get3A_1173 = arith.constant 32 : index
        %get3A_1174 = tpu.vector_load %arg10[%get3A_1172, %get3A_1173] {strides = array<i32>} : memref<64x128xf32, #tpu.memory_space<vmem>>, vector<1x16xf32>,
        %get3A_1175 = vector.shape_cast %get3A_1174 : vector<1x16xf32> to vector<16xf32>
        %add3A_1176 = arith.constant 9 : i32
        %add3A_1177 = arith.addi %mul3A_98, %add3A_1176 : i32
        %get3A_1178 = arith.index_cast %add3A_1177 : i32 to index
        %get3A_1179 = arith.constant 32 : index
        %get3A_1180 = tpu.vector_load %arg12[%get3A_1178, %get3A_1179] {strides = array<i32>} : memref<64x128xf32, #tpu.memory_space<vmem>>, vector<1x16xf32>,
        %get3A_1181 = vector.shape_cast %get3A_1180 : vector<1x16xf32> to vector<16xf32>
        %mul3A_1182 = arith.mulf %get3A_1175, %get3A_1181 : vector<16xf32>
        %add3A_1183 = arith.addf %mul3A_1156, %mul3A_1182 : vector<16xf32>
        %add3A_1184 = arith.constant 9 : i32
        %add3A_1185 = arith.addi %mul3A_98, %add3A_1184 : i32
        %get3A_1186 = arith.index_cast %add3A_1185 : i32 to index
        %get3A_1187 = arith.constant 48 : index
        %get3A_1188 = tpu.vector_load %arg10[%get3A_1186, %get3A_1187] {strides = array<i32>} : memref<64x128xf32, #tpu.memory_space<vmem>>, vector<1x16xf32>,
        %get3A_1189 = vector.shape_cast %get3A_1188 : vector<1x16xf32> to vector<16xf32>
        %add3A_1190 = arith.constant 9 : i32
        %add3A_1191 = arith.addi %mul3A_98, %add3A_1190 : i32
        %get3A_1192 = arith.index_cast %add3A_1191 : i32 to index
        %get3A_1193 = arith.constant 48 : index
        %get3A_1194 = tpu.vector_load %arg12[%get3A_1192, %get3A_1193] {strides = array<i32>} : memref<64x128xf32, #tpu.memory_space<vmem>>, vector<1x16xf32>,
        %get3A_1195 = vector.shape_cast %get3A_1194 : vector<1x16xf32> to vector<16xf32>
        %mul3A_1196 = arith.mulf %get3A_1189, %get3A_1195 : vector<16xf32>
        %add3A_1197 = arith.addf %mul3A_1169, %mul3A_1196 : vector<16xf32>
        %add3A_1198 = arith.constant 9 : i32
        %add3A_1199 = arith.addi %mul3A_98, %add3A_1198 : i32
        %get3A_1200 = arith.index_cast %add3A_1199 : i32 to index
        %get3A_1201 = arith.constant 64 : index
        %get3A_1202 = tpu.vector_load %arg10[%get3A_1200, %get3A_1201] {strides = array<i32>} : memref<64x128xf32, #tpu.memory_space<vmem>>, vector<1x16xf32>,
        %get3A_1203 = vector.shape_cast %get3A_1202 : vector<1x16xf32> to vector<16xf32>
        %add3A_1204 = arith.constant 9 : i32
        %add3A_1205 = arith.addi %mul3A_98, %add3A_1204 : i32
        %get3A_1206 = arith.index_cast %add3A_1205 : i32 to index
        %get3A_1207 = arith.constant 64 : index
        %get3A_1208 = tpu.vector_load %arg12[%get3A_1206, %get3A_1207] {strides = array<i32>} : memref<64x128xf32, #tpu.memory_space<vmem>>, vector<1x16xf32>,
        %get3A_1209 = vector.shape_cast %get3A_1208 : vector<1x16xf32> to vector<16xf32>
        %mul3A_1210 = arith.mulf %get3A_1203, %get3A_1209 : vector<16xf32>
        %add3A_1211 = arith.addf %add3A_1183, %mul3A_1210 : vector<16xf32>
        %add3A_1212 = arith.constant 9 : i32
        %add3A_1213 = arith.addi %mul3A_98, %add3A_1212 : i32
        %get3A_1214 = arith.index_cast %add3A_1213 : i32 to index
        %get3A_1215 = arith.constant 80 : index
        %get3A_1216 = tpu.vector_load %arg10[%get3A_1214, %get3A_1215] {strides = array<i32>} : memref<64x128xf32, #tpu.memory_space<vmem>>, vector<1x16xf32>,
        %get3A_1217 = vector.shape_cast %get3A_1216 : vector<1x16xf32> to vector<16xf32>
        %add3A_1218 = arith.constant 9 : i32
        %add3A_1219 = arith.addi %mul3A_98, %add3A_1218 : i32
        %get3A_1220 = arith.index_cast %add3A_1219 : i32 to index
        %get3A_1221 = arith.constant 80 : index
        %get3A_1222 = tpu.vector_load %arg12[%get3A_1220, %get3A_1221] {strides = array<i32>} : memref<64x128xf32, #tpu.memory_space<vmem>>, vector<1x16xf32>,
        %get3A_1223 = vector.shape_cast %get3A_1222 : vector<1x16xf32> to vector<16xf32>
        %mul3A_1224 = arith.mulf %get3A_1217, %get3A_1223 : vector<16xf32>
        %add3A_1225 = arith.addf %add3A_1197, %mul3A_1224 : vector<16xf32>
        %add3A_1226 = arith.constant 9 : i32
        %add3A_1227 = arith.addi %mul3A_98, %add3A_1226 : i32
        %get3A_1228 = arith.index_cast %add3A_1227 : i32 to index
        %get3A_1229 = arith.constant 96 : index
        %get3A_1230 = tpu.vector_load %arg10[%get3A_1228, %get3A_1229] {strides = array<i32>} : memref<64x128xf32, #tpu.memory_space<vmem>>, vector<1x16xf32>,
        %get3A_1231 = vector.shape_cast %get3A_1230 : vector<1x16xf32> to vector<16xf32>
        %add3A_1232 = arith.constant 9 : i32
        %add3A_1233 = arith.addi %mul3A_98, %add3A_1232 : i32
        %get3A_1234 = arith.index_cast %add3A_1233 : i32 to index
        %get3A_1235 = arith.constant 96 : index
        %get3A_1236 = tpu.vector_load %arg12[%get3A_1234, %get3A_1235] {strides = array<i32>} : memref<64x128xf32, #tpu.memory_space<vmem>>, vector<1x16xf32>,
        %get3A_1237 = vector.shape_cast %get3A_1236 : vector<1x16xf32> to vector<16xf32>
        %mul3A_1238 = arith.mulf %get3A_1231, %get3A_1237 : vector<16xf32>
        %add3A_1239 = arith.addf %add3A_1211, %mul3A_1238 : vector<16xf32>
        %add3A_1240 = arith.constant 9 : i32
        %add3A_1241 = arith.addi %mul3A_98, %add3A_1240 : i32
        %get3A_1242 = arith.index_cast %add3A_1241 : i32 to index
        %get3A_1243 = arith.constant 112 : index
        %get3A_1244 = tpu.vector_load %arg10[%get3A_1242, %get3A_1243] {strides = array<i32>} : memref<64x128xf32, #tpu.memory_space<vmem>>, vector<1x16xf32>,
        %get3A_1245 = vector.shape_cast %get3A_1244 : vector<1x16xf32> to vector<16xf32>
        %add3A_1246 = arith.constant 9 : i32
        %add3A_1247 = arith.addi %mul3A_98, %add3A_1246 : i32
        %get3A_1248 = arith.index_cast %add3A_1247 : i32 to index
        %get3A_1249 = arith.constant 112 : index
        %get3A_1250 = tpu.vector_load %arg12[%get3A_1248, %get3A_1249] {strides = array<i32>} : memref<64x128xf32, #tpu.memory_space<vmem>>, vector<1x16xf32>,
        %get3A_1251 = vector.shape_cast %get3A_1250 : vector<1x16xf32> to vector<16xf32>
        %mul3A_1252 = arith.mulf %get3A_1245, %get3A_1251 : vector<16xf32>
        %add3A_1253 = arith.addf %add3A_1225, %mul3A_1252 : vector<16xf32>
        %add3A_1254 = arith.addf %add3A_1239, %add3A_1253 : vector<16xf32>
        %add3A_1255 = arith.constant 10 : i32
        %add3A_1256 = arith.addi %mul3A_98, %add3A_1255 : i32
        %get3A_1257 = arith.index_cast %add3A_1256 : i32 to index
        %get3A_1258 = arith.constant 0 : index
        %get3A_1259 = tpu.vector_load %arg10[%get3A_1257, %get3A_1258] {strides = array<i32>} : memref<64x128xf32, #tpu.memory_space<vmem>>, vector<1x16xf32>,
        %get3A_1260 = vector.shape_cast %get3A_1259 : vector<1x16xf32> to vector<16xf32>
        %add3A_1261 = arith.constant 10 : i32
        %add3A_1262 = arith.addi %mul3A_98, %add3A_1261 : i32
        %get3A_1263 = arith.index_cast %add3A_1262 : i32 to index
        %get3A_1264 = arith.constant 0 : index
        %get3A_1265 = tpu.vector_load %arg12[%get3A_1263, %get3A_1264] {strides = array<i32>} : memref<64x128xf32, #tpu.memory_space<vmem>>, vector<1x16xf32>,
        %get3A_1266 = vector.shape_cast %get3A_1265 : vector<1x16xf32> to vector<16xf32>
        %mul3A_1267 = arith.mulf %get3A_1260, %get3A_1266 : vector<16xf32>
        %add3A_1268 = arith.constant 10 : i32
        %add3A_1269 = arith.addi %mul3A_98, %add3A_1268 : i32
        %get3A_1270 = arith.index_cast %add3A_1269 : i32 to index
        %get3A_1271 = arith.constant 16 : index
        %get3A_1272 = tpu.vector_load %arg10[%get3A_1270, %get3A_1271] {strides = array<i32>} : memref<64x128xf32, #tpu.memory_space<vmem>>, vector<1x16xf32>,
        %get3A_1273 = vector.shape_cast %get3A_1272 : vector<1x16xf32> to vector<16xf32>
        %add3A_1274 = arith.constant 10 : i32
        %add3A_1275 = arith.addi %mul3A_98, %add3A_1274 : i32
        %get3A_1276 = arith.index_cast %add3A_1275 : i32 to index
        %get3A_1277 = arith.constant 16 : index
        %get3A_1278 = tpu.vector_load %arg12[%get3A_1276, %get3A_1277] {strides = array<i32>} : memref<64x128xf32, #tpu.memory_space<vmem>>, vector<1x16xf32>,
        %get3A_1279 = vector.shape_cast %get3A_1278 : vector<1x16xf32> to vector<16xf32>
        %mul3A_1280 = arith.mulf %get3A_1273, %get3A_1279 : vector<16xf32>
        %add3A_1281 = arith.constant 10 : i32
        %add3A_1282 = arith.addi %mul3A_98, %add3A_1281 : i32
        %get3A_1283 = arith.index_cast %add3A_1282 : i32 to index
        %get3A_1284 = arith.constant 32 : index
        %get3A_1285 = tpu.vector_load %arg10[%get3A_1283, %get3A_1284] {strides = array<i32>} : memref<64x128xf32, #tpu.memory_space<vmem>>, vector<1x16xf32>,
        %get3A_1286 = vector.shape_cast %get3A_1285 : vector<1x16xf32> to vector<16xf32>
        %add3A_1287 = arith.constant 10 : i32
        %add3A_1288 = arith.addi %mul3A_98, %add3A_1287 : i32
        %get3A_1289 = arith.index_cast %add3A_1288 : i32 to index
        %get3A_1290 = arith.constant 32 : index
        %get3A_1291 = tpu.vector_load %arg12[%get3A_1289, %get3A_1290] {strides = array<i32>} : memref<64x128xf32, #tpu.memory_space<vmem>>, vector<1x16xf32>,
        %get3A_1292 = vector.shape_cast %get3A_1291 : vector<1x16xf32> to vector<16xf32>
        %mul3A_1293 = arith.mulf %get3A_1286, %get3A_1292 : vector<16xf32>
        %add3A_1294 = arith.addf %mul3A_1267, %mul3A_1293 : vector<16xf32>
        %add3A_1295 = arith.constant 10 : i32
        %add3A_1296 = arith.addi %mul3A_98, %add3A_1295 : i32
        %get3A_1297 = arith.index_cast %add3A_1296 : i32 to index
        %get3A_1298 = arith.constant 48 : index
        %get3A_1299 = tpu.vector_load %arg10[%get3A_1297, %get3A_1298] {strides = array<i32>} : memref<64x128xf32, #tpu.memory_space<vmem>>, vector<1x16xf32>,
        %get3A_1300 = vector.shape_cast %get3A_1299 : vector<1x16xf32> to vector<16xf32>
        %add3A_1301 = arith.constant 10 : i32
        %add3A_1302 = arith.addi %mul3A_98, %add3A_1301 : i32
        %get3A_1303 = arith.index_cast %add3A_1302 : i32 to index
        %get3A_1304 = arith.constant 48 : index
        %get3A_1305 = tpu.vector_load %arg12[%get3A_1303, %get3A_1304] {strides = array<i32>} : memref<64x128xf32, #tpu.memory_space<vmem>>, vector<1x16xf32>,
        %get3A_1306 = vector.shape_cast %get3A_1305 : vector<1x16xf32> to vector<16xf32>
        %mul3A_1307 = arith.mulf %get3A_1300, %get3A_1306 : vector<16xf32>
        %add3A_1308 = arith.addf %mul3A_1280, %mul3A_1307 : vector<16xf32>
        %add3A_1309 = arith.constant 10 : i32
        %add3A_1310 = arith.addi %mul3A_98, %add3A_1309 : i32
        %get3A_1311 = arith.index_cast %add3A_1310 : i32 to index
        %get3A_1312 = arith.constant 64 : index
        %get3A_1313 = tpu.vector_load %arg10[%get3A_1311, %get3A_1312] {strides = array<i32>} : memref<64x128xf32, #tpu.memory_space<vmem>>, vector<1x16xf32>,
        %get3A_1314 = vector.shape_cast %get3A_1313 : vector<1x16xf32> to vector<16xf32>
        %add3A_1315 = arith.constant 10 : i32
        %add3A_1316 = arith.addi %mul3A_98, %add3A_1315 : i32
        %get3A_1317 = arith.index_cast %add3A_1316 : i32 to index
        %get3A_1318 = arith.constant 64 : index
        %get3A_1319 = tpu.vector_load %arg12[%get3A_1317, %get3A_1318] {strides = array<i32>} : memref<64x128xf32, #tpu.memory_space<vmem>>, vector<1x16xf32>,
        %get3A_1320 = vector.shape_cast %get3A_1319 : vector<1x16xf32> to vector<16xf32>
        %mul3A_1321 = arith.mulf %get3A_1314, %get3A_1320 : vector<16xf32>
        %add3A_1322 = arith.addf %add3A_1294, %mul3A_1321 : vector<16xf32>
        %add3A_1323 = arith.constant 10 : i32
        %add3A_1324 = arith.addi %mul3A_98, %add3A_1323 : i32
        %get3A_1325 = arith.index_cast %add3A_1324 : i32 to index
        %get3A_1326 = arith.constant 80 : index
        %get3A_1327 = tpu.vector_load %arg10[%get3A_1325, %get3A_1326] {strides = array<i32>} : memref<64x128xf32, #tpu.memory_space<vmem>>, vector<1x16xf32>,
        %get3A_1328 = vector.shape_cast %get3A_1327 : vector<1x16xf32> to vector<16xf32>
        %add3A_1329 = arith.constant 10 : i32
        %add3A_1330 = arith.addi %mul3A_98, %add3A_1329 : i32
        %get3A_1331 = arith.index_cast %add3A_1330 : i32 to index
        %get3A_1332 = arith.constant 80 : index
        %get3A_1333 = tpu.vector_load %arg12[%get3A_1331, %get3A_1332] {strides = array<i32>} : memref<64x128xf32, #tpu.memory_space<vmem>>, vector<1x16xf32>,
        %get3A_1334 = vector.shape_cast %get3A_1333 : vector<1x16xf32> to vector<16xf32>
        %mul3A_1335 = arith.mulf %get3A_1328, %get3A_1334 : vector<16xf32>
        %add3A_1336 = arith.addf %add3A_1308, %mul3A_1335 : vector<16xf32>
        %add3A_1337 = arith.constant 10 : i32
        %add3A_1338 = arith.addi %mul3A_98, %add3A_1337 : i32
        %get3A_1339 = arith.index_cast %add3A_1338 : i32 to index
        %get3A_1340 = arith.constant 96 : index
        %get3A_1341 = tpu.vector_load %arg10[%get3A_1339, %get3A_1340] {strides = array<i32>} : memref<64x128xf32, #tpu.memory_space<vmem>>, vector<1x16xf32>,
        %get3A_1342 = vector.shape_cast %get3A_1341 : vector<1x16xf32> to vector<16xf32>
        %add3A_1343 = arith.constant 10 : i32
        %add3A_1344 = arith.addi %mul3A_98, %add3A_1343 : i32
        %get3A_1345 = arith.index_cast %add3A_1344 : i32 to index
        %get3A_1346 = arith.constant 96 : index
        %get3A_1347 = tpu.vector_load %arg12[%get3A_1345, %get3A_1346] {strides = array<i32>} : memref<64x128xf32, #tpu.memory_space<vmem>>, vector<1x16xf32>,
        %get3A_1348 = vector.shape_cast %get3A_1347 : vector<1x16xf32> to vector<16xf32>
        %mul3A_1349 = arith.mulf %get3A_1342, %get3A_1348 : vector<16xf32>
        %add3A_1350 = arith.addf %add3A_1322, %mul3A_1349 : vector<16xf32>
        %add3A_1351 = arith.constant 10 : i32
        %add3A_1352 = arith.addi %mul3A_98, %add3A_1351 : i32
        %get3A_1353 = arith.index_cast %add3A_1352 : i32 to index
        %get3A_1354 = arith.constant 112 : index
        %get3A_1355 = tpu.vector_load %arg10[%get3A_1353, %get3A_1354] {strides = array<i32>} : memref<64x128xf32, #tpu.memory_space<vmem>>, vector<1x16xf32>,
        %get3A_1356 = vector.shape_cast %get3A_1355 : vector<1x16xf32> to vector<16xf32>
        %add3A_1357 = arith.constant 10 : i32
        %add3A_1358 = arith.addi %mul3A_98, %add3A_1357 : i32
        %get3A_1359 = arith.index_cast %add3A_1358 : i32 to index
        %get3A_1360 = arith.constant 112 : index
        %get3A_1361 = tpu.vector_load %arg12[%get3A_1359, %get3A_1360] {strides = array<i32>} : memref<64x128xf32, #tpu.memory_space<vmem>>, vector<1x16xf32>,
        %get3A_1362 = vector.shape_cast %get3A_1361 : vector<1x16xf32> to vector<16xf32>
        %mul3A_1363 = arith.mulf %get3A_1356, %get3A_1362 : vector<16xf32>
        %add3A_1364 = arith.addf %add3A_1336, %mul3A_1363 : vector<16xf32>
        %add3A_1365 = arith.addf %add3A_1350, %add3A_1364 : vector<16xf32>
        %add3A_1366 = arith.constant 11 : i32
        %add3A_1367 = arith.addi %mul3A_98, %add3A_1366 : i32
        %get3A_1368 = arith.index_cast %add3A_1367 : i32 to index
        %get3A_1369 = arith.constant 0 : index
        %get3A_1370 = tpu.vector_load %arg10[%get3A_1368, %get3A_1369] {strides = array<i32>} : memref<64x128xf32, #tpu.memory_space<vmem>>, vector<1x16xf32>,
        %get3A_1371 = vector.shape_cast %get3A_1370 : vector<1x16xf32> to vector<16xf32>
        %add3A_1372 = arith.constant 11 : i32
        %add3A_1373 = arith.addi %mul3A_98, %add3A_1372 : i32
        %get3A_1374 = arith.index_cast %add3A_1373 : i32 to index
        %get3A_1375 = arith.constant 0 : index
        %get3A_1376 = tpu.vector_load %arg12[%get3A_1374, %get3A_1375] {strides = array<i32>} : memref<64x128xf32, #tpu.memory_space<vmem>>, vector<1x16xf32>,
        %get3A_1377 = vector.shape_cast %get3A_1376 : vector<1x16xf32> to vector<16xf32>
        %mul3A_1378 = arith.mulf %get3A_1371, %get3A_1377 : vector<16xf32>
        %add3A_1379 = arith.constant 11 : i32
        %add3A_1380 = arith.addi %mul3A_98, %add3A_1379 : i32
        %get3A_1381 = arith.index_cast %add3A_1380 : i32 to index
        %get3A_1382 = arith.constant 16 : index
        %get3A_1383 = tpu.vector_load %arg10[%get3A_1381, %get3A_1382] {strides = array<i32>} : memref<64x128xf32, #tpu.memory_space<vmem>>, vector<1x16xf32>,
        %get3A_1384 = vector.shape_cast %get3A_1383 : vector<1x16xf32> to vector<16xf32>
        %add3A_1385 = arith.constant 11 : i32
        %add3A_1386 = arith.addi %mul3A_98, %add3A_1385 : i32
        %get3A_1387 = arith.index_cast %add3A_1386 : i32 to index
        %get3A_1388 = arith.constant 16 : index
        %get3A_1389 = tpu.vector_load %arg12[%get3A_1387, %get3A_1388] {strides = array<i32>} : memref<64x128xf32, #tpu.memory_space<vmem>>, vector<1x16xf32>,
        %get3A_1390 = vector.shape_cast %get3A_1389 : vector<1x16xf32> to vector<16xf32>
        %mul3A_1391 = arith.mulf %get3A_1384, %get3A_1390 : vector<16xf32>
        %add3A_1392 = arith.constant 11 : i32
        %add3A_1393 = arith.addi %mul3A_98, %add3A_1392 : i32
        %get3A_1394 = arith.index_cast %add3A_1393 : i32 to index
        %get3A_1395 = arith.constant 32 : index
        %get3A_1396 = tpu.vector_load %arg10[%get3A_1394, %get3A_1395] {strides = array<i32>} : memref<64x128xf32, #tpu.memory_space<vmem>>, vector<1x16xf32>,
        %get3A_1397 = vector.shape_cast %get3A_1396 : vector<1x16xf32> to vector<16xf32>
        %add3A_1398 = arith.constant 11 : i32
        %add3A_1399 = arith.addi %mul3A_98, %add3A_1398 : i32
        %get3A_1400 = arith.index_cast %add3A_1399 : i32 to index
        %get3A_1401 = arith.constant 32 : index
        %get3A_1402 = tpu.vector_load %arg12[%get3A_1400, %get3A_1401] {strides = array<i32>} : memref<64x128xf32, #tpu.memory_space<vmem>>, vector<1x16xf32>,
        %get3A_1403 = vector.shape_cast %get3A_1402 : vector<1x16xf32> to vector<16xf32>
        %mul3A_1404 = arith.mulf %get3A_1397, %get3A_1403 : vector<16xf32>
        %add3A_1405 = arith.addf %mul3A_1378, %mul3A_1404 : vector<16xf32>
        %add3A_1406 = arith.constant 11 : i32
        %add3A_1407 = arith.addi %mul3A_98, %add3A_1406 : i32
        %get3A_1408 = arith.index_cast %add3A_1407 : i32 to index
        %get3A_1409 = arith.constant 48 : index
        %get3A_1410 = tpu.vector_load %arg10[%get3A_1408, %get3A_1409] {strides = array<i32>} : memref<64x128xf32, #tpu.memory_space<vmem>>, vector<1x16xf32>,
        %get3A_1411 = vector.shape_cast %get3A_1410 : vector<1x16xf32> to vector<16xf32>
        %add3A_1412 = arith.constant 11 : i32
        %add3A_1413 = arith.addi %mul3A_98, %add3A_1412 : i32
        %get3A_1414 = arith.index_cast %add3A_1413 : i32 to index
        %get3A_1415 = arith.constant 48 : index
        %get3A_1416 = tpu.vector_load %arg12[%get3A_1414, %get3A_1415] {strides = array<i32>} : memref<64x128xf32, #tpu.memory_space<vmem>>, vector<1x16xf32>,
        %get3A_1417 = vector.shape_cast %get3A_1416 : vector<1x16xf32> to vector<16xf32>
        %mul3A_1418 = arith.mulf %get3A_1411, %get3A_1417 : vector<16xf32>
        %add3A_1419 = arith.addf %mul3A_1391, %mul3A_1418 : vector<16xf32>
        %add3A_1420 = arith.constant 11 : i32
        %add3A_1421 = arith.addi %mul3A_98, %add3A_1420 : i32
        %get3A_1422 = arith.index_cast %add3A_1421 : i32 to index
        %get3A_1423 = arith.constant 64 : index
        %get3A_1424 = tpu.vector_load %arg10[%get3A_1422, %get3A_1423] {strides = array<i32>} : memref<64x128xf32, #tpu.memory_space<vmem>>, vector<1x16xf32>,
        %get3A_1425 = vector.shape_cast %get3A_1424 : vector<1x16xf32> to vector<16xf32>
        %add3A_1426 = arith.constant 11 : i32
        %add3A_1427 = arith.addi %mul3A_98, %add3A_1426 : i32
        %get3A_1428 = arith.index_cast %add3A_1427 : i32 to index
        %get3A_1429 = arith.constant 64 : index
        %get3A_1430 = tpu.vector_load %arg12[%get3A_1428, %get3A_1429] {strides = array<i32>} : memref<64x128xf32, #tpu.memory_space<vmem>>, vector<1x16xf32>,
        %get3A_1431 = vector.shape_cast %get3A_1430 : vector<1x16xf32> to vector<16xf32>
        %mul3A_1432 = arith.mulf %get3A_1425, %get3A_1431 : vector<16xf32>
        %add3A_1433 = arith.addf %add3A_1405, %mul3A_1432 : vector<16xf32>
        %add3A_1434 = arith.constant 11 : i32
        %add3A_1435 = arith.addi %mul3A_98, %add3A_1434 : i32
        %get3A_1436 = arith.index_cast %add3A_1435 : i32 to index
        %get3A_1437 = arith.constant 80 : index
        %get3A_1438 = tpu.vector_load %arg10[%get3A_1436, %get3A_1437] {strides = array<i32>} : memref<64x128xf32, #tpu.memory_space<vmem>>, vector<1x16xf32>,
        %get3A_1439 = vector.shape_cast %get3A_1438 : vector<1x16xf32> to vector<16xf32>
        %add3A_1440 = arith.constant 11 : i32
        %add3A_1441 = arith.addi %mul3A_98, %add3A_1440 : i32
        %get3A_1442 = arith.index_cast %add3A_1441 : i32 to index
        %get3A_1443 = arith.constant 80 : index
        %get3A_1444 = tpu.vector_load %arg12[%get3A_1442, %get3A_1443] {strides = array<i32>} : memref<64x128xf32, #tpu.memory_space<vmem>>, vector<1x16xf32>,
        %get3A_1445 = vector.shape_cast %get3A_1444 : vector<1x16xf32> to vector<16xf32>
        %mul3A_1446 = arith.mulf %get3A_1439, %get3A_1445 : vector<16xf32>
        %add3A_1447 = arith.addf %add3A_1419, %mul3A_1446 : vector<16xf32>
        %add3A_1448 = arith.constant 11 : i32
        %add3A_1449 = arith.addi %mul3A_98, %add3A_1448 : i32
        %get3A_1450 = arith.index_cast %add3A_1449 : i32 to index
        %get3A_1451 = arith.constant 96 : index
        %get3A_1452 = tpu.vector_load %arg10[%get3A_1450, %get3A_1451] {strides = array<i32>} : memref<64x128xf32, #tpu.memory_space<vmem>>, vector<1x16xf32>,
        %get3A_1453 = vector.shape_cast %get3A_1452 : vector<1x16xf32> to vector<16xf32>
        %add3A_1454 = arith.constant 11 : i32
        %add3A_1455 = arith.addi %mul3A_98, %add3A_1454 : i32
        %get3A_1456 = arith.index_cast %add3A_1455 : i32 to index
        %get3A_1457 = arith.constant 96 : index
        %get3A_1458 = tpu.vector_load %arg12[%get3A_1456, %get3A_1457] {strides = array<i32>} : memref<64x128xf32, #tpu.memory_space<vmem>>, vector<1x16xf32>,
        %get3A_1459 = vector.shape_cast %get3A_1458 : vector<1x16xf32> to vector<16xf32>
        %mul3A_1460 = arith.mulf %get3A_1453, %get3A_1459 : vector<16xf32>
        %add3A_1461 = arith.addf %add3A_1433, %mul3A_1460 : vector<16xf32>
        %add3A_1462 = arith.constant 11 : i32
        %add3A_1463 = arith.addi %mul3A_98, %add3A_1462 : i32
        %get3A_1464 = arith.index_cast %add3A_1463 : i32 to index
        %get3A_1465 = arith.constant 112 : index
        %get3A_1466 = tpu.vector_load %arg10[%get3A_1464, %get3A_1465] {strides = array<i32>} : memref<64x128xf32, #tpu.memory_space<vmem>>, vector<1x16xf32>,
        %get3A_1467 = vector.shape_cast %get3A_1466 : vector<1x16xf32> to vector<16xf32>
        %add3A_1468 = arith.constant 11 : i32
        %add3A_1469 = arith.addi %mul3A_98, %add3A_1468 : i32
        %get3A_1470 = arith.index_cast %add3A_1469 : i32 to index
        %get3A_1471 = arith.constant 112 : index
        %get3A_1472 = tpu.vector_load %arg12[%get3A_1470, %get3A_1471] {strides = array<i32>} : memref<64x128xf32, #tpu.memory_space<vmem>>, vector<1x16xf32>,
        %get3A_1473 = vector.shape_cast %get3A_1472 : vector<1x16xf32> to vector<16xf32>
        %mul3A_1474 = arith.mulf %get3A_1467, %get3A_1473 : vector<16xf32>
        %add3A_1475 = arith.addf %add3A_1447, %mul3A_1474 : vector<16xf32>
        %add3A_1476 = arith.addf %add3A_1461, %add3A_1475 : vector<16xf32>
        %swap3A_1477 = arith.constant 8 : i32
        %swap3A_1478 = arith.index_cast %swap3A_1477 : i32 to index
        %swap3A_1479 = arith.constant 0 : index
        %swap3A_1480 = tpu.vector_load %arg13[%swap3A_1478, %swap3A_1479] {strides = array<i32>} : memref<16x24xf32, #tpu.memory_space<vmem>>, vector<1x16xf32>,
        %swap3A_1481 = vector.shape_cast %swap3A_1480 : vector<1x16xf32> to vector<16xf32>
        %swap3A_1482 = vector.shape_cast %add3A_1143 : vector<16xf32> to vector<1x16xf32>
        tpu.vector_store %arg13[%swap3A_1478, %swap3A_1479], %swap3A_1482 {strides = array<i32>} : memref<16x24xf32, #tpu.memory_space<vmem>>, vector<1x16xf32>,
        %swap3A_1483 = arith.constant 9 : i32
        %swap3A_1484 = arith.index_cast %swap3A_1483 : i32 to index
        %swap3A_1485 = arith.constant 0 : index
        %swap3A_1486 = tpu.vector_load %arg13[%swap3A_1484, %swap3A_1485] {strides = array<i32>} : memref<16x24xf32, #tpu.memory_space<vmem>>, vector<1x16xf32>,
        %swap3A_1487 = vector.shape_cast %swap3A_1486 : vector<1x16xf32> to vector<16xf32>
        %swap3A_1488 = vector.shape_cast %add3A_1254 : vector<16xf32> to vector<1x16xf32>
        tpu.vector_store %arg13[%swap3A_1484, %swap3A_1485], %swap3A_1488 {strides = array<i32>} : memref<16x24xf32, #tpu.memory_space<vmem>>, vector<1x16xf32>,
        %swap3A_1489 = arith.constant 10 : i32
        %swap3A_1490 = arith.index_cast %swap3A_1489 : i32 to index
        %swap3A_1491 = arith.constant 0 : index
        %swap3A_1492 = tpu.vector_load %arg13[%swap3A_1490, %swap3A_1491] {strides = array<i32>} : memref<16x24xf32, #tpu.memory_space<vmem>>, vector<1x16xf32>,
        %swap3A_1493 = vector.shape_cast %swap3A_1492 : vector<1x16xf32> to vector<16xf32>
        %swap3A_1494 = vector.shape_cast %add3A_1365 : vector<16xf32> to vector<1x16xf32>
        tpu.vector_store %arg13[%swap3A_1490, %swap3A_1491], %swap3A_1494 {strides = array<i32>} : memref<16x24xf32, #tpu.memory_space<vmem>>, vector<1x16xf32>,
        %swap3A_1495 = arith.constant 11 : i32
        %swap3A_1496 = arith.index_cast %swap3A_1495 : i32 to index
        %swap3A_1497 = arith.constant 0 : index
        %swap3A_1498 = tpu.vector_load %arg13[%swap3A_1496, %swap3A_1497] {strides = array<i32>} : memref<16x24xf32, #tpu.memory_space<vmem>>, vector<1x16xf32>,
        %swap3A_1499 = vector.shape_cast %swap3A_1498 : vector<1x16xf32> to vector<16xf32>
        %swap3A_1500 = vector.shape_cast %add3A_1476 : vector<16xf32> to vector<1x16xf32>
        tpu.vector_store %arg13[%swap3A_1496, %swap3A_1497], %swap3A_1500 {strides = array<i32>} : memref<16x24xf32, #tpu.memory_space<vmem>>, vector<1x16xf32>,
        %add3A_1501 = arith.constant 12 : i32
        %add3A_1502 = arith.addi %mul3A_98, %add3A_1501 : i32
        %get3A_1503 = arith.index_cast %add3A_1502 : i32 to index
        %get3A_1504 = arith.constant 0 : index
        %get3A_1505 = tpu.vector_load %arg10[%get3A_1503, %get3A_1504] {strides = array<i32>} : memref<64x128xf32, #tpu.memory_space<vmem>>, vector<1x16xf32>,
        %get3A_1506 = vector.shape_cast %get3A_1505 : vector<1x16xf32> to vector<16xf32>
        %add3A_1507 = arith.constant 12 : i32
        %add3A_1508 = arith.addi %mul3A_98, %add3A_1507 : i32
        %get3A_1509 = arith.index_cast %add3A_1508 : i32 to index
        %get3A_1510 = arith.constant 0 : index
        %get3A_1511 = tpu.vector_load %arg12[%get3A_1509, %get3A_1510] {strides = array<i32>} : memref<64x128xf32, #tpu.memory_space<vmem>>, vector<1x16xf32>,
        %get3A_1512 = vector.shape_cast %get3A_1511 : vector<1x16xf32> to vector<16xf32>
        %mul3A_1513 = arith.mulf %get3A_1506, %get3A_1512 : vector<16xf32>
        %add3A_1514 = arith.constant 12 : i32
        %add3A_1515 = arith.addi %mul3A_98, %add3A_1514 : i32
        %get3A_1516 = arith.index_cast %add3A_1515 : i32 to index
        %get3A_1517 = arith.constant 16 : index
        %get3A_1518 = tpu.vector_load %arg10[%get3A_1516, %get3A_1517] {strides = array<i32>} : memref<64x128xf32, #tpu.memory_space<vmem>>, vector<1x16xf32>,
        %get3A_1519 = vector.shape_cast %get3A_1518 : vector<1x16xf32> to vector<16xf32>
        %add3A_1520 = arith.constant 12 : i32
        %add3A_1521 = arith.addi %mul3A_98, %add3A_1520 : i32
        %get3A_1522 = arith.index_cast %add3A_1521 : i32 to index
        %get3A_1523 = arith.constant 16 : index
        %get3A_1524 = tpu.vector_load %arg12[%get3A_1522, %get3A_1523] {strides = array<i32>} : memref<64x128xf32, #tpu.memory_space<vmem>>, vector<1x16xf32>,
        %get3A_1525 = vector.shape_cast %get3A_1524 : vector<1x16xf32> to vector<16xf32>
        %mul3A_1526 = arith.mulf %get3A_1519, %get3A_1525 : vector<16xf32>
        %add3A_1527 = arith.constant 12 : i32
        %add3A_1528 = arith.addi %mul3A_98, %add3A_1527 : i32
        %get3A_1529 = arith.index_cast %add3A_1528 : i32 to index
        %get3A_1530 = arith.constant 32 : index
        %get3A_1531 = tpu.vector_load %arg10[%get3A_1529, %get3A_1530] {strides = array<i32>} : memref<64x128xf32, #tpu.memory_space<vmem>>, vector<1x16xf32>,
        %get3A_1532 = vector.shape_cast %get3A_1531 : vector<1x16xf32> to vector<16xf32>
        %add3A_1533 = arith.constant 12 : i32
        %add3A_1534 = arith.addi %mul3A_98, %add3A_1533 : i32
        %get3A_1535 = arith.index_cast %add3A_1534 : i32 to index
        %get3A_1536 = arith.constant 32 : index
        %get3A_1537 = tpu.vector_load %arg12[%get3A_1535, %get3A_1536] {strides = array<i32>} : memref<64x128xf32, #tpu.memory_space<vmem>>, vector<1x16xf32>,
        %get3A_1538 = vector.shape_cast %get3A_1537 : vector<1x16xf32> to vector<16xf32>
        %mul3A_1539 = arith.mulf %get3A_1532, %get3A_1538 : vector<16xf32>
        %add3A_1540 = arith.addf %mul3A_1513, %mul3A_1539 : vector<16xf32>
        %add3A_1541 = arith.constant 12 : i32
        %add3A_1542 = arith.addi %mul3A_98, %add3A_1541 : i32
        %get3A_1543 = arith.index_cast %add3A_1542 : i32 to index
        %get3A_1544 = arith.constant 48 : index
        %get3A_1545 = tpu.vector_load %arg10[%get3A_1543, %get3A_1544] {strides = array<i32>} : memref<64x128xf32, #tpu.memory_space<vmem>>, vector<1x16xf32>,
        %get3A_1546 = vector.shape_cast %get3A_1545 : vector<1x16xf32> to vector<16xf32>
        %add3A_1547 = arith.constant 12 : i32
        %add3A_1548 = arith.addi %mul3A_98, %add3A_1547 : i32
        %get3A_1549 = arith.index_cast %add3A_1548 : i32 to index
        %get3A_1550 = arith.constant 48 : index
        %get3A_1551 = tpu.vector_load %arg12[%get3A_1549, %get3A_1550] {strides = array<i32>} : memref<64x128xf32, #tpu.memory_space<vmem>>, vector<1x16xf32>,
        %get3A_1552 = vector.shape_cast %get3A_1551 : vector<1x16xf32> to vector<16xf32>
        %mul3A_1553 = arith.mulf %get3A_1546, %get3A_1552 : vector<16xf32>
        %add3A_1554 = arith.addf %mul3A_1526, %mul3A_1553 : vector<16xf32>
        %add3A_1555 = arith.constant 12 : i32
        %add3A_1556 = arith.addi %mul3A_98, %add3A_1555 : i32
        %get3A_1557 = arith.index_cast %add3A_1556 : i32 to index
        %get3A_1558 = arith.constant 64 : index
        %get3A_1559 = tpu.vector_load %arg10[%get3A_1557, %get3A_1558] {strides = array<i32>} : memref<64x128xf32, #tpu.memory_space<vmem>>, vector<1x16xf32>,
        %get3A_1560 = vector.shape_cast %get3A_1559 : vector<1x16xf32> to vector<16xf32>
        %add3A_1561 = arith.constant 12 : i32
        %add3A_1562 = arith.addi %mul3A_98, %add3A_1561 : i32
        %get3A_1563 = arith.index_cast %add3A_1562 : i32 to index
        %get3A_1564 = arith.constant 64 : index
        %get3A_1565 = tpu.vector_load %arg12[%get3A_1563, %get3A_1564] {strides = array<i32>} : memref<64x128xf32, #tpu.memory_space<vmem>>, vector<1x16xf32>,
        %get3A_1566 = vector.shape_cast %get3A_1565 : vector<1x16xf32> to vector<16xf32>
        %mul3A_1567 = arith.mulf %get3A_1560, %get3A_1566 : vector<16xf32>
        %add3A_1568 = arith.addf %add3A_1540, %mul3A_1567 : vector<16xf32>
        %add3A_1569 = arith.constant 12 : i32
        %add3A_1570 = arith.addi %mul3A_98, %add3A_1569 : i32
        %get3A_1571 = arith.index_cast %add3A_1570 : i32 to index
        %get3A_1572 = arith.constant 80 : index
        %get3A_1573 = tpu.vector_load %arg10[%get3A_1571, %get3A_1572] {strides = array<i32>} : memref<64x128xf32, #tpu.memory_space<vmem>>, vector<1x16xf32>,
        %get3A_1574 = vector.shape_cast %get3A_1573 : vector<1x16xf32> to vector<16xf32>
        %add3A_1575 = arith.constant 12 : i32
        %add3A_1576 = arith.addi %mul3A_98, %add3A_1575 : i32
        %get3A_1577 = arith.index_cast %add3A_1576 : i32 to index
        %get3A_1578 = arith.constant 80 : index
        %get3A_1579 = tpu.vector_load %arg12[%get3A_1577, %get3A_1578] {strides = array<i32>} : memref<64x128xf32, #tpu.memory_space<vmem>>, vector<1x16xf32>,
        %get3A_1580 = vector.shape_cast %get3A_1579 : vector<1x16xf32> to vector<16xf32>
        %mul3A_1581 = arith.mulf %get3A_1574, %get3A_1580 : vector<16xf32>
        %add3A_1582 = arith.addf %add3A_1554, %mul3A_1581 : vector<16xf32>
        %add3A_1583 = arith.constant 12 : i32
        %add3A_1584 = arith.addi %mul3A_98, %add3A_1583 : i32
        %get3A_1585 = arith.index_cast %add3A_1584 : i32 to index
        %get3A_1586 = arith.constant 96 : index
        %get3A_1587 = tpu.vector_load %arg10[%get3A_1585, %get3A_1586] {strides = array<i32>} : memref<64x128xf32, #tpu.memory_space<vmem>>, vector<1x16xf32>,
        %get3A_1588 = vector.shape_cast %get3A_1587 : vector<1x16xf32> to vector<16xf32>
        %add3A_1589 = arith.constant 12 : i32
        %add3A_1590 = arith.addi %mul3A_98, %add3A_1589 : i32
        %get3A_1591 = arith.index_cast %add3A_1590 : i32 to index
        %get3A_1592 = arith.constant 96 : index
        %get3A_1593 = tpu.vector_load %arg12[%get3A_1591, %get3A_1592] {strides = array<i32>} : memref<64x128xf32, #tpu.memory_space<vmem>>, vector<1x16xf32>,
        %get3A_1594 = vector.shape_cast %get3A_1593 : vector<1x16xf32> to vector<16xf32>
        %mul3A_1595 = arith.mulf %get3A_1588, %get3A_1594 : vector<16xf32>
        %add3A_1596 = arith.addf %add3A_1568, %mul3A_1595 : vector<16xf32>
        %add3A_1597 = arith.constant 12 : i32
        %add3A_1598 = arith.addi %mul3A_98, %add3A_1597 : i32
        %get3A_1599 = arith.index_cast %add3A_1598 : i32 to index
        %get3A_1600 = arith.constant 112 : index
        %get3A_1601 = tpu.vector_load %arg10[%get3A_1599, %get3A_1600] {strides = array<i32>} : memref<64x128xf32, #tpu.memory_space<vmem>>, vector<1x16xf32>,
        %get3A_1602 = vector.shape_cast %get3A_1601 : vector<1x16xf32> to vector<16xf32>
        %add3A_1603 = arith.constant 12 : i32
        %add3A_1604 = arith.addi %mul3A_98, %add3A_1603 : i32
        %get3A_1605 = arith.index_cast %add3A_1604 : i32 to index
        %get3A_1606 = arith.constant 112 : index
        %get3A_1607 = tpu.vector_load %arg12[%get3A_1605, %get3A_1606] {strides = array<i32>} : memref<64x128xf32, #tpu.memory_space<vmem>>, vector<1x16xf32>,
        %get3A_1608 = vector.shape_cast %get3A_1607 : vector<1x16xf32> to vector<16xf32>
        %mul3A_1609 = arith.mulf %get3A_1602, %get3A_1608 : vector<16xf32>
        %add3A_1610 = arith.addf %add3A_1582, %mul3A_1609 : vector<16xf32>
        %add3A_1611 = arith.addf %add3A_1596, %add3A_1610 : vector<16xf32>
        %add3A_1612 = arith.constant 13 : i32
        %add3A_1613 = arith.addi %mul3A_98, %add3A_1612 : i32
        %get3A_1614 = arith.index_cast %add3A_1613 : i32 to index
        %get3A_1615 = arith.constant 0 : index
        %get3A_1616 = tpu.vector_load %arg10[%get3A_1614, %get3A_1615] {strides = array<i32>} : memref<64x128xf32, #tpu.memory_space<vmem>>, vector<1x16xf32>,
        %get3A_1617 = vector.shape_cast %get3A_1616 : vector<1x16xf32> to vector<16xf32>
        %add3A_1618 = arith.constant 13 : i32
        %add3A_1619 = arith.addi %mul3A_98, %add3A_1618 : i32
        %get3A_1620 = arith.index_cast %add3A_1619 : i32 to index
        %get3A_1621 = arith.constant 0 : index
        %get3A_1622 = tpu.vector_load %arg12[%get3A_1620, %get3A_1621] {strides = array<i32>} : memref<64x128xf32, #tpu.memory_space<vmem>>, vector<1x16xf32>,
        %get3A_1623 = vector.shape_cast %get3A_1622 : vector<1x16xf32> to vector<16xf32>
        %mul3A_1624 = arith.mulf %get3A_1617, %get3A_1623 : vector<16xf32>
        %add3A_1625 = arith.constant 13 : i32
        %add3A_1626 = arith.addi %mul3A_98, %add3A_1625 : i32
        %get3A_1627 = arith.index_cast %add3A_1626 : i32 to index
        %get3A_1628 = arith.constant 16 : index
        %get3A_1629 = tpu.vector_load %arg10[%get3A_1627, %get3A_1628] {strides = array<i32>} : memref<64x128xf32, #tpu.memory_space<vmem>>, vector<1x16xf32>,
        %get3A_1630 = vector.shape_cast %get3A_1629 : vector<1x16xf32> to vector<16xf32>
        %add3A_1631 = arith.constant 13 : i32
        %add3A_1632 = arith.addi %mul3A_98, %add3A_1631 : i32
        %get3A_1633 = arith.index_cast %add3A_1632 : i32 to index
        %get3A_1634 = arith.constant 16 : index
        %get3A_1635 = tpu.vector_load %arg12[%get3A_1633, %get3A_1634] {strides = array<i32>} : memref<64x128xf32, #tpu.memory_space<vmem>>, vector<1x16xf32>,
        %get3A_1636 = vector.shape_cast %get3A_1635 : vector<1x16xf32> to vector<16xf32>
        %mul3A_1637 = arith.mulf %get3A_1630, %get3A_1636 : vector<16xf32>
        %add3A_1638 = arith.constant 13 : i32
        %add3A_1639 = arith.addi %mul3A_98, %add3A_1638 : i32
        %get3A_1640 = arith.index_cast %add3A_1639 : i32 to index
        %get3A_1641 = arith.constant 32 : index
        %get3A_1642 = tpu.vector_load %arg10[%get3A_1640, %get3A_1641] {strides = array<i32>} : memref<64x128xf32, #tpu.memory_space<vmem>>, vector<1x16xf32>,
        %get3A_1643 = vector.shape_cast %get3A_1642 : vector<1x16xf32> to vector<16xf32>
        %add3A_1644 = arith.constant 13 : i32
        %add3A_1645 = arith.addi %mul3A_98, %add3A_1644 : i32
        %get3A_1646 = arith.index_cast %add3A_1645 : i32 to index
        %get3A_1647 = arith.constant 32 : index
        %get3A_1648 = tpu.vector_load %arg12[%get3A_1646, %get3A_1647] {strides = array<i32>} : memref<64x128xf32, #tpu.memory_space<vmem>>, vector<1x16xf32>,
        %get3A_1649 = vector.shape_cast %get3A_1648 : vector<1x16xf32> to vector<16xf32>
        %mul3A_1650 = arith.mulf %get3A_1643, %get3A_1649 : vector<16xf32>
        %add3A_1651 = arith.addf %mul3A_1624, %mul3A_1650 : vector<16xf32>
        %add3A_1652 = arith.constant 13 : i32
        %add3A_1653 = arith.addi %mul3A_98, %add3A_1652 : i32
        %get3A_1654 = arith.index_cast %add3A_1653 : i32 to index
        %get3A_1655 = arith.constant 48 : index
        %get3A_1656 = tpu.vector_load %arg10[%get3A_1654, %get3A_1655] {strides = array<i32>} : memref<64x128xf32, #tpu.memory_space<vmem>>, vector<1x16xf32>,
        %get3A_1657 = vector.shape_cast %get3A_1656 : vector<1x16xf32> to vector<16xf32>
        %add3A_1658 = arith.constant 13 : i32
        %add3A_1659 = arith.addi %mul3A_98, %add3A_1658 : i32
        %get3A_1660 = arith.index_cast %add3A_1659 : i32 to index
        %get3A_1661 = arith.constant 48 : index
        %get3A_1662 = tpu.vector_load %arg12[%get3A_1660, %get3A_1661] {strides = array<i32>} : memref<64x128xf32, #tpu.memory_space<vmem>>, vector<1x16xf32>,
        %get3A_1663 = vector.shape_cast %get3A_1662 : vector<1x16xf32> to vector<16xf32>
        %mul3A_1664 = arith.mulf %get3A_1657, %get3A_1663 : vector<16xf32>
        %add3A_1665 = arith.addf %mul3A_1637, %mul3A_1664 : vector<16xf32>
        %add3A_1666 = arith.constant 13 : i32
        %add3A_1667 = arith.addi %mul3A_98, %add3A_1666 : i32
        %get3A_1668 = arith.index_cast %add3A_1667 : i32 to index
        %get3A_1669 = arith.constant 64 : index
        %get3A_1670 = tpu.vector_load %arg10[%get3A_1668, %get3A_1669] {strides = array<i32>} : memref<64x128xf32, #tpu.memory_space<vmem>>, vector<1x16xf32>,
        %get3A_1671 = vector.shape_cast %get3A_1670 : vector<1x16xf32> to vector<16xf32>
        %add3A_1672 = arith.constant 13 : i32
        %add3A_1673 = arith.addi %mul3A_98, %add3A_1672 : i32
        %get3A_1674 = arith.index_cast %add3A_1673 : i32 to index
        %get3A_1675 = arith.constant 64 : index
        %get3A_1676 = tpu.vector_load %arg12[%get3A_1674, %get3A_1675] {strides = array<i32>} : memref<64x128xf32, #tpu.memory_space<vmem>>, vector<1x16xf32>,
        %get3A_1677 = vector.shape_cast %get3A_1676 : vector<1x16xf32> to vector<16xf32>
        %mul3A_1678 = arith.mulf %get3A_1671, %get3A_1677 : vector<16xf32>
        %add3A_1679 = arith.addf %add3A_1651, %mul3A_1678 : vector<16xf32>
        %add3A_1680 = arith.constant 13 : i32
        %add3A_1681 = arith.addi %mul3A_98, %add3A_1680 : i32
        %get3A_1682 = arith.index_cast %add3A_1681 : i32 to index
        %get3A_1683 = arith.constant 80 : index
        %get3A_1684 = tpu.vector_load %arg10[%get3A_1682, %get3A_1683] {strides = array<i32>} : memref<64x128xf32, #tpu.memory_space<vmem>>, vector<1x16xf32>,
        %get3A_1685 = vector.shape_cast %get3A_1684 : vector<1x16xf32> to vector<16xf32>
        %add3A_1686 = arith.constant 13 : i32
        %add3A_1687 = arith.addi %mul3A_98, %add3A_1686 : i32
        %get3A_1688 = arith.index_cast %add3A_1687 : i32 to index
        %get3A_1689 = arith.constant 80 : index
        %get3A_1690 = tpu.vector_load %arg12[%get3A_1688, %get3A_1689] {strides = array<i32>} : memref<64x128xf32, #tpu.memory_space<vmem>>, vector<1x16xf32>,
        %get3A_1691 = vector.shape_cast %get3A_1690 : vector<1x16xf32> to vector<16xf32>
        %mul3A_1692 = arith.mulf %get3A_1685, %get3A_1691 : vector<16xf32>
        %add3A_1693 = arith.addf %add3A_1665, %mul3A_1692 : vector<16xf32>
        %add3A_1694 = arith.constant 13 : i32
        %add3A_1695 = arith.addi %mul3A_98, %add3A_1694 : i32
        %get3A_1696 = arith.index_cast %add3A_1695 : i32 to index
        %get3A_1697 = arith.constant 96 : index
        %get3A_1698 = tpu.vector_load %arg10[%get3A_1696, %get3A_1697] {strides = array<i32>} : memref<64x128xf32, #tpu.memory_space<vmem>>, vector<1x16xf32>,
        %get3A_1699 = vector.shape_cast %get3A_1698 : vector<1x16xf32> to vector<16xf32>
        %add3A_1700 = arith.constant 13 : i32
        %add3A_1701 = arith.addi %mul3A_98, %add3A_1700 : i32
        %get3A_1702 = arith.index_cast %add3A_1701 : i32 to index
        %get3A_1703 = arith.constant 96 : index
        %get3A_1704 = tpu.vector_load %arg12[%get3A_1702, %get3A_1703] {strides = array<i32>} : memref<64x128xf32, #tpu.memory_space<vmem>>, vector<1x16xf32>,
        %get3A_1705 = vector.shape_cast %get3A_1704 : vector<1x16xf32> to vector<16xf32>
        %mul3A_1706 = arith.mulf %get3A_1699, %get3A_1705 : vector<16xf32>
        %add3A_1707 = arith.addf %add3A_1679, %mul3A_1706 : vector<16xf32>
        %add3A_1708 = arith.constant 13 : i32
        %add3A_1709 = arith.addi %mul3A_98, %add3A_1708 : i32
        %get3A_1710 = arith.index_cast %add3A_1709 : i32 to index
        %get3A_1711 = arith.constant 112 : index
        %get3A_1712 = tpu.vector_load %arg10[%get3A_1710, %get3A_1711] {strides = array<i32>} : memref<64x128xf32, #tpu.memory_space<vmem>>, vector<1x16xf32>,
        %get3A_1713 = vector.shape_cast %get3A_1712 : vector<1x16xf32> to vector<16xf32>
        %add3A_1714 = arith.constant 13 : i32
        %add3A_1715 = arith.addi %mul3A_98, %add3A_1714 : i32
        %get3A_1716 = arith.index_cast %add3A_1715 : i32 to index
        %get3A_1717 = arith.constant 112 : index
        %get3A_1718 = tpu.vector_load %arg12[%get3A_1716, %get3A_1717] {strides = array<i32>} : memref<64x128xf32, #tpu.memory_space<vmem>>, vector<1x16xf32>,
        %get3A_1719 = vector.shape_cast %get3A_1718 : vector<1x16xf32> to vector<16xf32>
        %mul3A_1720 = arith.mulf %get3A_1713, %get3A_1719 : vector<16xf32>
        %add3A_1721 = arith.addf %add3A_1693, %mul3A_1720 : vector<16xf32>
        %add3A_1722 = arith.addf %add3A_1707, %add3A_1721 : vector<16xf32>
        %add3A_1723 = arith.constant 14 : i32
        %add3A_1724 = arith.addi %mul3A_98, %add3A_1723 : i32
        %get3A_1725 = arith.index_cast %add3A_1724 : i32 to index
        %get3A_1726 = arith.constant 0 : index
        %get3A_1727 = tpu.vector_load %arg10[%get3A_1725, %get3A_1726] {strides = array<i32>} : memref<64x128xf32, #tpu.memory_space<vmem>>, vector<1x16xf32>,
        %get3A_1728 = vector.shape_cast %get3A_1727 : vector<1x16xf32> to vector<16xf32>
        %add3A_1729 = arith.constant 14 : i32
        %add3A_1730 = arith.addi %mul3A_98, %add3A_1729 : i32
        %get3A_1731 = arith.index_cast %add3A_1730 : i32 to index
        %get3A_1732 = arith.constant 0 : index
        %get3A_1733 = tpu.vector_load %arg12[%get3A_1731, %get3A_1732] {strides = array<i32>} : memref<64x128xf32, #tpu.memory_space<vmem>>, vector<1x16xf32>,
        %get3A_1734 = vector.shape_cast %get3A_1733 : vector<1x16xf32> to vector<16xf32>
        %mul3A_1735 = arith.mulf %get3A_1728, %get3A_1734 : vector<16xf32>
        %add3A_1736 = arith.constant 14 : i32
        %add3A_1737 = arith.addi %mul3A_98, %add3A_1736 : i32
        %get3A_1738 = arith.index_cast %add3A_1737 : i32 to index
        %get3A_1739 = arith.constant 16 : index
        %get3A_1740 = tpu.vector_load %arg10[%get3A_1738, %get3A_1739] {strides = array<i32>} : memref<64x128xf32, #tpu.memory_space<vmem>>, vector<1x16xf32>,
        %get3A_1741 = vector.shape_cast %get3A_1740 : vector<1x16xf32> to vector<16xf32>
        %add3A_1742 = arith.constant 14 : i32
        %add3A_1743 = arith.addi %mul3A_98, %add3A_1742 : i32
        %get3A_1744 = arith.index_cast %add3A_1743 : i32 to index
        %get3A_1745 = arith.constant 16 : index
        %get3A_1746 = tpu.vector_load %arg12[%get3A_1744, %get3A_1745] {strides = array<i32>} : memref<64x128xf32, #tpu.memory_space<vmem>>, vector<1x16xf32>,
        %get3A_1747 = vector.shape_cast %get3A_1746 : vector<1x16xf32> to vector<16xf32>
        %mul3A_1748 = arith.mulf %get3A_1741, %get3A_1747 : vector<16xf32>
        %add3A_1749 = arith.constant 14 : i32
        %add3A_1750 = arith.addi %mul3A_98, %add3A_1749 : i32
        %get3A_1751 = arith.index_cast %add3A_1750 : i32 to index
        %get3A_1752 = arith.constant 32 : index
        %get3A_1753 = tpu.vector_load %arg10[%get3A_1751, %get3A_1752] {strides = array<i32>} : memref<64x128xf32, #tpu.memory_space<vmem>>, vector<1x16xf32>,
        %get3A_1754 = vector.shape_cast %get3A_1753 : vector<1x16xf32> to vector<16xf32>
        %add3A_1755 = arith.constant 14 : i32
        %add3A_1756 = arith.addi %mul3A_98, %add3A_1755 : i32
        %get3A_1757 = arith.index_cast %add3A_1756 : i32 to index
        %get3A_1758 = arith.constant 32 : index
        %get3A_1759 = tpu.vector_load %arg12[%get3A_1757, %get3A_1758] {strides = array<i32>} : memref<64x128xf32, #tpu.memory_space<vmem>>, vector<1x16xf32>,
        %get3A_1760 = vector.shape_cast %get3A_1759 : vector<1x16xf32> to vector<16xf32>
        %mul3A_1761 = arith.mulf %get3A_1754, %get3A_1760 : vector<16xf32>
        %add3A_1762 = arith.addf %mul3A_1735, %mul3A_1761 : vector<16xf32>
        %add3A_1763 = arith.constant 14 : i32
        %add3A_1764 = arith.addi %mul3A_98, %add3A_1763 : i32
        %get3A_1765 = arith.index_cast %add3A_1764 : i32 to index
        %get3A_1766 = arith.constant 48 : index
        %get3A_1767 = tpu.vector_load %arg10[%get3A_1765, %get3A_1766] {strides = array<i32>} : memref<64x128xf32, #tpu.memory_space<vmem>>, vector<1x16xf32>,
        %get3A_1768 = vector.shape_cast %get3A_1767 : vector<1x16xf32> to vector<16xf32>
        %add3A_1769 = arith.constant 14 : i32
        %add3A_1770 = arith.addi %mul3A_98, %add3A_1769 : i32
        %get3A_1771 = arith.index_cast %add3A_1770 : i32 to index
        %get3A_1772 = arith.constant 48 : index
        %get3A_1773 = tpu.vector_load %arg12[%get3A_1771, %get3A_1772] {strides = array<i32>} : memref<64x128xf32, #tpu.memory_space<vmem>>, vector<1x16xf32>,
        %get3A_1774 = vector.shape_cast %get3A_1773 : vector<1x16xf32> to vector<16xf32>
        %mul3A_1775 = arith.mulf %get3A_1768, %get3A_1774 : vector<16xf32>
        %add3A_1776 = arith.addf %mul3A_1748, %mul3A_1775 : vector<16xf32>
        %add3A_1777 = arith.constant 14 : i32
        %add3A_1778 = arith.addi %mul3A_98, %add3A_1777 : i32
        %get3A_1779 = arith.index_cast %add3A_1778 : i32 to index
        %get3A_1780 = arith.constant 64 : index
        %get3A_1781 = tpu.vector_load %arg10[%get3A_1779, %get3A_1780] {strides = array<i32>} : memref<64x128xf32, #tpu.memory_space<vmem>>, vector<1x16xf32>,
        %get3A_1782 = vector.shape_cast %get3A_1781 : vector<1x16xf32> to vector<16xf32>
        %add3A_1783 = arith.constant 14 : i32
        %add3A_1784 = arith.addi %mul3A_98, %add3A_1783 : i32
        %get3A_1785 = arith.index_cast %add3A_1784 : i32 to index
        %get3A_1786 = arith.constant 64 : index
        %get3A_1787 = tpu.vector_load %arg12[%get3A_1785, %get3A_1786] {strides = array<i32>} : memref<64x128xf32, #tpu.memory_space<vmem>>, vector<1x16xf32>,
        %get3A_1788 = vector.shape_cast %get3A_1787 : vector<1x16xf32> to vector<16xf32>
        %mul3A_1789 = arith.mulf %get3A_1782, %get3A_1788 : vector<16xf32>
        %add3A_1790 = arith.addf %add3A_1762, %mul3A_1789 : vector<16xf32>
        %add3A_1791 = arith.constant 14 : i32
        %add3A_1792 = arith.addi %mul3A_98, %add3A_1791 : i32
        %get3A_1793 = arith.index_cast %add3A_1792 : i32 to index
        %get3A_1794 = arith.constant 80 : index
        %get3A_1795 = tpu.vector_load %arg10[%get3A_1793, %get3A_1794] {strides = array<i32>} : memref<64x128xf32, #tpu.memory_space<vmem>>, vector<1x16xf32>,
        %get3A_1796 = vector.shape_cast %get3A_1795 : vector<1x16xf32> to vector<16xf32>
        %add3A_1797 = arith.constant 14 : i32
        %add3A_1798 = arith.addi %mul3A_98, %add3A_1797 : i32
        %get3A_1799 = arith.index_cast %add3A_1798 : i32 to index
        %get3A_1800 = arith.constant 80 : index
        %get3A_1801 = tpu.vector_load %arg12[%get3A_1799, %get3A_1800] {strides = array<i32>} : memref<64x128xf32, #tpu.memory_space<vmem>>, vector<1x16xf32>,
        %get3A_1802 = vector.shape_cast %get3A_1801 : vector<1x16xf32> to vector<16xf32>
        %mul3A_1803 = arith.mulf %get3A_1796, %get3A_1802 : vector<16xf32>
        %add3A_1804 = arith.addf %add3A_1776, %mul3A_1803 : vector<16xf32>
        %add3A_1805 = arith.constant 14 : i32
        %add3A_1806 = arith.addi %mul3A_98, %add3A_1805 : i32
        %get3A_1807 = arith.index_cast %add3A_1806 : i32 to index
        %get3A_1808 = arith.constant 96 : index
        %get3A_1809 = tpu.vector_load %arg10[%get3A_1807, %get3A_1808] {strides = array<i32>} : memref<64x128xf32, #tpu.memory_space<vmem>>, vector<1x16xf32>,
        %get3A_1810 = vector.shape_cast %get3A_1809 : vector<1x16xf32> to vector<16xf32>
        %add3A_1811 = arith.constant 14 : i32
        %add3A_1812 = arith.addi %mul3A_98, %add3A_1811 : i32
        %get3A_1813 = arith.index_cast %add3A_1812 : i32 to index
        %get3A_1814 = arith.constant 96 : index
        %get3A_1815 = tpu.vector_load %arg12[%get3A_1813, %get3A_1814] {strides = array<i32>} : memref<64x128xf32, #tpu.memory_space<vmem>>, vector<1x16xf32>,
        %get3A_1816 = vector.shape_cast %get3A_1815 : vector<1x16xf32> to vector<16xf32>
        %mul3A_1817 = arith.mulf %get3A_1810, %get3A_1816 : vector<16xf32>
        %add3A_1818 = arith.addf %add3A_1790, %mul3A_1817 : vector<16xf32>
        %add3A_1819 = arith.constant 14 : i32
        %add3A_1820 = arith.addi %mul3A_98, %add3A_1819 : i32
        %get3A_1821 = arith.index_cast %add3A_1820 : i32 to index
        %get3A_1822 = arith.constant 112 : index
        %get3A_1823 = tpu.vector_load %arg10[%get3A_1821, %get3A_1822] {strides = array<i32>} : memref<64x128xf32, #tpu.memory_space<vmem>>, vector<1x16xf32>,
        %get3A_1824 = vector.shape_cast %get3A_1823 : vector<1x16xf32> to vector<16xf32>
        %add3A_1825 = arith.constant 14 : i32
        %add3A_1826 = arith.addi %mul3A_98, %add3A_1825 : i32
        %get3A_1827 = arith.index_cast %add3A_1826 : i32 to index
        %get3A_1828 = arith.constant 112 : index
        %get3A_1829 = tpu.vector_load %arg12[%get3A_1827, %get3A_1828] {strides = array<i32>} : memref<64x128xf32, #tpu.memory_space<vmem>>, vector<1x16xf32>,
        %get3A_1830 = vector.shape_cast %get3A_1829 : vector<1x16xf32> to vector<16xf32>
        %mul3A_1831 = arith.mulf %get3A_1824, %get3A_1830 : vector<16xf32>
        %add3A_1832 = arith.addf %add3A_1804, %mul3A_1831 : vector<16xf32>
        %add3A_1833 = arith.addf %add3A_1818, %add3A_1832 : vector<16xf32>
        %add3A_1834 = arith.constant 15 : i32
        %add3A_1835 = arith.addi %mul3A_98, %add3A_1834 : i32
        %get3A_1836 = arith.index_cast %add3A_1835 : i32 to index
        %get3A_1837 = arith.constant 0 : index
        %get3A_1838 = tpu.vector_load %arg10[%get3A_1836, %get3A_1837] {strides = array<i32>} : memref<64x128xf32, #tpu.memory_space<vmem>>, vector<1x16xf32>,
        %get3A_1839 = vector.shape_cast %get3A_1838 : vector<1x16xf32> to vector<16xf32>
        %add3A_1840 = arith.constant 15 : i32
        %add3A_1841 = arith.addi %mul3A_98, %add3A_1840 : i32
        %get3A_1842 = arith.index_cast %add3A_1841 : i32 to index
        %get3A_1843 = arith.constant 0 : index
        %get3A_1844 = tpu.vector_load %arg12[%get3A_1842, %get3A_1843] {strides = array<i32>} : memref<64x128xf32, #tpu.memory_space<vmem>>, vector<1x16xf32>,
        %get3A_1845 = vector.shape_cast %get3A_1844 : vector<1x16xf32> to vector<16xf32>
        %mul3A_1846 = arith.mulf %get3A_1839, %get3A_1845 : vector<16xf32>
        %add3A_1847 = arith.constant 15 : i32
        %add3A_1848 = arith.addi %mul3A_98, %add3A_1847 : i32
        %get3A_1849 = arith.index_cast %add3A_1848 : i32 to index
        %get3A_1850 = arith.constant 16 : index
        %get3A_1851 = tpu.vector_load %arg10[%get3A_1849, %get3A_1850] {strides = array<i32>} : memref<64x128xf32, #tpu.memory_space<vmem>>, vector<1x16xf32>,
        %get3A_1852 = vector.shape_cast %get3A_1851 : vector<1x16xf32> to vector<16xf32>
        %add3A_1853 = arith.constant 15 : i32
        %add3A_1854 = arith.addi %mul3A_98, %add3A_1853 : i32
        %get3A_1855 = arith.index_cast %add3A_1854 : i32 to index
        %get3A_1856 = arith.constant 16 : index
        %get3A_1857 = tpu.vector_load %arg12[%get3A_1855, %get3A_1856] {strides = array<i32>} : memref<64x128xf32, #tpu.memory_space<vmem>>, vector<1x16xf32>,
        %get3A_1858 = vector.shape_cast %get3A_1857 : vector<1x16xf32> to vector<16xf32>
        %mul3A_1859 = arith.mulf %get3A_1852, %get3A_1858 : vector<16xf32>
        %add3A_1860 = arith.constant 15 : i32
        %add3A_1861 = arith.addi %mul3A_98, %add3A_1860 : i32
        %get3A_1862 = arith.index_cast %add3A_1861 : i32 to index
        %get3A_1863 = arith.constant 32 : index
        %get3A_1864 = tpu.vector_load %arg10[%get3A_1862, %get3A_1863] {strides = array<i32>} : memref<64x128xf32, #tpu.memory_space<vmem>>, vector<1x16xf32>,
        %get3A_1865 = vector.shape_cast %get3A_1864 : vector<1x16xf32> to vector<16xf32>
        %add3A_1866 = arith.constant 15 : i32
        %add3A_1867 = arith.addi %mul3A_98, %add3A_1866 : i32
        %get3A_1868 = arith.index_cast %add3A_1867 : i32 to index
        %get3A_1869 = arith.constant 32 : index
        %get3A_1870 = tpu.vector_load %arg12[%get3A_1868, %get3A_1869] {strides = array<i32>} : memref<64x128xf32, #tpu.memory_space<vmem>>, vector<1x16xf32>,
        %get3A_1871 = vector.shape_cast %get3A_1870 : vector<1x16xf32> to vector<16xf32>
        %mul3A_1872 = arith.mulf %get3A_1865, %get3A_1871 : vector<16xf32>
        %add3A_1873 = arith.addf %mul3A_1846, %mul3A_1872 : vector<16xf32>
        %add3A_1874 = arith.constant 15 : i32
        %add3A_1875 = arith.addi %mul3A_98, %add3A_1874 : i32
        %get3A_1876 = arith.index_cast %add3A_1875 : i32 to index
        %get3A_1877 = arith.constant 48 : index
        %get3A_1878 = tpu.vector_load %arg10[%get3A_1876, %get3A_1877] {strides = array<i32>} : memref<64x128xf32, #tpu.memory_space<vmem>>, vector<1x16xf32>,
        %get3A_1879 = vector.shape_cast %get3A_1878 : vector<1x16xf32> to vector<16xf32>
        %add3A_1880 = arith.constant 15 : i32
        %add3A_1881 = arith.addi %mul3A_98, %add3A_1880 : i32
        %get3A_1882 = arith.index_cast %add3A_1881 : i32 to index
        %get3A_1883 = arith.constant 48 : index
        %get3A_1884 = tpu.vector_load %arg12[%get3A_1882, %get3A_1883] {strides = array<i32>} : memref<64x128xf32, #tpu.memory_space<vmem>>, vector<1x16xf32>,
        %get3A_1885 = vector.shape_cast %get3A_1884 : vector<1x16xf32> to vector<16xf32>
        %mul3A_1886 = arith.mulf %get3A_1879, %get3A_1885 : vector<16xf32>
        %add3A_1887 = arith.addf %mul3A_1859, %mul3A_1886 : vector<16xf32>
        %add3A_1888 = arith.constant 15 : i32
        %add3A_1889 = arith.addi %mul3A_98, %add3A_1888 : i32
        %get3A_1890 = arith.index_cast %add3A_1889 : i32 to index
        %get3A_1891 = arith.constant 64 : index
        %get3A_1892 = tpu.vector_load %arg10[%get3A_1890, %get3A_1891] {strides = array<i32>} : memref<64x128xf32, #tpu.memory_space<vmem>>, vector<1x16xf32>,
        %get3A_1893 = vector.shape_cast %get3A_1892 : vector<1x16xf32> to vector<16xf32>
        %add3A_1894 = arith.constant 15 : i32
        %add3A_1895 = arith.addi %mul3A_98, %add3A_1894 : i32
        %get3A_1896 = arith.index_cast %add3A_1895 : i32 to index
        %get3A_1897 = arith.constant 64 : index
        %get3A_1898 = tpu.vector_load %arg12[%get3A_1896, %get3A_1897] {strides = array<i32>} : memref<64x128xf32, #tpu.memory_space<vmem>>, vector<1x16xf32>,
        %get3A_1899 = vector.shape_cast %get3A_1898 : vector<1x16xf32> to vector<16xf32>
        %mul3A_1900 = arith.mulf %get3A_1893, %get3A_1899 : vector<16xf32>
        %add3A_1901 = arith.addf %add3A_1873, %mul3A_1900 : vector<16xf32>
        %add3A_1902 = arith.constant 15 : i32
        %add3A_1903 = arith.addi %mul3A_98, %add3A_1902 : i32
        %get3A_1904 = arith.index_cast %add3A_1903 : i32 to index
        %get3A_1905 = arith.constant 80 : index
        %get3A_1906 = tpu.vector_load %arg10[%get3A_1904, %get3A_1905] {strides = array<i32>} : memref<64x128xf32, #tpu.memory_space<vmem>>, vector<1x16xf32>,
        %get3A_1907 = vector.shape_cast %get3A_1906 : vector<1x16xf32> to vector<16xf32>
        %add3A_1908 = arith.constant 15 : i32
        %add3A_1909 = arith.addi %mul3A_98, %add3A_1908 : i32
        %get3A_1910 = arith.index_cast %add3A_1909 : i32 to index
        %get3A_1911 = arith.constant 80 : index
        %get3A_1912 = tpu.vector_load %arg12[%get3A_1910, %get3A_1911] {strides = array<i32>} : memref<64x128xf32, #tpu.memory_space<vmem>>, vector<1x16xf32>,
        %get3A_1913 = vector.shape_cast %get3A_1912 : vector<1x16xf32> to vector<16xf32>
        %mul3A_1914 = arith.mulf %get3A_1907, %get3A_1913 : vector<16xf32>
        %add3A_1915 = arith.addf %add3A_1887, %mul3A_1914 : vector<16xf32>
        %add3A_1916 = arith.constant 15 : i32
        %add3A_1917 = arith.addi %mul3A_98, %add3A_1916 : i32
        %get3A_1918 = arith.index_cast %add3A_1917 : i32 to index
        %get3A_1919 = arith.constant 96 : index
        %get3A_1920 = tpu.vector_load %arg10[%get3A_1918, %get3A_1919] {strides = array<i32>} : memref<64x128xf32, #tpu.memory_space<vmem>>, vector<1x16xf32>,
        %get3A_1921 = vector.shape_cast %get3A_1920 : vector<1x16xf32> to vector<16xf32>
        %add3A_1922 = arith.constant 15 : i32
        %add3A_1923 = arith.addi %mul3A_98, %add3A_1922 : i32
        %get3A_1924 = arith.index_cast %add3A_1923 : i32 to index
        %get3A_1925 = arith.constant 96 : index
        %get3A_1926 = tpu.vector_load %arg12[%get3A_1924, %get3A_1925] {strides = array<i32>} : memref<64x128xf32, #tpu.memory_space<vmem>>, vector<1x16xf32>,
        %get3A_1927 = vector.shape_cast %get3A_1926 : vector<1x16xf32> to vector<16xf32>
        %mul3A_1928 = arith.mulf %get3A_1921, %get3A_1927 : vector<16xf32>
        %add3A_1929 = arith.addf %add3A_1901, %mul3A_1928 : vector<16xf32>
        %add3A_1930 = arith.constant 15 : i32
        %add3A_1931 = arith.addi %mul3A_98, %add3A_1930 : i32
        %get3A_1932 = arith.index_cast %add3A_1931 : i32 to index
        %get3A_1933 = arith.constant 112 : index
        %get3A_1934 = tpu.vector_load %arg10[%get3A_1932, %get3A_1933] {strides = array<i32>} : memref<64x128xf32, #tpu.memory_space<vmem>>, vector<1x16xf32>,
        %get3A_1935 = vector.shape_cast %get3A_1934 : vector<1x16xf32> to vector<16xf32>
        %add3A_1936 = arith.constant 15 : i32
        %add3A_1937 = arith.addi %mul3A_98, %add3A_1936 : i32
        %get3A_1938 = arith.index_cast %add3A_1937 : i32 to index
        %get3A_1939 = arith.constant 112 : index
        %get3A_1940 = tpu.vector_load %arg12[%get3A_1938, %get3A_1939] {strides = array<i32>} : memref<64x128xf32, #tpu.memory_space<vmem>>, vector<1x16xf32>,
        %get3A_1941 = vector.shape_cast %get3A_1940 : vector<1x16xf32> to vector<16xf32>
        %mul3A_1942 = arith.mulf %get3A_1935, %get3A_1941 : vector<16xf32>
        %add3A_1943 = arith.addf %add3A_1915, %mul3A_1942 : vector<16xf32>
        %add3A_1944 = arith.addf %add3A_1929, %add3A_1943 : vector<16xf32>
        %swap3A_1945 = arith.constant 12 : i32
        %swap3A_1946 = arith.index_cast %swap3A_1945 : i32 to index
        %swap3A_1947 = arith.constant 0 : index
        %swap3A_1948 = tpu.vector_load %arg13[%swap3A_1946, %swap3A_1947] {strides = array<i32>} : memref<16x24xf32, #tpu.memory_space<vmem>>, vector<1x16xf32>,
        %swap3A_1949 = vector.shape_cast %swap3A_1948 : vector<1x16xf32> to vector<16xf32>
        %swap3A_1950 = vector.shape_cast %add3A_1611 : vector<16xf32> to vector<1x16xf32>
        tpu.vector_store %arg13[%swap3A_1946, %swap3A_1947], %swap3A_1950 {strides = array<i32>} : memref<16x24xf32, #tpu.memory_space<vmem>>, vector<1x16xf32>,
        %swap3A_1951 = arith.constant 13 : i32
        %swap3A_1952 = arith.index_cast %swap3A_1951 : i32 to index
        %swap3A_1953 = arith.constant 0 : index
        %swap3A_1954 = tpu.vector_load %arg13[%swap3A_1952, %swap3A_1953] {strides = array<i32>} : memref<16x24xf32, #tpu.memory_space<vmem>>, vector<1x16xf32>,
        %swap3A_1955 = vector.shape_cast %swap3A_1954 : vector<1x16xf32> to vector<16xf32>
        %swap3A_1956 = vector.shape_cast %add3A_1722 : vector<16xf32> to vector<1x16xf32>
        tpu.vector_store %arg13[%swap3A_1952, %swap3A_1953], %swap3A_1956 {strides = array<i32>} : memref<16x24xf32, #tpu.memory_space<vmem>>, vector<1x16xf32>,
        %swap3A_1957 = arith.constant 14 : i32
        %swap3A_1958 = arith.index_cast %swap3A_1957 : i32 to index
        %swap3A_1959 = arith.constant 0 : index
        %swap3A_1960 = tpu.vector_load %arg13[%swap3A_1958, %swap3A_1959] {strides = array<i32>} : memref<16x24xf32, #tpu.memory_space<vmem>>, vector<1x16xf32>,
        %swap3A_1961 = vector.shape_cast %swap3A_1960 : vector<1x16xf32> to vector<16xf32>
        %swap3A_1962 = vector.shape_cast %add3A_1833 : vector<16xf32> to vector<1x16xf32>
        tpu.vector_store %arg13[%swap3A_1958, %swap3A_1959], %swap3A_1962 {strides = array<i32>} : memref<16x24xf32, #tpu.memory_space<vmem>>, vector<1x16xf32>,
        %swap3A_1963 = arith.constant 15 : i32
        %swap3A_1964 = arith.index_cast %swap3A_1963 : i32 to index
        %swap3A_1965 = arith.constant 0 : index
        %swap3A_1966 = tpu.vector_load %arg13[%swap3A_1964, %swap3A_1965] {strides = array<i32>} : memref<16x24xf32, #tpu.memory_space<vmem>>, vector<1x16xf32>,
        %swap3A_1967 = vector.shape_cast %swap3A_1966 : vector<1x16xf32> to vector<16xf32>
        %swap3A_1968 = vector.shape_cast %add3A_1944 : vector<16xf32> to vector<1x16xf32>
        tpu.vector_store %arg13[%swap3A_1964, %swap3A_1965], %swap3A_1968 {strides = array<i32>} : memref<16x24xf32, #tpu.memory_space<vmem>>, vector<1x16xf32>,
        %get3A_1969 = arith.constant 0 : i32
        %get3A_1970 = arith.index_cast %get3A_1969 : i32 to index
        %get3A_1971 = arith.constant 8 : index
        %get3A_1972 = tpu.vector_load %arg13[%get3A_1970, %get3A_1971] {strides = array<i32>} : memref<16x24xf32, #tpu.memory_space<vmem>>, vector<1x16xf32>,
        %get3A_1973 = vector.shape_cast %get3A_1972 : vector<1x16xf32> to vector<16xf32>
        %add3A_1974 = arith.addf %add3A_208, %get3A_1973 : vector<16xf32>
        %swap3A_1975 = arith.constant 0 : i32
        %swap3A_1976 = arith.index_cast %swap3A_1975 : i32 to index
        %swap3A_1977 = arith.constant 0 : index
        %swap3A_1978 = tpu.vector_load %arg14[%swap3A_1976, %swap3A_1977] {strides = array<i32>} : memref<16x24xf32, #tpu.memory_space<vmem>>, vector<1x16xf32>,
        %swap3A_1979 = vector.shape_cast %swap3A_1978 : vector<1x16xf32> to vector<16xf32>
        %swap3A_1980 = vector.shape_cast %add3A_1974 : vector<16xf32> to vector<1x16xf32>
        tpu.vector_store %arg14[%swap3A_1976, %swap3A_1977], %swap3A_1980 {strides = array<i32>} : memref<16x24xf32, #tpu.memory_space<vmem>>, vector<1x16xf32>,
        %get3A_1981 = arith.constant 1 : i32
        %get3A_1982 = arith.index_cast %get3A_1981 : i32 to index
        %get3A_1983 = arith.constant 8 : index
        %get3A_1984 = tpu.vector_load %arg13[%get3A_1982, %get3A_1983] {strides = array<i32>} : memref<16x24xf32, #tpu.memory_space<vmem>>, vector<1x16xf32>,
        %get3A_1985 = vector.shape_cast %get3A_1984 : vector<1x16xf32> to vector<16xf32>
        %add3A_1986 = arith.addf %add3A_319, %get3A_1985 : vector<16xf32>
        %swap3A_1987 = arith.constant 1 : i32
        %swap3A_1988 = arith.index_cast %swap3A_1987 : i32 to index
        %swap3A_1989 = arith.constant 0 : index
        %swap3A_1990 = tpu.vector_load %arg14[%swap3A_1988, %swap3A_1989] {strides = array<i32>} : memref<16x24xf32, #tpu.memory_space<vmem>>, vector<1x16xf32>,
        %swap3A_1991 = vector.shape_cast %swap3A_1990 : vector<1x16xf32> to vector<16xf32>
        %swap3A_1992 = vector.shape_cast %add3A_1986 : vector<16xf32> to vector<1x16xf32>
        tpu.vector_store %arg14[%swap3A_1988, %swap3A_1989], %swap3A_1992 {strides = array<i32>} : memref<16x24xf32, #tpu.memory_space<vmem>>, vector<1x16xf32>,
        %get3A_1993 = arith.constant 2 : i32
        %get3A_1994 = arith.index_cast %get3A_1993 : i32 to index
        %get3A_1995 = arith.constant 8 : index
        %get3A_1996 = tpu.vector_load %arg13[%get3A_1994, %get3A_1995] {strides = array<i32>} : memref<16x24xf32, #tpu.memory_space<vmem>>, vector<1x16xf32>,
        %get3A_1997 = vector.shape_cast %get3A_1996 : vector<1x16xf32> to vector<16xf32>
        %add3A_1998 = arith.addf %add3A_430, %get3A_1997 : vector<16xf32>
        %swap3A_1999 = arith.constant 2 : i32
        %swap3A_2000 = arith.index_cast %swap3A_1999 : i32 to index
        %swap3A_2001 = arith.constant 0 : index
        %swap3A_2002 = tpu.vector_load %arg14[%swap3A_2000, %swap3A_2001] {strides = array<i32>} : memref<16x24xf32, #tpu.memory_space<vmem>>, vector<1x16xf32>,
        %swap3A_2003 = vector.shape_cast %swap3A_2002 : vector<1x16xf32> to vector<16xf32>
        %swap3A_2004 = vector.shape_cast %add3A_1998 : vector<16xf32> to vector<1x16xf32>
        tpu.vector_store %arg14[%swap3A_2000, %swap3A_2001], %swap3A_2004 {strides = array<i32>} : memref<16x24xf32, #tpu.memory_space<vmem>>, vector<1x16xf32>,
        %get3A_2005 = arith.constant 3 : i32
        %get3A_2006 = arith.index_cast %get3A_2005 : i32 to index
        %get3A_2007 = arith.constant 8 : index
        %get3A_2008 = tpu.vector_load %arg13[%get3A_2006, %get3A_2007] {strides = array<i32>} : memref<16x24xf32, #tpu.memory_space<vmem>>, vector<1x16xf32>,
        %get3A_2009 = vector.shape_cast %get3A_2008 : vector<1x16xf32> to vector<16xf32>
        %add3A_2010 = arith.addf %add3A_541, %get3A_2009 : vector<16xf32>
        %swap3A_2011 = arith.constant 3 : i32
        %swap3A_2012 = arith.index_cast %swap3A_2011 : i32 to index
        %swap3A_2013 = arith.constant 0 : index
        %swap3A_2014 = tpu.vector_load %arg14[%swap3A_2012, %swap3A_2013] {strides = array<i32>} : memref<16x24xf32, #tpu.memory_space<vmem>>, vector<1x16xf32>,
        %swap3A_2015 = vector.shape_cast %swap3A_2014 : vector<1x16xf32> to vector<16xf32>
        %swap3A_2016 = vector.shape_cast %add3A_2010 : vector<16xf32> to vector<1x16xf32>
        tpu.vector_store %arg14[%swap3A_2012, %swap3A_2013], %swap3A_2016 {strides = array<i32>} : memref<16x24xf32, #tpu.memory_space<vmem>>, vector<1x16xf32>,
        %get3A_2017 = arith.constant 4 : i32
        %get3A_2018 = arith.index_cast %get3A_2017 : i32 to index
        %get3A_2019 = arith.constant 8 : index
        %get3A_2020 = tpu.vector_load %arg13[%get3A_2018, %get3A_2019] {strides = array<i32>} : memref<16x24xf32, #tpu.memory_space<vmem>>, vector<1x16xf32>,
        %get3A_2021 = vector.shape_cast %get3A_2020 : vector<1x16xf32> to vector<16xf32>
        %add3A_2022 = arith.addf %add3A_675, %get3A_2021 : vector<16xf32>
        %swap3A_2023 = arith.constant 4 : i32
        %swap3A_2024 = arith.index_cast %swap3A_2023 : i32 to index
        %swap3A_2025 = arith.constant 0 : index
        %swap3A_2026 = tpu.vector_load %arg14[%swap3A_2024, %swap3A_2025] {strides = array<i32>} : memref<16x24xf32, #tpu.memory_space<vmem>>, vector<1x16xf32>,
        %swap3A_2027 = vector.shape_cast %swap3A_2026 : vector<1x16xf32> to vector<16xf32>
        %swap3A_2028 = vector.shape_cast %add3A_2022 : vector<16xf32> to vector<1x16xf32>
        tpu.vector_store %arg14[%swap3A_2024, %swap3A_2025], %swap3A_2028 {strides = array<i32>} : memref<16x24xf32, #tpu.memory_space<vmem>>, vector<1x16xf32>,
        %get3A_2029 = arith.constant 5 : i32
        %get3A_2030 = arith.index_cast %get3A_2029 : i32 to index
        %get3A_2031 = arith.constant 8 : index
        %get3A_2032 = tpu.vector_load %arg13[%get3A_2030, %get3A_2031] {strides = array<i32>} : memref<16x24xf32, #tpu.memory_space<vmem>>, vector<1x16xf32>,
        %get3A_2033 = vector.shape_cast %get3A_2032 : vector<1x16xf32> to vector<16xf32>
        %add3A_2034 = arith.addf %add3A_786, %get3A_2033 : vector<16xf32>
        %swap3A_2035 = arith.constant 5 : i32
        %swap3A_2036 = arith.index_cast %swap3A_2035 : i32 to index
        %swap3A_2037 = arith.constant 0 : index
        %swap3A_2038 = tpu.vector_load %arg14[%swap3A_2036, %swap3A_2037] {strides = array<i32>} : memref<16x24xf32, #tpu.memory_space<vmem>>, vector<1x16xf32>,
        %swap3A_2039 = vector.shape_cast %swap3A_2038 : vector<1x16xf32> to vector<16xf32>
        %swap3A_2040 = vector.shape_cast %add3A_2034 : vector<16xf32> to vector<1x16xf32>
        tpu.vector_store %arg14[%swap3A_2036, %swap3A_2037], %swap3A_2040 {strides = array<i32>} : memref<16x24xf32, #tpu.memory_space<vmem>>, vector<1x16xf32>,
        %get3A_2041 = arith.constant 6 : i32
        %get3A_2042 = arith.index_cast %get3A_2041 : i32 to index
        %get3A_2043 = arith.constant 8 : index
        %get3A_2044 = tpu.vector_load %arg13[%get3A_2042, %get3A_2043] {strides = array<i32>} : memref<16x24xf32, #tpu.memory_space<vmem>>, vector<1x16xf32>,
        %get3A_2045 = vector.shape_cast %get3A_2044 : vector<1x16xf32> to vector<16xf32>
        %add3A_2046 = arith.addf %add3A_897, %get3A_2045 : vector<16xf32>
        %swap3A_2047 = arith.constant 6 : i32
        %swap3A_2048 = arith.index_cast %swap3A_2047 : i32 to index
        %swap3A_2049 = arith.constant 0 : index
        %swap3A_2050 = tpu.vector_load %arg14[%swap3A_2048, %swap3A_2049] {strides = array<i32>} : memref<16x24xf32, #tpu.memory_space<vmem>>, vector<1x16xf32>,
        %swap3A_2051 = vector.shape_cast %swap3A_2050 : vector<1x16xf32> to vector<16xf32>
        %swap3A_2052 = vector.shape_cast %add3A_2046 : vector<16xf32> to vector<1x16xf32>
        tpu.vector_store %arg14[%swap3A_2048, %swap3A_2049], %swap3A_2052 {strides = array<i32>} : memref<16x24xf32, #tpu.memory_space<vmem>>, vector<1x16xf32>,
        %get3A_2053 = arith.constant 7 : i32
        %get3A_2054 = arith.index_cast %get3A_2053 : i32 to index
        %get3A_2055 = arith.constant 8 : index
        %get3A_2056 = tpu.vector_load %arg13[%get3A_2054, %get3A_2055] {strides = array<i32>} : memref<16x24xf32, #tpu.memory_space<vmem>>, vector<1x16xf32>,
        %get3A_2057 = vector.shape_cast %get3A_2056 : vector<1x16xf32> to vector<16xf32>
        %add3A_2058 = arith.addf %add3A_1008, %get3A_2057 : vector<16xf32>
        %swap3A_2059 = arith.constant 7 : i32
        %swap3A_2060 = arith.index_cast %swap3A_2059 : i32 to index
        %swap3A_2061 = arith.constant 0 : index
        %swap3A_2062 = tpu.vector_load %arg14[%swap3A_2060, %swap3A_2061] {strides = array<i32>} : memref<16x24xf32, #tpu.memory_space<vmem>>, vector<1x16xf32>,
        %swap3A_2063 = vector.shape_cast %swap3A_2062 : vector<1x16xf32> to vector<16xf32>
        %swap3A_2064 = vector.shape_cast %add3A_2058 : vector<16xf32> to vector<1x16xf32>
        tpu.vector_store %arg14[%swap3A_2060, %swap3A_2061], %swap3A_2064 {strides = array<i32>} : memref<16x24xf32, #tpu.memory_space<vmem>>, vector<1x16xf32>,
        %get3A_2065 = arith.constant 8 : i32
        %get3A_2066 = arith.index_cast %get3A_2065 : i32 to index
        %get3A_2067 = arith.constant 8 : index
        %get3A_2068 = tpu.vector_load %arg13[%get3A_2066, %get3A_2067] {strides = array<i32>} : memref<16x24xf32, #tpu.memory_space<vmem>>, vector<1x16xf32>,
        %get3A_2069 = vector.shape_cast %get3A_2068 : vector<1x16xf32> to vector<16xf32>
        %add3A_2070 = arith.addf %add3A_1143, %get3A_2069 : vector<16xf32>
        %swap3A_2071 = arith.constant 8 : i32
        %swap3A_2072 = arith.index_cast %swap3A_2071 : i32 to index
        %swap3A_2073 = arith.constant 0 : index
        %swap3A_2074 = tpu.vector_load %arg14[%swap3A_2072, %swap3A_2073] {strides = array<i32>} : memref<16x24xf32, #tpu.memory_space<vmem>>, vector<1x16xf32>,
        %swap3A_2075 = vector.shape_cast %swap3A_2074 : vector<1x16xf32> to vector<16xf32>
        %swap3A_2076 = vector.shape_cast %add3A_2070 : vector<16xf32> to vector<1x16xf32>
        tpu.vector_store %arg14[%swap3A_2072, %swap3A_2073], %swap3A_2076 {strides = array<i32>} : memref<16x24xf32, #tpu.memory_space<vmem>>, vector<1x16xf32>,
        %get3A_2077 = arith.constant 9 : i32
        %get3A_2078 = arith.index_cast %get3A_2077 : i32 to index
        %get3A_2079 = arith.constant 8 : index
        %get3A_2080 = tpu.vector_load %arg13[%get3A_2078, %get3A_2079] {strides = array<i32>} : memref<16x24xf32, #tpu.memory_space<vmem>>, vector<1x16xf32>,
        %get3A_2081 = vector.shape_cast %get3A_2080 : vector<1x16xf32> to vector<16xf32>
        %add3A_2082 = arith.addf %add3A_1254, %get3A_2081 : vector<16xf32>
        %swap3A_2083 = arith.constant 9 : i32
        %swap3A_2084 = arith.index_cast %swap3A_2083 : i32 to index
        %swap3A_2085 = arith.constant 0 : index
        %swap3A_2086 = tpu.vector_load %arg14[%swap3A_2084, %swap3A_2085] {strides = array<i32>} : memref<16x24xf32, #tpu.memory_space<vmem>>, vector<1x16xf32>,
        %swap3A_2087 = vector.shape_cast %swap3A_2086 : vector<1x16xf32> to vector<16xf32>
        %swap3A_2088 = vector.shape_cast %add3A_2082 : vector<16xf32> to vector<1x16xf32>
        tpu.vector_store %arg14[%swap3A_2084, %swap3A_2085], %swap3A_2088 {strides = array<i32>} : memref<16x24xf32, #tpu.memory_space<vmem>>, vector<1x16xf32>,
        %get3A_2089 = arith.constant 10 : i32
        %get3A_2090 = arith.index_cast %get3A_2089 : i32 to index
        %get3A_2091 = arith.constant 8 : index
        %get3A_2092 = tpu.vector_load %arg13[%get3A_2090, %get3A_2091] {strides = array<i32>} : memref<16x24xf32, #tpu.memory_space<vmem>>, vector<1x16xf32>,
        %get3A_2093 = vector.shape_cast %get3A_2092 : vector<1x16xf32> to vector<16xf32>
        %add3A_2094 = arith.addf %add3A_1365, %get3A_2093 : vector<16xf32>
        %swap3A_2095 = arith.constant 10 : i32
        %swap3A_2096 = arith.index_cast %swap3A_2095 : i32 to index
        %swap3A_2097 = arith.constant 0 : index
        %swap3A_2098 = tpu.vector_load %arg14[%swap3A_2096, %swap3A_2097] {strides = array<i32>} : memref<16x24xf32, #tpu.memory_space<vmem>>, vector<1x16xf32>,
        %swap3A_2099 = vector.shape_cast %swap3A_2098 : vector<1x16xf32> to vector<16xf32>
        %swap3A_2100 = vector.shape_cast %add3A_2094 : vector<16xf32> to vector<1x16xf32>
        tpu.vector_store %arg14[%swap3A_2096, %swap3A_2097], %swap3A_2100 {strides = array<i32>} : memref<16x24xf32, #tpu.memory_space<vmem>>, vector<1x16xf32>,
        %get3A_2101 = arith.constant 11 : i32
        %get3A_2102 = arith.index_cast %get3A_2101 : i32 to index
        %get3A_2103 = arith.constant 8 : index
        %get3A_2104 = tpu.vector_load %arg13[%get3A_2102, %get3A_2103] {strides = array<i32>} : memref<16x24xf32, #tpu.memory_space<vmem>>, vector<1x16xf32>,
        %get3A_2105 = vector.shape_cast %get3A_2104 : vector<1x16xf32> to vector<16xf32>
        %add3A_2106 = arith.addf %add3A_1476, %get3A_2105 : vector<16xf32>
        %swap3A_2107 = arith.constant 11 : i32
        %swap3A_2108 = arith.index_cast %swap3A_2107 : i32 to index
        %swap3A_2109 = arith.constant 0 : index
        %swap3A_2110 = tpu.vector_load %arg14[%swap3A_2108, %swap3A_2109] {strides = array<i32>} : memref<16x24xf32, #tpu.memory_space<vmem>>, vector<1x16xf32>,
        %swap3A_2111 = vector.shape_cast %swap3A_2110 : vector<1x16xf32> to vector<16xf32>
        %swap3A_2112 = vector.shape_cast %add3A_2106 : vector<16xf32> to vector<1x16xf32>
        tpu.vector_store %arg14[%swap3A_2108, %swap3A_2109], %swap3A_2112 {strides = array<i32>} : memref<16x24xf32, #tpu.memory_space<vmem>>, vector<1x16xf32>,
        %get3A_2113 = arith.constant 12 : i32
        %get3A_2114 = arith.index_cast %get3A_2113 : i32 to index
        %get3A_2115 = arith.constant 8 : index
        %get3A_2116 = tpu.vector_load %arg13[%get3A_2114, %get3A_2115] {strides = array<i32>} : memref<16x24xf32, #tpu.memory_space<vmem>>, vector<1x16xf32>,
        %get3A_2117 = vector.shape_cast %get3A_2116 : vector<1x16xf32> to vector<16xf32>
        %add3A_2118 = arith.addf %add3A_1611, %get3A_2117 : vector<16xf32>
        %swap3A_2119 = arith.constant 12 : i32
        %swap3A_2120 = arith.index_cast %swap3A_2119 : i32 to index
        %swap3A_2121 = arith.constant 0 : index
        %swap3A_2122 = tpu.vector_load %arg14[%swap3A_2120, %swap3A_2121] {strides = array<i32>} : memref<16x24xf32, #tpu.memory_space<vmem>>, vector<1x16xf32>,
        %swap3A_2123 = vector.shape_cast %swap3A_2122 : vector<1x16xf32> to vector<16xf32>
        %swap3A_2124 = vector.shape_cast %add3A_2118 : vector<16xf32> to vector<1x16xf32>
        tpu.vector_store %arg14[%swap3A_2120, %swap3A_2121], %swap3A_2124 {strides = array<i32>} : memref<16x24xf32, #tpu.memory_space<vmem>>, vector<1x16xf32>,
        %get3A_2125 = arith.constant 13 : i32
        %get3A_2126 = arith.index_cast %get3A_2125 : i32 to index
        %get3A_2127 = arith.constant 8 : index
        %get3A_2128 = tpu.vector_load %arg13[%get3A_2126, %get3A_2127] {strides = array<i32>} : memref<16x24xf32, #tpu.memory_space<vmem>>, vector<1x16xf32>,
        %get3A_2129 = vector.shape_cast %get3A_2128 : vector<1x16xf32> to vector<16xf32>
        %add3A_2130 = arith.addf %add3A_1722, %get3A_2129 : vector<16xf32>
        %swap3A_2131 = arith.constant 13 : i32
        %swap3A_2132 = arith.index_cast %swap3A_2131 : i32 to index
        %swap3A_2133 = arith.constant 0 : index
        %swap3A_2134 = tpu.vector_load %arg14[%swap3A_2132, %swap3A_2133] {strides = array<i32>} : memref<16x24xf32, #tpu.memory_space<vmem>>, vector<1x16xf32>,
        %swap3A_2135 = vector.shape_cast %swap3A_2134 : vector<1x16xf32> to vector<16xf32>
        %swap3A_2136 = vector.shape_cast %add3A_2130 : vector<16xf32> to vector<1x16xf32>
        tpu.vector_store %arg14[%swap3A_2132, %swap3A_2133], %swap3A_2136 {strides = array<i32>} : memref<16x24xf32, #tpu.memory_space<vmem>>, vector<1x16xf32>,
        %get3A_2137 = arith.constant 14 : i32
        %get3A_2138 = arith.index_cast %get3A_2137 : i32 to index
        %get3A_2139 = arith.constant 8 : index
        %get3A_2140 = tpu.vector_load %arg13[%get3A_2138, %get3A_2139] {strides = array<i32>} : memref<16x24xf32, #tpu.memory_space<vmem>>, vector<1x16xf32>,
        %get3A_2141 = vector.shape_cast %get3A_2140 : vector<1x16xf32> to vector<16xf32>
        %add3A_2142 = arith.addf %add3A_1833, %get3A_2141 : vector<16xf32>
        %swap3A_2143 = arith.constant 14 : i32
        %swap3A_2144 = arith.index_cast %swap3A_2143 : i32 to index
        %swap3A_2145 = arith.constant 0 : index
        %swap3A_2146 = tpu.vector_load %arg14[%swap3A_2144, %swap3A_2145] {strides = array<i32>} : memref<16x24xf32, #tpu.memory_space<vmem>>, vector<1x16xf32>,
        %swap3A_2147 = vector.shape_cast %swap3A_2146 : vector<1x16xf32> to vector<16xf32>
        %swap3A_2148 = vector.shape_cast %add3A_2142 : vector<16xf32> to vector<1x16xf32>
        tpu.vector_store %arg14[%swap3A_2144, %swap3A_2145], %swap3A_2148 {strides = array<i32>} : memref<16x24xf32, #tpu.memory_space<vmem>>, vector<1x16xf32>,
        %get3A_2149 = arith.constant 15 : i32
        %get3A_2150 = arith.index_cast %get3A_2149 : i32 to index
        %get3A_2151 = arith.constant 8 : index
        %get3A_2152 = tpu.vector_load %arg13[%get3A_2150, %get3A_2151] {strides = array<i32>} : memref<16x24xf32, #tpu.memory_space<vmem>>, vector<1x16xf32>,
        %get3A_2153 = vector.shape_cast %get3A_2152 : vector<1x16xf32> to vector<16xf32>
        %add3A_2154 = arith.addf %add3A_1944, %get3A_2153 : vector<16xf32>
        %swap3A_2155 = arith.constant 15 : i32
        %swap3A_2156 = arith.index_cast %swap3A_2155 : i32 to index
        %swap3A_2157 = arith.constant 0 : index
        %swap3A_2158 = tpu.vector_load %arg14[%swap3A_2156, %swap3A_2157] {strides = array<i32>} : memref<16x24xf32, #tpu.memory_space<vmem>>, vector<1x16xf32>,
        %swap3A_2159 = vector.shape_cast %swap3A_2158 : vector<1x16xf32> to vector<16xf32>
        %swap3A_2160 = vector.shape_cast %add3A_2154 : vector<16xf32> to vector<1x16xf32>
        tpu.vector_store %arg14[%swap3A_2156, %swap3A_2157], %swap3A_2160 {strides = array<i32>} : memref<16x24xf32, #tpu.memory_space<vmem>>, vector<1x16xf32>,
        %get3A_2161 = arith.constant 0 : i32
        %get3A_2162 = arith.index_cast %get3A_2161 : i32 to index
        %get3A_2163 = arith.constant 4 : index
        %get3A_2164 = tpu.vector_load %arg14[%get3A_2162, %get3A_2163] {strides = array<i32>} : memref<16x24xf32, #tpu.memory_space<vmem>>, vector<1x16xf32>,
        %get3A_2165 = vector.shape_cast %get3A_2164 : vector<1x16xf32> to vector<16xf32>
        %add3A_2166 = arith.addf %add3A_1974, %get3A_2165 : vector<16xf32>
        %swap3A_2167 = arith.constant 0 : i32
        %swap3A_2168 = arith.index_cast %swap3A_2167 : i32 to index
        %swap3A_2169 = arith.constant 0 : index
        %swap3A_2170 = tpu.vector_load %arg15[%swap3A_2168, %swap3A_2169] {strides = array<i32>} : memref<16x24xf32, #tpu.memory_space<vmem>>, vector<1x16xf32>,
        %swap3A_2171 = vector.shape_cast %swap3A_2170 : vector<1x16xf32> to vector<16xf32>
        %swap3A_2172 = vector.shape_cast %add3A_2166 : vector<16xf32> to vector<1x16xf32>
        tpu.vector_store %arg15[%swap3A_2168, %swap3A_2169], %swap3A_2172 {strides = array<i32>} : memref<16x24xf32, #tpu.memory_space<vmem>>, vector<1x16xf32>,
        %get3A_2173 = arith.constant 1 : i32
        %get3A_2174 = arith.index_cast %get3A_2173 : i32 to index
        %get3A_2175 = arith.constant 4 : index
        %get3A_2176 = tpu.vector_load %arg14[%get3A_2174, %get3A_2175] {strides = array<i32>} : memref<16x24xf32, #tpu.memory_space<vmem>>, vector<1x16xf32>,
        %get3A_2177 = vector.shape_cast %get3A_2176 : vector<1x16xf32> to vector<16xf32>
        %add3A_2178 = arith.addf %add3A_1986, %get3A_2177 : vector<16xf32>
        %swap3A_2179 = arith.constant 1 : i32
        %swap3A_2180 = arith.index_cast %swap3A_2179 : i32 to index
        %swap3A_2181 = arith.constant 0 : index
        %swap3A_2182 = tpu.vector_load %arg15[%swap3A_2180, %swap3A_2181] {strides = array<i32>} : memref<16x24xf32, #tpu.memory_space<vmem>>, vector<1x16xf32>,
        %swap3A_2183 = vector.shape_cast %swap3A_2182 : vector<1x16xf32> to vector<16xf32>
        %swap3A_2184 = vector.shape_cast %add3A_2178 : vector<16xf32> to vector<1x16xf32>
        tpu.vector_store %arg15[%swap3A_2180, %swap3A_2181], %swap3A_2184 {strides = array<i32>} : memref<16x24xf32, #tpu.memory_space<vmem>>, vector<1x16xf32>,
        %get3A_2185 = arith.constant 2 : i32
        %get3A_2186 = arith.index_cast %get3A_2185 : i32 to index
        %get3A_2187 = arith.constant 4 : index
        %get3A_2188 = tpu.vector_load %arg14[%get3A_2186, %get3A_2187] {strides = array<i32>} : memref<16x24xf32, #tpu.memory_space<vmem>>, vector<1x16xf32>,
        %get3A_2189 = vector.shape_cast %get3A_2188 : vector<1x16xf32> to vector<16xf32>
        %add3A_2190 = arith.addf %add3A_1998, %get3A_2189 : vector<16xf32>
        %swap3A_2191 = arith.constant 2 : i32
        %swap3A_2192 = arith.index_cast %swap3A_2191 : i32 to index
        %swap3A_2193 = arith.constant 0 : index
        %swap3A_2194 = tpu.vector_load %arg15[%swap3A_2192, %swap3A_2193] {strides = array<i32>} : memref<16x24xf32, #tpu.memory_space<vmem>>, vector<1x16xf32>,
        %swap3A_2195 = vector.shape_cast %swap3A_2194 : vector<1x16xf32> to vector<16xf32>
        %swap3A_2196 = vector.shape_cast %add3A_2190 : vector<16xf32> to vector<1x16xf32>
        tpu.vector_store %arg15[%swap3A_2192, %swap3A_2193], %swap3A_2196 {strides = array<i32>} : memref<16x24xf32, #tpu.memory_space<vmem>>, vector<1x16xf32>,
        %get3A_2197 = arith.constant 3 : i32
        %get3A_2198 = arith.index_cast %get3A_2197 : i32 to index
        %get3A_2199 = arith.constant 4 : index
        %get3A_2200 = tpu.vector_load %arg14[%get3A_2198, %get3A_2199] {strides = array<i32>} : memref<16x24xf32, #tpu.memory_space<vmem>>, vector<1x16xf32>,
        %get3A_2201 = vector.shape_cast %get3A_2200 : vector<1x16xf32> to vector<16xf32>
        %add3A_2202 = arith.addf %add3A_2010, %get3A_2201 : vector<16xf32>
        %swap3A_2203 = arith.constant 3 : i32
        %swap3A_2204 = arith.index_cast %swap3A_2203 : i32 to index
        %swap3A_2205 = arith.constant 0 : index
        %swap3A_2206 = tpu.vector_load %arg15[%swap3A_2204, %swap3A_2205] {strides = array<i32>} : memref<16x24xf32, #tpu.memory_space<vmem>>, vector<1x16xf32>,
        %swap3A_2207 = vector.shape_cast %swap3A_2206 : vector<1x16xf32> to vector<16xf32>
        %swap3A_2208 = vector.shape_cast %add3A_2202 : vector<16xf32> to vector<1x16xf32>
        tpu.vector_store %arg15[%swap3A_2204, %swap3A_2205], %swap3A_2208 {strides = array<i32>} : memref<16x24xf32, #tpu.memory_space<vmem>>, vector<1x16xf32>,
        %get3A_2209 = arith.constant 4 : i32
        %get3A_2210 = arith.index_cast %get3A_2209 : i32 to index
        %get3A_2211 = arith.constant 4 : index
        %get3A_2212 = tpu.vector_load %arg14[%get3A_2210, %get3A_2211] {strides = array<i32>} : memref<16x24xf32, #tpu.memory_space<vmem>>, vector<1x16xf32>,
        %get3A_2213 = vector.shape_cast %get3A_2212 : vector<1x16xf32> to vector<16xf32>
        %add3A_2214 = arith.addf %add3A_2022, %get3A_2213 : vector<16xf32>
        %swap3A_2215 = arith.constant 4 : i32
        %swap3A_2216 = arith.index_cast %swap3A_2215 : i32 to index
        %swap3A_2217 = arith.constant 0 : index
        %swap3A_2218 = tpu.vector_load %arg15[%swap3A_2216, %swap3A_2217] {strides = array<i32>} : memref<16x24xf32, #tpu.memory_space<vmem>>, vector<1x16xf32>,
        %swap3A_2219 = vector.shape_cast %swap3A_2218 : vector<1x16xf32> to vector<16xf32>
        %swap3A_2220 = vector.shape_cast %add3A_2214 : vector<16xf32> to vector<1x16xf32>
        tpu.vector_store %arg15[%swap3A_2216, %swap3A_2217], %swap3A_2220 {strides = array<i32>} : memref<16x24xf32, #tpu.memory_space<vmem>>, vector<1x16xf32>,
        %get3A_2221 = arith.constant 5 : i32
        %get3A_2222 = arith.index_cast %get3A_2221 : i32 to index
        %get3A_2223 = arith.constant 4 : index
        %get3A_2224 = tpu.vector_load %arg14[%get3A_2222, %get3A_2223] {strides = array<i32>} : memref<16x24xf32, #tpu.memory_space<vmem>>, vector<1x16xf32>,
        %get3A_2225 = vector.shape_cast %get3A_2224 : vector<1x16xf32> to vector<16xf32>
        %add3A_2226 = arith.addf %add3A_2034, %get3A_2225 : vector<16xf32>
        %swap3A_2227 = arith.constant 5 : i32
        %swap3A_2228 = arith.index_cast %swap3A_2227 : i32 to index
        %swap3A_2229 = arith.constant 0 : index
        %swap3A_2230 = tpu.vector_load %arg15[%swap3A_2228, %swap3A_2229] {strides = array<i32>} : memref<16x24xf32, #tpu.memory_space<vmem>>, vector<1x16xf32>,
        %swap3A_2231 = vector.shape_cast %swap3A_2230 : vector<1x16xf32> to vector<16xf32>
        %swap3A_2232 = vector.shape_cast %add3A_2226 : vector<16xf32> to vector<1x16xf32>
        tpu.vector_store %arg15[%swap3A_2228, %swap3A_2229], %swap3A_2232 {strides = array<i32>} : memref<16x24xf32, #tpu.memory_space<vmem>>, vector<1x16xf32>,
        %get3A_2233 = arith.constant 6 : i32
        %get3A_2234 = arith.index_cast %get3A_2233 : i32 to index
        %get3A_2235 = arith.constant 4 : index
        %get3A_2236 = tpu.vector_load %arg14[%get3A_2234, %get3A_2235] {strides = array<i32>} : memref<16x24xf32, #tpu.memory_space<vmem>>, vector<1x16xf32>,
        %get3A_2237 = vector.shape_cast %get3A_2236 : vector<1x16xf32> to vector<16xf32>
        %add3A_2238 = arith.addf %add3A_2046, %get3A_2237 : vector<16xf32>
        %swap3A_2239 = arith.constant 6 : i32
        %swap3A_2240 = arith.index_cast %swap3A_2239 : i32 to index
        %swap3A_2241 = arith.constant 0 : index
        %swap3A_2242 = tpu.vector_load %arg15[%swap3A_2240, %swap3A_2241] {strides = array<i32>} : memref<16x24xf32, #tpu.memory_space<vmem>>, vector<1x16xf32>,
        %swap3A_2243 = vector.shape_cast %swap3A_2242 : vector<1x16xf32> to vector<16xf32>
        %swap3A_2244 = vector.shape_cast %add3A_2238 : vector<16xf32> to vector<1x16xf32>
        tpu.vector_store %arg15[%swap3A_2240, %swap3A_2241], %swap3A_2244 {strides = array<i32>} : memref<16x24xf32, #tpu.memory_space<vmem>>, vector<1x16xf32>,
        %get3A_2245 = arith.constant 7 : i32
        %get3A_2246 = arith.index_cast %get3A_2245 : i32 to index
        %get3A_2247 = arith.constant 4 : index
        %get3A_2248 = tpu.vector_load %arg14[%get3A_2246, %get3A_2247] {strides = array<i32>} : memref<16x24xf32, #tpu.memory_space<vmem>>, vector<1x16xf32>,
        %get3A_2249 = vector.shape_cast %get3A_2248 : vector<1x16xf32> to vector<16xf32>
        %add3A_2250 = arith.addf %add3A_2058, %get3A_2249 : vector<16xf32>
        %swap3A_2251 = arith.constant 7 : i32
        %swap3A_2252 = arith.index_cast %swap3A_2251 : i32 to index
        %swap3A_2253 = arith.constant 0 : index
        %swap3A_2254 = tpu.vector_load %arg15[%swap3A_2252, %swap3A_2253] {strides = array<i32>} : memref<16x24xf32, #tpu.memory_space<vmem>>, vector<1x16xf32>,
        %swap3A_2255 = vector.shape_cast %swap3A_2254 : vector<1x16xf32> to vector<16xf32>
        %swap3A_2256 = vector.shape_cast %add3A_2250 : vector<16xf32> to vector<1x16xf32>
        tpu.vector_store %arg15[%swap3A_2252, %swap3A_2253], %swap3A_2256 {strides = array<i32>} : memref<16x24xf32, #tpu.memory_space<vmem>>, vector<1x16xf32>,
        %get3A_2257 = arith.constant 8 : i32
        %get3A_2258 = arith.index_cast %get3A_2257 : i32 to index
        %get3A_2259 = arith.constant 4 : index
        %get3A_2260 = tpu.vector_load %arg14[%get3A_2258, %get3A_2259] {strides = array<i32>} : memref<16x24xf32, #tpu.memory_space<vmem>>, vector<1x16xf32>,
        %get3A_2261 = vector.shape_cast %get3A_2260 : vector<1x16xf32> to vector<16xf32>
        %add3A_2262 = arith.addf %add3A_2070, %get3A_2261 : vector<16xf32>
        %swap3A_2263 = arith.constant 8 : i32
        %swap3A_2264 = arith.index_cast %swap3A_2263 : i32 to index
        %swap3A_2265 = arith.constant 0 : index
        %swap3A_2266 = tpu.vector_load %arg15[%swap3A_2264, %swap3A_2265] {strides = array<i32>} : memref<16x24xf32, #tpu.memory_space<vmem>>, vector<1x16xf32>,
        %swap3A_2267 = vector.shape_cast %swap3A_2266 : vector<1x16xf32> to vector<16xf32>
        %swap3A_2268 = vector.shape_cast %add3A_2262 : vector<16xf32> to vector<1x16xf32>
        tpu.vector_store %arg15[%swap3A_2264, %swap3A_2265], %swap3A_2268 {strides = array<i32>} : memref<16x24xf32, #tpu.memory_space<vmem>>, vector<1x16xf32>,
        %get3A_2269 = arith.constant 9 : i32
        %get3A_2270 = arith.index_cast %get3A_2269 : i32 to index
        %get3A_2271 = arith.constant 4 : index
        %get3A_2272 = tpu.vector_load %arg14[%get3A_2270, %get3A_2271] {strides = array<i32>} : memref<16x24xf32, #tpu.memory_space<vmem>>, vector<1x16xf32>,
        %get3A_2273 = vector.shape_cast %get3A_2272 : vector<1x16xf32> to vector<16xf32>
        %add3A_2274 = arith.addf %add3A_2082, %get3A_2273 : vector<16xf32>
        %swap3A_2275 = arith.constant 9 : i32
        %swap3A_2276 = arith.index_cast %swap3A_2275 : i32 to index
        %swap3A_2277 = arith.constant 0 : index
        %swap3A_2278 = tpu.vector_load %arg15[%swap3A_2276, %swap3A_2277] {strides = array<i32>} : memref<16x24xf32, #tpu.memory_space<vmem>>, vector<1x16xf32>,
        %swap3A_2279 = vector.shape_cast %swap3A_2278 : vector<1x16xf32> to vector<16xf32>
        %swap3A_2280 = vector.shape_cast %add3A_2274 : vector<16xf32> to vector<1x16xf32>
        tpu.vector_store %arg15[%swap3A_2276, %swap3A_2277], %swap3A_2280 {strides = array<i32>} : memref<16x24xf32, #tpu.memory_space<vmem>>, vector<1x16xf32>,
        %get3A_2281 = arith.constant 10 : i32
        %get3A_2282 = arith.index_cast %get3A_2281 : i32 to index
        %get3A_2283 = arith.constant 4 : index
        %get3A_2284 = tpu.vector_load %arg14[%get3A_2282, %get3A_2283] {strides = array<i32>} : memref<16x24xf32, #tpu.memory_space<vmem>>, vector<1x16xf32>,
        %get3A_2285 = vector.shape_cast %get3A_2284 : vector<1x16xf32> to vector<16xf32>
        %add3A_2286 = arith.addf %add3A_2094, %get3A_2285 : vector<16xf32>
        %swap3A_2287 = arith.constant 10 : i32
        %swap3A_2288 = arith.index_cast %swap3A_2287 : i32 to index
        %swap3A_2289 = arith.constant 0 : index
        %swap3A_2290 = tpu.vector_load %arg15[%swap3A_2288, %swap3A_2289] {strides = array<i32>} : memref<16x24xf32, #tpu.memory_space<vmem>>, vector<1x16xf32>,
        %swap3A_2291 = vector.shape_cast %swap3A_2290 : vector<1x16xf32> to vector<16xf32>
        %swap3A_2292 = vector.shape_cast %add3A_2286 : vector<16xf32> to vector<1x16xf32>
        tpu.vector_store %arg15[%swap3A_2288, %swap3A_2289], %swap3A_2292 {strides = array<i32>} : memref<16x24xf32, #tpu.memory_space<vmem>>, vector<1x16xf32>,
        %get3A_2293 = arith.constant 11 : i32
        %get3A_2294 = arith.index_cast %get3A_2293 : i32 to index
        %get3A_2295 = arith.constant 4 : index
        %get3A_2296 = tpu.vector_load %arg14[%get3A_2294, %get3A_2295] {strides = array<i32>} : memref<16x24xf32, #tpu.memory_space<vmem>>, vector<1x16xf32>,
        %get3A_2297 = vector.shape_cast %get3A_2296 : vector<1x16xf32> to vector<16xf32>
        %add3A_2298 = arith.addf %add3A_2106, %get3A_2297 : vector<16xf32>
        %swap3A_2299 = arith.constant 11 : i32
        %swap3A_2300 = arith.index_cast %swap3A_2299 : i32 to index
        %swap3A_2301 = arith.constant 0 : index
        %swap3A_2302 = tpu.vector_load %arg15[%swap3A_2300, %swap3A_2301] {strides = array<i32>} : memref<16x24xf32, #tpu.memory_space<vmem>>, vector<1x16xf32>,
        %swap3A_2303 = vector.shape_cast %swap3A_2302 : vector<1x16xf32> to vector<16xf32>
        %swap3A_2304 = vector.shape_cast %add3A_2298 : vector<16xf32> to vector<1x16xf32>
        tpu.vector_store %arg15[%swap3A_2300, %swap3A_2301], %swap3A_2304 {strides = array<i32>} : memref<16x24xf32, #tpu.memory_space<vmem>>, vector<1x16xf32>,
        %get3A_2305 = arith.constant 12 : i32
        %get3A_2306 = arith.index_cast %get3A_2305 : i32 to index
        %get3A_2307 = arith.constant 4 : index
        %get3A_2308 = tpu.vector_load %arg14[%get3A_2306, %get3A_2307] {strides = array<i32>} : memref<16x24xf32, #tpu.memory_space<vmem>>, vector<1x16xf32>,
        %get3A_2309 = vector.shape_cast %get3A_2308 : vector<1x16xf32> to vector<16xf32>
        %add3A_2310 = arith.addf %add3A_2118, %get3A_2309 : vector<16xf32>
        %swap3A_2311 = arith.constant 12 : i32
        %swap3A_2312 = arith.index_cast %swap3A_2311 : i32 to index
        %swap3A_2313 = arith.constant 0 : index
        %swap3A_2314 = tpu.vector_load %arg15[%swap3A_2312, %swap3A_2313] {strides = array<i32>} : memref<16x24xf32, #tpu.memory_space<vmem>>, vector<1x16xf32>,
        %swap3A_2315 = vector.shape_cast %swap3A_2314 : vector<1x16xf32> to vector<16xf32>
        %swap3A_2316 = vector.shape_cast %add3A_2310 : vector<16xf32> to vector<1x16xf32>
        tpu.vector_store %arg15[%swap3A_2312, %swap3A_2313], %swap3A_2316 {strides = array<i32>} : memref<16x24xf32, #tpu.memory_space<vmem>>, vector<1x16xf32>,
        %get3A_2317 = arith.constant 13 : i32
        %get3A_2318 = arith.index_cast %get3A_2317 : i32 to index
        %get3A_2319 = arith.constant 4 : index
        %get3A_2320 = tpu.vector_load %arg14[%get3A_2318, %get3A_2319] {strides = array<i32>} : memref<16x24xf32, #tpu.memory_space<vmem>>, vector<1x16xf32>,
        %get3A_2321 = vector.shape_cast %get3A_2320 : vector<1x16xf32> to vector<16xf32>
        %add3A_2322 = arith.addf %add3A_2130, %get3A_2321 : vector<16xf32>
        %swap3A_2323 = arith.constant 13 : i32
        %swap3A_2324 = arith.index_cast %swap3A_2323 : i32 to index
        %swap3A_2325 = arith.constant 0 : index
        %swap3A_2326 = tpu.vector_load %arg15[%swap3A_2324, %swap3A_2325] {strides = array<i32>} : memref<16x24xf32, #tpu.memory_space<vmem>>, vector<1x16xf32>,
        %swap3A_2327 = vector.shape_cast %swap3A_2326 : vector<1x16xf32> to vector<16xf32>
        %swap3A_2328 = vector.shape_cast %add3A_2322 : vector<16xf32> to vector<1x16xf32>
        tpu.vector_store %arg15[%swap3A_2324, %swap3A_2325], %swap3A_2328 {strides = array<i32>} : memref<16x24xf32, #tpu.memory_space<vmem>>, vector<1x16xf32>,
        %get3A_2329 = arith.constant 14 : i32
        %get3A_2330 = arith.index_cast %get3A_2329 : i32 to index
        %get3A_2331 = arith.constant 4 : index
        %get3A_2332 = tpu.vector_load %arg14[%get3A_2330, %get3A_2331] {strides = array<i32>} : memref<16x24xf32, #tpu.memory_space<vmem>>, vector<1x16xf32>,
        %get3A_2333 = vector.shape_cast %get3A_2332 : vector<1x16xf32> to vector<16xf32>
        %add3A_2334 = arith.addf %add3A_2142, %get3A_2333 : vector<16xf32>
        %swap3A_2335 = arith.constant 14 : i32
        %swap3A_2336 = arith.index_cast %swap3A_2335 : i32 to index
        %swap3A_2337 = arith.constant 0 : index
        %swap3A_2338 = tpu.vector_load %arg15[%swap3A_2336, %swap3A_2337] {strides = array<i32>} : memref<16x24xf32, #tpu.memory_space<vmem>>, vector<1x16xf32>,
        %swap3A_2339 = vector.shape_cast %swap3A_2338 : vector<1x16xf32> to vector<16xf32>
        %swap3A_2340 = vector.shape_cast %add3A_2334 : vector<16xf32> to vector<1x16xf32>
        tpu.vector_store %arg15[%swap3A_2336, %swap3A_2337], %swap3A_2340 {strides = array<i32>} : memref<16x24xf32, #tpu.memory_space<vmem>>, vector<1x16xf32>,
        %get3A_2341 = arith.constant 15 : i32
        %get3A_2342 = arith.index_cast %get3A_2341 : i32 to index
        %get3A_2343 = arith.constant 4 : index
        %get3A_2344 = tpu.vector_load %arg14[%get3A_2342, %get3A_2343] {strides = array<i32>} : memref<16x24xf32, #tpu.memory_space<vmem>>, vector<1x16xf32>,
        %get3A_2345 = vector.shape_cast %get3A_2344 : vector<1x16xf32> to vector<16xf32>
        %add3A_2346 = arith.addf %add3A_2154, %get3A_2345 : vector<16xf32>
        %swap3A_2347 = arith.constant 15 : i32
        %swap3A_2348 = arith.index_cast %swap3A_2347 : i32 to index
        %swap3A_2349 = arith.constant 0 : index
        %swap3A_2350 = tpu.vector_load %arg15[%swap3A_2348, %swap3A_2349] {strides = array<i32>} : memref<16x24xf32, #tpu.memory_space<vmem>>, vector<1x16xf32>,
        %swap3A_2351 = vector.shape_cast %swap3A_2350 : vector<1x16xf32> to vector<16xf32>
        %swap3A_2352 = vector.shape_cast %add3A_2346 : vector<16xf32> to vector<1x16xf32>
        tpu.vector_store %arg15[%swap3A_2348, %swap3A_2349], %swap3A_2352 {strides = array<i32>} : memref<16x24xf32, #tpu.memory_space<vmem>>, vector<1x16xf32>,
        %get3A_2353 = arith.constant 0 : i32
        %get3A_2354 = arith.index_cast %get3A_2353 : i32 to index
        %get3A_2355 = arith.constant 2 : index
        %get3A_2356 = tpu.vector_load %arg15[%get3A_2354, %get3A_2355] {strides = array<i32>} : memref<16x24xf32, #tpu.memory_space<vmem>>, vector<1x16xf32>,
        %get3A_2357 = vector.shape_cast %get3A_2356 : vector<1x16xf32> to vector<16xf32>
        %add3A_2358 = arith.addf %add3A_2166, %get3A_2357 : vector<16xf32>
        %swap3A_2359 = arith.constant 0 : i32
        %swap3A_2360 = arith.index_cast %swap3A_2359 : i32 to index
        %swap3A_2361 = arith.constant 0 : index
        %swap3A_2362 = tpu.vector_load %arg16[%swap3A_2360, %swap3A_2361] {strides = array<i32>} : memref<16x24xf32, #tpu.memory_space<vmem>>, vector<1x16xf32>,
        %swap3A_2363 = vector.shape_cast %swap3A_2362 : vector<1x16xf32> to vector<16xf32>
        %swap3A_2364 = vector.shape_cast %add3A_2358 : vector<16xf32> to vector<1x16xf32>
        tpu.vector_store %arg16[%swap3A_2360, %swap3A_2361], %swap3A_2364 {strides = array<i32>} : memref<16x24xf32, #tpu.memory_space<vmem>>, vector<1x16xf32>,
        %get3A_2365 = arith.constant 1 : i32
        %get3A_2366 = arith.index_cast %get3A_2365 : i32 to index
        %get3A_2367 = arith.constant 2 : index
        %get3A_2368 = tpu.vector_load %arg15[%get3A_2366, %get3A_2367] {strides = array<i32>} : memref<16x24xf32, #tpu.memory_space<vmem>>, vector<1x16xf32>,
        %get3A_2369 = vector.shape_cast %get3A_2368 : vector<1x16xf32> to vector<16xf32>
        %add3A_2370 = arith.addf %add3A_2178, %get3A_2369 : vector<16xf32>
        %swap3A_2371 = arith.constant 1 : i32
        %swap3A_2372 = arith.index_cast %swap3A_2371 : i32 to index
        %swap3A_2373 = arith.constant 0 : index
        %swap3A_2374 = tpu.vector_load %arg16[%swap3A_2372, %swap3A_2373] {strides = array<i32>} : memref<16x24xf32, #tpu.memory_space<vmem>>, vector<1x16xf32>,
        %swap3A_2375 = vector.shape_cast %swap3A_2374 : vector<1x16xf32> to vector<16xf32>
        %swap3A_2376 = vector.shape_cast %add3A_2370 : vector<16xf32> to vector<1x16xf32>
        tpu.vector_store %arg16[%swap3A_2372, %swap3A_2373], %swap3A_2376 {strides = array<i32>} : memref<16x24xf32, #tpu.memory_space<vmem>>, vector<1x16xf32>,
        %get3A_2377 = arith.constant 2 : i32
        %get3A_2378 = arith.index_cast %get3A_2377 : i32 to index
        %get3A_2379 = arith.constant 2 : index
        %get3A_2380 = tpu.vector_load %arg15[%get3A_2378, %get3A_2379] {strides = array<i32>} : memref<16x24xf32, #tpu.memory_space<vmem>>, vector<1x16xf32>,
        %get3A_2381 = vector.shape_cast %get3A_2380 : vector<1x16xf32> to vector<16xf32>
        %add3A_2382 = arith.addf %add3A_2190, %get3A_2381 : vector<16xf32>
        %swap3A_2383 = arith.constant 2 : i32
        %swap3A_2384 = arith.index_cast %swap3A_2383 : i32 to index
        %swap3A_2385 = arith.constant 0 : index
        %swap3A_2386 = tpu.vector_load %arg16[%swap3A_2384, %swap3A_2385] {strides = array<i32>} : memref<16x24xf32, #tpu.memory_space<vmem>>, vector<1x16xf32>,
        %swap3A_2387 = vector.shape_cast %swap3A_2386 : vector<1x16xf32> to vector<16xf32>
        %swap3A_2388 = vector.shape_cast %add3A_2382 : vector<16xf32> to vector<1x16xf32>
        tpu.vector_store %arg16[%swap3A_2384, %swap3A_2385], %swap3A_2388 {strides = array<i32>} : memref<16x24xf32, #tpu.memory_space<vmem>>, vector<1x16xf32>,
        %get3A_2389 = arith.constant 3 : i32
        %get3A_2390 = arith.index_cast %get3A_2389 : i32 to index
        %get3A_2391 = arith.constant 2 : index
        %get3A_2392 = tpu.vector_load %arg15[%get3A_2390, %get3A_2391] {strides = array<i32>} : memref<16x24xf32, #tpu.memory_space<vmem>>, vector<1x16xf32>,
        %get3A_2393 = vector.shape_cast %get3A_2392 : vector<1x16xf32> to vector<16xf32>
        %add3A_2394 = arith.addf %add3A_2202, %get3A_2393 : vector<16xf32>
        %swap3A_2395 = arith.constant 3 : i32
        %swap3A_2396 = arith.index_cast %swap3A_2395 : i32 to index
        %swap3A_2397 = arith.constant 0 : index
        %swap3A_2398 = tpu.vector_load %arg16[%swap3A_2396, %swap3A_2397] {strides = array<i32>} : memref<16x24xf32, #tpu.memory_space<vmem>>, vector<1x16xf32>,
        %swap3A_2399 = vector.shape_cast %swap3A_2398 : vector<1x16xf32> to vector<16xf32>
        %swap3A_2400 = vector.shape_cast %add3A_2394 : vector<16xf32> to vector<1x16xf32>
        tpu.vector_store %arg16[%swap3A_2396, %swap3A_2397], %swap3A_2400 {strides = array<i32>} : memref<16x24xf32, #tpu.memory_space<vmem>>, vector<1x16xf32>,
        %get3A_2401 = arith.constant 4 : i32
        %get3A_2402 = arith.index_cast %get3A_2401 : i32 to index
        %get3A_2403 = arith.constant 2 : index
        %get3A_2404 = tpu.vector_load %arg15[%get3A_2402, %get3A_2403] {strides = array<i32>} : memref<16x24xf32, #tpu.memory_space<vmem>>, vector<1x16xf32>,
        %get3A_2405 = vector.shape_cast %get3A_2404 : vector<1x16xf32> to vector<16xf32>
        %add3A_2406 = arith.addf %add3A_2214, %get3A_2405 : vector<16xf32>
        %swap3A_2407 = arith.constant 4 : i32
        %swap3A_2408 = arith.index_cast %swap3A_2407 : i32 to index
        %swap3A_2409 = arith.constant 0 : index
        %swap3A_2410 = tpu.vector_load %arg16[%swap3A_2408, %swap3A_2409] {strides = array<i32>} : memref<16x24xf32, #tpu.memory_space<vmem>>, vector<1x16xf32>,
        %swap3A_2411 = vector.shape_cast %swap3A_2410 : vector<1x16xf32> to vector<16xf32>
        %swap3A_2412 = vector.shape_cast %add3A_2406 : vector<16xf32> to vector<1x16xf32>
        tpu.vector_store %arg16[%swap3A_2408, %swap3A_2409], %swap3A_2412 {strides = array<i32>} : memref<16x24xf32, #tpu.memory_space<vmem>>, vector<1x16xf32>,
        %get3A_2413 = arith.constant 5 : i32
        %get3A_2414 = arith.index_cast %get3A_2413 : i32 to index
        %get3A_2415 = arith.constant 2 : index
        %get3A_2416 = tpu.vector_load %arg15[%get3A_2414, %get3A_2415] {strides = array<i32>} : memref<16x24xf32, #tpu.memory_space<vmem>>, vector<1x16xf32>,
        %get3A_2417 = vector.shape_cast %get3A_2416 : vector<1x16xf32> to vector<16xf32>
        %add3A_2418 = arith.addf %add3A_2226, %get3A_2417 : vector<16xf32>
        %swap3A_2419 = arith.constant 5 : i32
        %swap3A_2420 = arith.index_cast %swap3A_2419 : i32 to index
        %swap3A_2421 = arith.constant 0 : index
        %swap3A_2422 = tpu.vector_load %arg16[%swap3A_2420, %swap3A_2421] {strides = array<i32>} : memref<16x24xf32, #tpu.memory_space<vmem>>, vector<1x16xf32>,
        %swap3A_2423 = vector.shape_cast %swap3A_2422 : vector<1x16xf32> to vector<16xf32>
        %swap3A_2424 = vector.shape_cast %add3A_2418 : vector<16xf32> to vector<1x16xf32>
        tpu.vector_store %arg16[%swap3A_2420, %swap3A_2421], %swap3A_2424 {strides = array<i32>} : memref<16x24xf32, #tpu.memory_space<vmem>>, vector<1x16xf32>,
        %get3A_2425 = arith.constant 6 : i32
        %get3A_2426 = arith.index_cast %get3A_2425 : i32 to index
        %get3A_2427 = arith.constant 2 : index
        %get3A_2428 = tpu.vector_load %arg15[%get3A_2426, %get3A_2427] {strides = array<i32>} : memref<16x24xf32, #tpu.memory_space<vmem>>, vector<1x16xf32>,
        %get3A_2429 = vector.shape_cast %get3A_2428 : vector<1x16xf32> to vector<16xf32>
        %add3A_2430 = arith.addf %add3A_2238, %get3A_2429 : vector<16xf32>
        %swap3A_2431 = arith.constant 6 : i32
        %swap3A_2432 = arith.index_cast %swap3A_2431 : i32 to index
        %swap3A_2433 = arith.constant 0 : index
        %swap3A_2434 = tpu.vector_load %arg16[%swap3A_2432, %swap3A_2433] {strides = array<i32>} : memref<16x24xf32, #tpu.memory_space<vmem>>, vector<1x16xf32>,
        %swap3A_2435 = vector.shape_cast %swap3A_2434 : vector<1x16xf32> to vector<16xf32>
        %swap3A_2436 = vector.shape_cast %add3A_2430 : vector<16xf32> to vector<1x16xf32>
        tpu.vector_store %arg16[%swap3A_2432, %swap3A_2433], %swap3A_2436 {strides = array<i32>} : memref<16x24xf32, #tpu.memory_space<vmem>>, vector<1x16xf32>,
        %get3A_2437 = arith.constant 7 : i32
        %get3A_2438 = arith.index_cast %get3A_2437 : i32 to index
        %get3A_2439 = arith.constant 2 : index
        %get3A_2440 = tpu.vector_load %arg15[%get3A_2438, %get3A_2439] {strides = array<i32>} : memref<16x24xf32, #tpu.memory_space<vmem>>, vector<1x16xf32>,
        %get3A_2441 = vector.shape_cast %get3A_2440 : vector<1x16xf32> to vector<16xf32>
        %add3A_2442 = arith.addf %add3A_2250, %get3A_2441 : vector<16xf32>
        %swap3A_2443 = arith.constant 7 : i32
        %swap3A_2444 = arith.index_cast %swap3A_2443 : i32 to index
        %swap3A_2445 = arith.constant 0 : index
        %swap3A_2446 = tpu.vector_load %arg16[%swap3A_2444, %swap3A_2445] {strides = array<i32>} : memref<16x24xf32, #tpu.memory_space<vmem>>, vector<1x16xf32>,
        %swap3A_2447 = vector.shape_cast %swap3A_2446 : vector<1x16xf32> to vector<16xf32>
        %swap3A_2448 = vector.shape_cast %add3A_2442 : vector<16xf32> to vector<1x16xf32>
        tpu.vector_store %arg16[%swap3A_2444, %swap3A_2445], %swap3A_2448 {strides = array<i32>} : memref<16x24xf32, #tpu.memory_space<vmem>>, vector<1x16xf32>,
        %get3A_2449 = arith.constant 8 : i32
        %get3A_2450 = arith.index_cast %get3A_2449 : i32 to index
        %get3A_2451 = arith.constant 2 : index
        %get3A_2452 = tpu.vector_load %arg15[%get3A_2450, %get3A_2451] {strides = array<i32>} : memref<16x24xf32, #tpu.memory_space<vmem>>, vector<1x16xf32>,
        %get3A_2453 = vector.shape_cast %get3A_2452 : vector<1x16xf32> to vector<16xf32>
        %add3A_2454 = arith.addf %add3A_2262, %get3A_2453 : vector<16xf32>
        %swap3A_2455 = arith.constant 8 : i32
        %swap3A_2456 = arith.index_cast %swap3A_2455 : i32 to index
        %swap3A_2457 = arith.constant 0 : index
        %swap3A_2458 = tpu.vector_load %arg16[%swap3A_2456, %swap3A_2457] {strides = array<i32>} : memref<16x24xf32, #tpu.memory_space<vmem>>, vector<1x16xf32>,
        %swap3A_2459 = vector.shape_cast %swap3A_2458 : vector<1x16xf32> to vector<16xf32>
        %swap3A_2460 = vector.shape_cast %add3A_2454 : vector<16xf32> to vector<1x16xf32>
        tpu.vector_store %arg16[%swap3A_2456, %swap3A_2457], %swap3A_2460 {strides = array<i32>} : memref<16x24xf32, #tpu.memory_space<vmem>>, vector<1x16xf32>,
        %get3A_2461 = arith.constant 9 : i32
        %get3A_2462 = arith.index_cast %get3A_2461 : i32 to index
        %get3A_2463 = arith.constant 2 : index
        %get3A_2464 = tpu.vector_load %arg15[%get3A_2462, %get3A_2463] {strides = array<i32>} : memref<16x24xf32, #tpu.memory_space<vmem>>, vector<1x16xf32>,
        %get3A_2465 = vector.shape_cast %get3A_2464 : vector<1x16xf32> to vector<16xf32>
        %add3A_2466 = arith.addf %add3A_2274, %get3A_2465 : vector<16xf32>
        %swap3A_2467 = arith.constant 9 : i32
        %swap3A_2468 = arith.index_cast %swap3A_2467 : i32 to index
        %swap3A_2469 = arith.constant 0 : index
        %swap3A_2470 = tpu.vector_load %arg16[%swap3A_2468, %swap3A_2469] {strides = array<i32>} : memref<16x24xf32, #tpu.memory_space<vmem>>, vector<1x16xf32>,
        %swap3A_2471 = vector.shape_cast %swap3A_2470 : vector<1x16xf32> to vector<16xf32>
        %swap3A_2472 = vector.shape_cast %add3A_2466 : vector<16xf32> to vector<1x16xf32>
        tpu.vector_store %arg16[%swap3A_2468, %swap3A_2469], %swap3A_2472 {strides = array<i32>} : memref<16x24xf32, #tpu.memory_space<vmem>>, vector<1x16xf32>,
        %get3A_2473 = arith.constant 10 : i32
        %get3A_2474 = arith.index_cast %get3A_2473 : i32 to index
        %get3A_2475 = arith.constant 2 : index
        %get3A_2476 = tpu.vector_load %arg15[%get3A_2474, %get3A_2475] {strides = array<i32>} : memref<16x24xf32, #tpu.memory_space<vmem>>, vector<1x16xf32>,
        %get3A_2477 = vector.shape_cast %get3A_2476 : vector<1x16xf32> to vector<16xf32>
        %add3A_2478 = arith.addf %add3A_2286, %get3A_2477 : vector<16xf32>
        %swap3A_2479 = arith.constant 10 : i32
        %swap3A_2480 = arith.index_cast %swap3A_2479 : i32 to index
        %swap3A_2481 = arith.constant 0 : index
        %swap3A_2482 = tpu.vector_load %arg16[%swap3A_2480, %swap3A_2481] {strides = array<i32>} : memref<16x24xf32, #tpu.memory_space<vmem>>, vector<1x16xf32>,
        %swap3A_2483 = vector.shape_cast %swap3A_2482 : vector<1x16xf32> to vector<16xf32>
        %swap3A_2484 = vector.shape_cast %add3A_2478 : vector<16xf32> to vector<1x16xf32>
        tpu.vector_store %arg16[%swap3A_2480, %swap3A_2481], %swap3A_2484 {strides = array<i32>} : memref<16x24xf32, #tpu.memory_space<vmem>>, vector<1x16xf32>,
        %get3A_2485 = arith.constant 11 : i32
        %get3A_2486 = arith.index_cast %get3A_2485 : i32 to index
        %get3A_2487 = arith.constant 2 : index
        %get3A_2488 = tpu.vector_load %arg15[%get3A_2486, %get3A_2487] {strides = array<i32>} : memref<16x24xf32, #tpu.memory_space<vmem>>, vector<1x16xf32>,
        %get3A_2489 = vector.shape_cast %get3A_2488 : vector<1x16xf32> to vector<16xf32>
        %add3A_2490 = arith.addf %add3A_2298, %get3A_2489 : vector<16xf32>
        %swap3A_2491 = arith.constant 11 : i32
        %swap3A_2492 = arith.index_cast %swap3A_2491 : i32 to index
        %swap3A_2493 = arith.constant 0 : index
        %swap3A_2494 = tpu.vector_load %arg16[%swap3A_2492, %swap3A_2493] {strides = array<i32>} : memref<16x24xf32, #tpu.memory_space<vmem>>, vector<1x16xf32>,
        %swap3A_2495 = vector.shape_cast %swap3A_2494 : vector<1x16xf32> to vector<16xf32>
        %swap3A_2496 = vector.shape_cast %add3A_2490 : vector<16xf32> to vector<1x16xf32>
        tpu.vector_store %arg16[%swap3A_2492, %swap3A_2493], %swap3A_2496 {strides = array<i32>} : memref<16x24xf32, #tpu.memory_space<vmem>>, vector<1x16xf32>,
        %get3A_2497 = arith.constant 12 : i32
        %get3A_2498 = arith.index_cast %get3A_2497 : i32 to index
        %get3A_2499 = arith.constant 2 : index
        %get3A_2500 = tpu.vector_load %arg15[%get3A_2498, %get3A_2499] {strides = array<i32>} : memref<16x24xf32, #tpu.memory_space<vmem>>, vector<1x16xf32>,
        %get3A_2501 = vector.shape_cast %get3A_2500 : vector<1x16xf32> to vector<16xf32>
        %add3A_2502 = arith.addf %add3A_2310, %get3A_2501 : vector<16xf32>
        %swap3A_2503 = arith.constant 12 : i32
        %swap3A_2504 = arith.index_cast %swap3A_2503 : i32 to index
        %swap3A_2505 = arith.constant 0 : index
        %swap3A_2506 = tpu.vector_load %arg16[%swap3A_2504, %swap3A_2505] {strides = array<i32>} : memref<16x24xf32, #tpu.memory_space<vmem>>, vector<1x16xf32>,
        %swap3A_2507 = vector.shape_cast %swap3A_2506 : vector<1x16xf32> to vector<16xf32>
        %swap3A_2508 = vector.shape_cast %add3A_2502 : vector<16xf32> to vector<1x16xf32>
        tpu.vector_store %arg16[%swap3A_2504, %swap3A_2505], %swap3A_2508 {strides = array<i32>} : memref<16x24xf32, #tpu.memory_space<vmem>>, vector<1x16xf32>,
        %get3A_2509 = arith.constant 13 : i32
        %get3A_2510 = arith.index_cast %get3A_2509 : i32 to index
        %get3A_2511 = arith.constant 2 : index
        %get3A_2512 = tpu.vector_load %arg15[%get3A_2510, %get3A_2511] {strides = array<i32>} : memref<16x24xf32, #tpu.memory_space<vmem>>, vector<1x16xf32>,
        %get3A_2513 = vector.shape_cast %get3A_2512 : vector<1x16xf32> to vector<16xf32>
        %add3A_2514 = arith.addf %add3A_2322, %get3A_2513 : vector<16xf32>
        %swap3A_2515 = arith.constant 13 : i32
        %swap3A_2516 = arith.index_cast %swap3A_2515 : i32 to index
        %swap3A_2517 = arith.constant 0 : index
        %swap3A_2518 = tpu.vector_load %arg16[%swap3A_2516, %swap3A_2517] {strides = array<i32>} : memref<16x24xf32, #tpu.memory_space<vmem>>, vector<1x16xf32>,
        %swap3A_2519 = vector.shape_cast %swap3A_2518 : vector<1x16xf32> to vector<16xf32>
        %swap3A_2520 = vector.shape_cast %add3A_2514 : vector<16xf32> to vector<1x16xf32>
        tpu.vector_store %arg16[%swap3A_2516, %swap3A_2517], %swap3A_2520 {strides = array<i32>} : memref<16x24xf32, #tpu.memory_space<vmem>>, vector<1x16xf32>,
        %get3A_2521 = arith.constant 14 : i32
        %get3A_2522 = arith.index_cast %get3A_2521 : i32 to index
        %get3A_2523 = arith.constant 2 : index
        %get3A_2524 = tpu.vector_load %arg15[%get3A_2522, %get3A_2523] {strides = array<i32>} : memref<16x24xf32, #tpu.memory_space<vmem>>, vector<1x16xf32>,
        %get3A_2525 = vector.shape_cast %get3A_2524 : vector<1x16xf32> to vector<16xf32>
        %add3A_2526 = arith.addf %add3A_2334, %get3A_2525 : vector<16xf32>
        %swap3A_2527 = arith.constant 14 : i32
        %swap3A_2528 = arith.index_cast %swap3A_2527 : i32 to index
        %swap3A_2529 = arith.constant 0 : index
        %swap3A_2530 = tpu.vector_load %arg16[%swap3A_2528, %swap3A_2529] {strides = array<i32>} : memref<16x24xf32, #tpu.memory_space<vmem>>, vector<1x16xf32>,
        %swap3A_2531 = vector.shape_cast %swap3A_2530 : vector<1x16xf32> to vector<16xf32>
        %swap3A_2532 = vector.shape_cast %add3A_2526 : vector<16xf32> to vector<1x16xf32>
        tpu.vector_store %arg16[%swap3A_2528, %swap3A_2529], %swap3A_2532 {strides = array<i32>} : memref<16x24xf32, #tpu.memory_space<vmem>>, vector<1x16xf32>,
        %get3A_2533 = arith.constant 15 : i32
        %get3A_2534 = arith.index_cast %get3A_2533 : i32 to index
        %get3A_2535 = arith.constant 2 : index
        %get3A_2536 = tpu.vector_load %arg15[%get3A_2534, %get3A_2535] {strides = array<i32>} : memref<16x24xf32, #tpu.memory_space<vmem>>, vector<1x16xf32>,
        %get3A_2537 = vector.shape_cast %get3A_2536 : vector<1x16xf32> to vector<16xf32>
        %add3A_2538 = arith.addf %add3A_2346, %get3A_2537 : vector<16xf32>
        %swap3A_2539 = arith.constant 15 : i32
        %swap3A_2540 = arith.index_cast %swap3A_2539 : i32 to index
        %swap3A_2541 = arith.constant 0 : index
        %swap3A_2542 = tpu.vector_load %arg16[%swap3A_2540, %swap3A_2541] {strides = array<i32>} : memref<16x24xf32, #tpu.memory_space<vmem>>, vector<1x16xf32>,
        %swap3A_2543 = vector.shape_cast %swap3A_2542 : vector<1x16xf32> to vector<16xf32>
        %swap3A_2544 = vector.shape_cast %add3A_2538 : vector<16xf32> to vector<1x16xf32>
        tpu.vector_store %arg16[%swap3A_2540, %swap3A_2541], %swap3A_2544 {strides = array<i32>} : memref<16x24xf32, #tpu.memory_space<vmem>>, vector<1x16xf32>,
        %get3A_2545 = arith.constant 0 : i32
        %get3A_2546 = arith.index_cast %get3A_2545 : i32 to index
        %get3A_2547 = arith.constant 1 : index
        %get3A_2548 = tpu.vector_load %arg16[%get3A_2546, %get3A_2547] {strides = array<i32>} : memref<16x24xf32, #tpu.memory_space<vmem>>, vector<1x16xf32>,
        %get3A_2549 = vector.shape_cast %get3A_2548 : vector<1x16xf32> to vector<16xf32>
        %add3A_2550 = arith.addf %add3A_2358, %get3A_2549 : vector<16xf32>
        %get3A_2551 = arith.constant 1 : i32
        %get3A_2552 = arith.index_cast %get3A_2551 : i32 to index
        %get3A_2553 = arith.constant 1 : index
        %get3A_2554 = tpu.vector_load %arg16[%get3A_2552, %get3A_2553] {strides = array<i32>} : memref<16x24xf32, #tpu.memory_space<vmem>>, vector<1x16xf32>,
        %get3A_2555 = vector.shape_cast %get3A_2554 : vector<1x16xf32> to vector<16xf32>
        %add3A_2556 = arith.addf %add3A_2370, %get3A_2555 : vector<16xf32>
        %get3A_2557 = arith.constant 2 : i32
        %get3A_2558 = arith.index_cast %get3A_2557 : i32 to index
        %get3A_2559 = arith.constant 1 : index
        %get3A_2560 = tpu.vector_load %arg16[%get3A_2558, %get3A_2559] {strides = array<i32>} : memref<16x24xf32, #tpu.memory_space<vmem>>, vector<1x16xf32>,
        %get3A_2561 = vector.shape_cast %get3A_2560 : vector<1x16xf32> to vector<16xf32>
        %add3A_2562 = arith.addf %add3A_2382, %get3A_2561 : vector<16xf32>
        %get3A_2563 = arith.constant 3 : i32
        %get3A_2564 = arith.index_cast %get3A_2563 : i32 to index
        %get3A_2565 = arith.constant 1 : index
        %get3A_2566 = tpu.vector_load %arg16[%get3A_2564, %get3A_2565] {strides = array<i32>} : memref<16x24xf32, #tpu.memory_space<vmem>>, vector<1x16xf32>,
        %get3A_2567 = vector.shape_cast %get3A_2566 : vector<1x16xf32> to vector<16xf32>
        %add3A_2568 = arith.addf %add3A_2394, %get3A_2567 : vector<16xf32>
        %get3A_2569 = arith.constant 4 : i32
        %get3A_2570 = arith.index_cast %get3A_2569 : i32 to index
        %get3A_2571 = arith.constant 1 : index
        %get3A_2572 = tpu.vector_load %arg16[%get3A_2570, %get3A_2571] {strides = array<i32>} : memref<16x24xf32, #tpu.memory_space<vmem>>, vector<1x16xf32>,
        %get3A_2573 = vector.shape_cast %get3A_2572 : vector<1x16xf32> to vector<16xf32>
        %add3A_2574 = arith.addf %add3A_2406, %get3A_2573 : vector<16xf32>
        %get3A_2575 = arith.constant 5 : i32
        %get3A_2576 = arith.index_cast %get3A_2575 : i32 to index
        %get3A_2577 = arith.constant 1 : index
        %get3A_2578 = tpu.vector_load %arg16[%get3A_2576, %get3A_2577] {strides = array<i32>} : memref<16x24xf32, #tpu.memory_space<vmem>>, vector<1x16xf32>,
        %get3A_2579 = vector.shape_cast %get3A_2578 : vector<1x16xf32> to vector<16xf32>
        %add3A_2580 = arith.addf %add3A_2418, %get3A_2579 : vector<16xf32>
        %get3A_2581 = arith.constant 6 : i32
        %get3A_2582 = arith.index_cast %get3A_2581 : i32 to index
        %get3A_2583 = arith.constant 1 : index
        %get3A_2584 = tpu.vector_load %arg16[%get3A_2582, %get3A_2583] {strides = array<i32>} : memref<16x24xf32, #tpu.memory_space<vmem>>, vector<1x16xf32>,
        %get3A_2585 = vector.shape_cast %get3A_2584 : vector<1x16xf32> to vector<16xf32>
        %add3A_2586 = arith.addf %add3A_2430, %get3A_2585 : vector<16xf32>
        %get3A_2587 = arith.constant 7 : i32
        %get3A_2588 = arith.index_cast %get3A_2587 : i32 to index
        %get3A_2589 = arith.constant 1 : index
        %get3A_2590 = tpu.vector_load %arg16[%get3A_2588, %get3A_2589] {strides = array<i32>} : memref<16x24xf32, #tpu.memory_space<vmem>>, vector<1x16xf32>,
        %get3A_2591 = vector.shape_cast %get3A_2590 : vector<1x16xf32> to vector<16xf32>
        %add3A_2592 = arith.addf %add3A_2442, %get3A_2591 : vector<16xf32>
        %get3A_2593 = arith.constant 8 : i32
        %get3A_2594 = arith.index_cast %get3A_2593 : i32 to index
        %get3A_2595 = arith.constant 1 : index
        %get3A_2596 = tpu.vector_load %arg16[%get3A_2594, %get3A_2595] {strides = array<i32>} : memref<16x24xf32, #tpu.memory_space<vmem>>, vector<1x16xf32>,
        %get3A_2597 = vector.shape_cast %get3A_2596 : vector<1x16xf32> to vector<16xf32>
        %add3A_2598 = arith.addf %add3A_2454, %get3A_2597 : vector<16xf32>
        %get3A_2599 = arith.constant 9 : i32
        %get3A_2600 = arith.index_cast %get3A_2599 : i32 to index
        %get3A_2601 = arith.constant 1 : index
        %get3A_2602 = tpu.vector_load %arg16[%get3A_2600, %get3A_2601] {strides = array<i32>} : memref<16x24xf32, #tpu.memory_space<vmem>>, vector<1x16xf32>,
        %get3A_2603 = vector.shape_cast %get3A_2602 : vector<1x16xf32> to vector<16xf32>
        %add3A_2604 = arith.addf %add3A_2466, %get3A_2603 : vector<16xf32>
        %get3A_2605 = arith.constant 10 : i32
        %get3A_2606 = arith.index_cast %get3A_2605 : i32 to index
        %get3A_2607 = arith.constant 1 : index
        %get3A_2608 = tpu.vector_load %arg16[%get3A_2606, %get3A_2607] {strides = array<i32>} : memref<16x24xf32, #tpu.memory_space<vmem>>, vector<1x16xf32>,
        %get3A_2609 = vector.shape_cast %get3A_2608 : vector<1x16xf32> to vector<16xf32>
        %add3A_2610 = arith.addf %add3A_2478, %get3A_2609 : vector<16xf32>
        %get3A_2611 = arith.constant 11 : i32
        %get3A_2612 = arith.index_cast %get3A_2611 : i32 to index
        %get3A_2613 = arith.constant 1 : index
        %get3A_2614 = tpu.vector_load %arg16[%get3A_2612, %get3A_2613] {strides = array<i32>} : memref<16x24xf32, #tpu.memory_space<vmem>>, vector<1x16xf32>,
        %get3A_2615 = vector.shape_cast %get3A_2614 : vector<1x16xf32> to vector<16xf32>
        %add3A_2616 = arith.addf %add3A_2490, %get3A_2615 : vector<16xf32>
        %get3A_2617 = arith.constant 12 : i32
        %get3A_2618 = arith.index_cast %get3A_2617 : i32 to index
        %get3A_2619 = arith.constant 1 : index
        %get3A_2620 = tpu.vector_load %arg16[%get3A_2618, %get3A_2619] {strides = array<i32>} : memref<16x24xf32, #tpu.memory_space<vmem>>, vector<1x16xf32>,
        %get3A_2621 = vector.shape_cast %get3A_2620 : vector<1x16xf32> to vector<16xf32>
        %add3A_2622 = arith.addf %add3A_2502, %get3A_2621 : vector<16xf32>
        %get3A_2623 = arith.constant 13 : i32
        %get3A_2624 = arith.index_cast %get3A_2623 : i32 to index
        %get3A_2625 = arith.constant 1 : index
        %get3A_2626 = tpu.vector_load %arg16[%get3A_2624, %get3A_2625] {strides = array<i32>} : memref<16x24xf32, #tpu.memory_space<vmem>>, vector<1x16xf32>,
        %get3A_2627 = vector.shape_cast %get3A_2626 : vector<1x16xf32> to vector<16xf32>
        %add3A_2628 = arith.addf %add3A_2514, %get3A_2627 : vector<16xf32>
        %get3A_2629 = arith.constant 14 : i32
        %get3A_2630 = arith.index_cast %get3A_2629 : i32 to index
        %get3A_2631 = arith.constant 1 : index
        %get3A_2632 = tpu.vector_load %arg16[%get3A_2630, %get3A_2631] {strides = array<i32>} : memref<16x24xf32, #tpu.memory_space<vmem>>, vector<1x16xf32>,
        %get3A_2633 = vector.shape_cast %get3A_2632 : vector<1x16xf32> to vector<16xf32>
        %add3A_2634 = arith.addf %add3A_2526, %get3A_2633 : vector<16xf32>
        %get3A_2635 = arith.constant 15 : i32
        %get3A_2636 = arith.index_cast %get3A_2635 : i32 to index
        %get3A_2637 = arith.constant 1 : index
        %get3A_2638 = tpu.vector_load %arg16[%get3A_2636, %get3A_2637] {strides = array<i32>} : memref<16x24xf32, #tpu.memory_space<vmem>>, vector<1x16xf32>,
        %get3A_2639 = vector.shape_cast %get3A_2638 : vector<1x16xf32> to vector<16xf32>
        %add3A_2640 = arith.addf %add3A_2538, %get3A_2639 : vector<16xf32>
        %swap3A_2641 = arith.constant 0 : index
        %swap3A_2642 = tpu.vector_load %arg17[%swap3A_2641] {strides = array<i32>} : memref<32xf32, #tpu.memory_space<vmem>>, vector<16xf32>,
        %swap3A_2643 = vector.shape_cast %swap3A_2642 : vector<16xf32> to vector<16xf32>
        %swap3A_2644 = vector.shape_cast %add3A_2550 : vector<16xf32> to vector<16xf32>
        tpu.vector_store %arg17[%swap3A_2641], %swap3A_2644 {strides = array<i32>} : memref<32xf32, #tpu.memory_space<vmem>>, vector<16xf32>,
        %swap3A_2645 = arith.constant 1 : index
        %swap3A_2646 = tpu.vector_load %arg17[%swap3A_2645] {strides = array<i32>} : memref<32xf32, #tpu.memory_space<vmem>>, vector<16xf32>,
        %swap3A_2647 = vector.shape_cast %swap3A_2646 : vector<16xf32> to vector<16xf32>
        %swap3A_2648 = vector.shape_cast %add3A_2556 : vector<16xf32> to vector<16xf32>
        tpu.vector_store %arg17[%swap3A_2645], %swap3A_2648 {strides = array<i32>} : memref<32xf32, #tpu.memory_space<vmem>>, vector<16xf32>,
        %swap3A_2649 = arith.constant 2 : index
        %swap3A_2650 = tpu.vector_load %arg17[%swap3A_2649] {strides = array<i32>} : memref<32xf32, #tpu.memory_space<vmem>>, vector<16xf32>,
        %swap3A_2651 = vector.shape_cast %swap3A_2650 : vector<16xf32> to vector<16xf32>
        %swap3A_2652 = vector.shape_cast %add3A_2562 : vector<16xf32> to vector<16xf32>
        tpu.vector_store %arg17[%swap3A_2649], %swap3A_2652 {strides = array<i32>} : memref<32xf32, #tpu.memory_space<vmem>>, vector<16xf32>,
        %swap3A_2653 = arith.constant 3 : index
        %swap3A_2654 = tpu.vector_load %arg17[%swap3A_2653] {strides = array<i32>} : memref<32xf32, #tpu.memory_space<vmem>>, vector<16xf32>,
        %swap3A_2655 = vector.shape_cast %swap3A_2654 : vector<16xf32> to vector<16xf32>
        %swap3A_2656 = vector.shape_cast %add3A_2568 : vector<16xf32> to vector<16xf32>
        tpu.vector_store %arg17[%swap3A_2653], %swap3A_2656 {strides = array<i32>} : memref<32xf32, #tpu.memory_space<vmem>>, vector<16xf32>,
        %swap3A_2657 = arith.constant 4 : index
        %swap3A_2658 = tpu.vector_load %arg17[%swap3A_2657] {strides = array<i32>} : memref<32xf32, #tpu.memory_space<vmem>>, vector<16xf32>,
        %swap3A_2659 = vector.shape_cast %swap3A_2658 : vector<16xf32> to vector<16xf32>
        %swap3A_2660 = vector.shape_cast %add3A_2574 : vector<16xf32> to vector<16xf32>
        tpu.vector_store %arg17[%swap3A_2657], %swap3A_2660 {strides = array<i32>} : memref<32xf32, #tpu.memory_space<vmem>>, vector<16xf32>,
        %swap3A_2661 = arith.constant 5 : index
        %swap3A_2662 = tpu.vector_load %arg17[%swap3A_2661] {strides = array<i32>} : memref<32xf32, #tpu.memory_space<vmem>>, vector<16xf32>,
        %swap3A_2663 = vector.shape_cast %swap3A_2662 : vector<16xf32> to vector<16xf32>
        %swap3A_2664 = vector.shape_cast %add3A_2580 : vector<16xf32> to vector<16xf32>
        tpu.vector_store %arg17[%swap3A_2661], %swap3A_2664 {strides = array<i32>} : memref<32xf32, #tpu.memory_space<vmem>>, vector<16xf32>,
        %swap3A_2665 = arith.constant 6 : index
        %swap3A_2666 = tpu.vector_load %arg17[%swap3A_2665] {strides = array<i32>} : memref<32xf32, #tpu.memory_space<vmem>>, vector<16xf32>,
        %swap3A_2667 = vector.shape_cast %swap3A_2666 : vector<16xf32> to vector<16xf32>
        %swap3A_2668 = vector.shape_cast %add3A_2586 : vector<16xf32> to vector<16xf32>
        tpu.vector_store %arg17[%swap3A_2665], %swap3A_2668 {strides = array<i32>} : memref<32xf32, #tpu.memory_space<vmem>>, vector<16xf32>,
        %swap3A_2669 = arith.constant 7 : index
        %swap3A_2670 = tpu.vector_load %arg17[%swap3A_2669] {strides = array<i32>} : memref<32xf32, #tpu.memory_space<vmem>>, vector<16xf32>,
        %swap3A_2671 = vector.shape_cast %swap3A_2670 : vector<16xf32> to vector<16xf32>
        %swap3A_2672 = vector.shape_cast %add3A_2592 : vector<16xf32> to vector<16xf32>
        tpu.vector_store %arg17[%swap3A_2669], %swap3A_2672 {strides = array<i32>} : memref<32xf32, #tpu.memory_space<vmem>>, vector<16xf32>,
        %swap3A_2673 = arith.constant 8 : index
        %swap3A_2674 = tpu.vector_load %arg17[%swap3A_2673] {strides = array<i32>} : memref<32xf32, #tpu.memory_space<vmem>>, vector<16xf32>,
        %swap3A_2675 = vector.shape_cast %swap3A_2674 : vector<16xf32> to vector<16xf32>
        %swap3A_2676 = vector.shape_cast %add3A_2598 : vector<16xf32> to vector<16xf32>
        tpu.vector_store %arg17[%swap3A_2673], %swap3A_2676 {strides = array<i32>} : memref<32xf32, #tpu.memory_space<vmem>>, vector<16xf32>,
        %swap3A_2677 = arith.constant 9 : index
        %swap3A_2678 = tpu.vector_load %arg17[%swap3A_2677] {strides = array<i32>} : memref<32xf32, #tpu.memory_space<vmem>>, vector<16xf32>,
        %swap3A_2679 = vector.shape_cast %swap3A_2678 : vector<16xf32> to vector<16xf32>
        %swap3A_2680 = vector.shape_cast %add3A_2604 : vector<16xf32> to vector<16xf32>
        tpu.vector_store %arg17[%swap3A_2677], %swap3A_2680 {strides = array<i32>} : memref<32xf32, #tpu.memory_space<vmem>>, vector<16xf32>,
        %swap3A_2681 = arith.constant 10 : index
        %swap3A_2682 = tpu.vector_load %arg17[%swap3A_2681] {strides = array<i32>} : memref<32xf32, #tpu.memory_space<vmem>>, vector<16xf32>,
        %swap3A_2683 = vector.shape_cast %swap3A_2682 : vector<16xf32> to vector<16xf32>
        %swap3A_2684 = vector.shape_cast %add3A_2610 : vector<16xf32> to vector<16xf32>
        tpu.vector_store %arg17[%swap3A_2681], %swap3A_2684 {strides = array<i32>} : memref<32xf32, #tpu.memory_space<vmem>>, vector<16xf32>,
        %swap3A_2685 = arith.constant 11 : index
        %swap3A_2686 = tpu.vector_load %arg17[%swap3A_2685] {strides = array<i32>} : memref<32xf32, #tpu.memory_space<vmem>>, vector<16xf32>,
        %swap3A_2687 = vector.shape_cast %swap3A_2686 : vector<16xf32> to vector<16xf32>
        %swap3A_2688 = vector.shape_cast %add3A_2616 : vector<16xf32> to vector<16xf32>
        tpu.vector_store %arg17[%swap3A_2685], %swap3A_2688 {strides = array<i32>} : memref<32xf32, #tpu.memory_space<vmem>>, vector<16xf32>,
        %swap3A_2689 = arith.constant 12 : index
        %swap3A_2690 = tpu.vector_load %arg17[%swap3A_2689] {strides = array<i32>} : memref<32xf32, #tpu.memory_space<vmem>>, vector<16xf32>,
        %swap3A_2691 = vector.shape_cast %swap3A_2690 : vector<16xf32> to vector<16xf32>
        %swap3A_2692 = vector.shape_cast %add3A_2622 : vector<16xf32> to vector<16xf32>
        tpu.vector_store %arg17[%swap3A_2689], %swap3A_2692 {strides = array<i32>} : memref<32xf32, #tpu.memory_space<vmem>>, vector<16xf32>,
        %swap3A_2693 = arith.constant 13 : index
        %swap3A_2694 = tpu.vector_load %arg17[%swap3A_2693] {strides = array<i32>} : memref<32xf32, #tpu.memory_space<vmem>>, vector<16xf32>,
        %swap3A_2695 = vector.shape_cast %swap3A_2694 : vector<16xf32> to vector<16xf32>
        %swap3A_2696 = vector.shape_cast %add3A_2628 : vector<16xf32> to vector<16xf32>
        tpu.vector_store %arg17[%swap3A_2693], %swap3A_2696 {strides = array<i32>} : memref<32xf32, #tpu.memory_space<vmem>>, vector<16xf32>,
        %swap3A_2697 = arith.constant 14 : index
        %swap3A_2698 = tpu.vector_load %arg17[%swap3A_2697] {strides = array<i32>} : memref<32xf32, #tpu.memory_space<vmem>>, vector<16xf32>,
        %swap3A_2699 = vector.shape_cast %swap3A_2698 : vector<16xf32> to vector<16xf32>
        %swap3A_2700 = vector.shape_cast %add3A_2634 : vector<16xf32> to vector<16xf32>
        tpu.vector_store %arg17[%swap3A_2697], %swap3A_2700 {strides = array<i32>} : memref<32xf32, #tpu.memory_space<vmem>>, vector<16xf32>,
        %swap3A_2701 = arith.constant 15 : index
        %swap3A_2702 = tpu.vector_load %arg17[%swap3A_2701] {strides = array<i32>} : memref<32xf32, #tpu.memory_space<vmem>>, vector<16xf32>,
        %swap3A_2703 = vector.shape_cast %swap3A_2702 : vector<16xf32> to vector<16xf32>
        %swap3A_2704 = vector.shape_cast %add3A_2640 : vector<16xf32> to vector<16xf32>
        tpu.vector_store %arg17[%swap3A_2701], %swap3A_2704 {strides = array<i32>} : memref<32xf32, #tpu.memory_space<vmem>>, vector<16xf32>,
        %get3A_2705 = arith.constant 0 : index
        %get3A_2706 = tpu.vector_load %arg17[%get3A_2705] {strides = array<i32>} : memref<32xf32, #tpu.memory_space<vmem>>, vector<16xf32>,
        %get3A_2707 = vector.shape_cast %get3A_2706 : vector<16xf32> to vector<16xf32>
        %mul3A_2708 = arith.constant 64 : i32
        %mul3A_2709 = arith.muli %add3A_67, %mul3A_2708 : i32
        %add3A_2710 = arith.addi %mul3A_2709, %mul3A_98 : i32
        %swap3A_2711 = arith.index_cast %add3A_2710 : i32 to index
        %swap3A_2712 = tpu.vector_load %arg18[%swap3A_2711] {strides = array<i32>} : memref<512xf32, #tpu.memory_space<vmem>>, vector<16xf32>,
        %swap3A_2713 = vector.shape_cast %swap3A_2712 : vector<16xf32> to vector<16xf32>
        %swap3A_2714 = vector.shape_cast %get3A_2707 : vector<16xf32> to vector<16xf32>
        tpu.vector_store %arg18[%swap3A_2711], %swap3A_2714 {strides = array<i32>} : memref<512xf32, #tpu.memory_space<vmem>>, vector<16xf32>,
        %scan3A_2715 = arith.constant 0 : i32
        scf.yield %scan3A_2715 : i32
      }
      %scan3A_86 = arith.constant 4 : i32
      %add3A_87 = arith.constant 1 : i32
      %add3A_88 = arith.addi %scan3A_35, %add3A_87 : i32
      %lt3A_89 = arith.constant 4 : i32
      %lt3A_90 = arith.cmpi slt, %add3A_88, %lt3A_89 : i32
      %convert_element_type3A_91 = arith.extui %lt3A_90 : i1 to i32
      %cond3A_92 = arith.constant 0 : i32
      %cond3A_93 = arith.cmpi ne, %convert_element_type3A_91, %cond3A_92 : i32
      scf.if %cond3A_93 {
        %add3A_95 = arith.constant 2 : i32
        %add3A_96 = arith.addi %add3A_67, %add3A_95 : i32
        %mul3A_97 = arith.constant 64 : i32
        %mul3A_98 = arith.muli %add3A_96, %mul3A_97 : i32
        %dma_start3A_99 = tpu.memref_slice %arg7[%mul3A_98] : memref<512xi32, #tpu.memory_space<vmem>> -> memref<64xi32, #tpu.memory_space<vmem>>
        %dma_start3A_100 = arith.constant 0 : i32
        %dma_start3A_101 = arith.constant 0 : i32
        %dma_start3A_102 = tpu.memref_slice %arg4[%dma_start3A_100, %dma_start3A_101] : memref<100000x128xf32, #tpu.memory_space<hbm>> -> memref<100000x128xf32, #tpu.memory_space<hbm>>
        tpu.enqueue_indirect_dma source(%dma_start3A_102 : memref<100000x128xf32, #tpu.memory_space<hbm>>) target(%arg10 : memref<64x128xf32, #tpu.memory_space<vmem>>) offsets(%dma_start3A_99 : memref<64xi32, #tpu.memory_space<vmem>>) semaphore(%arg20 : memref<!tpu.dma_semaphore, #tpu.memory_space<semaphore_mem>>)
        %mul3A_103 = arith.constant 64 : i32
        %mul3A_104 = arith.muli %add3A_96, %mul3A_103 : i32
        %dma_start3A_105 = tpu.memref_slice %arg8[%mul3A_104] : memref<512xi32, #tpu.memory_space<vmem>> -> memref<64xi32, #tpu.memory_space<vmem>>
        %dma_start3A_106 = arith.constant 0 : i32
        %dma_start3A_107 = arith.constant 0 : i32
        %dma_start3A_108 = tpu.memref_slice %arg5[%dma_start3A_106, %dma_start3A_107] : memref<100000x128xf32, #tpu.memory_space<hbm>> -> memref<100000x128xf32, #tpu.memory_space<hbm>>
        tpu.enqueue_indirect_dma source(%dma_start3A_108 : memref<100000x128xf32, #tpu.memory_space<hbm>>) target(%arg12 : memref<64x128xf32, #tpu.memory_space<vmem>>) offsets(%dma_start3A_105 : memref<64xi32, #tpu.memory_space<vmem>>) semaphore(%arg22 : memref<!tpu.dma_semaphore, #tpu.memory_space<semaphore_mem>>)
      } else {
      }
      %scan3A_94 = arith.constant 0 : i32
      scf.yield %scan3A_94 : i32
    }
    %scan3A_34 = arith.constant 4 : i32
    "tpu.region"() ({
      %run_scoped3A = tpu.sem_alloc : memref<!tpu.dma_semaphore, #tpu.memory_space<semaphore_mem>>
      %dma_start3A_35 = tpu.memref_slice %arg6[%mul3A_2] : memref<16384xf32, #tpu.memory_space<hbm>> -> memref<512xf32, #tpu.memory_space<hbm>>
      %dma_start3A_36 = tpu.memref_slice %arg6[%mul3A_2] : memref<16384xf32, #tpu.memory_space<hbm>> -> memref<512xf32, #tpu.memory_space<hbm>>
      tpu.enqueue_dma source(%arg18 : memref<512xf32, #tpu.memory_space<vmem>>) target(%dma_start3A_36 : memref<512xf32, #tpu.memory_space<hbm>>) target_semaphore(%run_scoped3A : memref<!tpu.dma_semaphore, #tpu.memory_space<semaphore_mem>>)
      %dma_wait3A_37 = tpu.memref_slice %arg6[%mul3A_2] : memref<16384xf32, #tpu.memory_space<hbm>> -> memref<512xf32, #tpu.memory_space<hbm>>
      %dma_wait3A_38 = tpu.memref_slice %arg6[%mul3A_2] : memref<16384xf32, #tpu.memory_space<hbm>> -> memref<512xf32, #tpu.memory_space<hbm>>
      tpu.wait_dma2 semaphore(%run_scoped3A : memref<!tpu.dma_semaphore, #tpu.memory_space<semaphore_mem>>) src(%arg18 : memref<512xf32, #tpu.memory_space<vmem>>) dst(%dma_wait3A_38 : memref<512xf32, #tpu.memory_space<hbm>>)
      tpu.yield
    }) : () -> ()
    return
  }
}

</mosaic_0001>

<sc_bundles>
// kernel: kernel.3.cloned.1.call-start
scs
__scs_entry_jumppad:
0x0: {  	(pc) =	sbr.rel $0x88, $3  }
0x1: {  	(tag) =	ssettag $0x0;
	lr =	simm.s32 $0x1  }
0x2: {  	[smem:$0x3F9D] =	sst lr;
	_ =	strace $0xD0000000  }
0x3: {  	_ = 	snop  }
0x4: {  	_ = 	snop  }
0x5: {  	_ = 	snop  }
0x6: {  	_ = 	snop  }
0x7: {  	_ = 	snop  }
__scs_overlays_trampoline_lowered:
0x8: {  	[smem:$0x3FAC] =	sst s0  }
0x9: {  	[smem:$0x3FAD] =	sst s1  }
0xa: {  	[smem:$0x3FAE] =	sst s2  }
0xb: {  	[smem:$0x3FAF] =	sst s3  }
0xc: {  	[smem:$0x3FB0] =	sst s4  }
0xd: {  	[smem:$0x3FB1] =	sst s5  }
0xe: {  	[smem:$0x3FB2] =	sst s6  }
0xf: {  	[smem:$0x3FB3] =	sst s7  }
0x10: {  	[smem:$0x3FB4] =	sst s8  }
0x11: {  	[smem:$0x3FB5] =	sst s9;
	s0 =	simm.s32 @!p0 $0x0  }
0x12: {  	s1 =	sld [smem:$0x3F9B];
	s0 =	simm.s32 @p0 $0x1  }
0x13: {  	[smem:$0x3FB6] =	sst s0;
	s0 =	simm.s32 @!p1 $0x0  }
0x14: {  	s2 =	sld [smem:$0x3F9A];
	s0 =	simm.s32 @p1 $0x1  }
0x15: {  	[smem:$0x3FB7] =	sst s0;
	s0 =	simm.s32 @!p2 $0x0  }
0x16: {  	s3 =	sld [smem:$0x3FDB];
	s0 =	simm.s32 @p2 $0x1  }
0x17: {  	s4 =	simm.s32 $0x1BF5;
	[smem:$0x3FB9] =	sst s0  }
0x18: {  	s0 =	sld [smem:$0x3F9C];
	_ =	swait.ge [sflag:s4], $0x0  }
0x19: {  	s7 =	sld [smem:$0x3F9D]  }
0x1a: {  	s8 =	sadd.s32 $0xFFFFE003, lr  }
0x1b: {  	s9 =	sadd.s32 $0xFFFFFEF7, lr;
	s5 =	simm.s32 $0xFFFFFFFF;
	p2 =	slt.u32 s8, $0xFFFFF086  }
0x1c: {  	p1 =	slt.u32 s9, $0xF7A;
	s5 =	simm.s32 @!p2 $0x0  }
0x1d: {  	s5 =	simm.s32 @p1 $0x1;
	p0 =	seq.s32 s7, s2  }
0x1e: {  	s7 =	smul.u32 @!p0 $0xF7A, s2;
	p2 =	seq.s32 @!p0 s5, $0x0  }
0x1f: {  	s9 =	smul.u32 $0xF7A, s1;
	s8 =	simm.s32 @!p0 $0x1BF5;
	p2 =	por !p2, p0  }
0x20: {  	[sflag:s8] =	ssyncset.s32 @!p0 $0xFFFFF086;
	s6 =	sadd.s32 @!p0 s3, s7;
	s7 =	simm.s32 @!p0 $0x108  }
0x21: {  	s3 =	sadd.s32 s3, s9;
	s6 =	sadd.s32 @!p0 $0x88, s6;
	s7 =	simm.s32 @p2 $0x1082  }
0x22: {  	[simem:s7], [sflag:s8] =	dma.local @!p0 [hbm:s6], $0xF7A  }
0x23: {  	s9 =	sor.u32 $0xD0000000, s2;
	s6 =	simm.s32 $0x108;
	_ =	swait.ge @!p0 [sflag:s8], $0x0  }
0x24: {  	s3 =	sadd.s32 $0x88, s3;
	s6 =	simm.s32 @!p1 $0x1082;
	[sflag:s4] =	ssyncset.s32 $0xFFFFF086  }
0x25: {  	[simem:s6], [sflag:s4] =	dma.local [hbm:s3], $0xF7A  }
0x26: {  	[smem:$0x3F9D] =	sst s1;
	(tag) =	ssettag s2;
	_ =	strace s9  }
0x27: {  	s1 =	sld [smem:$0x3FAD]  }
0x28: {  	s2 =	sld [smem:$0x3FAE]  }
0x29: {  	s4 =	sld [smem:$0x3FB0]  }
0x2a: {  	p0 =	seq.s32 s5, $0x0;
	s5 =	sld [smem:$0x3FB1]  }
0x2b: {  	s6 =	sld [smem:$0x3FB2]  }
0x2c: {  	s7 =	sld [smem:$0x3FB3]  }
0x2d: {  	s3 =	simm.s32 $0x108;
	s8 =	sld [smem:$0x3FB4]  }
0x2e: {  	s3 =	simm.s32 @!p0 $0x1082;
	s9 =	sld [smem:$0x3FB5]  }
0x2f: {  	lr =	sadd.s32 s0, s3;
	s0 =	sld [smem:$0x3FAC]  }
0x30: {  	s3 =	sld [smem:$0x3FAF]  }
0x31: {  	[smem:$0x3FB8] =	sst s10  }
0x32: {  	s10 =	sld [smem:$0x3FB6];
	_ =	sdelay $0x3  }
0x33: {  	p0 =	seq.s32 s10, $0x1;
	s10 =	sld [smem:$0x3FB8];
	_ =	sdelay $0x3  }
0x34: {  	[smem:$0x3FB8] =	sst s10  }
0x35: {  	s10 =	sld [smem:$0x3FB7];
	_ =	sdelay $0x3  }
0x36: {  	p1 =	seq.s32 s10, $0x1;
	s10 =	sld [smem:$0x3FB8];
	_ =	sdelay $0x3  }
0x37: {  	[smem:$0x3FB8] =	sst s10  }
0x38: {  	s10 =	sld [smem:$0x3FB9]  }
0x39: {  	_ = 	snop;
	(pc) =	sbr.ind lr, $3  }
0x3a: {  	_ = 	snop  }
0x3b: {  	_ = 	snop  }
0x3c: {  	p2 =	seq.s32 s10, $0x1;
	s10 =	sld [smem:$0x3FB8]  }
0x3d: {  	_ =	shalt  }
0x3e: {  	_ =	shalt  }
0x3f: {  	_ =	shalt  }
0x40: {  	_ =	shalt  }
0x41: {  	_ =	shalt  }
0x42: {  	_ =	shalt  }
0x43: {  	_ =	shalt  }
0x44: {  	_ =	shalt  }
0x45: {  	_ =	shalt  }
0x46: {  	_ =	shalt  }
0x47: {  	_ =	shalt  }
0x48: {  	_ =	shalt  }
0x49: {  	_ =	shalt  }
0x4a: {  	_ =	shalt  }
0x4b: {  	_ =	shalt  }
0x4c: {  	_ =	shalt  }
0x4d: {  	_ =	shalt  }
0x4e: {  	_ =	shalt  }
0x4f: {  	_ =	shalt  }
0x50: {  	_ =	shalt  }
0x51: {  	_ =	shalt  }
0x52: {  	_ =	shalt  }
0x53: {  	_ =	shalt  }
0x54: {  	_ =	shalt  }
0x55: {  	_ =	shalt  }
0x56: {  	_ =	shalt  }
0x57: {  	_ =	shalt  }
0x58: {  	_ =	shalt  }
0x59: {  	_ =	shalt  }
0x5a: {  	_ =	shalt  }
0x5b: {  	_ =	shalt  }
0x5c: {  	_ =	shalt  }
0x5d: {  	_ =	shalt  }
0x5e: {  	_ =	shalt  }
0x5f: {  	_ =	shalt  }
0x60: {  	_ =	shalt  }
0x61: {  	_ =	shalt  }
0x62: {  	_ =	shalt  }
0x63: {  	_ =	shalt  }
0x64: {  	_ =	shalt  }
0x65: {  	_ =	shalt  }
0x66: {  	_ =	shalt  }
0x67: {  	_ =	shalt  }
0x68: {  	_ =	shalt  }
0x69: {  	_ =	shalt  }
0x6a: {  	_ =	shalt  }
0x6b: {  	_ =	shalt  }
0x6c: {  	_ =	shalt  }
0x6d: {  	_ =	shalt  }
0x6e: {  	_ =	shalt  }
0x6f: {  	_ =	shalt  }
0x70: {  	_ =	shalt  }
0x71: {  	_ =	shalt  }
0x72: {  	_ =	shalt  }
0x73: {  	_ =	shalt  }
0x74: {  	_ =	shalt  }
0x75: {  	_ =	shalt  }
0x76: {  	_ =	shalt  }
0x77: {  	_ =	shalt  }
0x78: {  	_ =	shalt  }
0x79: {  	_ =	shalt  }
0x7a: {  	_ =	shalt  }
0x7b: {  	_ =	shalt  }
0x7c: {  	_ =	shalt  }
0x7d: {  	_ =	shalt  }
0x7e: {  	_ =	shalt  }
0x7f: {  	_ =	shalt  }
0x80: {  	_ =	shalt  }
0x81: {  	_ =	shalt  }
0x82: {  	_ =	shalt  }
0x83: {  	_ =	shalt  }
0x84: {  	_ =	shalt  }
0x85: {  	_ =	shalt  }
0x86: {  	_ =	shalt  }
0x87: {  	_ =	shalt  }
.Lfunc_end0:
.L_simem_size_0:
called_computation_lowered:
.L_overlay_start_0:
0x88: {  	s2 =	sld [smem:$0x3FD9]  }
0x89: {  	s3 =	sld [smem:$0x3FFE];
	_ =	sdelay $0x1  }
0x8a: {  	s1 =	srdreg.scid  }
0x8b: {  	s0 =	sand.u32 $0x1, s1  }
0x8c: {  	s18 =	sshll.u32 s0, $0xA;
	s2 =	sadd.s32 s3, s2  }
0x8d: {  	s2 =	sadd.s32 s2, s18  }
0x8e: {  	[smem:$0x3FC4] =	sst s2  }
0x8f: {  	_ = 	snop  }
0x90: {  	s2 =	sld [smem:$0x3FC9]  }
0x91: {  	s19 =	sld [smem:$0x3FC8]  }
0x92: {  	s4 =	sld [smem:$0x3FC7]  }
0x93: {  	s5 =	sld [smem:$0x3FC6]  }
0x94: {  	s6 =	sld [smem:$0x3FD0];
	(tm) =	ssettm $0x1  }
0x95: {  	s7 =	sld [smem:$0x3FFB];
	_ =	sdelay $0x3  }
0x96: {  	_ =	strace s7  }
0x97: {  	s7 =	sld [smem:$0x3FFC];
	_ =	sdelay $0x3  }
0x98: {  	_ =	strace s7  }
0x99: {  	s7 =	sld [smem:$0x3FFD];
	_ =	sdelay $0x3  }
0x9a: {  	_ =	strace s7  }
0x9b: {  	_ =	strace $0x8FFFFFFF  }
0x9c: {  	s20 =	sld [smem:$0x3FDB];
	_ =	sdelay $0x1  }
0x9d: {  	s8 =	simm.s32 $_scs_section_size  }
0x9e: {  	s9 =	simm.s32 $_size__tile_overlayer_lowered;
	s10 =	simm.s32 $_tile_overlayer_lowered  }
0x9f: {  	s23 =	simm.s32 $0x1BFF;
	s22 =	sshll.u32 s10, $0x1;
	s7 =	sadd.s32 s8, s20  }
0xa0: {  	s11 =	simm.s32 $0x0;
	s21 =	sshll.u32 s9, $0x1;
	s9 =	sadd.s32 s22, s7  }
0xa1: {  	[timem:s11], [sflag:s23] =	dma.local [hbm:s9], s21  }
0xa2: {  	_ =	swait.ge [sflag:s23], s21  }
0xa3: {  	s8 =	ssub.s32 $0x0, s21;
	[sflag:s23] =	ssyncset.done $0x0  }
0xa4: {  	[sflag:s23] =	ssyncadd.s32 s8;
	_ =	sdelay $0x1  }
0xa5: {  	s24 =	simm.s32 $0x1B8B  }
0xa6: {  	_ =	swait.ge [sflag:s24], $0x1  }
0xa7: {  	[sflag:s24] =	ssyncset.done $0x0  }
0xa8: {  	s25 =	simm.s32 $0x1B8E;
	[sflag:s24] =	ssyncadd.s32 $0xFFFFFFFF  }
0xa9: {  	s26 =	simm.s32 $execute0_lowered;
	[smem:$0x3FD2] =	sst s25  }
0xaa: {  	s8 =	sshll.u32 s26, $0x1;
	_ =	strace $0x80000046;
	[dreg:$0x1] =	wrdreg $0xFFFFFFFF  }
0xab: {  	s28 =	simm.s32 $_size_execute0_lowered;
	s7 =	sadd.s32 s7, s8;
	[dreg:$0x0] =	wrdreg $0x0  }
0xac: {  	s8 =	sshll.u32 s28, $0x1;
	[dreg:$0x2] =	wrdreg s7  }
0xad: {  	[dreg:$0x3] =	wrdreg s8  }
0xae: {  	[dreg:$0x4] =	wrdreg $0xC0  }
0xaf: {  	_ =	task [dreg:s11], $0x5FFFF  }
0xb0: {  	[dreg:$0x1] =	wrdreg $0xFFFFFFFF  }
0xb1: {  	[dreg:$0x0] =	wrdreg $0x60  }
0xb2: {  	[dreg:$0x2] =	wrdreg s2  }
0xb3: {  	[dreg:$0x3] =	wrdreg s19  }
0xb4: {  	[dreg:$0x4] =	wrdreg s4  }
0xb5: {  	[dreg:$0x5] =	wrdreg s5  }
0xb6: {  	[dreg:$0x6] =	wrdreg s6  }
0xb7: {  	[dreg:$0x7] =	wrdreg $0x9  }
0xb8: {  	_ =	task.clear_ibuf [dreg:s11], $0x8FFFF;
	_ =	strace $0x90000046  }
0xb9: {  	s29 =	simm.s32 $0x9;
	_ =	strace $0x80000048  }
0xba: {  	_ =	swait.ge [sflag:s29], $0x1  }
0xbb: {  	[sflag:s29] =	ssyncadd.s32 $0xFFFFFFFF  }
0xbc: {  	_ =	strace $0x90000048  }
0xbd: {  	_ =	sfence  }
0xbe: {  	s30 =	sld [smem:$0x0];
	_ =	sdelay $0x2  }
0xbf: {  	s31 =	sshll.u32 s1, $0xD;
	s1 =	sshrl.u32 s1, $0x2  }
0xc0: {  	s3 =	sand.u32 $0x4000, s31;
	s1 =	sadd.s32 s1, s30  }
0xc1: {  	s0 =	sor.u32 s3, s0;
	s1 =	sshll.u32 s1, $0x11  }
0xc2: {  	s0 =	sor.u32 s1, s0  }
0xc3: {  	s0 =	sadd.s32 $0x8F2B, s0  }
0xc4: {  	[sflag:s0] =	ssyncadd.remote.s32 $0x1  }
0xc5: {  	_ =	sfence.sel $0xFFFF  }
0xc6: {  	[dreg:$0x0] =	wrdreg $0xFFFFFFFF;
	(pc) =	sbr.abs _section_cstart, $3  }
0xc7: {  	[dreg:$0x1] =	wrdreg $0xFFFFFFFF  }
0xc8: {  	_ =	task.clear_ibuf [dreg:s11], $0x2FFFF;
	_ =	strace $0x9FFFFFFF  }
0xc9: {  	(tm) =	ssettm $0x7FFFFFFF  }
tec
execute0_lowered:
.L_overlay_start_1:
0x0: {  	(tag) =	ssettag $0x1  }
0x1: {  	s5 =	rddreg [dreg:$0x0]  }
0x2: {  	s6 =	rddreg [dreg:$0x1]  }
0x3: {  	s1 =	rddreg [dreg:$0x2]  }
0x4: {  	s2 =	rddreg [dreg:$0x3]  }
0x5: {  	s7 =	rddreg [dreg:$0x4];
	s3 =	srdreg.scid  }
0x6: {  	s0 =	rddreg [dreg:$0x5];
	s4 =	simm.s32 $0x0;
	s12 =	simm.s32 $0x40  }
0x7: {  	s13 =	simm.s32 $0x400;
	s14 =	simm.s32 $0x4400;
	s15 =	simm.s32 $0x2400  }
0x8: {  	s16 =	simm.s32 $0x240;
	s17 =	simm.s32 $0x6400;
	s18 =	simm.s32 $0x2  }
0x9: {  	s19 =	simm.s32 $0x4;
	s20 =	simm.s32 $0xA480;
	s21 =	simm.s32 $0x5  }
0xa: {  	s22 =	simm.s32 $0x0;
	s8 =	sand.u32 $0x1, s3;
	s3 =	stileid.u32  }
0xb: {  	[smem:$0x7FF] =	sst s4;
	s9 =	ssub.s32 $0x2, s8;
	s11 =	sshll.u32 s3, $0x7  }
0xc: {  	s8 =	sshll.u32 s8, $0x6;
	_ =	strace $0x80000047;
	s10 =	sshrl.u32 s9, $0x1  }
0xd: {  	s8 =	sor.u32 s8, s11;
	s11 =	simm.s32 $0x3;
	s9 =	ssub.s32 s9, s10  }
0xe: {  	s5 =	sadd.s32 s5, s8;
	s6 =	sadd.s32 s6, s8;
	s7 =	sadd.s32 s7, s8  }
0xf: {  	s10 =	simm.s32 $0x1;
	s8 =	smax.u32 s9, $0x1;
	s9 =	simm.s32 $0x200  }
.LBB2_1:
0x10: {  	[tilespmem:s4], [sflag:$0x1] =	stream.linear.gather [hbm4b:s5+s4], $0x200, $0x38;
	[tilespmem:$0xA680] =	vst v63  }
0x11: {  	_ = 	snop  }
0x12: {  	[tilespmem:s9], [sflag:$0x3] =	stream.linear.gather [hbm4b:s6+s4], $0x200, $0x38;
	[tilespmem:$0xA680] =	vst v63  }
0x13: {  	_ =	swait.ge [sflag:s10], $0x200  }
0x14: {  	[sflag:s10] =	ssyncset.done $0x0  }
0x15: {  	[sflag:s10] =	ssyncadd.s32 $0xFFFFFE00  }
0x16: {  	_ =	swait.ge [sflag:s11], $0x200  }
0x17: {  	[sflag:s11] =	ssyncset.done $0x0  }
0x18: {  	[sflag:s11] =	ssyncadd.s32 $0xFFFFFE00  }
0x19: {  	[tilespmem:s13], [sflag:$0x1] =	stream.indirect.gather [hbm4b:s1+s12], $0x80, s4, s12, $0xb8;
	[tilespmem:$0xA680] =	vst v63  }
0x1a: {  	_ = 	snop  }
0x1b: {  	[tilespmem:s14], [sflag:$0x3] =	stream.indirect.gather [hbm4b:s2+s12], $0x80, s9, s12, $0xb8;
	[tilespmem:$0xA680] =	vst v63  }
0x1c: {  	_ = 	snop  }
0x1d: {  	[tilespmem:s15], [sflag:$0x2] =	stream.indirect.gather [hbm4b:s1+s12], $0x80, s12, s12, $0xb8;
	[tilespmem:$0xA680] =	vst v63  }
0x1e: {  	s23 =	simm.s32 $0x0  }
0x1f: {  	[tilespmem:s17], [sflag:$0x4] =	stream.indirect.gather [hbm4b:s2+s12], $0x80, s16, s12, $0xb8;
	[tilespmem:$0xA680] =	vst v63  }
.LBB2_2:
0x20: {  	_ =	swait.ge [sflag:s10], $0x2000  }
0x21: {  	[sflag:s10] =	ssyncset.done $0x0  }
0x22: {  	s24 =	sshll.u32 s23, $0x7;
	[sflag:s10] =	ssyncadd.s32 $0xFFFFE000  }
0x23: {  	s25 =	sand.u32 $0x3FFFFF80, s24;
	_ =	swait.ge [sflag:s11], $0x2000  }
0x24: {  	s26 =	sadd.s32 $0xA480, s25;
	[sflag:s11] =	ssyncset.done $0x0  }
0x25: {  	s24 =	simm.s32 $0x0;
	v0 =	vmov s26;
	[sflag:s11] =	ssyncadd.s32 $0xFFFFE000  }
.LBB2_3:
0x26: {  	s26 =	sshll.u32 s24, $0xB  }
0x27: {  	v1 =	vld [tilespmem:s26+$0x400]  }
0x28: {  	v2 =	vld [tilespmem:s26+$0x4400]  }
0x29: {  	v3 =	vld [tilespmem:s26+$0x410]  }
0x2a: {  	v4 =	vld [tilespmem:s26+$0x4410]  }
0x2b: {  	v5 =	vld [tilespmem:s26+$0x420]  }
0x2c: {  	v6 =	vld [tilespmem:s26+$0x4420]  }
0x2d: {  	v7 =	vld [tilespmem:s26+$0x430]  }
0x2e: {  	v8 =	vld [tilespmem:s26+$0x4430]  }
0x2f: {  	v9 =	vld [tilespmem:s26+$0x440]  }
0x30: {  	v10 =	vld [tilespmem:s26+$0x4440]  }
0x31: {  	v11 =	vld [tilespmem:s26+$0x450]  }
0x32: {  	v12 =	vld [tilespmem:s26+$0x4450]  }
0x33: {  	v13 =	vld [tilespmem:s26+$0x460]  }
0x34: {  	v14 =	vld [tilespmem:s26+$0x4460]  }
0x35: {  	v15 =	vld [tilespmem:s26+$0x470]  }
0x36: {  	v16 =	vld [tilespmem:s26+$0x4470]  }
0x37: {  	v17 =	vld [tilespmem:s26+$0x480]  }
0x38: {  	v18 =	vld [tilespmem:s26+$0x4480]  }
0x39: {  	v19 =	vld [tilespmem:s26+$0x490]  }
0x3a: {  	v20 =	vld [tilespmem:s26+$0x4490]  }
0x3b: {  	v21 =	vld [tilespmem:s26+$0x4A0]  }
0x3c: {  	v22 =	vld [tilespmem:s26+$0x44A0]  }
0x3d: {  	v23 =	vld [tilespmem:s26+$0x4B0]  }
0x3e: {  	v24 =	vld [tilespmem:s26+$0x44B0]  }
0x3f: {  	v25 =	vld [tilespmem:s26+$0x4C0]  }
0x40: {  	v26 =	vld [tilespmem:s26+$0x44C0]  }
0x41: {  	v27 =	vld [tilespmem:s26+$0x4D0]  }
0x42: {  	v28 =	vld [tilespmem:s26+$0x44D0]  }
0x43: {  	v29 =	vld [tilespmem:s26+$0x4E0]  }
0x44: {  	v30 =	vld [tilespmem:s26+$0x44E0]  }
0x45: {  	v31 =	vld [tilespmem:s26+$0x4F0]  }
0x46: {  	v32 =	vld [tilespmem:s26+$0x44F0]  }
0x47: {  	v33 =	vld [tilespmem:s26+$0x500]  }
0x48: {  	v34 =	vld [tilespmem:s26+$0x4500]  }
0x49: {  	v35 =	vld [tilespmem:s26+$0x510]  }
0x4a: {  	v36 =	vld [tilespmem:s26+$0x4510]  }
0x4b: {  	v37 =	vld [tilespmem:s26+$0x520]  }
0x4c: {  	v38 =	vld [tilespmem:s26+$0x4520]  }
0x4d: {  	v39 =	vld [tilespmem:s26+$0x530]  }
0x4e: {  	v40 =	vld [tilespmem:s26+$0x4530]  }
0x4f: {  	v41 =	vld [tilespmem:s26+$0x540]  }
0x50: {  	v42 =	vld [tilespmem:s26+$0x4540]  }
0x51: {  	v43 =	vld [tilespmem:s26+$0x550]  }
0x52: {  	v44 =	vld [tilespmem:s26+$0x4550]  }
0x53: {  	v45 =	vld [tilespmem:s26+$0x560]  }
0x54: {  	v46 =	vld [tilespmem:s26+$0x4560]  }
0x55: {  	v47 =	vld [tilespmem:s26+$0x570]  }
0x56: {  	v48 =	vld [tilespmem:s26+$0x4570]  }
0x57: {  	v49 =	vld [tilespmem:s26+$0x580];
	v1 =	vmul.f32 v2, v1;
	v2 =	vmul.f32 v6, v5  }
0x58: {  	v50 =	vld [tilespmem:s26+$0x4580];
	v3 =	vmul.f32 v4, v3;
	v55 =	vmul.f32 v8, v7  }
0x59: {  	v54 =	vld [tilespmem:s26+$0x590];
	v57 =	vmul.f32 v12, v11;
	v59 =	vmul.f32 v18, v17  }
0x5a: {  	v56 =	vld [tilespmem:s26+$0x4590];
	v60 =	vmul.f32 v22, v21;
	v62 =	vmul.f32 v24, v23  }
0x5b: {  	v58 =	vld [tilespmem:s26+$0x5A0];
	v24 =	vmul.f32 v26, v25;
	v13 =	vmul.f32 v14, v13  }
0x5c: {  	v61 =	vld [tilespmem:s26+$0x45A0];
	v26 =	vmul.f32 v28, v27;
	v15 =	vmul.f32 v16, v15  }
0x5d: {  	v63 =	vld [tilespmem:s26+$0x5B0];
	v28 =	vmul.f32 v30, v29;
	v30 =	vmul.f32 v32, v31  }
0x5e: {  	v25 =	vld [tilespmem:s26+$0x45B0];
	v34 =	vmul.f32 v34, v33;
	v35 =	vmul.f32 v36, v35  }
0x5f: {  	v27 =	vld [tilespmem:s26+$0x5C0];
	v39 =	vmul.f32 v40, v39;
	v41 =	vmul.f32 v42, v41  }
0x60: {  	v29 =	vld [tilespmem:s26+$0x45C0];
	v1 =	vadd.f32 v2, v1;
	v2 =	vmul.f32 v10, v9;
	v3 =	vadd.f32 v55, v3  }
0x61: {  	v31 =	vld [tilespmem:s26+$0x5D0];
	v42 =	vmul.f32 v44, v43;
	v44 =	vmul.f32 v50, v49;
	v4 =	vadd.f32 v60, v59  }
0x62: {  	v32 =	vld [tilespmem:s26+$0x45D0];
	v8 =	vmul.f32 v61, v58;
	v1 =	vadd.f32 v2, v1;
	v3 =	vadd.f32 v57, v3  }
0x63: {  	v36 =	vld [tilespmem:s26+$0x5E0];
	v5 =	vmul.f32 v56, v54;
	v2 =	vmul.f32 v20, v19;
	v4 =	vadd.f32 v24, v4  }
0x64: {  	v40 =	vld [tilespmem:s26+$0x45E0];
	v56 =	vmul.f32 v48, v47;
	v1 =	vadd.f32 v13, v1;
	v3 =	vadd.f32 v15, v3  }
0x65: {  	v43 =	vld [tilespmem:s26+$0x5F0];
	v51 =	vadd.f32 v8, v44;
	v50 =	vmul.f32 v25, v63;
	v2 =	vadd.f32 v62, v2  }
0x66: {  	v49 =	vld [tilespmem:s26+$0x45F0];
	v4 =	vadd.f32 v28, v4;
	v1 =	vadd.f32 v3, v1;
	v3 =	vmul.f32 v38, v37  }
0x67: {  	v55 =	vmul.f32 v46, v45;
	v15 =	vadd.f32 v39, v35;
	v2 =	vadd.f32 v26, v2  }
0x68: {  	v54 =	vmul.f32 v32, v31;
	v5 =	vadd.f32 v50, v5;
	v3 =	vadd.f32 v3, v34  }
0x69: {  	v52 =	vmul.f32 v29, v27;
	v53 =	vadd.f32 v42, v15;
	v2 =	vadd.f32 v30, v2  }
0x6a: {  	v57 =	vmul.f32 v40, v36;
	v5 =	vadd.f32 v54, v5;
	v3 =	vadd.f32 v41, v3  }
0x6b: {  	v58 =	vmul.f32 v49, v43;
	v2 =	vadd.f32 v2, v4;
	v4 =	vadd.f32 v52, v51  }
0x6c: {  	v59 =	vadd.f32 v56, v53;
	v3 =	vadd.f32 v55, v3  }
0x6d: {  	v5 =	vadd.f32 v58, v5;
	v6 =	vadd.f32 v57, v4  }
0x6e: {  	[tilespmem:$0x8400] =	vst v1;
	v4 =	vadd.f32 v59, v3  }
0x6f: {  	[tilespmem:$0x8480] =	vst v2;
	v3 =	vadd.f32 v5, v6  }
0x70: {  	[tilespmem:$0x8500] =	vst v4  }
0x71: {  	[tilespmem:$0x8580] =	vst v3  }
0x72: {  	v5 =	vld [tilespmem:s26+$0x600]  }
0x73: {  	v6 =	vld [tilespmem:s26+$0x4600]  }
0x74: {  	v7 =	vld [tilespmem:s26+$0x610]  }
0x75: {  	v8 =	vld [tilespmem:s26+$0x4610]  }
0x76: {  	v9 =	vld [tilespmem:s26+$0x620]  }
0x77: {  	v60 =	vld [tilespmem:s26+$0x4620]  }
0x78: {  	v11 =	vld [tilespmem:s26+$0x630]  }
0x79: {  	v61 =	vld [tilespmem:s26+$0x4630]  }
0x7a: {  	v13 =	vld [tilespmem:s26+$0x640]  }
0x7b: {  	v62 =	vld [tilespmem:s26+$0x4640]  }
0x7c: {  	v15 =	vld [tilespmem:s26+$0x650]  }
0x7d: {  	v63 =	vld [tilespmem:s26+$0x4650]  }
0x7e: {  	v17 =	vld [tilespmem:s26+$0x660]  }
0x7f: {  	v18 =	vld [tilespmem:s26+$0x4660]  }
0x80: {  	v19 =	vld [tilespmem:s26+$0x670]  }
0x81: {  	v20 =	vld [tilespmem:s26+$0x4670]  }
0x82: {  	v21 =	vld [tilespmem:s26+$0x680]  }
0x83: {  	v57 =	vld [tilespmem:s26+$0x4680]  }
0x84: {  	v23 =	vld [tilespmem:s26+$0x690]  }
0x85: {  	v24 =	vld [tilespmem:s26+$0x4690]  }
0x86: {  	v58 =	vld [tilespmem:s26+$0x6A0]  }
0x87: {  	v59 =	vld [tilespmem:s26+$0x46A0]  }
0x88: {  	v27 =	vld [tilespmem:s26+$0x6B0]  }
0x89: {  	v28 =	vld [tilespmem:s26+$0x46B0]  }
0x8a: {  	v29 =	vld [tilespmem:s26+$0x6C0]  }
0x8b: {  	v30 =	vld [tilespmem:s26+$0x46C0]  }
0x8c: {  	v31 =	vld [tilespmem:s26+$0x6D0]  }
0x8d: {  	v32 =	vld [tilespmem:s26+$0x46D0]  }
0x8e: {  	v33 =	vld [tilespmem:s26+$0x6E0]  }
0x8f: {  	v34 =	vld [tilespmem:s26+$0x46E0]  }
0x90: {  	v35 =	vld [tilespmem:s26+$0x6F0]  }
0x91: {  	v36 =	vld [tilespmem:s26+$0x46F0]  }
0x92: {  	v37 =	vld [tilespmem:s26+$0x700]  }
0x93: {  	v38 =	vld [tilespmem:s26+$0x4700]  }
0x94: {  	v39 =	vld [tilespmem:s26+$0x710]  }
0x95: {  	v40 =	vld [tilespmem:s26+$0x4710]  }
0x96: {  	v41 =	vld [tilespmem:s26+$0x720]  }
0x97: {  	v42 =	vld [tilespmem:s26+$0x4720]  }
0x98: {  	v43 =	vld [tilespmem:s26+$0x730]  }
0x99: {  	v44 =	vld [tilespmem:s26+$0x4730]  }
0x9a: {  	v45 =	vld [tilespmem:s26+$0x740]  }
0x9b: {  	v46 =	vld [tilespmem:s26+$0x4740]  }
0x9c: {  	v47 =	vld [tilespmem:s26+$0x750]  }
0x9d: {  	v48 =	vld [tilespmem:s26+$0x4750]  }
0x9e: {  	v49 =	vld [tilespmem:s26+$0x760]  }
0x9f: {  	v50 =	vld [tilespmem:s26+$0x4760]  }
0xa0: {  	v51 =	vld [tilespmem:s26+$0x770]  }
0xa1: {  	v52 =	vld [tilespmem:s26+$0x4770]  }
0xa2: {  	v53 =	vld [tilespmem:s26+$0x780];
	v5 =	vmul.f32 v6, v5  }
0xa3: {  	v54 =	vld [tilespmem:s26+$0x4780];
	v60 =	vmul.f32 v60, v9;
	v7 =	vmul.f32 v8, v7  }
0xa4: {  	v10 =	vld [tilespmem:s26+$0x4790];
	v61 =	vmul.f32 v61, v11;
	v62 =	vmul.f32 v62, v13  }
0xa5: {  	v55 =	vld [tilespmem:s26+$0x7A0];
	v63 =	vmul.f32 v63, v15;
	v56 =	vmul.f32 v57, v21  }
0xa6: {  	v9 =	vld [tilespmem:s26+$0x790];
	v57 =	vmul.f32 v59, v58;
	v59 =	vmul.f32 v24, v23  }
0xa7: {  	v58 =	vld [tilespmem:s26+$0x47A0];
	v17 =	vmul.f32 v18, v17;
	v19 =	vmul.f32 v20, v19  }
0xa8: {  	v5 =	vadd.f32 v60, v5;
	v7 =	vadd.f32 v61, v7;
	v60 =	vmul.f32 v28, v27;
	v61 =	vld [tilespmem:s26+$0x7B0]  }
0xa9: {  	v28 =	vmul.f32 v32, v31;
	v31 =	vld [tilespmem:s26+$0x47C0];
	v32 =	vmul.f32 v36, v35  }
0xaa: {  	v35 =	vmul.f32 v38, v37;
	v36 =	vmul.f32 v40, v39;
	v37 =	vld [tilespmem:s26+$0x7E0]  }
0xab: {  	v8 =	vadd.f32 v57, v56;
	v38 =	vmul.f32 v42, v41;
	v39 =	vmul.f32 v44, v43;
	v40 =	vld [tilespmem:s26+$0x47E0]  }
0xac: {  	v5 =	vadd.f32 v62, v5;
	v7 =	vadd.f32 v63, v7;
	v62 =	vmul.f32 v30, v29;
	v63 =	vld [tilespmem:s26+$0x47B0]  }
0xad: {  	v41 =	vmul.f32 v46, v45;
	v42 =	vmul.f32 v48, v47;
	v6 =	vadd.f32 v60, v59;
	v29 =	vld [tilespmem:s26+$0x7C0]  }
0xae: {  	v44 =	vmul.f32 v54, v53;
	v30 =	vmul.f32 v34, v33;
	v33 =	vld [tilespmem:s26+$0x7D0];
	v8 =	vadd.f32 v62, v8  }
0xaf: {  	v34 =	vld [tilespmem:s26+$0x47D0];
	v12 =	vmul.f32 v58, v55;
	v5 =	vadd.f32 v17, v5;
	v6 =	vadd.f32 v28, v6  }
0xb0: {  	v43 =	vld [tilespmem:s26+$0x7F0];
	v56 =	vmul.f32 v52, v51;
	v7 =	vadd.f32 v19, v7;
	v19 =	vadd.f32 v39, v36  }
0xb1: {  	v45 =	vld [tilespmem:s26+$0x47F0];
	v9 =	vmul.f32 v10, v9;
	v47 =	vadd.f32 v12, v44;
	v8 =	vadd.f32 v30, v8  }
0xb2: {  	v6 =	vadd.f32 v32, v6;
	v5 =	vadd.f32 v7, v5;
	v46 =	vmul.f32 v63, v61  }
0xb3: {  	v55 =	vmul.f32 v50, v49;
	v7 =	vadd.f32 v38, v35;
	v53 =	vadd.f32 v42, v19  }
0xb4: {  	v48 =	vmul.f32 v31, v29;
	v54 =	vmul.f32 v34, v33;
	v9 =	vadd.f32 v46, v9  }
0xb5: {  	v57 =	vmul.f32 v40, v37;
	v6 =	vadd.f32 v6, v8;
	v7 =	vadd.f32 v41, v7  }
0xb6: {  	v58 =	vmul.f32 v45, v43;
	v8 =	vadd.f32 v48, v47;
	v9 =	vadd.f32 v54, v9  }
0xb7: {  	v59 =	vadd.f32 v56, v53;
	v7 =	vadd.f32 v55, v7  }
0xb8: {  	v10 =	vadd.f32 v57, v8;
	v9 =	vadd.f32 v58, v9  }
0xb9: {  	[tilespmem:$0x8600] =	vst v5;
	v8 =	vadd.f32 v59, v7  }
0xba: {  	[tilespmem:$0x8680] =	vst v6;
	v7 =	vadd.f32 v9, v10  }
0xbb: {  	[tilespmem:$0x8700] =	vst v8  }
0xbc: {  	[tilespmem:$0x8780] =	vst v7  }
0xbd: {  	v9 =	vld [tilespmem:s26+$0x800]  }
0xbe: {  	v10 =	vld [tilespmem:s26+$0x4800]  }
0xbf: {  	v11 =	vld [tilespmem:s26+$0x810]  }
0xc0: {  	v12 =	vld [tilespmem:s26+$0x4810]  }
0xc1: {  	v13 =	vld [tilespmem:s26+$0x820]  }
0xc2: {  	v60 =	vld [tilespmem:s26+$0x4820]  }
0xc3: {  	v15 =	vld [tilespmem:s26+$0x830]  }
0xc4: {  	v61 =	vld [tilespmem:s26+$0x4830]  }
0xc5: {  	v17 =	vld [tilespmem:s26+$0x840]  }
0xc6: {  	v62 =	vld [tilespmem:s26+$0x4840]  }
0xc7: {  	v19 =	vld [tilespmem:s26+$0x850]  }
0xc8: {  	v63 =	vld [tilespmem:s26+$0x4850]  }
0xc9: {  	v21 =	vld [tilespmem:s26+$0x860]  }
0xca: {  	v22 =	vld [tilespmem:s26+$0x4860]  }
0xcb: {  	v23 =	vld [tilespmem:s26+$0x870]  }
0xcc: {  	v24 =	vld [tilespmem:s26+$0x4870]  }
0xcd: {  	v25 =	vld [tilespmem:s26+$0x880]  }
0xce: {  	v26 =	vld [tilespmem:s26+$0x4880]  }
0xcf: {  	v27 =	vld [tilespmem:s26+$0x890]  }
0xd0: {  	v28 =	vld [tilespmem:s26+$0x4890]  }
0xd1: {  	v29 =	vld [tilespmem:s26+$0x8A0]  }
0xd2: {  	v30 =	vld [tilespmem:s26+$0x48A0]  }
0xd3: {  	v31 =	vld [tilespmem:s26+$0x8B0]  }
0xd4: {  	v32 =	vld [tilespmem:s26+$0x48B0]  }
0xd5: {  	v33 =	vld [tilespmem:s26+$0x8C0]  }
0xd6: {  	v34 =	vld [tilespmem:s26+$0x48C0]  }
0xd7: {  	v35 =	vld [tilespmem:s26+$0x8D0]  }
0xd8: {  	v36 =	vld [tilespmem:s26+$0x48D0]  }
0xd9: {  	v37 =	vld [tilespmem:s26+$0x8E0]  }
0xda: {  	v38 =	vld [tilespmem:s26+$0x48E0]  }
0xdb: {  	v39 =	vld [tilespmem:s26+$0x8F0]  }
0xdc: {  	v40 =	vld [tilespmem:s26+$0x48F0]  }
0xdd: {  	v41 =	vld [tilespmem:s26+$0x900]  }
0xde: {  	v42 =	vld [tilespmem:s26+$0x4900]  }
0xdf: {  	v43 =	vld [tilespmem:s26+$0x910]  }
0xe0: {  	v44 =	vld [tilespmem:s26+$0x4910]  }
0xe1: {  	v45 =	vld [tilespmem:s26+$0x920]  }
0xe2: {  	v46 =	vld [tilespmem:s26+$0x4920]  }
0xe3: {  	v47 =	vld [tilespmem:s26+$0x930]  }
0xe4: {  	v48 =	vld [tilespmem:s26+$0x4930]  }
0xe5: {  	v49 =	vld [tilespmem:s26+$0x940]  }
0xe6: {  	v50 =	vld [tilespmem:s26+$0x4940]  }
0xe7: {  	v51 =	vld [tilespmem:s26+$0x950]  }
0xe8: {  	v52 =	vld [tilespmem:s26+$0x4950]  }
0xe9: {  	v53 =	vld [tilespmem:s26+$0x960]  }
0xea: {  	v54 =	vld [tilespmem:s26+$0x4960]  }
0xeb: {  	v55 =	vld [tilespmem:s26+$0x970]  }
0xec: {  	v56 =	vld [tilespmem:s26+$0x4970]  }
0xed: {  	v57 =	vld [tilespmem:s26+$0x980]  }
0xee: {  	v16 =	vld [tilespmem:s26+$0x9A0];
	v9 =	vmul.f32 v10, v9  }
0xef: {  	v18 =	vld [tilespmem:s26+$0x49A0];
	v60 =	vmul.f32 v60, v13;
	v11 =	vmul.f32 v12, v11  }
0xf0: {  	v58 =	vld [tilespmem:s26+$0x4980];
	v61 =	vmul.f32 v61, v15;
	v62 =	vmul.f32 v62, v17  }
0xf1: {  	v14 =	vld [tilespmem:s26+$0x4990];
	v63 =	vmul.f32 v63, v19;
	v26 =	vmul.f32 v26, v25  }
0xf2: {  	v13 =	vld [tilespmem:s26+$0x990];
	v30 =	vmul.f32 v30, v29;
	v59 =	vmul.f32 v28, v27  }
0xf3: {  	v21 =	vmul.f32 v22, v21;
	v23 =	vmul.f32 v24, v23;
	v11 =	vadd.f32 v61, v11;
	v61 =	vld [tilespmem:s26+$0x9B0]  }
0xf4: {  	v16 =	vmul.f32 v18, v16;
	v9 =	vadd.f32 v60, v9;
	v60 =	vmul.f32 v32, v31;
	v32 =	vld [tilespmem:s26+$0x9C0]  }
0xf5: {  	v12 =	vadd.f32 v30, v26;
	v31 =	vmul.f32 v36, v35;
	v35 =	vmul.f32 v40, v39;
	v36 =	vld [tilespmem:s26+$0x9D0]  }
0xf6: {  	v39 =	vmul.f32 v44, v43;
	v40 =	vld [tilespmem:s26+$0x9E0];
	v44 =	vmul.f32 v50, v49;
	v9 =	vadd.f32 v62, v9  }
0xf7: {  	v43 =	vld [tilespmem:s26+$0x49E0];
	v11 =	vadd.f32 v63, v11;
	v62 =	vmul.f32 v34, v33;
	v33 =	vmul.f32 v38, v37  }
0xf8: {  	v63 =	vld [tilespmem:s26+$0x49B0];
	v10 =	vadd.f32 v60, v59;
	v38 =	vmul.f32 v42, v41;
	v41 =	vmul.f32 v46, v45  }
0xf9: {  	v34 =	vld [tilespmem:s26+$0x49C0];
	v42 =	vmul.f32 v48, v47;
	v45 =	vmul.f32 v52, v51;
	v12 =	vadd.f32 v62, v12  }
0xfa: {  	v37 =	vld [tilespmem:s26+$0x49D0];
	v47 =	vmul.f32 v58, v57;
	v9 =	vadd.f32 v21, v9;
	v10 =	vadd.f32 v31, v10  }
0xfb: {  	v46 =	vld [tilespmem:s26+$0x9F0];
	v58 =	vmul.f32 v54, v53;
	v11 =	vadd.f32 v23, v11;
	v23 =	vadd.f32 v42, v39  }
0xfc: {  	v48 =	vld [tilespmem:s26+$0x49F0];
	v13 =	vmul.f32 v14, v13;
	v50 =	vadd.f32 v16, v47;
	v12 =	vadd.f32 v33, v12  }
0xfd: {  	v10 =	vadd.f32 v35, v10;
	v9 =	vadd.f32 v11, v9;
	v49 =	vmul.f32 v63, v61  }
0xfe: {  	v59 =	vmul.f32 v56, v55;
	v11 =	vadd.f32 v41, v38;
	v52 =	vadd.f32 v45, v23  }
0xff: {  	v51 =	vmul.f32 v34, v32;
	v57 =	vmul.f32 v37, v36;
	v13 =	vadd.f32 v49, v13  }
0x100: {  	v60 =	vmul.f32 v43, v40;
	v10 =	vadd.f32 v10, v12;
	v11 =	vadd.f32 v44, v11  }
0x101: {  	v61 =	vmul.f32 v48, v46;
	v12 =	vadd.f32 v51, v50;
	v13 =	vadd.f32 v57, v13  }
0x102: {  	v62 =	vadd.f32 v59, v52;
	v11 =	vadd.f32 v58, v11  }
0x103: {  	v14 =	vadd.f32 v60, v12;
	v13 =	vadd.f32 v61, v13  }
0x104: {  	[tilespmem:$0x8800] =	vst v9;
	v12 =	vadd.f32 v62, v11  }
0x105: {  	[tilespmem:$0x8880] =	vst v10;
	v11 =	vadd.f32 v13, v14  }
0x106: {  	[tilespmem:$0x8900] =	vst v12  }
0x107: {  	[tilespmem:$0x8980] =	vst v11  }
0x108: {  	v13 =	vld [tilespmem:s26+$0xA00]  }
0x109: {  	v14 =	vld [tilespmem:s26+$0x4A00]  }
0x10a: {  	v15 =	vld [tilespmem:s26+$0xA10]  }
0x10b: {  	v16 =	vld [tilespmem:s26+$0x4A10]  }
0x10c: {  	v17 =	vld [tilespmem:s26+$0xA20]  }
0x10d: {  	v18 =	vld [tilespmem:s26+$0x4A20]  }
0x10e: {  	v19 =	vld [tilespmem:s26+$0xA30]  }
0x10f: {  	v20 =	vld [tilespmem:s26+$0x4A30]  }
0x110: {  	v21 =	vld [tilespmem:s26+$0xA40]  }
0x111: {  	v22 =	vld [tilespmem:s26+$0x4A40]  }
0x112: {  	v23 =	vld [tilespmem:s26+$0xA50]  }
0x113: {  	v24 =	vld [tilespmem:s26+$0x4A50]  }
0x114: {  	v25 =	vld [tilespmem:s26+$0xA60]  }
0x115: {  	v26 =	vld [tilespmem:s26+$0x4A60]  }
0x116: {  	v27 =	vld [tilespmem:s26+$0xA70]  }
0x117: {  	v28 =	vld [tilespmem:s26+$0x4A70]  }
0x118: {  	v29 =	vld [tilespmem:s26+$0xA80]  }
0x119: {  	v30 =	vld [tilespmem:s26+$0x4A80]  }
0x11a: {  	v31 =	vld [tilespmem:s26+$0xA90]  }
0x11b: {  	v32 =	vld [tilespmem:s26+$0x4A90]  }
0x11c: {  	v33 =	vld [tilespmem:s26+$0xAA0]  }
0x11d: {  	v34 =	vld [tilespmem:s26+$0x4AA0]  }
0x11e: {  	v35 =	vld [tilespmem:s26+$0xAB0]  }
0x11f: {  	v36 =	vld [tilespmem:s26+$0x4AB0]  }
0x120: {  	v37 =	vld [tilespmem:s26+$0xAC0]  }
0x121: {  	v38 =	vld [tilespmem:s26+$0x4AC0]  }
0x122: {  	v39 =	vld [tilespmem:s26+$0xAD0]  }
0x123: {  	v40 =	vld [tilespmem:s26+$0x4AD0]  }
0x124: {  	v41 =	vld [tilespmem:s26+$0xAE0]  }
0x125: {  	v42 =	vld [tilespmem:s26+$0x4AE0]  }
0x126: {  	v43 =	vld [tilespmem:s26+$0xAF0]  }
0x127: {  	v44 =	vld [tilespmem:s26+$0x4AF0]  }
0x128: {  	v45 =	vld [tilespmem:s26+$0xB00]  }
0x129: {  	v46 =	vld [tilespmem:s26+$0x4B00]  }
0x12a: {  	v47 =	vld [tilespmem:s26+$0xB10]  }
0x12b: {  	v48 =	vld [tilespmem:s26+$0x4B10]  }
0x12c: {  	v49 =	vld [tilespmem:s26+$0xB20]  }
0x12d: {  	v50 =	vld [tilespmem:s26+$0x4B20]  }
0x12e: {  	v51 =	vld [tilespmem:s26+$0xB30]  }
0x12f: {  	v52 =	vld [tilespmem:s26+$0x4B30]  }
0x130: {  	v53 =	vld [tilespmem:s26+$0xB40]  }
0x131: {  	v54 =	vld [tilespmem:s26+$0x4B40]  }
0x132: {  	v55 =	vld [tilespmem:s26+$0xB50]  }
0x133: {  	v56 =	vld [tilespmem:s26+$0x4B50]  }
0x134: {  	v57 =	vld [tilespmem:s26+$0xB60]  }
0x135: {  	v58 =	vld [tilespmem:s26+$0x4B60]  }
0x136: {  	v59 =	vld [tilespmem:s26+$0xB70]  }
0x137: {  	v60 =	vld [tilespmem:s26+$0x4B70]  }
0x138: {  	v61 =	vld [tilespmem:s26+$0xB80]  }
0x139: {  	v62 =	vld [tilespmem:s26+$0x4B80]  }
0x13a: {  	v63 =	vmul.f32 v18, v17;
	v17 =	vld [tilespmem:s26+$0xB90]  }
0x13b: {  	v18 =	vld [tilespmem:s26+$0x4B90]  }
0x13c: {  	v15 =	vmul.f32 v16, v15;
	v16 =	vmul.f32 v20, v19;
	v20 =	vld [tilespmem:s26+$0xBA0]  }
0x13d: {  	v35 =	vmul.f32 v36, v35;
	v36 =	vmul.f32 v38, v37;
	v37 =	vld [tilespmem:s26+$0x4BB0]  }
0x13e: {  	v38 =	vmul.f32 v40, v39;
	v39 =	vld [tilespmem:s26+$0xBC0]  }
0x13f: {  	v40 =	vmul.f32 v42, v41;
	v41 =	vld [tilespmem:s26+$0x4BC0]  }
0x140: {  	v42 =	vmul.f32 v44, v43;
	v43 =	vld [tilespmem:s26+$0xBD0]  }
0x141: {  	v13 =	vmul.f32 v14, v13;
	v19 =	vmul.f32 v24, v23;
	v44 =	vld [tilespmem:s26+$0x4BD0]  }
0x142: {  	v30 =	vmul.f32 v30, v29;
	v47 =	vmul.f32 v48, v47;
	v48 =	vld [tilespmem:s26+$0xBE0]  }
0x143: {  	v33 =	vmul.f32 v34, v33;
	v51 =	vmul.f32 v52, v51;
	v52 =	vld [tilespmem:s26+$0x4BE0]  }
0x144: {  	v34 =	vmul.f32 v32, v31;
	v46 =	vmul.f32 v46, v45;
	v45 =	vld [tilespmem:$0x8608]  }
0x145: {  	v50 =	vmul.f32 v50, v49;
	v55 =	vmul.f32 v56, v55;
	v49 =	vld [tilespmem:$0x8808]  }
0x146: {  	v56 =	vld [tilespmem:s26+$0xBF0];
	v13 =	vadd.f32 v63, v13;
	v63 =	vmul.f32 v22, v21;
	v15 =	vadd.f32 v16, v15  }
0x147: {  	v61 =	vmul.f32 v62, v61;
	v62 =	vld [tilespmem:s26+$0x4BF0];
	v16 =	vadd.f32 v33, v30;
	v14 =	vadd.f32 v35, v34  }
0x148: {  	v25 =	vmul.f32 v26, v25;
	v22 =	vld [tilespmem:s26+$0x4BA0];
	v13 =	vadd.f32 v63, v13;
	v15 =	vadd.f32 v19, v15  }
0x149: {  	v27 =	vmul.f32 v28, v27;
	v63 =	vld [tilespmem:s26+$0xBB0];
	v16 =	vadd.f32 v36, v16;
	v14 =	vadd.f32 v38, v14  }
0x14a: {  	v35 =	vmul.f32 v44, v43;
	v43 =	vld [tilespmem:$0x8508];
	v5 =	vadd.f32 v45, v5;
	v9 =	vadd.f32 v49, v9  }
0x14b: {  	v44 =	vld [tilespmem:$0x8588];
	v13 =	vadd.f32 v25, v13;
	v15 =	vadd.f32 v27, v15  }
0x14c: {  	v38 =	vmul.f32 v52, v48;
	v48 =	vld [tilespmem:$0x8788];
	v16 =	vadd.f32 v40, v16;
	v14 =	vadd.f32 v42, v14  }
0x14d: {  	v52 =	vld [tilespmem:$0x8988];
	[tilespmem:$0x8E00] =	vst v5;
	v13 =	vadd.f32 v15, v13  }
0x14e: {  	v40 =	vld [tilespmem:$0x8408];
	[tilespmem:$0x9000] =	vst v9;
	v14 =	vadd.f32 v14, v16  }
0x14f: {  	v42 =	vld [tilespmem:$0x8488];
	[tilespmem:$0x8A00] =	vst v13;
	v4 =	vadd.f32 v43, v4  }
0x150: {  	v27 =	vadd.f32 v51, v47;
	v47 =	vld [tilespmem:$0x8708];
	[tilespmem:$0x8A80] =	vst v14;
	v3 =	vadd.f32 v44, v3  }
0x151: {  	v54 =	vmul.f32 v54, v53;
	v51 =	vld [tilespmem:$0x8908];
	v7 =	vadd.f32 v48, v7;
	[tilespmem:$0x8D00] =	vst v4  }
0x152: {  	v20 =	vmul.f32 v22, v20;
	v15 =	vadd.f32 v50, v46;
	v46 =	vld [tilespmem:$0x8688];
	v11 =	vadd.f32 v52, v11;
	[tilespmem:$0x8D80] =	vst v3  }
0x153: {  	v17 =	vmul.f32 v18, v17;
	v34 =	vadd.f32 v55, v27;
	v50 =	vld [tilespmem:$0x8888];
	v1 =	vadd.f32 v40, v1;
	[tilespmem:$0x8F80] =	vst v7  }
0x154: {  	v25 =	vld [tilespmem:$0x9004];
	v63 =	vmul.f32 v37, v63;
	v24 =	vadd.f32 v20, v61;
	v2 =	vadd.f32 v42, v2;
	[tilespmem:$0x9180] =	vst v11  }
0x155: {  	v37 =	vmul.f32 v60, v59;
	v15 =	vadd.f32 v54, v15;
	v8 =	vadd.f32 v47, v8;
	[tilespmem:$0x8C00] =	vst v1  }
0x156: {  	v36 =	vmul.f32 v58, v57;
	v61 =	vld [tilespmem:$0x8E04];
	v17 =	vadd.f32 v63, v17;
	v12 =	vadd.f32 v51, v12;
	[tilespmem:$0x8C80] =	vst v2  }
0x157: {  	v30 =	vmul.f32 v41, v39;
	v41 =	vadd.f32 v37, v34;
	v53 =	vld [tilespmem:$0x8A08];
	v6 =	vadd.f32 v46, v6;
	[tilespmem:$0x8F00] =	vst v8  }
0x158: {  	v54 =	vld [tilespmem:$0x8A88];
	v15 =	vadd.f32 v36, v15;
	v10 =	vadd.f32 v50, v10;
	[tilespmem:$0x9100] =	vst v12  }
0x159: {  	v16 =	vadd.f32 v30, v24;
	v9 =	vadd.f32 v25, v9;
	[tilespmem:$0x8E80] =	vst v6  }
0x15a: {  	v39 =	vmul.f32 v62, v56;
	v17 =	vadd.f32 v35, v17;
	v59 =	vld [tilespmem:$0x8D04];
	v15 =	vadd.f32 v41, v15;
	[tilespmem:$0x9080] =	vst v10  }
0x15b: {  	v16 =	vadd.f32 v38, v16;
	v60 =	vld [tilespmem:$0x8D84];
	v5 =	vadd.f32 v61, v5;
	[tilespmem:$0x9800] =	vst v9  }
0x15c: {  	v24 =	vld [tilespmem:$0x8F84];
	v17 =	vadd.f32 v39, v17;
	[tilespmem:$0x8B00] =	vst v15;
	v13 =	vadd.f32 v53, v13  }
0x15d: {  	v28 =	vld [tilespmem:$0x9184];
	v14 =	vadd.f32 v54, v14;
	[tilespmem:$0x9600] =	vst v5  }
0x15e: {  	v57 =	vld [tilespmem:$0x8C04];
	v16 =	vadd.f32 v17, v16;
	[tilespmem:$0x9200] =	vst v13  }
0x15f: {  	v58 =	vld [tilespmem:$0x8C84];
	[tilespmem:$0x9280] =	vst v14;
	v4 =	vadd.f32 v59, v4  }
0x160: {  	v63 =	vld [tilespmem:$0x8F04];
	v3 =	vadd.f32 v60, v3;
	[tilespmem:$0x8B80] =	vst v16  }
0x161: {  	v27 =	vld [tilespmem:$0x9104];
	v7 =	vadd.f32 v24, v7;
	[tilespmem:$0x9500] =	vst v4  }
0x162: {  	v62 =	vld [tilespmem:$0x8E84];
	v11 =	vadd.f32 v28, v11;
	[tilespmem:$0x9580] =	vst v3  }
0x163: {  	v26 =	vld [tilespmem:$0x9084];
	v1 =	vadd.f32 v57, v1;
	[tilespmem:$0x9780] =	vst v7  }
0x164: {  	v41 =	vld [tilespmem:$0x9802];
	v2 =	vadd.f32 v58, v2;
	[tilespmem:$0x9980] =	vst v11  }
0x165: {  	v55 =	vld [tilespmem:$0x8B08];
	v8 =	vadd.f32 v63, v8;
	[tilespmem:$0x9400] =	vst v1  }
0x166: {  	v37 =	vld [tilespmem:$0x9602];
	v12 =	vadd.f32 v27, v12;
	[tilespmem:$0x9480] =	vst v2  }
0x167: {  	v29 =	vld [tilespmem:$0x9204];
	v6 =	vadd.f32 v62, v6;
	[tilespmem:$0x9700] =	vst v8  }
0x168: {  	v30 =	vld [tilespmem:$0x9284];
	v10 =	vadd.f32 v26, v10;
	[tilespmem:$0x9900] =	vst v12  }
0x169: {  	v56 =	vld [tilespmem:$0x8B88];
	v9 =	vadd.f32 v41, v9;
	[tilespmem:$0x9680] =	vst v6  }
0x16a: {  	v35 =	vld [tilespmem:$0x9502];
	v15 =	vadd.f32 v55, v15;
	[tilespmem:$0x9880] =	vst v10  }
0x16b: {  	v36 =	vld [tilespmem:$0x9582];
	v5 =	vadd.f32 v37, v5;
	[tilespmem:$0xA000] =	vst v9  }
0x16c: {  	v40 =	vld [tilespmem:$0x9782];
	[tilespmem:$0x9300] =	vst v15;
	v13 =	vadd.f32 v29, v13  }
0x16d: {  	v44 =	vld [tilespmem:$0x9982];
	v14 =	vadd.f32 v30, v14;
	[tilespmem:$0x9E00] =	vst v5  }
0x16e: {  	v33 =	vld [tilespmem:$0x9402];
	v16 =	vadd.f32 v56, v16;
	[tilespmem:$0x9A00] =	vst v13  }
0x16f: {  	v34 =	vld [tilespmem:$0x9482];
	[tilespmem:$0x9A80] =	vst v14;
	v4 =	vadd.f32 v35, v4  }
0x170: {  	v39 =	vld [tilespmem:$0x9702];
	v3 =	vadd.f32 v36, v3;
	[tilespmem:$0x9380] =	vst v16  }
0x171: {  	v43 =	vld [tilespmem:$0x9902];
	v7 =	vadd.f32 v40, v7;
	[tilespmem:$0x9D00] =	vst v4  }
0x172: {  	v38 =	vld [tilespmem:$0x9682];
	v11 =	vadd.f32 v44, v11;
	[tilespmem:$0x9D80] =	vst v3  }
0x173: {  	v31 =	vld [tilespmem:$0x9304];
	v1 =	vadd.f32 v33, v1;
	[tilespmem:$0x9F80] =	vst v7  }
0x174: {  	v42 =	vld [tilespmem:$0x9882];
	v2 =	vadd.f32 v34, v2;
	[tilespmem:$0xA180] =	vst v11  }
0x175: {  	v8 =	vadd.f32 v39, v8;
	v45 =	vld [tilespmem:$0x9A02];
	[tilespmem:$0x9C00] =	vst v1  }
0x176: {  	v46 =	vld [tilespmem:$0x9A82];
	v12 =	vadd.f32 v43, v12;
	[tilespmem:$0x9C80] =	vst v2  }
0x177: {  	v32 =	vld [tilespmem:$0x9384];
	v6 =	vadd.f32 v38, v6;
	[tilespmem:$0x9F00] =	vst v8  }
0x178: {  	[tilespmem:$0xA100] =	vst v12;
	v15 =	vadd.f32 v31, v15;
	v49 =	vld [tilespmem:$0x9C01]  }
0x179: {  	v10 =	vadd.f32 v42, v10;
	v50 =	vld [tilespmem:$0x9C81];
	[tilespmem:$0x9E80] =	vst v6  }
0x17a: {  	v51 =	vld [tilespmem:$0x9D01];
	[tilespmem:$0x9B00] =	vst v15;
	v13 =	vadd.f32 v45, v13  }
0x17b: {  	[tilespmem:$0xA080] =	vst v10;
	v14 =	vadd.f32 v46, v14;
	v47 =	vld [tilespmem:$0x9B02]  }
0x17c: {  	v52 =	vld [tilespmem:$0x9D81];
	v16 =	vadd.f32 v32, v16;
	[tilespmem:$0xA200] =	vst v13  }
0x17d: {  	v53 =	vld [tilespmem:$0x9E01];
	[tilespmem:$0xA280] =	vst v14;
	v1 =	vadd.f32 v49, v1  }
0x17e: {  	v54 =	vld [tilespmem:$0x9E81];
	[tilespmem:$0x9B80] =	vst v16;
	v2 =	vadd.f32 v50, v2  }
0x17f: {  	v4 =	vadd.f32 v51, v4;
	v48 =	vld [tilespmem:$0x9B82];
	[tilespmem:$0xA400] =	vst v1  }
0x180: {  	v55 =	vld [tilespmem:$0x9F01];
	v15 =	vadd.f32 v47, v15;
	[tilespmem:$0xA401] =	vst v2  }
0x181: {  	v3 =	vadd.f32 v52, v3;
	v1 =	vld [tilespmem:$0x9F81];
	[tilespmem:$0xA402] =	vst v4  }
0x182: {  	v5 =	vadd.f32 v53, v5;
	v2 =	vld [tilespmem:$0xA001];
	[tilespmem:$0xA300] =	vst v15  }
0x183: {  	v56 =	vld [tilespmem:$0xA081];
	v57 =	vadd.f32 v54, v6;
	[tilespmem:$0xA403] =	vst v3  }
0x184: {  	v58 =	vld [tilespmem:$0xA101];
	v16 =	vadd.f32 v48, v16;
	[tilespmem:$0xA404] =	vst v5  }
0x185: {  	v59 =	vld [tilespmem:$0xA181];
	v3 =	vadd.f32 v55, v8;
	[tilespmem:$0xA405] =	vst v57  }
0x186: {  	v60 =	vld [tilespmem:$0xA201];
	v1 =	vadd.f32 v1, v7;
	[tilespmem:$0xA380] =	vst v16  }
0x187: {  	v61 =	vld [tilespmem:$0xA281];
	v2 =	vadd.f32 v2, v9;
	[tilespmem:$0xA406] =	vst v3  }
0x188: {  	v62 =	vld [tilespmem:$0xA301];
	v3 =	vadd.f32 v56, v10;
	[tilespmem:$0xA407] =	vst v1  }
0x189: {  	v1 =	vadd.f32 v58, v12;
	v63 =	vld [tilespmem:$0xA381];
	[tilespmem:$0xA408] =	vst v2  }
0x18a: {  	v2 =	vadd.f32 v59, v11;
	[tilespmem:$0xA409] =	vst v3  }
0x18b: {  	v3 =	vadd.f32 v60, v13;
	[tilespmem:$0xA40A] =	vst v1  }
0x18c: {  	v1 =	vadd.f32 v61, v14;
	[tilespmem:$0xA40B] =	vst v2  }
0x18d: {  	v2 =	vadd.f32 v62, v15;
	[tilespmem:$0xA40C] =	vst v3  }
0x18e: {  	v3 =	vadd.f32 v63, v16;
	[tilespmem:$0xA40D] =	vst v1  }
0x18f: {  	[tilespmem:$0xA40E] =	vst v2  }
0x190: {  	[tilespmem:$0xA40F] =	vst v3  }
0x191: {  	p0 =	sne.s32 s24, $0x3;
	v1 =	vld [tilespmem:$0xA400]  }
.Ltmp0:
0x192: {  	_ = 	snop;
	(pc) =	sbr.rel @p0 .LBB2_3-.Ltmp0, $4  }
0x193: {  	_ = 	snop  }
0x194: {  	s31 =	sshll.u32 s24, $0x4  }
0x195: {  	s26 =	sand.u32 $0x3FFFFFF0, s31  }
0x196: {  	s24 =	sadd.s32 $0x1, s24;
	[tilespmem:v0+s26+$0x0 ss:$0x1] =	vst.idx.msk $0xffff, v1  }
0x197: {  	p0 =	seq.s32 s23, $0x3  }
0x198: {  	s24 =	sshll.u32 @!p0 s23, $0x7  }
0x199: {  	s28 =	simm.s32 @!p0 $0x40;
	s29 =	simm.s32 @!p0 $0x400;
	s26 =	sadd.s32 @!p0 $0x80, s24  }
0x19a: {  	[tilespmem:s29], [sflag:$0x1] =	stream.indirect.gather @!p0 [hbm4b:s1+s28], $0x80, s26, s28, $0xb8;
	[tilespmem:$0xA680] =	vst v63  }
0x19b: {  	s26 =	sadd.s32 @!p0 $0x280, s24;
	s29 =	simm.s32 @!p0 $0x4400  }
0x19c: {  	[tilespmem:s29], [sflag:$0x3] =	stream.indirect.gather @!p0 [hbm4b:s2+s28], $0x80, s26, s28, $0xb8;
	[tilespmem:$0xA680] =	vst v63  }
0x19d: {  	_ =	swait.ge [sflag:s18], $0x2000  }
0x19e: {  	[sflag:s18] =	ssyncset.done $0x0  }
0x19f: {  	[sflag:s18] =	ssyncadd.s32 $0xFFFFE000  }
0x1a0: {  	_ =	swait.ge [sflag:s19], $0x2000  }
0x1a1: {  	s31 =	sadd.s32 $0xA4C0, s25;
	[sflag:s19] =	ssyncset.done $0x0  }
0x1a2: {  	s25 =	simm.s32 $0x0;
	s23 =	sadd.s32 $0x1, s23;
	v0 =	vmov s31;
	[sflag:s19] =	ssyncadd.s32 $0xFFFFE000  }
.LBB2_5:
0x1a3: {  	s26 =	sshll.u32 s25, $0xB  }
0x1a4: {  	v1 =	vld [tilespmem:s26+$0x2400]  }
0x1a5: {  	v2 =	vld [tilespmem:s26+$0x6400]  }
0x1a6: {  	v3 =	vld [tilespmem:s26+$0x2410]  }
0x1a7: {  	v4 =	vld [tilespmem:s26+$0x6410]  }
0x1a8: {  	v5 =	vld [tilespmem:s26+$0x2420]  }
0x1a9: {  	v6 =	vld [tilespmem:s26+$0x6420]  }
0x1aa: {  	v7 =	vld [tilespmem:s26+$0x2430]  }
0x1ab: {  	v8 =	vld [tilespmem:s26+$0x6430]  }
0x1ac: {  	v9 =	vld [tilespmem:s26+$0x2440]  }
0x1ad: {  	v10 =	vld [tilespmem:s26+$0x6440]  }
0x1ae: {  	v11 =	vld [tilespmem:s26+$0x2450]  }
0x1af: {  	v12 =	vld [tilespmem:s26+$0x6450]  }
0x1b0: {  	v13 =	vld [tilespmem:s26+$0x2460]  }
0x1b1: {  	v14 =	vld [tilespmem:s26+$0x6460]  }
0x1b2: {  	v15 =	vld [tilespmem:s26+$0x2470]  }
0x1b3: {  	v16 =	vld [tilespmem:s26+$0x6470]  }
0x1b4: {  	v17 =	vld [tilespmem:s26+$0x2480]  }
0x1b5: {  	v18 =	vld [tilespmem:s26+$0x6480]  }
0x1b6: {  	v19 =	vld [tilespmem:s26+$0x2490]  }
0x1b7: {  	v20 =	vld [tilespmem:s26+$0x6490]  }
0x1b8: {  	v21 =	vld [tilespmem:s26+$0x24A0]  }
0x1b9: {  	v22 =	vld [tilespmem:s26+$0x64A0]  }
0x1ba: {  	v23 =	vld [tilespmem:s26+$0x24B0]  }
0x1bb: {  	v24 =	vld [tilespmem:s26+$0x64B0]  }
0x1bc: {  	v25 =	vld [tilespmem:s26+$0x24C0]  }
0x1bd: {  	v26 =	vld [tilespmem:s26+$0x64C0]  }
0x1be: {  	v27 =	vld [tilespmem:s26+$0x24D0]  }
0x1bf: {  	v28 =	vld [tilespmem:s26+$0x64D0]  }
0x1c0: {  	v29 =	vld [tilespmem:s26+$0x24E0]  }
0x1c1: {  	v30 =	vld [tilespmem:s26+$0x64E0]  }
0x1c2: {  	v31 =	vld [tilespmem:s26+$0x24F0]  }
0x1c3: {  	v32 =	vld [tilespmem:s26+$0x64F0]  }
0x1c4: {  	v33 =	vld [tilespmem:s26+$0x2500]  }
0x1c5: {  	v34 =	vld [tilespmem:s26+$0x6500]  }
0x1c6: {  	v35 =	vld [tilespmem:s26+$0x2510]  }
0x1c7: {  	v36 =	vld [tilespmem:s26+$0x6510]  }
0x1c8: {  	v37 =	vld [tilespmem:s26+$0x2520]  }
0x1c9: {  	v38 =	vld [tilespmem:s26+$0x6520]  }
0x1ca: {  	v39 =	vld [tilespmem:s26+$0x2530]  }
0x1cb: {  	v40 =	vld [tilespmem:s26+$0x6530]  }
0x1cc: {  	v41 =	vld [tilespmem:s26+$0x2540]  }
0x1cd: {  	v42 =	vld [tilespmem:s26+$0x6540]  }
0x1ce: {  	v43 =	vld [tilespmem:s26+$0x2550]  }
0x1cf: {  	v44 =	vld [tilespmem:s26+$0x6550]  }
0x1d0: {  	v45 =	vld [tilespmem:s26+$0x2560]  }
0x1d1: {  	v46 =	vld [tilespmem:s26+$0x6560]  }
0x1d2: {  	v47 =	vld [tilespmem:s26+$0x2570]  }
0x1d3: {  	v48 =	vld [tilespmem:s26+$0x6570]  }
0x1d4: {  	v49 =	vld [tilespmem:s26+$0x2580];
	v1 =	vmul.f32 v2, v1;
	v2 =	vmul.f32 v6, v5  }
0x1d5: {  	v50 =	vld [tilespmem:s26+$0x6580];
	v3 =	vmul.f32 v4, v3;
	v55 =	vmul.f32 v8, v7  }
0x1d6: {  	v54 =	vld [tilespmem:s26+$0x2590];
	v57 =	vmul.f32 v12, v11;
	v59 =	vmul.f32 v18, v17  }
0x1d7: {  	v56 =	vld [tilespmem:s26+$0x6590];
	v60 =	vmul.f32 v22, v21;
	v62 =	vmul.f32 v24, v23  }
0x1d8: {  	v58 =	vld [tilespmem:s26+$0x25A0];
	v24 =	vmul.f32 v26, v25;
	v13 =	vmul.f32 v14, v13  }
0x1d9: {  	v61 =	vld [tilespmem:s26+$0x65A0];
	v26 =	vmul.f32 v28, v27;
	v15 =	vmul.f32 v16, v15  }
0x1da: {  	v63 =	vld [tilespmem:s26+$0x25B0];
	v28 =	vmul.f32 v30, v29;
	v30 =	vmul.f32 v32, v31  }
0x1db: {  	v25 =	vld [tilespmem:s26+$0x65B0];
	v34 =	vmul.f32 v34, v33;
	v35 =	vmul.f32 v36, v35  }
0x1dc: {  	v27 =	vld [tilespmem:s26+$0x25C0];
	v39 =	vmul.f32 v40, v39;
	v41 =	vmul.f32 v42, v41  }
0x1dd: {  	v29 =	vld [tilespmem:s26+$0x65C0];
	v1 =	vadd.f32 v2, v1;
	v2 =	vmul.f32 v10, v9;
	v3 =	vadd.f32 v55, v3  }
0x1de: {  	v31 =	vld [tilespmem:s26+$0x25D0];
	v42 =	vmul.f32 v44, v43;
	v44 =	vmul.f32 v50, v49;
	v4 =	vadd.f32 v60, v59  }
0x1df: {  	v32 =	vld [tilespmem:s26+$0x65D0];
	v8 =	vmul.f32 v61, v58;
	v1 =	vadd.f32 v2, v1;
	v3 =	vadd.f32 v57, v3  }
0x1e0: {  	v36 =	vld [tilespmem:s26+$0x25E0];
	v5 =	vmul.f32 v56, v54;
	v2 =	vmul.f32 v20, v19;
	v4 =	vadd.f32 v24, v4  }
0x1e1: {  	v40 =	vld [tilespmem:s26+$0x65E0];
	v56 =	vmul.f32 v48, v47;
	v1 =	vadd.f32 v13, v1;
	v3 =	vadd.f32 v15, v3  }
0x1e2: {  	v43 =	vld [tilespmem:s26+$0x25F0];
	v51 =	vadd.f32 v8, v44;
	v50 =	vmul.f32 v25, v63;
	v2 =	vadd.f32 v62, v2  }
0x1e3: {  	v49 =	vld [tilespmem:s26+$0x65F0];
	v4 =	vadd.f32 v28, v4;
	v1 =	vadd.f32 v3, v1;
	v3 =	vmul.f32 v38, v37  }
0x1e4: {  	v55 =	vmul.f32 v46, v45;
	v15 =	vadd.f32 v39, v35;
	v2 =	vadd.f32 v26, v2  }
0x1e5: {  	v54 =	vmul.f32 v32, v31;
	v5 =	vadd.f32 v50, v5;
	v3 =	vadd.f32 v3, v34  }
0x1e6: {  	v52 =	vmul.f32 v29, v27;
	v53 =	vadd.f32 v42, v15;
	v2 =	vadd.f32 v30, v2  }
0x1e7: {  	v57 =	vmul.f32 v40, v36;
	v5 =	vadd.f32 v54, v5;
	v3 =	vadd.f32 v41, v3  }
0x1e8: {  	v58 =	vmul.f32 v49, v43;
	v2 =	vadd.f32 v2, v4;
	v4 =	vadd.f32 v52, v51  }
0x1e9: {  	v59 =	vadd.f32 v56, v53;
	v3 =	vadd.f32 v55, v3  }
0x1ea: {  	v5 =	vadd.f32 v58, v5;
	v6 =	vadd.f32 v57, v4  }
0x1eb: {  	[tilespmem:$0x8400] =	vst v1;
	v4 =	vadd.f32 v59, v3  }
0x1ec: {  	[tilespmem:$0x8480] =	vst v2;
	v3 =	vadd.f32 v5, v6  }
0x1ed: {  	[tilespmem:$0x8500] =	vst v4  }
0x1ee: {  	[tilespmem:$0x8580] =	vst v3  }
0x1ef: {  	v5 =	vld [tilespmem:s26+$0x2600]  }
0x1f0: {  	v6 =	vld [tilespmem:s26+$0x6600]  }
0x1f1: {  	v7 =	vld [tilespmem:s26+$0x2610]  }
0x1f2: {  	v8 =	vld [tilespmem:s26+$0x6610]  }
0x1f3: {  	v9 =	vld [tilespmem:s26+$0x2620]  }
0x1f4: {  	v60 =	vld [tilespmem:s26+$0x6620]  }
0x1f5: {  	v11 =	vld [tilespmem:s26+$0x2630]  }
0x1f6: {  	v61 =	vld [tilespmem:s26+$0x6630]  }
0x1f7: {  	v13 =	vld [tilespmem:s26+$0x2640]  }
0x1f8: {  	v62 =	vld [tilespmem:s26+$0x6640]  }
0x1f9: {  	v15 =	vld [tilespmem:s26+$0x2650]  }
0x1fa: {  	v63 =	vld [tilespmem:s26+$0x6650]  }
0x1fb: {  	v17 =	vld [tilespmem:s26+$0x2660]  }
0x1fc: {  	v18 =	vld [tilespmem:s26+$0x6660]  }
0x1fd: {  	v19 =	vld [tilespmem:s26+$0x2670]  }
0x1fe: {  	v20 =	vld [tilespmem:s26+$0x6670]  }
0x1ff: {  	v21 =	vld [tilespmem:s26+$0x2680]  }
0x200: {  	v57 =	vld [tilespmem:s26+$0x6680]  }
0x201: {  	v23 =	vld [tilespmem:s26+$0x2690]  }
0x202: {  	v24 =	vld [tilespmem:s26+$0x6690]  }
0x203: {  	v58 =	vld [tilespmem:s26+$0x26A0]  }
0x204: {  	v59 =	vld [tilespmem:s26+$0x66A0]  }
0x205: {  	v27 =	vld [tilespmem:s26+$0x26B0]  }
0x206: {  	v28 =	vld [tilespmem:s26+$0x66B0]  }
0x207: {  	v29 =	vld [tilespmem:s26+$0x26C0]  }
0x208: {  	v30 =	vld [tilespmem:s26+$0x66C0]  }
0x209: {  	v31 =	vld [tilespmem:s26+$0x26D0]  }
0x20a: {  	v32 =	vld [tilespmem:s26+$0x66D0]  }
0x20b: {  	v33 =	vld [tilespmem:s26+$0x26E0]  }
0x20c: {  	v34 =	vld [tilespmem:s26+$0x66E0]  }
0x20d: {  	v35 =	vld [tilespmem:s26+$0x26F0]  }
0x20e: {  	v36 =	vld [tilespmem:s26+$0x66F0]  }
0x20f: {  	v37 =	vld [tilespmem:s26+$0x2700]  }
0x210: {  	v38 =	vld [tilespmem:s26+$0x6700]  }
0x211: {  	v39 =	vld [tilespmem:s26+$0x2710]  }
0x212: {  	v40 =	vld [tilespmem:s26+$0x6710]  }
0x213: {  	v41 =	vld [tilespmem:s26+$0x2720]  }
0x214: {  	v42 =	vld [tilespmem:s26+$0x6720]  }
0x215: {  	v43 =	vld [tilespmem:s26+$0x2730]  }
0x216: {  	v44 =	vld [tilespmem:s26+$0x6730]  }
0x217: {  	v45 =	vld [tilespmem:s26+$0x2740]  }
0x218: {  	v46 =	vld [tilespmem:s26+$0x6740]  }
0x219: {  	v47 =	vld [tilespmem:s26+$0x2750]  }
0x21a: {  	v48 =	vld [tilespmem:s26+$0x6750]  }
0x21b: {  	v49 =	vld [tilespmem:s26+$0x2760]  }
0x21c: {  	v50 =	vld [tilespmem:s26+$0x6760]  }
0x21d: {  	v51 =	vld [tilespmem:s26+$0x2770]  }
0x21e: {  	v52 =	vld [tilespmem:s26+$0x6770]  }
0x21f: {  	v53 =	vld [tilespmem:s26+$0x2780];
	v5 =	vmul.f32 v6, v5  }
0x220: {  	v54 =	vld [tilespmem:s26+$0x6780];
	v60 =	vmul.f32 v60, v9;
	v7 =	vmul.f32 v8, v7  }
0x221: {  	v10 =	vld [tilespmem:s26+$0x6790];
	v61 =	vmul.f32 v61, v11;
	v62 =	vmul.f32 v62, v13  }
0x222: {  	v55 =	vld [tilespmem:s26+$0x27A0];
	v63 =	vmul.f32 v63, v15;
	v56 =	vmul.f32 v57, v21  }
0x223: {  	v9 =	vld [tilespmem:s26+$0x2790];
	v57 =	vmul.f32 v59, v58;
	v59 =	vmul.f32 v24, v23  }
0x224: {  	v58 =	vld [tilespmem:s26+$0x67A0];
	v17 =	vmul.f32 v18, v17;
	v19 =	vmul.f32 v20, v19  }
0x225: {  	v5 =	vadd.f32 v60, v5;
	v7 =	vadd.f32 v61, v7;
	v60 =	vmul.f32 v28, v27;
	v61 =	vld [tilespmem:s26+$0x27B0]  }
0x226: {  	v28 =	vmul.f32 v32, v31;
	v31 =	vld [tilespmem:s26+$0x67C0];
	v32 =	vmul.f32 v36, v35  }
0x227: {  	v35 =	vmul.f32 v38, v37;
	v36 =	vmul.f32 v40, v39;
	v37 =	vld [tilespmem:s26+$0x27E0]  }
0x228: {  	v8 =	vadd.f32 v57, v56;
	v38 =	vmul.f32 v42, v41;
	v39 =	vmul.f32 v44, v43;
	v40 =	vld [tilespmem:s26+$0x67E0]  }
0x229: {  	v5 =	vadd.f32 v62, v5;
	v7 =	vadd.f32 v63, v7;
	v62 =	vmul.f32 v30, v29;
	v63 =	vld [tilespmem:s26+$0x67B0]  }
0x22a: {  	v41 =	vmul.f32 v46, v45;
	v42 =	vmul.f32 v48, v47;
	v6 =	vadd.f32 v60, v59;
	v29 =	vld [tilespmem:s26+$0x27C0]  }
0x22b: {  	v44 =	vmul.f32 v54, v53;
	v30 =	vmul.f32 v34, v33;
	v33 =	vld [tilespmem:s26+$0x27D0];
	v8 =	vadd.f32 v62, v8  }
0x22c: {  	v34 =	vld [tilespmem:s26+$0x67D0];
	v12 =	vmul.f32 v58, v55;
	v5 =	vadd.f32 v17, v5;
	v6 =	vadd.f32 v28, v6  }
0x22d: {  	v43 =	vld [tilespmem:s26+$0x27F0];
	v56 =	vmul.f32 v52, v51;
	v7 =	vadd.f32 v19, v7;
	v19 =	vadd.f32 v39, v36  }
0x22e: {  	v45 =	vld [tilespmem:s26+$0x67F0];
	v9 =	vmul.f32 v10, v9;
	v47 =	vadd.f32 v12, v44;
	v8 =	vadd.f32 v30, v8  }
0x22f: {  	v6 =	vadd.f32 v32, v6;
	v5 =	vadd.f32 v7, v5;
	v46 =	vmul.f32 v63, v61  }
0x230: {  	v55 =	vmul.f32 v50, v49;
	v7 =	vadd.f32 v38, v35;
	v53 =	vadd.f32 v42, v19  }
0x231: {  	v48 =	vmul.f32 v31, v29;
	v54 =	vmul.f32 v34, v33;
	v9 =	vadd.f32 v46, v9  }
0x232: {  	v57 =	vmul.f32 v40, v37;
	v6 =	vadd.f32 v6, v8;
	v7 =	vadd.f32 v41, v7  }
0x233: {  	v58 =	vmul.f32 v45, v43;
	v8 =	vadd.f32 v48, v47;
	v9 =	vadd.f32 v54, v9  }
0x234: {  	v59 =	vadd.f32 v56, v53;
	v7 =	vadd.f32 v55, v7  }
0x235: {  	v10 =	vadd.f32 v57, v8;
	v9 =	vadd.f32 v58, v9  }
0x236: {  	[tilespmem:$0x8600] =	vst v5;
	v8 =	vadd.f32 v59, v7  }
0x237: {  	[tilespmem:$0x8680] =	vst v6;
	v7 =	vadd.f32 v9, v10  }
0x238: {  	[tilespmem:$0x8700] =	vst v8  }
0x239: {  	[tilespmem:$0x8780] =	vst v7  }
0x23a: {  	v9 =	vld [tilespmem:s26+$0x2800]  }
0x23b: {  	v10 =	vld [tilespmem:s26+$0x6800]  }
0x23c: {  	v11 =	vld [tilespmem:s26+$0x2810]  }
0x23d: {  	v12 =	vld [tilespmem:s26+$0x6810]  }
0x23e: {  	v13 =	vld [tilespmem:s26+$0x2820]  }
0x23f: {  	v60 =	vld [tilespmem:s26+$0x6820]  }
0x240: {  	v15 =	vld [tilespmem:s26+$0x2830]  }
0x241: {  	v61 =	vld [tilespmem:s26+$0x6830]  }
0x242: {  	v17 =	vld [tilespmem:s26+$0x2840]  }
0x243: {  	v62 =	vld [tilespmem:s26+$0x6840]  }
0x244: {  	v19 =	vld [tilespmem:s26+$0x2850]  }
0x245: {  	v63 =	vld [tilespmem:s26+$0x6850]  }
0x246: {  	v21 =	vld [tilespmem:s26+$0x2860]  }
0x247: {  	v22 =	vld [tilespmem:s26+$0x6860]  }
0x248: {  	v23 =	vld [tilespmem:s26+$0x2870]  }
0x249: {  	v24 =	vld [tilespmem:s26+$0x6870]  }
0x24a: {  	v25 =	vld [tilespmem:s26+$0x2880]  }
0x24b: {  	v26 =	vld [tilespmem:s26+$0x6880]  }
0x24c: {  	v27 =	vld [tilespmem:s26+$0x2890]  }
0x24d: {  	v28 =	vld [tilespmem:s26+$0x6890]  }
0x24e: {  	v29 =	vld [tilespmem:s26+$0x28A0]  }
0x24f: {  	v30 =	vld [tilespmem:s26+$0x68A0]  }
0x250: {  	v31 =	vld [tilespmem:s26+$0x28B0]  }
0x251: {  	v32 =	vld [tilespmem:s26+$0x68B0]  }
0x252: {  	v33 =	vld [tilespmem:s26+$0x28C0]  }
0x253: {  	v34 =	vld [tilespmem:s26+$0x68C0]  }
0x254: {  	v35 =	vld [tilespmem:s26+$0x28D0]  }
0x255: {  	v36 =	vld [tilespmem:s26+$0x68D0]  }
0x256: {  	v37 =	vld [tilespmem:s26+$0x28E0]  }
0x257: {  	v38 =	vld [tilespmem:s26+$0x68E0]  }
0x258: {  	v39 =	vld [tilespmem:s26+$0x28F0]  }
0x259: {  	v40 =	vld [tilespmem:s26+$0x68F0]  }
0x25a: {  	v41 =	vld [tilespmem:s26+$0x2900]  }
0x25b: {  	v42 =	vld [tilespmem:s26+$0x6900]  }
0x25c: {  	v43 =	vld [tilespmem:s26+$0x2910]  }
0x25d: {  	v44 =	vld [tilespmem:s26+$0x6910]  }
0x25e: {  	v45 =	vld [tilespmem:s26+$0x2920]  }
0x25f: {  	v46 =	vld [tilespmem:s26+$0x6920]  }
0x260: {  	v47 =	vld [tilespmem:s26+$0x2930]  }
0x261: {  	v48 =	vld [tilespmem:s26+$0x6930]  }
0x262: {  	v49 =	vld [tilespmem:s26+$0x2940]  }
0x263: {  	v50 =	vld [tilespmem:s26+$0x6940]  }
0x264: {  	v51 =	vld [tilespmem:s26+$0x2950]  }
0x265: {  	v52 =	vld [tilespmem:s26+$0x6950]  }
0x266: {  	v53 =	vld [tilespmem:s26+$0x2960]  }
0x267: {  	v54 =	vld [tilespmem:s26+$0x6960]  }
0x268: {  	v55 =	vld [tilespmem:s26+$0x2970]  }
0x269: {  	v56 =	vld [tilespmem:s26+$0x6970]  }
0x26a: {  	v57 =	vld [tilespmem:s26+$0x2980]  }
0x26b: {  	v16 =	vld [tilespmem:s26+$0x29A0];
	v9 =	vmul.f32 v10, v9  }
0x26c: {  	v18 =	vld [tilespmem:s26+$0x69A0];
	v60 =	vmul.f32 v60, v13;
	v11 =	vmul.f32 v12, v11  }
0x26d: {  	v58 =	vld [tilespmem:s26+$0x6980];
	v61 =	vmul.f32 v61, v15;
	v62 =	vmul.f32 v62, v17  }
0x26e: {  	v14 =	vld [tilespmem:s26+$0x6990];
	v63 =	vmul.f32 v63, v19;
	v26 =	vmul.f32 v26, v25  }
0x26f: {  	v13 =	vld [tilespmem:s26+$0x2990];
	v30 =	vmul.f32 v30, v29;
	v59 =	vmul.f32 v28, v27  }
0x270: {  	v21 =	vmul.f32 v22, v21;
	v23 =	vmul.f32 v24, v23;
	v11 =	vadd.f32 v61, v11;
	v61 =	vld [tilespmem:s26+$0x29B0]  }
0x271: {  	v16 =	vmul.f32 v18, v16;
	v9 =	vadd.f32 v60, v9;
	v60 =	vmul.f32 v32, v31;
	v32 =	vld [tilespmem:s26+$0x29C0]  }
0x272: {  	v12 =	vadd.f32 v30, v26;
	v31 =	vmul.f32 v36, v35;
	v35 =	vmul.f32 v40, v39;
	v36 =	vld [tilespmem:s26+$0x29D0]  }
0x273: {  	v39 =	vmul.f32 v44, v43;
	v40 =	vld [tilespmem:s26+$0x29E0];
	v44 =	vmul.f32 v50, v49;
	v9 =	vadd.f32 v62, v9  }
0x274: {  	v43 =	vld [tilespmem:s26+$0x69E0];
	v11 =	vadd.f32 v63, v11;
	v62 =	vmul.f32 v34, v33;
	v33 =	vmul.f32 v38, v37  }
0x275: {  	v63 =	vld [tilespmem:s26+$0x69B0];
	v10 =	vadd.f32 v60, v59;
	v38 =	vmul.f32 v42, v41;
	v41 =	vmul.f32 v46, v45  }
0x276: {  	v34 =	vld [tilespmem:s26+$0x69C0];
	v42 =	vmul.f32 v48, v47;
	v45 =	vmul.f32 v52, v51;
	v12 =	vadd.f32 v62, v12  }
0x277: {  	v37 =	vld [tilespmem:s26+$0x69D0];
	v47 =	vmul.f32 v58, v57;
	v9 =	vadd.f32 v21, v9;
	v10 =	vadd.f32 v31, v10  }
0x278: {  	v46 =	vld [tilespmem:s26+$0x29F0];
	v58 =	vmul.f32 v54, v53;
	v11 =	vadd.f32 v23, v11;
	v23 =	vadd.f32 v42, v39  }
0x279: {  	v48 =	vld [tilespmem:s26+$0x69F0];
	v13 =	vmul.f32 v14, v13;
	v50 =	vadd.f32 v16, v47;
	v12 =	vadd.f32 v33, v12  }
0x27a: {  	v10 =	vadd.f32 v35, v10;
	v9 =	vadd.f32 v11, v9;
	v49 =	vmul.f32 v63, v61  }
0x27b: {  	v59 =	vmul.f32 v56, v55;
	v11 =	vadd.f32 v41, v38;
	v52 =	vadd.f32 v45, v23  }
0x27c: {  	v51 =	vmul.f32 v34, v32;
	v57 =	vmul.f32 v37, v36;
	v13 =	vadd.f32 v49, v13  }
0x27d: {  	v60 =	vmul.f32 v43, v40;
	v10 =	vadd.f32 v10, v12;
	v11 =	vadd.f32 v44, v11  }
0x27e: {  	v61 =	vmul.f32 v48, v46;
	v12 =	vadd.f32 v51, v50;
	v13 =	vadd.f32 v57, v13  }
0x27f: {  	v62 =	vadd.f32 v59, v52;
	v11 =	vadd.f32 v58, v11  }
0x280: {  	v14 =	vadd.f32 v60, v12;
	v13 =	vadd.f32 v61, v13  }
0x281: {  	[tilespmem:$0x8800] =	vst v9;
	v12 =	vadd.f32 v62, v11  }
0x282: {  	[tilespmem:$0x8880] =	vst v10;
	v11 =	vadd.f32 v13, v14  }
0x283: {  	[tilespmem:$0x8900] =	vst v12  }
0x284: {  	[tilespmem:$0x8980] =	vst v11  }
0x285: {  	v13 =	vld [tilespmem:s26+$0x2A00]  }
0x286: {  	v14 =	vld [tilespmem:s26+$0x6A00]  }
0x287: {  	v15 =	vld [tilespmem:s26+$0x2A10]  }
0x288: {  	v16 =	vld [tilespmem:s26+$0x6A10]  }
0x289: {  	v17 =	vld [tilespmem:s26+$0x2A20]  }
0x28a: {  	v18 =	vld [tilespmem:s26+$0x6A20]  }
0x28b: {  	v19 =	vld [tilespmem:s26+$0x2A30]  }
0x28c: {  	v20 =	vld [tilespmem:s26+$0x6A30]  }
0x28d: {  	v21 =	vld [tilespmem:s26+$0x2A40]  }
0x28e: {  	v22 =	vld [tilespmem:s26+$0x6A40]  }
0x28f: {  	v23 =	vld [tilespmem:s26+$0x2A50]  }
0x290: {  	v24 =	vld [tilespmem:s26+$0x6A50]  }
0x291: {  	v25 =	vld [tilespmem:s26+$0x2A60]  }
0x292: {  	v26 =	vld [tilespmem:s26+$0x6A60]  }
0x293: {  	v27 =	vld [tilespmem:s26+$0x2A70]  }
0x294: {  	v28 =	vld [tilespmem:s26+$0x6A70]  }
0x295: {  	v29 =	vld [tilespmem:s26+$0x2A80]  }
0x296: {  	v30 =	vld [tilespmem:s26+$0x6A80]  }
0x297: {  	v31 =	vld [tilespmem:s26+$0x2A90]  }
0x298: {  	v32 =	vld [tilespmem:s26+$0x6A90]  }
0x299: {  	v33 =	vld [tilespmem:s26+$0x2AA0]  }
0x29a: {  	v34 =	vld [tilespmem:s26+$0x6AA0]  }
0x29b: {  	v35 =	vld [tilespmem:s26+$0x2AB0]  }
0x29c: {  	v36 =	vld [tilespmem:s26+$0x6AB0]  }
0x29d: {  	v37 =	vld [tilespmem:s26+$0x2AC0]  }
0x29e: {  	v38 =	vld [tilespmem:s26+$0x6AC0]  }
0x29f: {  	v39 =	vld [tilespmem:s26+$0x2AD0]  }
0x2a0: {  	v40 =	vld [tilespmem:s26+$0x6AD0]  }
0x2a1: {  	v41 =	vld [tilespmem:s26+$0x2AE0]  }
0x2a2: {  	v42 =	vld [tilespmem:s26+$0x6AE0]  }
0x2a3: {  	v43 =	vld [tilespmem:s26+$0x2AF0]  }
0x2a4: {  	v44 =	vld [tilespmem:s26+$0x6AF0]  }
0x2a5: {  	v45 =	vld [tilespmem:s26+$0x2B00]  }
0x2a6: {  	v46 =	vld [tilespmem:s26+$0x6B00]  }
0x2a7: {  	v47 =	vld [tilespmem:s26+$0x2B10]  }
0x2a8: {  	v48 =	vld [tilespmem:s26+$0x6B10]  }
0x2a9: {  	v49 =	vld [tilespmem:s26+$0x2B20]  }
0x2aa: {  	v50 =	vld [tilespmem:s26+$0x6B20]  }
0x2ab: {  	v51 =	vld [tilespmem:s26+$0x2B30]  }
0x2ac: {  	v52 =	vld [tilespmem:s26+$0x6B30]  }
0x2ad: {  	v53 =	vld [tilespmem:s26+$0x2B40]  }
0x2ae: {  	v54 =	vld [tilespmem:s26+$0x6B40]  }
0x2af: {  	v55 =	vld [tilespmem:s26+$0x2B50]  }
0x2b0: {  	v56 =	vld [tilespmem:s26+$0x6B50]  }
0x2b1: {  	v57 =	vld [tilespmem:s26+$0x2B60]  }
0x2b2: {  	v58 =	vld [tilespmem:s26+$0x6B60]  }
0x2b3: {  	v59 =	vld [tilespmem:s26+$0x2B70]  }
0x2b4: {  	v60 =	vld [tilespmem:s26+$0x6B70]  }
0x2b5: {  	v61 =	vld [tilespmem:s26+$0x2B80]  }
0x2b6: {  	v62 =	vld [tilespmem:s26+$0x6B80]  }
0x2b7: {  	v63 =	vmul.f32 v18, v17;
	v17 =	vld [tilespmem:s26+$0x2B90]  }
0x2b8: {  	v18 =	vld [tilespmem:s26+$0x6B90]  }
0x2b9: {  	v15 =	vmul.f32 v16, v15;
	v16 =	vmul.f32 v20, v19;
	v20 =	vld [tilespmem:s26+$0x2BA0]  }
0x2ba: {  	v35 =	vmul.f32 v36, v35;
	v36 =	vmul.f32 v38, v37;
	v37 =	vld [tilespmem:s26+$0x6BB0]  }
0x2bb: {  	v38 =	vmul.f32 v40, v39;
	v39 =	vld [tilespmem:s26+$0x2BC0]  }
0x2bc: {  	v40 =	vmul.f32 v42, v41;
	v41 =	vld [tilespmem:s26+$0x6BC0]  }
0x2bd: {  	v42 =	vmul.f32 v44, v43;
	v43 =	vld [tilespmem:s26+$0x2BD0]  }
0x2be: {  	v13 =	vmul.f32 v14, v13;
	v19 =	vmul.f32 v24, v23;
	v44 =	vld [tilespmem:s26+$0x6BD0]  }
0x2bf: {  	v30 =	vmul.f32 v30, v29;
	v47 =	vmul.f32 v48, v47;
	v48 =	vld [tilespmem:s26+$0x2BE0]  }
0x2c0: {  	v33 =	vmul.f32 v34, v33;
	v51 =	vmul.f32 v52, v51;
	v52 =	vld [tilespmem:s26+$0x6BE0]  }
0x2c1: {  	v34 =	vmul.f32 v32, v31;
	v46 =	vmul.f32 v46, v45;
	v45 =	vld [tilespmem:$0x8608]  }
0x2c2: {  	v50 =	vmul.f32 v50, v49;
	v55 =	vmul.f32 v56, v55;
	v49 =	vld [tilespmem:$0x8808]  }
0x2c3: {  	v56 =	vld [tilespmem:s26+$0x2BF0];
	v13 =	vadd.f32 v63, v13;
	v63 =	vmul.f32 v22, v21;
	v15 =	vadd.f32 v16, v15  }
0x2c4: {  	v61 =	vmul.f32 v62, v61;
	v62 =	vld [tilespmem:s26+$0x6BF0];
	v16 =	vadd.f32 v33, v30;
	v14 =	vadd.f32 v35, v34  }
0x2c5: {  	v25 =	vmul.f32 v26, v25;
	v22 =	vld [tilespmem:s26+$0x6BA0];
	v13 =	vadd.f32 v63, v13;
	v15 =	vadd.f32 v19, v15  }
0x2c6: {  	v27 =	vmul.f32 v28, v27;
	v63 =	vld [tilespmem:s26+$0x2BB0];
	v16 =	vadd.f32 v36, v16;
	v14 =	vadd.f32 v38, v14  }
0x2c7: {  	v35 =	vmul.f32 v44, v43;
	v43 =	vld [tilespmem:$0x8508];
	v5 =	vadd.f32 v45, v5;
	v9 =	vadd.f32 v49, v9  }
0x2c8: {  	v44 =	vld [tilespmem:$0x8588];
	v13 =	vadd.f32 v25, v13;
	v15 =	vadd.f32 v27, v15  }
0x2c9: {  	v38 =	vmul.f32 v52, v48;
	v48 =	vld [tilespmem:$0x8788];
	v16 =	vadd.f32 v40, v16;
	v14 =	vadd.f32 v42, v14  }
0x2ca: {  	v52 =	vld [tilespmem:$0x8988];
	[tilespmem:$0x8E00] =	vst v5;
	v13 =	vadd.f32 v15, v13  }
0x2cb: {  	v40 =	vld [tilespmem:$0x8408];
	[tilespmem:$0x9000] =	vst v9;
	v14 =	vadd.f32 v14, v16  }
0x2cc: {  	v42 =	vld [tilespmem:$0x8488];
	[tilespmem:$0x8A00] =	vst v13;
	v4 =	vadd.f32 v43, v4  }
0x2cd: {  	v27 =	vadd.f32 v51, v47;
	v47 =	vld [tilespmem:$0x8708];
	[tilespmem:$0x8A80] =	vst v14;
	v3 =	vadd.f32 v44, v3  }
0x2ce: {  	v54 =	vmul.f32 v54, v53;
	v51 =	vld [tilespmem:$0x8908];
	v7 =	vadd.f32 v48, v7;
	[tilespmem:$0x8D00] =	vst v4  }
0x2cf: {  	v20 =	vmul.f32 v22, v20;
	v15 =	vadd.f32 v50, v46;
	v46 =	vld [tilespmem:$0x8688];
	v11 =	vadd.f32 v52, v11;
	[tilespmem:$0x8D80] =	vst v3  }
0x2d0: {  	v17 =	vmul.f32 v18, v17;
	v34 =	vadd.f32 v55, v27;
	v50 =	vld [tilespmem:$0x8888];
	v1 =	vadd.f32 v40, v1;
	[tilespmem:$0x8F80] =	vst v7  }
0x2d1: {  	v25 =	vld [tilespmem:$0x9004];
	v63 =	vmul.f32 v37, v63;
	v24 =	vadd.f32 v20, v61;
	v2 =	vadd.f32 v42, v2;
	[tilespmem:$0x9180] =	vst v11  }
0x2d2: {  	v37 =	vmul.f32 v60, v59;
	v15 =	vadd.f32 v54, v15;
	v8 =	vadd.f32 v47, v8;
	[tilespmem:$0x8C00] =	vst v1  }
0x2d3: {  	v36 =	vmul.f32 v58, v57;
	v61 =	vld [tilespmem:$0x8E04];
	v17 =	vadd.f32 v63, v17;
	v12 =	vadd.f32 v51, v12;
	[tilespmem:$0x8C80] =	vst v2  }
0x2d4: {  	v30 =	vmul.f32 v41, v39;
	v41 =	vadd.f32 v37, v34;
	v53 =	vld [tilespmem:$0x8A08];
	v6 =	vadd.f32 v46, v6;
	[tilespmem:$0x8F00] =	vst v8  }
0x2d5: {  	v54 =	vld [tilespmem:$0x8A88];
	v15 =	vadd.f32 v36, v15;
	v10 =	vadd.f32 v50, v10;
	[tilespmem:$0x9100] =	vst v12  }
0x2d6: {  	v16 =	vadd.f32 v30, v24;
	v9 =	vadd.f32 v25, v9;
	[tilespmem:$0x8E80] =	vst v6  }
0x2d7: {  	v39 =	vmul.f32 v62, v56;
	v17 =	vadd.f32 v35, v17;
	v59 =	vld [tilespmem:$0x8D04];
	v15 =	vadd.f32 v41, v15;
	[tilespmem:$0x9080] =	vst v10  }
0x2d8: {  	v16 =	vadd.f32 v38, v16;
	v60 =	vld [tilespmem:$0x8D84];
	v5 =	vadd.f32 v61, v5;
	[tilespmem:$0x9800] =	vst v9  }
0x2d9: {  	v24 =	vld [tilespmem:$0x8F84];
	v17 =	vadd.f32 v39, v17;
	[tilespmem:$0x8B00] =	vst v15;
	v13 =	vadd.f32 v53, v13  }
0x2da: {  	v28 =	vld [tilespmem:$0x9184];
	v14 =	vadd.f32 v54, v14;
	[tilespmem:$0x9600] =	vst v5  }
0x2db: {  	v57 =	vld [tilespmem:$0x8C04];
	v16 =	vadd.f32 v17, v16;
	[tilespmem:$0x9200] =	vst v13  }
0x2dc: {  	v58 =	vld [tilespmem:$0x8C84];
	[tilespmem:$0x9280] =	vst v14;
	v4 =	vadd.f32 v59, v4  }
0x2dd: {  	v63 =	vld [tilespmem:$0x8F04];
	v3 =	vadd.f32 v60, v3;
	[tilespmem:$0x8B80] =	vst v16  }
0x2de: {  	v27 =	vld [tilespmem:$0x9104];
	v7 =	vadd.f32 v24, v7;
	[tilespmem:$0x9500] =	vst v4  }
0x2df: {  	v62 =	vld [tilespmem:$0x8E84];
	v11 =	vadd.f32 v28, v11;
	[tilespmem:$0x9580] =	vst v3  }
0x2e0: {  	v26 =	vld [tilespmem:$0x9084];
	v1 =	vadd.f32 v57, v1;
	[tilespmem:$0x9780] =	vst v7  }
0x2e1: {  	v41 =	vld [tilespmem:$0x9802];
	v2 =	vadd.f32 v58, v2;
	[tilespmem:$0x9980] =	vst v11  }
0x2e2: {  	v55 =	vld [tilespmem:$0x8B08];
	v8 =	vadd.f32 v63, v8;
	[tilespmem:$0x9400] =	vst v1  }
0x2e3: {  	v37 =	vld [tilespmem:$0x9602];
	v12 =	vadd.f32 v27, v12;
	[tilespmem:$0x9480] =	vst v2  }
0x2e4: {  	v29 =	vld [tilespmem:$0x9204];
	v6 =	vadd.f32 v62, v6;
	[tilespmem:$0x9700] =	vst v8  }
0x2e5: {  	v30 =	vld [tilespmem:$0x9284];
	v10 =	vadd.f32 v26, v10;
	[tilespmem:$0x9900] =	vst v12  }
0x2e6: {  	v56 =	vld [tilespmem:$0x8B88];
	v9 =	vadd.f32 v41, v9;
	[tilespmem:$0x9680] =	vst v6  }
0x2e7: {  	v35 =	vld [tilespmem:$0x9502];
	v15 =	vadd.f32 v55, v15;
	[tilespmem:$0x9880] =	vst v10  }
0x2e8: {  	v36 =	vld [tilespmem:$0x9582];
	v5 =	vadd.f32 v37, v5;
	[tilespmem:$0xA000] =	vst v9  }
0x2e9: {  	v40 =	vld [tilespmem:$0x9782];
	[tilespmem:$0x9300] =	vst v15;
	v13 =	vadd.f32 v29, v13  }
0x2ea: {  	v44 =	vld [tilespmem:$0x9982];
	v14 =	vadd.f32 v30, v14;
	[tilespmem:$0x9E00] =	vst v5  }
0x2eb: {  	v33 =	vld [tilespmem:$0x9402];
	v16 =	vadd.f32 v56, v16;
	[tilespmem:$0x9A00] =	vst v13  }
0x2ec: {  	v34 =	vld [tilespmem:$0x9482];
	[tilespmem:$0x9A80] =	vst v14;
	v4 =	vadd.f32 v35, v4  }
0x2ed: {  	v39 =	vld [tilespmem:$0x9702];
	v3 =	vadd.f32 v36, v3;
	[tilespmem:$0x9380] =	vst v16  }
0x2ee: {  	v43 =	vld [tilespmem:$0x9902];
	v7 =	vadd.f32 v40, v7;
	[tilespmem:$0x9D00] =	vst v4  }
0x2ef: {  	v38 =	vld [tilespmem:$0x9682];
	v11 =	vadd.f32 v44, v11;
	[tilespmem:$0x9D80] =	vst v3  }
0x2f0: {  	v31 =	vld [tilespmem:$0x9304];
	v1 =	vadd.f32 v33, v1;
	[tilespmem:$0x9F80] =	vst v7  }
0x2f1: {  	v42 =	vld [tilespmem:$0x9882];
	v2 =	vadd.f32 v34, v2;
	[tilespmem:$0xA180] =	vst v11  }
0x2f2: {  	v8 =	vadd.f32 v39, v8;
	v45 =	vld [tilespmem:$0x9A02];
	[tilespmem:$0x9C00] =	vst v1  }
0x2f3: {  	v46 =	vld [tilespmem:$0x9A82];
	v12 =	vadd.f32 v43, v12;
	[tilespmem:$0x9C80] =	vst v2  }
0x2f4: {  	v32 =	vld [tilespmem:$0x9384];
	v6 =	vadd.f32 v38, v6;
	[tilespmem:$0x9F00] =	vst v8  }
0x2f5: {  	[tilespmem:$0xA100] =	vst v12;
	v15 =	vadd.f32 v31, v15;
	v49 =	vld [tilespmem:$0x9C01]  }
0x2f6: {  	v10 =	vadd.f32 v42, v10;
	v50 =	vld [tilespmem:$0x9C81];
	[tilespmem:$0x9E80] =	vst v6  }
0x2f7: {  	v51 =	vld [tilespmem:$0x9D01];
	[tilespmem:$0x9B00] =	vst v15;
	v13 =	vadd.f32 v45, v13  }
0x2f8: {  	[tilespmem:$0xA080] =	vst v10;
	v14 =	vadd.f32 v46, v14;
	v47 =	vld [tilespmem:$0x9B02]  }
0x2f9: {  	v52 =	vld [tilespmem:$0x9D81];
	v16 =	vadd.f32 v32, v16;
	[tilespmem:$0xA200] =	vst v13  }
0x2fa: {  	v53 =	vld [tilespmem:$0x9E01];
	[tilespmem:$0xA280] =	vst v14;
	v1 =	vadd.f32 v49, v1  }
0x2fb: {  	v54 =	vld [tilespmem:$0x9E81];
	[tilespmem:$0x9B80] =	vst v16;
	v2 =	vadd.f32 v50, v2  }
0x2fc: {  	v4 =	vadd.f32 v51, v4;
	v48 =	vld [tilespmem:$0x9B82];
	[tilespmem:$0xA400] =	vst v1  }
0x2fd: {  	v55 =	vld [tilespmem:$0x9F01];
	v15 =	vadd.f32 v47, v15;
	[tilespmem:$0xA401] =	vst v2  }
0x2fe: {  	v3 =	vadd.f32 v52, v3;
	v1 =	vld [tilespmem:$0x9F81];
	[tilespmem:$0xA402] =	vst v4  }
0x2ff: {  	v5 =	vadd.f32 v53, v5;
	v2 =	vld [tilespmem:$0xA001];
	[tilespmem:$0xA300] =	vst v15  }
0x300: {  	v56 =	vld [tilespmem:$0xA081];
	v57 =	vadd.f32 v54, v6;
	[tilespmem:$0xA403] =	vst v3  }
0x301: {  	v58 =	vld [tilespmem:$0xA101];
	v16 =	vadd.f32 v48, v16;
	[tilespmem:$0xA404] =	vst v5  }
0x302: {  	v59 =	vld [tilespmem:$0xA181];
	v3 =	vadd.f32 v55, v8;
	[tilespmem:$0xA405] =	vst v57  }
0x303: {  	v60 =	vld [tilespmem:$0xA201];
	v1 =	vadd.f32 v1, v7;
	[tilespmem:$0xA380] =	vst v16  }
0x304: {  	v61 =	vld [tilespmem:$0xA281];
	v2 =	vadd.f32 v2, v9;
	[tilespmem:$0xA406] =	vst v3  }
0x305: {  	v62 =	vld [tilespmem:$0xA301];
	v3 =	vadd.f32 v56, v10;
	[tilespmem:$0xA407] =	vst v1  }
0x306: {  	v1 =	vadd.f32 v58, v12;
	v63 =	vld [tilespmem:$0xA381];
	[tilespmem:$0xA408] =	vst v2  }
0x307: {  	v2 =	vadd.f32 v59, v11;
	[tilespmem:$0xA409] =	vst v3  }
0x308: {  	v3 =	vadd.f32 v60, v13;
	[tilespmem:$0xA40A] =	vst v1  }
0x309: {  	v1 =	vadd.f32 v61, v14;
	[tilespmem:$0xA40B] =	vst v2  }
0x30a: {  	v2 =	vadd.f32 v62, v15;
	[tilespmem:$0xA40C] =	vst v3  }
0x30b: {  	v3 =	vadd.f32 v63, v16;
	[tilespmem:$0xA40D] =	vst v1  }
0x30c: {  	[tilespmem:$0xA40E] =	vst v2  }
0x30d: {  	[tilespmem:$0xA40F] =	vst v3  }
0x30e: {  	p1 =	sne.s32 s25, $0x3;
	v1 =	vld [tilespmem:$0xA400]  }
.Ltmp1:
0x30f: {  	_ = 	snop;
	(pc) =	sbr.rel @p1 .LBB2_5-.Ltmp1, $4  }
0x310: {  	_ = 	snop  }
0x311: {  	s31 =	sshll.u32 s25, $0x4  }
0x312: {  	s26 =	sand.u32 $0x3FFFFFF0, s31  }
0x313: {  	s25 =	sadd.s32 $0x1, s25;
	[tilespmem:v0+s26+$0x0 ss:$0x1] =	vst.idx.msk $0xffff, v1  }
0x314: {  	s25 =	sadd.s32 @!p0 $0xC0, s24;
	s26 =	simm.s32 @!p0 $0x40;
	s28 =	simm.s32 @!p0 $0x2400  }
0x315: {  	[tilespmem:s28], [sflag:$0x2] =	stream.indirect.gather @!p0 [hbm4b:s1+s26], $0x80, s25, s26, $0xb8;
	[tilespmem:$0xA680] =	vst v63  }
0x316: {  	s24 =	sadd.s32 @!p0 $0x2C0, s24;
	p1 =	sne.s32 @!p0 s23, $0x4;
	s25 =	simm.s32 @!p0 $0x6400  }
0x317: {  	[tilespmem:s25], [sflag:$0x4] =	stream.indirect.gather @!p0 [hbm4b:s2+s26], $0x80, s24, s26, $0xb8;
	[tilespmem:$0xA680] =	vst v63  }
0x318: {  	p0 =	por p0, !p1  }
.Ltmp2:
0x319: {  	_ = 	snop;
	(pc) =	sbr.rel @!p0 .LBB2_2-.Ltmp2, $1  }
0x31a: {  	_ =	sdelay $0x3  }
0x31b: {  	s22 =	sadd.s32 $0x1, s22  }
0x31c: {  	p0 =	sne.s32 s22, s8  }
.Ltmp3:
0x31d: {  	_ = 	snop;
	(pc) =	sbr.rel @p0 .LBB2_1-.Ltmp3, $4  }
0x31e: {  	[hbm4b:s7+s4] =	stream.linear.scatter [tilespmem:s20], [sflag:$0x5], $0x200, $0x38;
	[tilespmem:$0xA680] =	vst v63  }
0x31f: {  	_ =	swait.ge [sflag:s21], $0x200  }
0x320: {  	[sflag:s21] =	ssyncset.done $0x0  }
0x321: {  	[sflag:s21] =	ssyncadd.s32 $0xFFFFFE00  }
0x322: {  	_ =	sfence.sel $0x180000  }
0x323: {  	[bflag:$0x0] =	sbarrier.arrive $0xFFFF  }
0x324: {  	p0 =	sne.s32 s3, $0x0;
	_ =	strace $0x90000047  }
0x325: {  	s0 =	sadd.s32 @!p0 $0x100000, s0;
	[bflag:$0x2] =	sbarrier.arrive $0xFFFF  }
0x326: {  	[sflag:s0] =	ssyncadd.tile.s32 @!p0 $0x1;
	_ =	shalt  }
.Lfunc_end2:
_tile_overlayer_lowered:
.L_overlay_start_2:
0x327: {  	(tag) =	ssettag $0x2  }
0x328: {  	s0 =	rddreg [dreg:$0x0];
	s2 =	stileid.u32  }
0x329: {  	s1 =	rddreg [dreg:$0x1];
	p0 =	sne.s32 s2, $0x0  }
0x32a: {  	s3 =	rddreg [dreg:$0x2];
	[bflag:$0x3] =	sbarrier.arrive $0xFFFF;
	s2 =	simm.s32 @!p0 $0x1C05  }
0x32b: {  	[timem:s3], [sflag:s2] =	dma.local @!p0 [hbm:s0], s1  }
0x32c: {  	s0 =	simm.s32 @!p0 $0x5  }
0x32d: {  	_ =	swait.ge @!p0 [sflag:s0], s1  }
0x32e: {  	s1 =	ssub.s32 @!p0 $0x0, s1;
	[sflag:s0] =	ssyncset.done @!p0 $0x0  }
0x32f: {  	[sflag:s0] =	ssyncadd.s32 @!p0 s1  }
0x330: {  	[bflag:$0x3] =	sbarrier.arrive $0xFFFF  }
0x331: {  	_ =	shalt  }

</sc_bundles>
